<compile_context>
chip_gen: v7x
topology: tpu7x:2x2x1
jax: 0.10.2.dev20260603
libtpu: 0.0.44.dev20260713+nightly
codegen_flags: <defaults>
</compile_context>

<pallas_src>
import jax
import jax.numpy as jnp
from jax import lax
from jax.experimental import pallas as pl
from jax.experimental.pallas import tpu as pltpu
from jax.experimental.pallas import tpu_sc as plsc

BATCH = 16384
HIST = 50
FEAT = 4
EMBED = 32
NROWS = BATCH * HIST
NC = 2
NS = 16
NW = NC * NS
BT = 128
NBT = BATCH // BT
BT_PER_W = NBT // NW
B_PER_W = BT_PER_W * BT
N_PER_W = B_PER_W * HIST
NET = EMBED // 8
GSLICE = 128
XCH = 5


def _body(xp_hbm, table_hbm, out_hbm, xbuf, idxbuf, rows, tbuf,
          sx0, sx1, sg0, sg1, sw0, sw1):
    wid = lax.axis_index("s") * NC + lax.axis_index("c")
    bt0 = wid * BT_PER_W
    lanes = lax.iota(jnp.int32, 16)

    def xchunk(s, carry):
        h0 = s * (2 * XCH)
        d0 = pltpu.async_copy(
            xp_hbm.at[pl.ds(h0, XCH), pl.ds(bt0, BT_PER_W)], xbuf.at[0], sx0)
        d1 = pltpu.async_copy(
            xp_hbm.at[pl.ds(h0 + XCH, XCH), pl.ds(bt0, BT_PER_W)],
            xbuf.at[1], sx1)

        for half, dma in ((0, d0), (1, d1)):
            dma.wait()

            def hl_loop(hl, carry2, half=half):
                h = h0 + half * XCH + hl
                for btl in range(BT_PER_W):

                    def grp(g, carry3, btl=btl, hl=hl, h=h, half=half):
                        p = g * 16
                        v0 = xbuf[half, hl, btl, pl.ds(p, 16)]
                        v1 = xbuf[half, hl, btl, pl.ds(p + BT, 16)]
                        v2 = xbuf[half, hl, btl, pl.ds(p + 2 * BT, 16)]
                        v3 = xbuf[half, hl, btl, pl.ds(p + 3 * BT, 16)]
                        s_ = (v0 + v2) + (v1 + v3)
                        idxv = (s_ * 0.25).astype(jnp.int32)
                        idxbuf[pl.ds(h * B_PER_W + btl * BT + g * 16, 16)] = idxv
                        return carry3

                    lax.fori_loop(0, BT // 16, grp, 0)
                return carry2

            lax.fori_loop(0, XCH, hl_loop, 0)
        return carry

    lax.fori_loop(0, HIST // (2 * XCH), xchunk, 0)

    def fire_gathers(h, buf, sem):
        return [
            pltpu.async_copy(
                table_hbm.at[idxbuf.at[pl.ds(h * B_PER_W + j * GSLICE, GSLICE)]],
                rows.at[buf, pl.ds(j * GSLICE, GSLICE)],
                sem,
            )
            for j in range(B_PER_W // GSLICE)
        ]

    def transpose(buf):
        def trans(g, carry2):
            b0 = g * 16
            b_idx = b0 + lanes
            btl_v = jnp.broadcast_to((b0 >> 7).astype(jnp.int32), (16,))
            bl_v = (b0 & 127) + lanes
            for e0 in range(EMBED):
                e_l = (e0 + lanes) & 31
                v = plsc.load_gather(rows.at[buf], [b_idx, e_l])
                plsc.store_scatter(
                    tbuf.at[buf],
                    [e_l >> 3, btl_v, ((e_l & 7) << 7) + bl_v],
                    v,
                )
            return carry2

        lax.fori_loop(0, B_PER_W // 16, trans, 0)

    def fire_writes(h, buf, sem):
        return [
            pltpu.async_copy(
                tbuf.at[buf, et],
                out_hbm.at[h, et, pl.ds(bt0, BT_PER_W)],
                sem,
            )
            for et in range(NET)
        ]

    def hstep(s, carry):
        h0 = 2 * s
        g0 = fire_gathers(h0, 0, sg0)
        g1 = fire_gathers(h0 + 1, 1, sg1)
        for cp in g0:
            cp.wait()
        transpose(0)
        w0 = fire_writes(h0, 0, sw0)
        for cp in g1:
            cp.wait()
        transpose(1)
        w1 = fire_writes(h0 + 1, 1, sw1)
        for cp in w0:
            cp.wait()
        for cp in w1:
            cp.wait()
        return carry

    lax.fori_loop(0, HIST // 2, hstep, 0)


def kernel(x, table):
    xp = jnp.transpose(x.reshape(NBT, BT, HIST, FEAT), (2, 0, 3, 1))
    xp = xp.reshape(HIST, NBT, FEAT * BT)
    run = pl.kernel(
        _body,
        out_type=jax.ShapeDtypeStruct((HIST, NET, NBT, 8 * BT), jnp.float32),
        mesh=plsc.VectorSubcoreMesh(core_axis_name="c", subcore_axis_name="s"),
        compiler_params=pltpu.CompilerParams(
            needs_layout_passes=False, use_tc_tiling_on_sc=False
        ),
        scratch_types=[
            pltpu.VMEM((2, XCH, BT_PER_W, FEAT * BT), jnp.float32),
            pltpu.VMEM((N_PER_W,), jnp.int32),
            pltpu.VMEM((2, B_PER_W, EMBED), jnp.float32),
            pltpu.VMEM((2, NET, BT_PER_W, 8 * BT), jnp.float32),
            pltpu.SemaphoreType.DMA,
            pltpu.SemaphoreType.DMA,
            pltpu.SemaphoreType.DMA,
            pltpu.SemaphoreType.DMA,
            pltpu.SemaphoreType.DMA,
            pltpu.SemaphoreType.DMA,
        ],
    )
    out5 = run(xp, table)
    out = jnp.transpose(out5.reshape(HIST, NET, NBT, 8, BT), (2, 4, 0, 1, 3))
    return out.reshape(BATCH, HIST, EMBED)

# --- scband reference (transcript-rebuilt; emitter-appended) ---
"""Pipeline reference for scband-embedding-wrapper-55456617726502 (READ-ONLY COPY).

The authoritative reference and input builder live on the scoring server;
editing this copy changes nothing except your own understanding.
"""

import jax, jax.numpy as jnp
import numpy as np

VOCAB = 1000000
EMBED_DIM = 32
BATCH = 16384
HIST = 50
FEAT = 4

def setup_inputs(seed: int = 0) -> dict:
    key = jax.random.key(seed)
    k1, k2 = jax.random.split(key)
    # x is float; mean over last dim then truncating cast yields embedding indices.
    # Scale uniform values into [0, VOCAB) so resulting indices are in-range.
    x = jax.random.uniform(k1, (BATCH, HIST, FEAT), dtype=jnp.float32, minval=0.0, maxval=float(VOCAB))
    table = jax.random.normal(k2, (VOCAB, EMBED_DIM), dtype=jnp.float32) * 0.02
    return {"x": x, "table": table}

def reference(x, table):
    # EmbeddingWrapper.forward: x = x.mean(-1); x = x.long(); return embedding(x)
    # torch .long() truncates toward zero; values are non-negative so astype matches.
    idx = jnp.mean(x, axis=-1).astype(jnp.int32)
    return jnp.take(table, idx, axis=0)

if __name__ == "__main__":
    import jax
    _d = setup_inputs()
    print(jax.jit(kernel)(*tuple(_d.values())))

</pallas_src>

<mosaic_0001>
#map = affine_map<(d0, d1) -> (0, 0, 0)>
#map1 = affine_map<(d0, d1) -> (0, 0)>
#map2 = affine_map<(d0, d1) -> (0, 0, 0, 0)>
module attributes {stable_mosaic.version = 14 : i64} {
  func.func @_body(%arg0: i32, %arg1: i32, %arg2: memref<50x128x512xf32, #tpu.memory_space<hbm>>, %arg3: memref<1000000x32xf32, #tpu.memory_space<hbm>>, %arg4: memref<50x4x128x1024xf32, #tpu.memory_space<hbm>>, %arg5: memref<2x5x4x512xf32, #tpu.memory_space<vmem>>, %arg6: memref<25600xi32, #tpu.memory_space<vmem>>, %arg7: memref<2x512x32xf32, #tpu.memory_space<vmem>>, %arg8: memref<2x4x4x1024xf32, #tpu.memory_space<vmem>>, %arg9: memref<!tpu.dma_semaphore, #tpu.memory_space<semaphore_mem>>, %arg10: memref<!tpu.dma_semaphore, #tpu.memory_space<semaphore_mem>>, %arg11: memref<!tpu.dma_semaphore, #tpu.memory_space<semaphore_mem>>, %arg12: memref<!tpu.dma_semaphore, #tpu.memory_space<semaphore_mem>>, %arg13: memref<!tpu.dma_semaphore, #tpu.memory_space<semaphore_mem>>, %arg14: memref<!tpu.dma_semaphore, #tpu.memory_space<semaphore_mem>>) attributes {dimension_semantics = [#tpu.dimension_semantics<core_parallel>, #tpu.dimension_semantics<subcore_parallel>], iteration_bounds = array<i64: 2, 16>, scalar_prefetch = 0 : i64, scratch_operands = 10 : i64, tpu.core_type = #tpu.core_type<sc_vector_subcore>, window_params = [{transform_indices = #map}, {transform_indices = #map1}, {transform_indices = #map2}]} {
    %mul3A = arith.constant 2 : i32
    %mul3A_0 = arith.muli %arg1, %mul3A : i32
    %add3A = arith.addi %mul3A_0, %arg0 : i32
    %mul3A_1 = arith.constant 4 : i32
    %mul3A_2 = arith.muli %add3A, %mul3A_1 : i32
    %iota3A = tpu.iota {dimensions = array<i32: 0>} : vector<16xi32>
    %scan3A = arith.constant 0 : i32
    %scan3A_3 = arith.constant 0 : i32
    %scan3A_4 = arith.constant 5 : i32
    %scan3A_5 = arith.addi %scan3A_3, %scan3A_4 : i32
    %scan3A_6 = arith.constant 1 : i32
    scf.for %scan3A_14 = %scan3A_3 to %scan3A_5 step %scan3A_6  : i32 {
      %mul3A_15 = arith.constant 10 : i32
      %mul3A_16 = arith.muli %scan3A_14, %mul3A_15 : i32
      %dma_start3A = arith.constant 0 : i32
      %dma_start3A_17 = arith.constant 0 : i32
      %dma_start3A_18 = arith.constant 0 : i32
      %dma_start3A_19 = arith.constant 0 : i32
      %dma_start3A_20 = tpu.memref_slice %arg5[%dma_start3A, %dma_start3A_17, %dma_start3A_18, %dma_start3A_19] : memref<2x5x4x512xf32, #tpu.memory_space<vmem>> -> memref<1x5x4x512xf32, #tpu.memory_space<vmem>>
      %dma_start3A_21 = tpu.memref_squeeze %dma_start3A_20 : memref<1x5x4x512xf32, #tpu.memory_space<vmem>> -> memref<5x4x512xf32, #tpu.memory_space<vmem>>
      %dma_start3A_22 = arith.constant 0 : i32
      %dma_start3A_23 = tpu.memref_slice %arg2[%mul3A_16, %mul3A_2, %dma_start3A_22] : memref<50x128x512xf32, #tpu.memory_space<hbm>> -> memref<5x4x512xf32, #tpu.memory_space<hbm>>
      %dma_start3A_24 = arith.constant 0 : i32
      %dma_start3A_25 = arith.constant 0 : i32
      %dma_start3A_26 = arith.constant 0 : i32
      %dma_start3A_27 = tpu.memref_slice %arg5[%dma_start3A, %dma_start3A_24, %dma_start3A_25, %dma_start3A_26] : memref<2x5x4x512xf32, #tpu.memory_space<vmem>> -> memref<1x5x4x512xf32, #tpu.memory_space<vmem>>
      %dma_start3A_28 = tpu.memref_squeeze %dma_start3A_27 : memref<1x5x4x512xf32, #tpu.memory_space<vmem>> -> memref<5x4x512xf32, #tpu.memory_space<vmem>>
      %dma_start3A_29 = arith.constant 0 : i32
      %dma_start3A_30 = tpu.memref_slice %arg2[%mul3A_16, %mul3A_2, %dma_start3A_29] : memref<50x128x512xf32, #tpu.memory_space<hbm>> -> memref<5x4x512xf32, #tpu.memory_space<hbm>>
      tpu.enqueue_dma source(%dma_start3A_30 : memref<5x4x512xf32, #tpu.memory_space<hbm>>) target(%dma_start3A_28 : memref<5x4x512xf32, #tpu.memory_space<vmem>>) target_semaphore(%arg9 : memref<!tpu.dma_semaphore, #tpu.memory_space<semaphore_mem>>)
      %add3A_31 = arith.constant 5 : i32
      %add3A_32 = arith.addi %mul3A_16, %add3A_31 : i32
      %dma_start3A_33 = arith.constant 1 : i32
      %dma_start3A_34 = arith.constant 0 : i32
      %dma_start3A_35 = arith.constant 0 : i32
      %dma_start3A_36 = arith.constant 0 : i32
      %dma_start3A_37 = tpu.memref_slice %arg5[%dma_start3A_33, %dma_start3A_34, %dma_start3A_35, %dma_start3A_36] : memref<2x5x4x512xf32, #tpu.memory_space<vmem>> -> memref<1x5x4x512xf32, #tpu.memory_space<vmem>>
      %dma_start3A_38 = tpu.memref_squeeze %dma_start3A_37 : memref<1x5x4x512xf32, #tpu.memory_space<vmem>> -> memref<5x4x512xf32, #tpu.memory_space<vmem>>
      %dma_start3A_39 = arith.constant 0 : i32
      %dma_start3A_40 = tpu.memref_slice %arg2[%add3A_32, %mul3A_2, %dma_start3A_39] : memref<50x128x512xf32, #tpu.memory_space<hbm>> -> memref<5x4x512xf32, #tpu.memory_space<hbm>>
      %dma_start3A_41 = arith.constant 0 : i32
      %dma_start3A_42 = arith.constant 0 : i32
      %dma_start3A_43 = arith.constant 0 : i32
      %dma_start3A_44 = tpu.memref_slice %arg5[%dma_start3A_33, %dma_start3A_41, %dma_start3A_42, %dma_start3A_43] : memref<2x5x4x512xf32, #tpu.memory_space<vmem>> -> memref<1x5x4x512xf32, #tpu.memory_space<vmem>>
      %dma_start3A_45 = tpu.memref_squeeze %dma_start3A_44 : memref<1x5x4x512xf32, #tpu.memory_space<vmem>> -> memref<5x4x512xf32, #tpu.memory_space<vmem>>
      %dma_start3A_46 = arith.constant 0 : i32
      %dma_start3A_47 = tpu.memref_slice %arg2[%add3A_32, %mul3A_2, %dma_start3A_46] : memref<50x128x512xf32, #tpu.memory_space<hbm>> -> memref<5x4x512xf32, #tpu.memory_space<hbm>>
      tpu.enqueue_dma source(%dma_start3A_47 : memref<5x4x512xf32, #tpu.memory_space<hbm>>) target(%dma_start3A_45 : memref<5x4x512xf32, #tpu.memory_space<vmem>>) target_semaphore(%arg10 : memref<!tpu.dma_semaphore, #tpu.memory_space<semaphore_mem>>)
      %dma_wait3A = arith.constant 0 : i32
      %dma_wait3A_48 = arith.constant 0 : i32
      %dma_wait3A_49 = arith.constant 0 : i32
      %dma_wait3A_50 = arith.constant 0 : i32
      %dma_wait3A_51 = tpu.memref_slice %arg5[%dma_wait3A, %dma_wait3A_48, %dma_wait3A_49, %dma_wait3A_50] : memref<2x5x4x512xf32, #tpu.memory_space<vmem>> -> memref<1x5x4x512xf32, #tpu.memory_space<vmem>>
      %dma_wait3A_52 = tpu.memref_squeeze %dma_wait3A_51 : memref<1x5x4x512xf32, #tpu.memory_space<vmem>> -> memref<5x4x512xf32, #tpu.memory_space<vmem>>
      %dma_wait3A_53 = arith.constant 0 : i32
      %dma_wait3A_54 = tpu.memref_slice %arg2[%mul3A_16, %mul3A_2, %dma_wait3A_53] : memref<50x128x512xf32, #tpu.memory_space<hbm>> -> memref<5x4x512xf32, #tpu.memory_space<hbm>>
      %dma_wait3A_55 = arith.constant 0 : i32
      %dma_wait3A_56 = arith.constant 0 : i32
      %dma_wait3A_57 = arith.constant 0 : i32
      %dma_wait3A_58 = tpu.memref_slice %arg5[%dma_wait3A, %dma_wait3A_55, %dma_wait3A_56, %dma_wait3A_57] : memref<2x5x4x512xf32, #tpu.memory_space<vmem>> -> memref<1x5x4x512xf32, #tpu.memory_space<vmem>>
      %dma_wait3A_59 = tpu.memref_squeeze %dma_wait3A_58 : memref<1x5x4x512xf32, #tpu.memory_space<vmem>> -> memref<5x4x512xf32, #tpu.memory_space<vmem>>
      %dma_wait3A_60 = arith.constant 0 : i32
      %dma_wait3A_61 = tpu.memref_slice %arg2[%mul3A_16, %mul3A_2, %dma_wait3A_60] : memref<50x128x512xf32, #tpu.memory_space<hbm>> -> memref<5x4x512xf32, #tpu.memory_space<hbm>>
      tpu.wait_dma2 semaphore(%arg9 : memref<!tpu.dma_semaphore, #tpu.memory_space<semaphore_mem>>) src(%dma_wait3A_61 : memref<5x4x512xf32, #tpu.memory_space<hbm>>) dst(%dma_wait3A_59 : memref<5x4x512xf32, #tpu.memory_space<vmem>>)
      %scan3A_62 = arith.constant 0 : i32
      %scan3A_63 = arith.constant 0 : i32
      %scan3A_64 = arith.constant 5 : i32
      %scan3A_65 = arith.addi %scan3A_63, %scan3A_64 : i32
      %scan3A_66 = arith.constant 1 : i32
      scf.for %scan3A_89 = %scan3A_63 to %scan3A_65 step %scan3A_66  : i32 {
        %add3A_90 = arith.constant 0 : i32
        %add3A_91 = arith.addi %mul3A_16, %add3A_90 : i32
        %add3A_92 = arith.addi %add3A_91, %scan3A_89 : i32
        %scan3A_93 = arith.constant 0 : i32
        %scan3A_94 = arith.constant 0 : i32
        %scan3A_95 = arith.constant 8 : i32
        %scan3A_96 = arith.addi %scan3A_94, %scan3A_95 : i32
        %scan3A_97 = arith.constant 1 : i32
        scf.for %scan3A_117 = %scan3A_94 to %scan3A_96 step %scan3A_97  : i32 {
          %mul3A_118 = arith.constant 16 : i32
          %mul3A_119 = arith.muli %scan3A_117, %mul3A_118 : i32
          %get3A = arith.constant 0 : i32
          %get3A_120 = arith.constant 0 : i32
          %get3A_121 = arith.index_cast %get3A : i32 to index
          %get3A_122 = arith.index_cast %scan3A_89 : i32 to index
          %get3A_123 = arith.index_cast %get3A_120 : i32 to index
          %get3A_124 = arith.index_cast %mul3A_119 : i32 to index
          %get3A_125 = tpu.vector_load %arg5[%get3A_121, %get3A_122, %get3A_123, %get3A_124] {strides = array<i32>} : memref<2x5x4x512xf32, #tpu.memory_space<vmem>>, vector<16xf32>,
          %add3A_126 = arith.constant 128 : i32
          %add3A_127 = arith.addi %mul3A_119, %add3A_126 : i32
          %get3A_128 = arith.constant 0 : i32
          %get3A_129 = arith.constant 0 : i32
          %get3A_130 = arith.index_cast %get3A_128 : i32 to index
          %get3A_131 = arith.index_cast %scan3A_89 : i32 to index
          %get3A_132 = arith.index_cast %get3A_129 : i32 to index
          %get3A_133 = arith.index_cast %add3A_127 : i32 to index
          %get3A_134 = tpu.vector_load %arg5[%get3A_130, %get3A_131, %get3A_132, %get3A_133] {strides = array<i32>} : memref<2x5x4x512xf32, #tpu.memory_space<vmem>>, vector<16xf32>,
          %add3A_135 = arith.constant 256 : i32
          %add3A_136 = arith.addi %mul3A_119, %add3A_135 : i32
          %get3A_137 = arith.constant 0 : i32
          %get3A_138 = arith.constant 0 : i32
          %get3A_139 = arith.index_cast %get3A_137 : i32 to index
          %get3A_140 = arith.index_cast %scan3A_89 : i32 to index
          %get3A_141 = arith.index_cast %get3A_138 : i32 to index
          %get3A_142 = arith.index_cast %add3A_136 : i32 to index
          %get3A_143 = tpu.vector_load %arg5[%get3A_139, %get3A_140, %get3A_141, %get3A_142] {strides = array<i32>} : memref<2x5x4x512xf32, #tpu.memory_space<vmem>>, vector<16xf32>,
          %add3A_144 = arith.constant 384 : i32
          %add3A_145 = arith.addi %mul3A_119, %add3A_144 : i32
          %get3A_146 = arith.constant 0 : i32
          %get3A_147 = arith.constant 0 : i32
          %get3A_148 = arith.index_cast %get3A_146 : i32 to index
          %get3A_149 = arith.index_cast %scan3A_89 : i32 to index
          %get3A_150 = arith.index_cast %get3A_147 : i32 to index
          %get3A_151 = arith.index_cast %add3A_145 : i32 to index
          %get3A_152 = tpu.vector_load %arg5[%get3A_148, %get3A_149, %get3A_150, %get3A_151] {strides = array<i32>} : memref<2x5x4x512xf32, #tpu.memory_space<vmem>>, vector<16xf32>,
          %add3A_153 = arith.addf %get3A_125, %get3A_143 : vector<16xf32>
          %add3A_154 = arith.addf %get3A_134, %get3A_152 : vector<16xf32>
          %add3A_155 = arith.addf %add3A_153, %add3A_154 : vector<16xf32>
          %mul3A_156 = arith.constant 2.500000e-01 : f32
          %mul3A_157 = vector.broadcast %mul3A_156 : f32 to vector<16xf32>
          %mul3A_158 = arith.mulf %add3A_155, %mul3A_157 : vector<16xf32>
          %convert_element_type3A = arith.fptosi %mul3A_158 : vector<16xf32> to vector<16xi32>
          %mul3A_159 = arith.constant 512 : i32
          %mul3A_160 = arith.muli %add3A_92, %mul3A_159 : i32
          %add3A_161 = arith.constant 0 : i32
          %add3A_162 = arith.addi %mul3A_160, %add3A_161 : i32
          %mul3A_163 = arith.constant 16 : i32
          %mul3A_164 = arith.muli %scan3A_117, %mul3A_163 : i32
          %add3A_165 = arith.addi %add3A_162, %mul3A_164 : i32
          %swap3A = arith.index_cast %add3A_165 : i32 to index
          %swap3A_166 = tpu.vector_load %arg6[%swap3A] {strides = array<i32>} : memref<25600xi32, #tpu.memory_space<vmem>>, vector<16xi32>,
          tpu.vector_store %arg6[%swap3A], %convert_element_type3A {strides = array<i32>} : memref<25600xi32, #tpu.memory_space<vmem>>, vector<16xi32>,
        }
        %scan3A_98 = arith.constant 8 : i32
        %scan3A_99 = arith.constant 0 : i32
        %scan3A_100 = arith.constant 0 : i32
        %scan3A_101 = arith.constant 8 : i32
        %scan3A_102 = arith.addi %scan3A_100, %scan3A_101 : i32
        %scan3A_103 = arith.constant 1 : i32
        scf.for %scan3A_117 = %scan3A_100 to %scan3A_102 step %scan3A_103  : i32 {
          %mul3A_118 = arith.constant 16 : i32
          %mul3A_119 = arith.muli %scan3A_117, %mul3A_118 : i32
          %get3A = arith.constant 0 : i32
          %get3A_120 = arith.constant 1 : i32
          %get3A_121 = arith.index_cast %get3A : i32 to index
          %get3A_122 = arith.index_cast %scan3A_89 : i32 to index
          %get3A_123 = arith.index_cast %get3A_120 : i32 to index
          %get3A_124 = arith.index_cast %mul3A_119 : i32 to index
          %get3A_125 = tpu.vector_load %arg5[%get3A_121, %get3A_122, %get3A_123, %get3A_124] {strides = array<i32>} : memref<2x5x4x512xf32, #tpu.memory_space<vmem>>, vector<16xf32>,
          %add3A_126 = arith.constant 128 : i32
          %add3A_127 = arith.addi %mul3A_119, %add3A_126 : i32
          %get3A_128 = arith.constant 0 : i32
          %get3A_129 = arith.constant 1 : i32
          %get3A_130 = arith.index_cast %get3A_128 : i32 to index
          %get3A_131 = arith.index_cast %scan3A_89 : i32 to index
          %get3A_132 = arith.index_cast %get3A_129 : i32 to index
          %get3A_133 = arith.index_cast %add3A_127 : i32 to index
          %get3A_134 = tpu.vector_load %arg5[%get3A_130, %get3A_131, %get3A_132, %get3A_133] {strides = array<i32>} : memref<2x5x4x512xf32, #tpu.memory_space<vmem>>, vector<16xf32>,
          %add3A_135 = arith.constant 256 : i32
          %add3A_136 = arith.addi %mul3A_119, %add3A_135 : i32
          %get3A_137 = arith.constant 0 : i32
          %get3A_138 = arith.constant 1 : i32
          %get3A_139 = arith.index_cast %get3A_137 : i32 to index
          %get3A_140 = arith.index_cast %scan3A_89 : i32 to index
          %get3A_141 = arith.index_cast %get3A_138 : i32 to index
          %get3A_142 = arith.index_cast %add3A_136 : i32 to index
          %get3A_143 = tpu.vector_load %arg5[%get3A_139, %get3A_140, %get3A_141, %get3A_142] {strides = array<i32>} : memref<2x5x4x512xf32, #tpu.memory_space<vmem>>, vector<16xf32>,
          %add3A_144 = arith.constant 384 : i32
          %add3A_145 = arith.addi %mul3A_119, %add3A_144 : i32
          %get3A_146 = arith.constant 0 : i32
          %get3A_147 = arith.constant 1 : i32
          %get3A_148 = arith.index_cast %get3A_146 : i32 to index
          %get3A_149 = arith.index_cast %scan3A_89 : i32 to index
          %get3A_150 = arith.index_cast %get3A_147 : i32 to index
          %get3A_151 = arith.index_cast %add3A_145 : i32 to index
          %get3A_152 = tpu.vector_load %arg5[%get3A_148, %get3A_149, %get3A_150, %get3A_151] {strides = array<i32>} : memref<2x5x4x512xf32, #tpu.memory_space<vmem>>, vector<16xf32>,
          %add3A_153 = arith.addf %get3A_125, %get3A_143 : vector<16xf32>
          %add3A_154 = arith.addf %get3A_134, %get3A_152 : vector<16xf32>
          %add3A_155 = arith.addf %add3A_153, %add3A_154 : vector<16xf32>
          %mul3A_156 = arith.constant 2.500000e-01 : f32
          %mul3A_157 = vector.broadcast %mul3A_156 : f32 to vector<16xf32>
          %mul3A_158 = arith.mulf %add3A_155, %mul3A_157 : vector<16xf32>
          %convert_element_type3A = arith.fptosi %mul3A_158 : vector<16xf32> to vector<16xi32>
          %mul3A_159 = arith.constant 512 : i32
          %mul3A_160 = arith.muli %add3A_92, %mul3A_159 : i32
          %add3A_161 = arith.constant 128 : i32
          %add3A_162 = arith.addi %mul3A_160, %add3A_161 : i32
          %mul3A_163 = arith.constant 16 : i32
          %mul3A_164 = arith.muli %scan3A_117, %mul3A_163 : i32
          %add3A_165 = arith.addi %add3A_162, %mul3A_164 : i32
          %swap3A = arith.index_cast %add3A_165 : i32 to index
          %swap3A_166 = tpu.vector_load %arg6[%swap3A] {strides = array<i32>} : memref<25600xi32, #tpu.memory_space<vmem>>, vector<16xi32>,
          tpu.vector_store %arg6[%swap3A], %convert_element_type3A {strides = array<i32>} : memref<25600xi32, #tpu.memory_space<vmem>>, vector<16xi32>,
        }
        %scan3A_104 = arith.constant 8 : i32
        %scan3A_105 = arith.constant 0 : i32
        %scan3A_106 = arith.constant 0 : i32
        %scan3A_107 = arith.constant 8 : i32
        %scan3A_108 = arith.addi %scan3A_106, %scan3A_107 : i32
        %scan3A_109 = arith.constant 1 : i32
        scf.for %scan3A_117 = %scan3A_106 to %scan3A_108 step %scan3A_109  : i32 {
          %mul3A_118 = arith.constant 16 : i32
          %mul3A_119 = arith.muli %scan3A_117, %mul3A_118 : i32
          %get3A = arith.constant 0 : i32
          %get3A_120 = arith.constant 2 : i32
          %get3A_121 = arith.index_cast %get3A : i32 to index
          %get3A_122 = arith.index_cast %scan3A_89 : i32 to index
          %get3A_123 = arith.index_cast %get3A_120 : i32 to index
          %get3A_124 = arith.index_cast %mul3A_119 : i32 to index
          %get3A_125 = tpu.vector_load %arg5[%get3A_121, %get3A_122, %get3A_123, %get3A_124] {strides = array<i32>} : memref<2x5x4x512xf32, #tpu.memory_space<vmem>>, vector<16xf32>,
          %add3A_126 = arith.constant 128 : i32
          %add3A_127 = arith.addi %mul3A_119, %add3A_126 : i32
          %get3A_128 = arith.constant 0 : i32
          %get3A_129 = arith.constant 2 : i32
          %get3A_130 = arith.index_cast %get3A_128 : i32 to index
          %get3A_131 = arith.index_cast %scan3A_89 : i32 to index
          %get3A_132 = arith.index_cast %get3A_129 : i32 to index
          %get3A_133 = arith.index_cast %add3A_127 : i32 to index
          %get3A_134 = tpu.vector_load %arg5[%get3A_130, %get3A_131, %get3A_132, %get3A_133] {strides = array<i32>} : memref<2x5x4x512xf32, #tpu.memory_space<vmem>>, vector<16xf32>,
          %add3A_135 = arith.constant 256 : i32
          %add3A_136 = arith.addi %mul3A_119, %add3A_135 : i32
          %get3A_137 = arith.constant 0 : i32
          %get3A_138 = arith.constant 2 : i32
          %get3A_139 = arith.index_cast %get3A_137 : i32 to index
          %get3A_140 = arith.index_cast %scan3A_89 : i32 to index
          %get3A_141 = arith.index_cast %get3A_138 : i32 to index
          %get3A_142 = arith.index_cast %add3A_136 : i32 to index
          %get3A_143 = tpu.vector_load %arg5[%get3A_139, %get3A_140, %get3A_141, %get3A_142] {strides = array<i32>} : memref<2x5x4x512xf32, #tpu.memory_space<vmem>>, vector<16xf32>,
          %add3A_144 = arith.constant 384 : i32
          %add3A_145 = arith.addi %mul3A_119, %add3A_144 : i32
          %get3A_146 = arith.constant 0 : i32
          %get3A_147 = arith.constant 2 : i32
          %get3A_148 = arith.index_cast %get3A_146 : i32 to index
          %get3A_149 = arith.index_cast %scan3A_89 : i32 to index
          %get3A_150 = arith.index_cast %get3A_147 : i32 to index
          %get3A_151 = arith.index_cast %add3A_145 : i32 to index
          %get3A_152 = tpu.vector_load %arg5[%get3A_148, %get3A_149, %get3A_150, %get3A_151] {strides = array<i32>} : memref<2x5x4x512xf32, #tpu.memory_space<vmem>>, vector<16xf32>,
          %add3A_153 = arith.addf %get3A_125, %get3A_143 : vector<16xf32>
          %add3A_154 = arith.addf %get3A_134, %get3A_152 : vector<16xf32>
          %add3A_155 = arith.addf %add3A_153, %add3A_154 : vector<16xf32>
          %mul3A_156 = arith.constant 2.500000e-01 : f32
          %mul3A_157 = vector.broadcast %mul3A_156 : f32 to vector<16xf32>
          %mul3A_158 = arith.mulf %add3A_155, %mul3A_157 : vector<16xf32>
          %convert_element_type3A = arith.fptosi %mul3A_158 : vector<16xf32> to vector<16xi32>
          %mul3A_159 = arith.constant 512 : i32
          %mul3A_160 = arith.muli %add3A_92, %mul3A_159 : i32
          %add3A_161 = arith.constant 256 : i32
          %add3A_162 = arith.addi %mul3A_160, %add3A_161 : i32
          %mul3A_163 = arith.constant 16 : i32
          %mul3A_164 = arith.muli %scan3A_117, %mul3A_163 : i32
          %add3A_165 = arith.addi %add3A_162, %mul3A_164 : i32
          %swap3A = arith.index_cast %add3A_165 : i32 to index
          %swap3A_166 = tpu.vector_load %arg6[%swap3A] {strides = array<i32>} : memref<25600xi32, #tpu.memory_space<vmem>>, vector<16xi32>,
          tpu.vector_store %arg6[%swap3A], %convert_element_type3A {strides = array<i32>} : memref<25600xi32, #tpu.memory_space<vmem>>, vector<16xi32>,
        }
        %scan3A_110 = arith.constant 8 : i32
        %scan3A_111 = arith.constant 0 : i32
        %scan3A_112 = arith.constant 0 : i32
        %scan3A_113 = arith.constant 8 : i32
        %scan3A_114 = arith.addi %scan3A_112, %scan3A_113 : i32
        %scan3A_115 = arith.constant 1 : i32
        scf.for %scan3A_117 = %scan3A_112 to %scan3A_114 step %scan3A_115  : i32 {
          %mul3A_118 = arith.constant 16 : i32
          %mul3A_119 = arith.muli %scan3A_117, %mul3A_118 : i32
          %get3A = arith.constant 0 : i32
          %get3A_120 = arith.constant 3 : i32
          %get3A_121 = arith.index_cast %get3A : i32 to index
          %get3A_122 = arith.index_cast %scan3A_89 : i32 to index
          %get3A_123 = arith.index_cast %get3A_120 : i32 to index
          %get3A_124 = arith.index_cast %mul3A_119 : i32 to index
          %get3A_125 = tpu.vector_load %arg5[%get3A_121, %get3A_122, %get3A_123, %get3A_124] {strides = array<i32>} : memref<2x5x4x512xf32, #tpu.memory_space<vmem>>, vector<16xf32>,
          %add3A_126 = arith.constant 128 : i32
          %add3A_127 = arith.addi %mul3A_119, %add3A_126 : i32
          %get3A_128 = arith.constant 0 : i32
          %get3A_129 = arith.constant 3 : i32
          %get3A_130 = arith.index_cast %get3A_128 : i32 to index
          %get3A_131 = arith.index_cast %scan3A_89 : i32 to index
          %get3A_132 = arith.index_cast %get3A_129 : i32 to index
          %get3A_133 = arith.index_cast %add3A_127 : i32 to index
          %get3A_134 = tpu.vector_load %arg5[%get3A_130, %get3A_131, %get3A_132, %get3A_133] {strides = array<i32>} : memref<2x5x4x512xf32, #tpu.memory_space<vmem>>, vector<16xf32>,
          %add3A_135 = arith.constant 256 : i32
          %add3A_136 = arith.addi %mul3A_119, %add3A_135 : i32
          %get3A_137 = arith.constant 0 : i32
          %get3A_138 = arith.constant 3 : i32
          %get3A_139 = arith.index_cast %get3A_137 : i32 to index
          %get3A_140 = arith.index_cast %scan3A_89 : i32 to index
          %get3A_141 = arith.index_cast %get3A_138 : i32 to index
          %get3A_142 = arith.index_cast %add3A_136 : i32 to index
          %get3A_143 = tpu.vector_load %arg5[%get3A_139, %get3A_140, %get3A_141, %get3A_142] {strides = array<i32>} : memref<2x5x4x512xf32, #tpu.memory_space<vmem>>, vector<16xf32>,
          %add3A_144 = arith.constant 384 : i32
          %add3A_145 = arith.addi %mul3A_119, %add3A_144 : i32
          %get3A_146 = arith.constant 0 : i32
          %get3A_147 = arith.constant 3 : i32
          %get3A_148 = arith.index_cast %get3A_146 : i32 to index
          %get3A_149 = arith.index_cast %scan3A_89 : i32 to index
          %get3A_150 = arith.index_cast %get3A_147 : i32 to index
          %get3A_151 = arith.index_cast %add3A_145 : i32 to index
          %get3A_152 = tpu.vector_load %arg5[%get3A_148, %get3A_149, %get3A_150, %get3A_151] {strides = array<i32>} : memref<2x5x4x512xf32, #tpu.memory_space<vmem>>, vector<16xf32>,
          %add3A_153 = arith.addf %get3A_125, %get3A_143 : vector<16xf32>
          %add3A_154 = arith.addf %get3A_134, %get3A_152 : vector<16xf32>
          %add3A_155 = arith.addf %add3A_153, %add3A_154 : vector<16xf32>
          %mul3A_156 = arith.constant 2.500000e-01 : f32
          %mul3A_157 = vector.broadcast %mul3A_156 : f32 to vector<16xf32>
          %mul3A_158 = arith.mulf %add3A_155, %mul3A_157 : vector<16xf32>
          %convert_element_type3A = arith.fptosi %mul3A_158 : vector<16xf32> to vector<16xi32>
          %mul3A_159 = arith.constant 512 : i32
          %mul3A_160 = arith.muli %add3A_92, %mul3A_159 : i32
          %add3A_161 = arith.constant 384 : i32
          %add3A_162 = arith.addi %mul3A_160, %add3A_161 : i32
          %mul3A_163 = arith.constant 16 : i32
          %mul3A_164 = arith.muli %scan3A_117, %mul3A_163 : i32
          %add3A_165 = arith.addi %add3A_162, %mul3A_164 : i32
          %swap3A = arith.index_cast %add3A_165 : i32 to index
          %swap3A_166 = tpu.vector_load %arg6[%swap3A] {strides = array<i32>} : memref<25600xi32, #tpu.memory_space<vmem>>, vector<16xi32>,
          tpu.vector_store %arg6[%swap3A], %convert_element_type3A {strides = array<i32>} : memref<25600xi32, #tpu.memory_space<vmem>>, vector<16xi32>,
        }
        %scan3A_116 = arith.constant 8 : i32
      }
      %scan3A_67 = arith.constant 5 : i32
      %dma_wait3A_68 = arith.constant 1 : i32
      %dma_wait3A_69 = arith.constant 0 : i32
      %dma_wait3A_70 = arith.constant 0 : i32
      %dma_wait3A_71 = arith.constant 0 : i32
      %dma_wait3A_72 = tpu.memref_slice %arg5[%dma_wait3A_68, %dma_wait3A_69, %dma_wait3A_70, %dma_wait3A_71] : memref<2x5x4x512xf32, #tpu.memory_space<vmem>> -> memref<1x5x4x512xf32, #tpu.memory_space<vmem>>
      %dma_wait3A_73 = tpu.memref_squeeze %dma_wait3A_72 : memref<1x5x4x512xf32, #tpu.memory_space<vmem>> -> memref<5x4x512xf32, #tpu.memory_space<vmem>>
      %dma_wait3A_74 = arith.constant 0 : i32
      %dma_wait3A_75 = tpu.memref_slice %arg2[%add3A_32, %mul3A_2, %dma_wait3A_74] : memref<50x128x512xf32, #tpu.memory_space<hbm>> -> memref<5x4x512xf32, #tpu.memory_space<hbm>>
      %dma_wait3A_76 = arith.constant 0 : i32
      %dma_wait3A_77 = arith.constant 0 : i32
      %dma_wait3A_78 = arith.constant 0 : i32
      %dma_wait3A_79 = tpu.memref_slice %arg5[%dma_wait3A_68, %dma_wait3A_76, %dma_wait3A_77, %dma_wait3A_78] : memref<2x5x4x512xf32, #tpu.memory_space<vmem>> -> memref<1x5x4x512xf32, #tpu.memory_space<vmem>>
      %dma_wait3A_80 = tpu.memref_squeeze %dma_wait3A_79 : memref<1x5x4x512xf32, #tpu.memory_space<vmem>> -> memref<5x4x512xf32, #tpu.memory_space<vmem>>
      %dma_wait3A_81 = arith.constant 0 : i32
      %dma_wait3A_82 = tpu.memref_slice %arg2[%add3A_32, %mul3A_2, %dma_wait3A_81] : memref<50x128x512xf32, #tpu.memory_space<hbm>> -> memref<5x4x512xf32, #tpu.memory_space<hbm>>
      tpu.wait_dma2 semaphore(%arg10 : memref<!tpu.dma_semaphore, #tpu.memory_space<semaphore_mem>>) src(%dma_wait3A_82 : memref<5x4x512xf32, #tpu.memory_space<hbm>>) dst(%dma_wait3A_80 : memref<5x4x512xf32, #tpu.memory_space<vmem>>)
      %scan3A_83 = arith.constant 0 : i32
      %scan3A_84 = arith.constant 0 : i32
      %scan3A_85 = arith.constant 5 : i32
      %scan3A_86 = arith.addi %scan3A_84, %scan3A_85 : i32
      %scan3A_87 = arith.constant 1 : i32
      scf.for %scan3A_89 = %scan3A_84 to %scan3A_86 step %scan3A_87  : i32 {
        %add3A_90 = arith.constant 5 : i32
        %add3A_91 = arith.addi %mul3A_16, %add3A_90 : i32
        %add3A_92 = arith.addi %add3A_91, %scan3A_89 : i32
        %scan3A_93 = arith.constant 0 : i32
        %scan3A_94 = arith.constant 0 : i32
        %scan3A_95 = arith.constant 8 : i32
        %scan3A_96 = arith.addi %scan3A_94, %scan3A_95 : i32
        %scan3A_97 = arith.constant 1 : i32
        scf.for %scan3A_117 = %scan3A_94 to %scan3A_96 step %scan3A_97  : i32 {
          %mul3A_118 = arith.constant 16 : i32
          %mul3A_119 = arith.muli %scan3A_117, %mul3A_118 : i32
          %get3A = arith.constant 1 : i32
          %get3A_120 = arith.constant 0 : i32
          %get3A_121 = arith.index_cast %get3A : i32 to index
          %get3A_122 = arith.index_cast %scan3A_89 : i32 to index
          %get3A_123 = arith.index_cast %get3A_120 : i32 to index
          %get3A_124 = arith.index_cast %mul3A_119 : i32 to index
          %get3A_125 = tpu.vector_load %arg5[%get3A_121, %get3A_122, %get3A_123, %get3A_124] {strides = array<i32>} : memref<2x5x4x512xf32, #tpu.memory_space<vmem>>, vector<16xf32>,
          %add3A_126 = arith.constant 128 : i32
          %add3A_127 = arith.addi %mul3A_119, %add3A_126 : i32
          %get3A_128 = arith.constant 1 : i32
          %get3A_129 = arith.constant 0 : i32
          %get3A_130 = arith.index_cast %get3A_128 : i32 to index
          %get3A_131 = arith.index_cast %scan3A_89 : i32 to index
          %get3A_132 = arith.index_cast %get3A_129 : i32 to index
          %get3A_133 = arith.index_cast %add3A_127 : i32 to index
          %get3A_134 = tpu.vector_load %arg5[%get3A_130, %get3A_131, %get3A_132, %get3A_133] {strides = array<i32>} : memref<2x5x4x512xf32, #tpu.memory_space<vmem>>, vector<16xf32>,
          %add3A_135 = arith.constant 256 : i32
          %add3A_136 = arith.addi %mul3A_119, %add3A_135 : i32
          %get3A_137 = arith.constant 1 : i32
          %get3A_138 = arith.constant 0 : i32
          %get3A_139 = arith.index_cast %get3A_137 : i32 to index
          %get3A_140 = arith.index_cast %scan3A_89 : i32 to index
          %get3A_141 = arith.index_cast %get3A_138 : i32 to index
          %get3A_142 = arith.index_cast %add3A_136 : i32 to index
          %get3A_143 = tpu.vector_load %arg5[%get3A_139, %get3A_140, %get3A_141, %get3A_142] {strides = array<i32>} : memref<2x5x4x512xf32, #tpu.memory_space<vmem>>, vector<16xf32>,
          %add3A_144 = arith.constant 384 : i32
          %add3A_145 = arith.addi %mul3A_119, %add3A_144 : i32
          %get3A_146 = arith.constant 1 : i32
          %get3A_147 = arith.constant 0 : i32
          %get3A_148 = arith.index_cast %get3A_146 : i32 to index
          %get3A_149 = arith.index_cast %scan3A_89 : i32 to index
          %get3A_150 = arith.index_cast %get3A_147 : i32 to index
          %get3A_151 = arith.index_cast %add3A_145 : i32 to index
          %get3A_152 = tpu.vector_load %arg5[%get3A_148, %get3A_149, %get3A_150, %get3A_151] {strides = array<i32>} : memref<2x5x4x512xf32, #tpu.memory_space<vmem>>, vector<16xf32>,
          %add3A_153 = arith.addf %get3A_125, %get3A_143 : vector<16xf32>
          %add3A_154 = arith.addf %get3A_134, %get3A_152 : vector<16xf32>
          %add3A_155 = arith.addf %add3A_153, %add3A_154 : vector<16xf32>
          %mul3A_156 = arith.constant 2.500000e-01 : f32
          %mul3A_157 = vector.broadcast %mul3A_156 : f32 to vector<16xf32>
          %mul3A_158 = arith.mulf %add3A_155, %mul3A_157 : vector<16xf32>
          %convert_element_type3A = arith.fptosi %mul3A_158 : vector<16xf32> to vector<16xi32>
          %mul3A_159 = arith.constant 512 : i32
          %mul3A_160 = arith.muli %add3A_92, %mul3A_159 : i32
          %add3A_161 = arith.constant 0 : i32
          %add3A_162 = arith.addi %mul3A_160, %add3A_161 : i32
          %mul3A_163 = arith.constant 16 : i32
          %mul3A_164 = arith.muli %scan3A_117, %mul3A_163 : i32
          %add3A_165 = arith.addi %add3A_162, %mul3A_164 : i32
          %swap3A = arith.index_cast %add3A_165 : i32 to index
          %swap3A_166 = tpu.vector_load %arg6[%swap3A] {strides = array<i32>} : memref<25600xi32, #tpu.memory_space<vmem>>, vector<16xi32>,
          tpu.vector_store %arg6[%swap3A], %convert_element_type3A {strides = array<i32>} : memref<25600xi32, #tpu.memory_space<vmem>>, vector<16xi32>,
        }
        %scan3A_98 = arith.constant 8 : i32
        %scan3A_99 = arith.constant 0 : i32
        %scan3A_100 = arith.constant 0 : i32
        %scan3A_101 = arith.constant 8 : i32
        %scan3A_102 = arith.addi %scan3A_100, %scan3A_101 : i32
        %scan3A_103 = arith.constant 1 : i32
        scf.for %scan3A_117 = %scan3A_100 to %scan3A_102 step %scan3A_103  : i32 {
          %mul3A_118 = arith.constant 16 : i32
          %mul3A_119 = arith.muli %scan3A_117, %mul3A_118 : i32
          %get3A = arith.constant 1 : i32
          %get3A_120 = arith.constant 1 : i32
          %get3A_121 = arith.index_cast %get3A : i32 to index
          %get3A_122 = arith.index_cast %scan3A_89 : i32 to index
          %get3A_123 = arith.index_cast %get3A_120 : i32 to index
          %get3A_124 = arith.index_cast %mul3A_119 : i32 to index
          %get3A_125 = tpu.vector_load %arg5[%get3A_121, %get3A_122, %get3A_123, %get3A_124] {strides = array<i32>} : memref<2x5x4x512xf32, #tpu.memory_space<vmem>>, vector<16xf32>,
          %add3A_126 = arith.constant 128 : i32
          %add3A_127 = arith.addi %mul3A_119, %add3A_126 : i32
          %get3A_128 = arith.constant 1 : i32
          %get3A_129 = arith.constant 1 : i32
          %get3A_130 = arith.index_cast %get3A_128 : i32 to index
          %get3A_131 = arith.index_cast %scan3A_89 : i32 to index
          %get3A_132 = arith.index_cast %get3A_129 : i32 to index
          %get3A_133 = arith.index_cast %add3A_127 : i32 to index
          %get3A_134 = tpu.vector_load %arg5[%get3A_130, %get3A_131, %get3A_132, %get3A_133] {strides = array<i32>} : memref<2x5x4x512xf32, #tpu.memory_space<vmem>>, vector<16xf32>,
          %add3A_135 = arith.constant 256 : i32
          %add3A_136 = arith.addi %mul3A_119, %add3A_135 : i32
          %get3A_137 = arith.constant 1 : i32
          %get3A_138 = arith.constant 1 : i32
          %get3A_139 = arith.index_cast %get3A_137 : i32 to index
          %get3A_140 = arith.index_cast %scan3A_89 : i32 to index
          %get3A_141 = arith.index_cast %get3A_138 : i32 to index
          %get3A_142 = arith.index_cast %add3A_136 : i32 to index
          %get3A_143 = tpu.vector_load %arg5[%get3A_139, %get3A_140, %get3A_141, %get3A_142] {strides = array<i32>} : memref<2x5x4x512xf32, #tpu.memory_space<vmem>>, vector<16xf32>,
          %add3A_144 = arith.constant 384 : i32
          %add3A_145 = arith.addi %mul3A_119, %add3A_144 : i32
          %get3A_146 = arith.constant 1 : i32
          %get3A_147 = arith.constant 1 : i32
          %get3A_148 = arith.index_cast %get3A_146 : i32 to index
          %get3A_149 = arith.index_cast %scan3A_89 : i32 to index
          %get3A_150 = arith.index_cast %get3A_147 : i32 to index
          %get3A_151 = arith.index_cast %add3A_145 : i32 to index
          %get3A_152 = tpu.vector_load %arg5[%get3A_148, %get3A_149, %get3A_150, %get3A_151] {strides = array<i32>} : memref<2x5x4x512xf32, #tpu.memory_space<vmem>>, vector<16xf32>,
          %add3A_153 = arith.addf %get3A_125, %get3A_143 : vector<16xf32>
          %add3A_154 = arith.addf %get3A_134, %get3A_152 : vector<16xf32>
          %add3A_155 = arith.addf %add3A_153, %add3A_154 : vector<16xf32>
          %mul3A_156 = arith.constant 2.500000e-01 : f32
          %mul3A_157 = vector.broadcast %mul3A_156 : f32 to vector<16xf32>
          %mul3A_158 = arith.mulf %add3A_155, %mul3A_157 : vector<16xf32>
          %convert_element_type3A = arith.fptosi %mul3A_158 : vector<16xf32> to vector<16xi32>
          %mul3A_159 = arith.constant 512 : i32
          %mul3A_160 = arith.muli %add3A_92, %mul3A_159 : i32
          %add3A_161 = arith.constant 128 : i32
          %add3A_162 = arith.addi %mul3A_160, %add3A_161 : i32
          %mul3A_163 = arith.constant 16 : i32
          %mul3A_164 = arith.muli %scan3A_117, %mul3A_163 : i32
          %add3A_165 = arith.addi %add3A_162, %mul3A_164 : i32
          %swap3A = arith.index_cast %add3A_165 : i32 to index
          %swap3A_166 = tpu.vector_load %arg6[%swap3A] {strides = array<i32>} : memref<25600xi32, #tpu.memory_space<vmem>>, vector<16xi32>,
          tpu.vector_store %arg6[%swap3A], %convert_element_type3A {strides = array<i32>} : memref<25600xi32, #tpu.memory_space<vmem>>, vector<16xi32>,
        }
        %scan3A_104 = arith.constant 8 : i32
        %scan3A_105 = arith.constant 0 : i32
        %scan3A_106 = arith.constant 0 : i32
        %scan3A_107 = arith.constant 8 : i32
        %scan3A_108 = arith.addi %scan3A_106, %scan3A_107 : i32
        %scan3A_109 = arith.constant 1 : i32
        scf.for %scan3A_117 = %scan3A_106 to %scan3A_108 step %scan3A_109  : i32 {
          %mul3A_118 = arith.constant 16 : i32
          %mul3A_119 = arith.muli %scan3A_117, %mul3A_118 : i32
          %get3A = arith.constant 1 : i32
          %get3A_120 = arith.constant 2 : i32
          %get3A_121 = arith.index_cast %get3A : i32 to index
          %get3A_122 = arith.index_cast %scan3A_89 : i32 to index
          %get3A_123 = arith.index_cast %get3A_120 : i32 to index
          %get3A_124 = arith.index_cast %mul3A_119 : i32 to index
          %get3A_125 = tpu.vector_load %arg5[%get3A_121, %get3A_122, %get3A_123, %get3A_124] {strides = array<i32>} : memref<2x5x4x512xf32, #tpu.memory_space<vmem>>, vector<16xf32>,
          %add3A_126 = arith.constant 128 : i32
          %add3A_127 = arith.addi %mul3A_119, %add3A_126 : i32
          %get3A_128 = arith.constant 1 : i32
          %get3A_129 = arith.constant 2 : i32
          %get3A_130 = arith.index_cast %get3A_128 : i32 to index
          %get3A_131 = arith.index_cast %scan3A_89 : i32 to index
          %get3A_132 = arith.index_cast %get3A_129 : i32 to index
          %get3A_133 = arith.index_cast %add3A_127 : i32 to index
          %get3A_134 = tpu.vector_load %arg5[%get3A_130, %get3A_131, %get3A_132, %get3A_133] {strides = array<i32>} : memref<2x5x4x512xf32, #tpu.memory_space<vmem>>, vector<16xf32>,
          %add3A_135 = arith.constant 256 : i32
          %add3A_136 = arith.addi %mul3A_119, %add3A_135 : i32
          %get3A_137 = arith.constant 1 : i32
          %get3A_138 = arith.constant 2 : i32
          %get3A_139 = arith.index_cast %get3A_137 : i32 to index
          %get3A_140 = arith.index_cast %scan3A_89 : i32 to index
          %get3A_141 = arith.index_cast %get3A_138 : i32 to index
          %get3A_142 = arith.index_cast %add3A_136 : i32 to index
          %get3A_143 = tpu.vector_load %arg5[%get3A_139, %get3A_140, %get3A_141, %get3A_142] {strides = array<i32>} : memref<2x5x4x512xf32, #tpu.memory_space<vmem>>, vector<16xf32>,
          %add3A_144 = arith.constant 384 : i32
          %add3A_145 = arith.addi %mul3A_119, %add3A_144 : i32
          %get3A_146 = arith.constant 1 : i32
          %get3A_147 = arith.constant 2 : i32
          %get3A_148 = arith.index_cast %get3A_146 : i32 to index
          %get3A_149 = arith.index_cast %scan3A_89 : i32 to index
          %get3A_150 = arith.index_cast %get3A_147 : i32 to index
          %get3A_151 = arith.index_cast %add3A_145 : i32 to index
          %get3A_152 = tpu.vector_load %arg5[%get3A_148, %get3A_149, %get3A_150, %get3A_151] {strides = array<i32>} : memref<2x5x4x512xf32, #tpu.memory_space<vmem>>, vector<16xf32>,
          %add3A_153 = arith.addf %get3A_125, %get3A_143 : vector<16xf32>
          %add3A_154 = arith.addf %get3A_134, %get3A_152 : vector<16xf32>
          %add3A_155 = arith.addf %add3A_153, %add3A_154 : vector<16xf32>
          %mul3A_156 = arith.constant 2.500000e-01 : f32
          %mul3A_157 = vector.broadcast %mul3A_156 : f32 to vector<16xf32>
          %mul3A_158 = arith.mulf %add3A_155, %mul3A_157 : vector<16xf32>
          %convert_element_type3A = arith.fptosi %mul3A_158 : vector<16xf32> to vector<16xi32>
          %mul3A_159 = arith.constant 512 : i32
          %mul3A_160 = arith.muli %add3A_92, %mul3A_159 : i32
          %add3A_161 = arith.constant 256 : i32
          %add3A_162 = arith.addi %mul3A_160, %add3A_161 : i32
          %mul3A_163 = arith.constant 16 : i32
          %mul3A_164 = arith.muli %scan3A_117, %mul3A_163 : i32
          %add3A_165 = arith.addi %add3A_162, %mul3A_164 : i32
          %swap3A = arith.index_cast %add3A_165 : i32 to index
          %swap3A_166 = tpu.vector_load %arg6[%swap3A] {strides = array<i32>} : memref<25600xi32, #tpu.memory_space<vmem>>, vector<16xi32>,
          tpu.vector_store %arg6[%swap3A], %convert_element_type3A {strides = array<i32>} : memref<25600xi32, #tpu.memory_space<vmem>>, vector<16xi32>,
        }
        %scan3A_110 = arith.constant 8 : i32
        %scan3A_111 = arith.constant 0 : i32
        %scan3A_112 = arith.constant 0 : i32
        %scan3A_113 = arith.constant 8 : i32
        %scan3A_114 = arith.addi %scan3A_112, %scan3A_113 : i32
        %scan3A_115 = arith.constant 1 : i32
        scf.for %scan3A_117 = %scan3A_112 to %scan3A_114 step %scan3A_115  : i32 {
          %mul3A_118 = arith.constant 16 : i32
          %mul3A_119 = arith.muli %scan3A_117, %mul3A_118 : i32
          %get3A = arith.constant 1 : i32
          %get3A_120 = arith.constant 3 : i32
          %get3A_121 = arith.index_cast %get3A : i32 to index
          %get3A_122 = arith.index_cast %scan3A_89 : i32 to index
          %get3A_123 = arith.index_cast %get3A_120 : i32 to index
          %get3A_124 = arith.index_cast %mul3A_119 : i32 to index
          %get3A_125 = tpu.vector_load %arg5[%get3A_121, %get3A_122, %get3A_123, %get3A_124] {strides = array<i32>} : memref<2x5x4x512xf32, #tpu.memory_space<vmem>>, vector<16xf32>,
          %add3A_126 = arith.constant 128 : i32
          %add3A_127 = arith.addi %mul3A_119, %add3A_126 : i32
          %get3A_128 = arith.constant 1 : i32
          %get3A_129 = arith.constant 3 : i32
          %get3A_130 = arith.index_cast %get3A_128 : i32 to index
          %get3A_131 = arith.index_cast %scan3A_89 : i32 to index
          %get3A_132 = arith.index_cast %get3A_129 : i32 to index
          %get3A_133 = arith.index_cast %add3A_127 : i32 to index
          %get3A_134 = tpu.vector_load %arg5[%get3A_130, %get3A_131, %get3A_132, %get3A_133] {strides = array<i32>} : memref<2x5x4x512xf32, #tpu.memory_space<vmem>>, vector<16xf32>,
          %add3A_135 = arith.constant 256 : i32
          %add3A_136 = arith.addi %mul3A_119, %add3A_135 : i32
          %get3A_137 = arith.constant 1 : i32
          %get3A_138 = arith.constant 3 : i32
          %get3A_139 = arith.index_cast %get3A_137 : i32 to index
          %get3A_140 = arith.index_cast %scan3A_89 : i32 to index
          %get3A_141 = arith.index_cast %get3A_138 : i32 to index
          %get3A_142 = arith.index_cast %add3A_136 : i32 to index
          %get3A_143 = tpu.vector_load %arg5[%get3A_139, %get3A_140, %get3A_141, %get3A_142] {strides = array<i32>} : memref<2x5x4x512xf32, #tpu.memory_space<vmem>>, vector<16xf32>,
          %add3A_144 = arith.constant 384 : i32
          %add3A_145 = arith.addi %mul3A_119, %add3A_144 : i32
          %get3A_146 = arith.constant 1 : i32
          %get3A_147 = arith.constant 3 : i32
          %get3A_148 = arith.index_cast %get3A_146 : i32 to index
          %get3A_149 = arith.index_cast %scan3A_89 : i32 to index
          %get3A_150 = arith.index_cast %get3A_147 : i32 to index
          %get3A_151 = arith.index_cast %add3A_145 : i32 to index
          %get3A_152 = tpu.vector_load %arg5[%get3A_148, %get3A_149, %get3A_150, %get3A_151] {strides = array<i32>} : memref<2x5x4x512xf32, #tpu.memory_space<vmem>>, vector<16xf32>,
          %add3A_153 = arith.addf %get3A_125, %get3A_143 : vector<16xf32>
          %add3A_154 = arith.addf %get3A_134, %get3A_152 : vector<16xf32>
          %add3A_155 = arith.addf %add3A_153, %add3A_154 : vector<16xf32>
          %mul3A_156 = arith.constant 2.500000e-01 : f32
          %mul3A_157 = vector.broadcast %mul3A_156 : f32 to vector<16xf32>
          %mul3A_158 = arith.mulf %add3A_155, %mul3A_157 : vector<16xf32>
          %convert_element_type3A = arith.fptosi %mul3A_158 : vector<16xf32> to vector<16xi32>
          %mul3A_159 = arith.constant 512 : i32
          %mul3A_160 = arith.muli %add3A_92, %mul3A_159 : i32
          %add3A_161 = arith.constant 384 : i32
          %add3A_162 = arith.addi %mul3A_160, %add3A_161 : i32
          %mul3A_163 = arith.constant 16 : i32
          %mul3A_164 = arith.muli %scan3A_117, %mul3A_163 : i32
          %add3A_165 = arith.addi %add3A_162, %mul3A_164 : i32
          %swap3A = arith.index_cast %add3A_165 : i32 to index
          %swap3A_166 = tpu.vector_load %arg6[%swap3A] {strides = array<i32>} : memref<25600xi32, #tpu.memory_space<vmem>>, vector<16xi32>,
          tpu.vector_store %arg6[%swap3A], %convert_element_type3A {strides = array<i32>} : memref<25600xi32, #tpu.memory_space<vmem>>, vector<16xi32>,
        }
        %scan3A_116 = arith.constant 8 : i32
      }
      %scan3A_88 = arith.constant 5 : i32
    }
    %scan3A_7 = arith.constant 5 : i32
    %scan3A_8 = arith.constant 0 : i32
    %scan3A_9 = arith.constant 0 : i32
    %scan3A_10 = arith.constant 25 : i32
    %scan3A_11 = arith.addi %scan3A_9, %scan3A_10 : i32
    %scan3A_12 = arith.constant 1 : i32
    scf.for %scan3A_14 = %scan3A_9 to %scan3A_11 step %scan3A_12  : i32 {
      %mul3A_15 = arith.constant 2 : i32
      %mul3A_16 = arith.muli %mul3A_15, %scan3A_14 : i32
      %mul3A_17 = arith.constant 512 : i32
      %mul3A_18 = arith.muli %mul3A_16, %mul3A_17 : i32
      %add3A_19 = arith.constant 0 : i32
      %add3A_20 = arith.addi %mul3A_18, %add3A_19 : i32
      %dma_start3A = arith.constant 0 : i32
      %dma_start3A_21 = arith.constant 0 : i32
      %dma_start3A_22 = arith.constant 0 : i32
      %dma_start3A_23 = tpu.memref_slice %arg7[%dma_start3A, %dma_start3A_21, %dma_start3A_22] : memref<2x512x32xf32, #tpu.memory_space<vmem>> -> memref<1x128x32xf32, #tpu.memory_space<vmem>>
      %dma_start3A_24 = tpu.memref_squeeze %dma_start3A_23 : memref<1x128x32xf32, #tpu.memory_space<vmem>> -> memref<128x32xf32, #tpu.memory_space<vmem>>
      %dma_start3A_25 = tpu.memref_slice %arg6[%add3A_20] : memref<25600xi32, #tpu.memory_space<vmem>> -> memref<128xi32, #tpu.memory_space<vmem>>
      %dma_start3A_26 = arith.constant 0 : i32
      %dma_start3A_27 = arith.constant 0 : i32
      %dma_start3A_28 = tpu.memref_slice %arg3[%dma_start3A_26, %dma_start3A_27] : memref<1000000x32xf32, #tpu.memory_space<hbm>> -> memref<1000000x32xf32, #tpu.memory_space<hbm>>
      tpu.enqueue_indirect_dma source(%dma_start3A_28 : memref<1000000x32xf32, #tpu.memory_space<hbm>>) target(%dma_start3A_24 : memref<128x32xf32, #tpu.memory_space<vmem>>) offsets(%dma_start3A_25 : memref<128xi32, #tpu.memory_space<vmem>>) semaphore(%arg11 : memref<!tpu.dma_semaphore, #tpu.memory_space<semaphore_mem>>)
      %mul3A_29 = arith.constant 512 : i32
      %mul3A_30 = arith.muli %mul3A_16, %mul3A_29 : i32
      %add3A_31 = arith.constant 128 : i32
      %add3A_32 = arith.addi %mul3A_30, %add3A_31 : i32
      %dma_start3A_33 = arith.constant 0 : i32
      %dma_start3A_34 = arith.constant 128 : i32
      %dma_start3A_35 = arith.constant 0 : i32
      %dma_start3A_36 = tpu.memref_slice %arg7[%dma_start3A_33, %dma_start3A_34, %dma_start3A_35] : memref<2x512x32xf32, #tpu.memory_space<vmem>> -> memref<1x128x32xf32, #tpu.memory_space<vmem>>
      %dma_start3A_37 = tpu.memref_squeeze %dma_start3A_36 : memref<1x128x32xf32, #tpu.memory_space<vmem>> -> memref<128x32xf32, #tpu.memory_space<vmem>>
      %dma_start3A_38 = tpu.memref_slice %arg6[%add3A_32] : memref<25600xi32, #tpu.memory_space<vmem>> -> memref<128xi32, #tpu.memory_space<vmem>>
      %dma_start3A_39 = arith.constant 0 : i32
      %dma_start3A_40 = arith.constant 0 : i32
      %dma_start3A_41 = tpu.memref_slice %arg3[%dma_start3A_39, %dma_start3A_40] : memref<1000000x32xf32, #tpu.memory_space<hbm>> -> memref<1000000x32xf32, #tpu.memory_space<hbm>>
      tpu.enqueue_indirect_dma source(%dma_start3A_41 : memref<1000000x32xf32, #tpu.memory_space<hbm>>) target(%dma_start3A_37 : memref<128x32xf32, #tpu.memory_space<vmem>>) offsets(%dma_start3A_38 : memref<128xi32, #tpu.memory_space<vmem>>) semaphore(%arg11 : memref<!tpu.dma_semaphore, #tpu.memory_space<semaphore_mem>>)
      %mul3A_42 = arith.constant 512 : i32
      %mul3A_43 = arith.muli %mul3A_16, %mul3A_42 : i32
      %add3A_44 = arith.constant 256 : i32
      %add3A_45 = arith.addi %mul3A_43, %add3A_44 : i32
      %dma_start3A_46 = arith.constant 0 : i32
      %dma_start3A_47 = arith.constant 256 : i32
      %dma_start3A_48 = arith.constant 0 : i32
      %dma_start3A_49 = tpu.memref_slice %arg7[%dma_start3A_46, %dma_start3A_47, %dma_start3A_48] : memref<2x512x32xf32, #tpu.memory_space<vmem>> -> memref<1x128x32xf32, #tpu.memory_space<vmem>>
      %dma_start3A_50 = tpu.memref_squeeze %dma_start3A_49 : memref<1x128x32xf32, #tpu.memory_space<vmem>> -> memref<128x32xf32, #tpu.memory_space<vmem>>
      %dma_start3A_51 = tpu.memref_slice %arg6[%add3A_45] : memref<25600xi32, #tpu.memory_space<vmem>> -> memref<128xi32, #tpu.memory_space<vmem>>
      %dma_start3A_52 = arith.constant 0 : i32
      %dma_start3A_53 = arith.constant 0 : i32
      %dma_start3A_54 = tpu.memref_slice %arg3[%dma_start3A_52, %dma_start3A_53] : memref<1000000x32xf32, #tpu.memory_space<hbm>> -> memref<1000000x32xf32, #tpu.memory_space<hbm>>
      tpu.enqueue_indirect_dma source(%dma_start3A_54 : memref<1000000x32xf32, #tpu.memory_space<hbm>>) target(%dma_start3A_50 : memref<128x32xf32, #tpu.memory_space<vmem>>) offsets(%dma_start3A_51 : memref<128xi32, #tpu.memory_space<vmem>>) semaphore(%arg11 : memref<!tpu.dma_semaphore, #tpu.memory_space<semaphore_mem>>)
      %mul3A_55 = arith.constant 512 : i32
      %mul3A_56 = arith.muli %mul3A_16, %mul3A_55 : i32
      %add3A_57 = arith.constant 384 : i32
      %add3A_58 = arith.addi %mul3A_56, %add3A_57 : i32
      %dma_start3A_59 = arith.constant 0 : i32
      %dma_start3A_60 = arith.constant 384 : i32
      %dma_start3A_61 = arith.constant 0 : i32
      %dma_start3A_62 = tpu.memref_slice %arg7[%dma_start3A_59, %dma_start3A_60, %dma_start3A_61] : memref<2x512x32xf32, #tpu.memory_space<vmem>> -> memref<1x128x32xf32, #tpu.memory_space<vmem>>
      %dma_start3A_63 = tpu.memref_squeeze %dma_start3A_62 : memref<1x128x32xf32, #tpu.memory_space<vmem>> -> memref<128x32xf32, #tpu.memory_space<vmem>>
      %dma_start3A_64 = tpu.memref_slice %arg6[%add3A_58] : memref<25600xi32, #tpu.memory_space<vmem>> -> memref<128xi32, #tpu.memory_space<vmem>>
      %dma_start3A_65 = arith.constant 0 : i32
      %dma_start3A_66 = arith.constant 0 : i32
      %dma_start3A_67 = tpu.memref_slice %arg3[%dma_start3A_65, %dma_start3A_66] : memref<1000000x32xf32, #tpu.memory_space<hbm>> -> memref<1000000x32xf32, #tpu.memory_space<hbm>>
      tpu.enqueue_indirect_dma source(%dma_start3A_67 : memref<1000000x32xf32, #tpu.memory_space<hbm>>) target(%dma_start3A_63 : memref<128x32xf32, #tpu.memory_space<vmem>>) offsets(%dma_start3A_64 : memref<128xi32, #tpu.memory_space<vmem>>) semaphore(%arg11 : memref<!tpu.dma_semaphore, #tpu.memory_space<semaphore_mem>>)
      %add3A_68 = arith.constant 1 : i32
      %add3A_69 = arith.addi %mul3A_16, %add3A_68 : i32
      %mul3A_70 = arith.constant 512 : i32
      %mul3A_71 = arith.muli %add3A_69, %mul3A_70 : i32
      %add3A_72 = arith.constant 0 : i32
      %add3A_73 = arith.addi %mul3A_71, %add3A_72 : i32
      %dma_start3A_74 = arith.constant 1 : i32
      %dma_start3A_75 = arith.constant 0 : i32
      %dma_start3A_76 = arith.constant 0 : i32
      %dma_start3A_77 = tpu.memref_slice %arg7[%dma_start3A_74, %dma_start3A_75, %dma_start3A_76] : memref<2x512x32xf32, #tpu.memory_space<vmem>> -> memref<1x128x32xf32, #tpu.memory_space<vmem>>
      %dma_start3A_78 = tpu.memref_squeeze %dma_start3A_77 : memref<1x128x32xf32, #tpu.memory_space<vmem>> -> memref<128x32xf32, #tpu.memory_space<vmem>>
      %dma_start3A_79 = tpu.memref_slice %arg6[%add3A_73] : memref<25600xi32, #tpu.memory_space<vmem>> -> memref<128xi32, #tpu.memory_space<vmem>>
      %dma_start3A_80 = arith.constant 0 : i32
      %dma_start3A_81 = arith.constant 0 : i32
      %dma_start3A_82 = tpu.memref_slice %arg3[%dma_start3A_80, %dma_start3A_81] : memref<1000000x32xf32, #tpu.memory_space<hbm>> -> memref<1000000x32xf32, #tpu.memory_space<hbm>>
      tpu.enqueue_indirect_dma source(%dma_start3A_82 : memref<1000000x32xf32, #tpu.memory_space<hbm>>) target(%dma_start3A_78 : memref<128x32xf32, #tpu.memory_space<vmem>>) offsets(%dma_start3A_79 : memref<128xi32, #tpu.memory_space<vmem>>) semaphore(%arg12 : memref<!tpu.dma_semaphore, #tpu.memory_space<semaphore_mem>>)
      %mul3A_83 = arith.constant 512 : i32
      %mul3A_84 = arith.muli %add3A_69, %mul3A_83 : i32
      %add3A_85 = arith.constant 128 : i32
      %add3A_86 = arith.addi %mul3A_84, %add3A_85 : i32
      %dma_start3A_87 = arith.constant 1 : i32
      %dma_start3A_88 = arith.constant 128 : i32
      %dma_start3A_89 = arith.constant 0 : i32
      %dma_start3A_90 = tpu.memref_slice %arg7[%dma_start3A_87, %dma_start3A_88, %dma_start3A_89] : memref<2x512x32xf32, #tpu.memory_space<vmem>> -> memref<1x128x32xf32, #tpu.memory_space<vmem>>
      %dma_start3A_91 = tpu.memref_squeeze %dma_start3A_90 : memref<1x128x32xf32, #tpu.memory_space<vmem>> -> memref<128x32xf32, #tpu.memory_space<vmem>>
      %dma_start3A_92 = tpu.memref_slice %arg6[%add3A_86] : memref<25600xi32, #tpu.memory_space<vmem>> -> memref<128xi32, #tpu.memory_space<vmem>>
      %dma_start3A_93 = arith.constant 0 : i32
      %dma_start3A_94 = arith.constant 0 : i32
      %dma_start3A_95 = tpu.memref_slice %arg3[%dma_start3A_93, %dma_start3A_94] : memref<1000000x32xf32, #tpu.memory_space<hbm>> -> memref<1000000x32xf32, #tpu.memory_space<hbm>>
      tpu.enqueue_indirect_dma source(%dma_start3A_95 : memref<1000000x32xf32, #tpu.memory_space<hbm>>) target(%dma_start3A_91 : memref<128x32xf32, #tpu.memory_space<vmem>>) offsets(%dma_start3A_92 : memref<128xi32, #tpu.memory_space<vmem>>) semaphore(%arg12 : memref<!tpu.dma_semaphore, #tpu.memory_space<semaphore_mem>>)
      %mul3A_96 = arith.constant 512 : i32
      %mul3A_97 = arith.muli %add3A_69, %mul3A_96 : i32
      %add3A_98 = arith.constant 256 : i32
      %add3A_99 = arith.addi %mul3A_97, %add3A_98 : i32
      %dma_start3A_100 = arith.constant 1 : i32
      %dma_start3A_101 = arith.constant 256 : i32
      %dma_start3A_102 = arith.constant 0 : i32
      %dma_start3A_103 = tpu.memref_slice %arg7[%dma_start3A_100, %dma_start3A_101, %dma_start3A_102] : memref<2x512x32xf32, #tpu.memory_space<vmem>> -> memref<1x128x32xf32, #tpu.memory_space<vmem>>
      %dma_start3A_104 = tpu.memref_squeeze %dma_start3A_103 : memref<1x128x32xf32, #tpu.memory_space<vmem>> -> memref<128x32xf32, #tpu.memory_space<vmem>>
      %dma_start3A_105 = tpu.memref_slice %arg6[%add3A_99] : memref<25600xi32, #tpu.memory_space<vmem>> -> memref<128xi32, #tpu.memory_space<vmem>>
      %dma_start3A_106 = arith.constant 0 : i32
      %dma_start3A_107 = arith.constant 0 : i32
      %dma_start3A_108 = tpu.memref_slice %arg3[%dma_start3A_106, %dma_start3A_107] : memref<1000000x32xf32, #tpu.memory_space<hbm>> -> memref<1000000x32xf32, #tpu.memory_space<hbm>>
      tpu.enqueue_indirect_dma source(%dma_start3A_108 : memref<1000000x32xf32, #tpu.memory_space<hbm>>) target(%dma_start3A_104 : memref<128x32xf32, #tpu.memory_space<vmem>>) offsets(%dma_start3A_105 : memref<128xi32, #tpu.memory_space<vmem>>) semaphore(%arg12 : memref<!tpu.dma_semaphore, #tpu.memory_space<semaphore_mem>>)
      %mul3A_109 = arith.constant 512 : i32
      %mul3A_110 = arith.muli %add3A_69, %mul3A_109 : i32
      %add3A_111 = arith.constant 384 : i32
      %add3A_112 = arith.addi %mul3A_110, %add3A_111 : i32
      %dma_start3A_113 = arith.constant 1 : i32
      %dma_start3A_114 = arith.constant 384 : i32
      %dma_start3A_115 = arith.constant 0 : i32
      %dma_start3A_116 = tpu.memref_slice %arg7[%dma_start3A_113, %dma_start3A_114, %dma_start3A_115] : memref<2x512x32xf32, #tpu.memory_space<vmem>> -> memref<1x128x32xf32, #tpu.memory_space<vmem>>
      %dma_start3A_117 = tpu.memref_squeeze %dma_start3A_116 : memref<1x128x32xf32, #tpu.memory_space<vmem>> -> memref<128x32xf32, #tpu.memory_space<vmem>>
      %dma_start3A_118 = tpu.memref_slice %arg6[%add3A_112] : memref<25600xi32, #tpu.memory_space<vmem>> -> memref<128xi32, #tpu.memory_space<vmem>>
      %dma_start3A_119 = arith.constant 0 : i32
      %dma_start3A_120 = arith.constant 0 : i32
      %dma_start3A_121 = tpu.memref_slice %arg3[%dma_start3A_119, %dma_start3A_120] : memref<1000000x32xf32, #tpu.memory_space<hbm>> -> memref<1000000x32xf32, #tpu.memory_space<hbm>>
      tpu.enqueue_indirect_dma source(%dma_start3A_121 : memref<1000000x32xf32, #tpu.memory_space<hbm>>) target(%dma_start3A_117 : memref<128x32xf32, #tpu.memory_space<vmem>>) offsets(%dma_start3A_118 : memref<128xi32, #tpu.memory_space<vmem>>) semaphore(%arg12 : memref<!tpu.dma_semaphore, #tpu.memory_space<semaphore_mem>>)
      %dma_wait3A = arith.constant 0 : i32
      %dma_wait3A_122 = arith.constant 0 : i32
      %dma_wait3A_123 = arith.constant 0 : i32
      %dma_wait3A_124 = tpu.memref_slice %arg7[%dma_wait3A, %dma_wait3A_122, %dma_wait3A_123] : memref<2x512x32xf32, #tpu.memory_space<vmem>> -> memref<1x128x32xf32, #tpu.memory_space<vmem>>
      %dma_wait3A_125 = tpu.memref_squeeze %dma_wait3A_124 : memref<1x128x32xf32, #tpu.memory_space<vmem>> -> memref<128x32xf32, #tpu.memory_space<vmem>>
      %dma_wait3A_126 = tpu.memref_slice %arg6[%add3A_20] : memref<25600xi32, #tpu.memory_space<vmem>> -> memref<128xi32, #tpu.memory_space<vmem>>
      %dma_wait3A_127 = arith.constant 0 : i32
      %dma_wait3A_128 = arith.constant 0 : i32
      %dma_wait3A_129 = tpu.memref_slice %arg3[%dma_wait3A_127, %dma_wait3A_128] : memref<1000000x32xf32, #tpu.memory_space<hbm>> -> memref<1000000x32xf32, #tpu.memory_space<hbm>>
      tpu.wait_indirect_dma semaphore(%arg11 : memref<!tpu.dma_semaphore, #tpu.memory_space<semaphore_mem>>) src(%dma_wait3A_129 : memref<1000000x32xf32, #tpu.memory_space<hbm>>) dst(%dma_wait3A_125 : memref<128x32xf32, #tpu.memory_space<vmem>>)
      %dma_wait3A_130 = arith.constant 0 : i32
      %dma_wait3A_131 = arith.constant 128 : i32
      %dma_wait3A_132 = arith.constant 0 : i32
      %dma_wait3A_133 = tpu.memref_slice %arg7[%dma_wait3A_130, %dma_wait3A_131, %dma_wait3A_132] : memref<2x512x32xf32, #tpu.memory_space<vmem>> -> memref<1x128x32xf32, #tpu.memory_space<vmem>>
      %dma_wait3A_134 = tpu.memref_squeeze %dma_wait3A_133 : memref<1x128x32xf32, #tpu.memory_space<vmem>> -> memref<128x32xf32, #tpu.memory_space<vmem>>
      %dma_wait3A_135 = tpu.memref_slice %arg6[%add3A_32] : memref<25600xi32, #tpu.memory_space<vmem>> -> memref<128xi32, #tpu.memory_space<vmem>>
      %dma_wait3A_136 = arith.constant 0 : i32
      %dma_wait3A_137 = arith.constant 0 : i32
      %dma_wait3A_138 = tpu.memref_slice %arg3[%dma_wait3A_136, %dma_wait3A_137] : memref<1000000x32xf32, #tpu.memory_space<hbm>> -> memref<1000000x32xf32, #tpu.memory_space<hbm>>
      tpu.wait_indirect_dma semaphore(%arg11 : memref<!tpu.dma_semaphore, #tpu.memory_space<semaphore_mem>>) src(%dma_wait3A_138 : memref<1000000x32xf32, #tpu.memory_space<hbm>>) dst(%dma_wait3A_134 : memref<128x32xf32, #tpu.memory_space<vmem>>)
      %dma_wait3A_139 = arith.constant 0 : i32
      %dma_wait3A_140 = arith.constant 256 : i32
      %dma_wait3A_141 = arith.constant 0 : i32
      %dma_wait3A_142 = tpu.memref_slice %arg7[%dma_wait3A_139, %dma_wait3A_140, %dma_wait3A_141] : memref<2x512x32xf32, #tpu.memory_space<vmem>> -> memref<1x128x32xf32, #tpu.memory_space<vmem>>
      %dma_wait3A_143 = tpu.memref_squeeze %dma_wait3A_142 : memref<1x128x32xf32, #tpu.memory_space<vmem>> -> memref<128x32xf32, #tpu.memory_space<vmem>>
      %dma_wait3A_144 = tpu.memref_slice %arg6[%add3A_45] : memref<25600xi32, #tpu.memory_space<vmem>> -> memref<128xi32, #tpu.memory_space<vmem>>
      %dma_wait3A_145 = arith.constant 0 : i32
      %dma_wait3A_146 = arith.constant 0 : i32
      %dma_wait3A_147 = tpu.memref_slice %arg3[%dma_wait3A_145, %dma_wait3A_146] : memref<1000000x32xf32, #tpu.memory_space<hbm>> -> memref<1000000x32xf32, #tpu.memory_space<hbm>>
      tpu.wait_indirect_dma semaphore(%arg11 : memref<!tpu.dma_semaphore, #tpu.memory_space<semaphore_mem>>) src(%dma_wait3A_147 : memref<1000000x32xf32, #tpu.memory_space<hbm>>) dst(%dma_wait3A_143 : memref<128x32xf32, #tpu.memory_space<vmem>>)
      %dma_wait3A_148 = arith.constant 0 : i32
      %dma_wait3A_149 = arith.constant 384 : i32
      %dma_wait3A_150 = arith.constant 0 : i32
      %dma_wait3A_151 = tpu.memref_slice %arg7[%dma_wait3A_148, %dma_wait3A_149, %dma_wait3A_150] : memref<2x512x32xf32, #tpu.memory_space<vmem>> -> memref<1x128x32xf32, #tpu.memory_space<vmem>>
      %dma_wait3A_152 = tpu.memref_squeeze %dma_wait3A_151 : memref<1x128x32xf32, #tpu.memory_space<vmem>> -> memref<128x32xf32, #tpu.memory_space<vmem>>
      %dma_wait3A_153 = tpu.memref_slice %arg6[%add3A_58] : memref<25600xi32, #tpu.memory_space<vmem>> -> memref<128xi32, #tpu.memory_space<vmem>>
      %dma_wait3A_154 = arith.constant 0 : i32
      %dma_wait3A_155 = arith.constant 0 : i32
      %dma_wait3A_156 = tpu.memref_slice %arg3[%dma_wait3A_154, %dma_wait3A_155] : memref<1000000x32xf32, #tpu.memory_space<hbm>> -> memref<1000000x32xf32, #tpu.memory_space<hbm>>
      tpu.wait_indirect_dma semaphore(%arg11 : memref<!tpu.dma_semaphore, #tpu.memory_space<semaphore_mem>>) src(%dma_wait3A_156 : memref<1000000x32xf32, #tpu.memory_space<hbm>>) dst(%dma_wait3A_152 : memref<128x32xf32, #tpu.memory_space<vmem>>)
      %scan3A_157 = arith.constant 0 : i32
      %scan3A_158 = arith.constant 0 : i32
      %scan3A_159 = arith.constant 32 : i32
      %scan3A_160 = arith.addi %scan3A_158, %scan3A_159 : i32
      %scan3A_161 = arith.constant 1 : i32
      scf.for %scan3A_479 = %scan3A_158 to %scan3A_160 step %scan3A_161  : i32 {
        %mul3A_480 = arith.constant 16 : i32
        %mul3A_481 = arith.muli %scan3A_479, %mul3A_480 : i32
        %add3A_482 = vector.broadcast %mul3A_481 : i32 to vector<16xi32>
        %add3A_483 = arith.addi %add3A_482, %iota3A : vector<16xi32>
        %shift_right_arithmetic3A = arith.constant 7 : i32
        %shift_right_arithmetic3A_484 = arith.shrsi %mul3A_481, %shift_right_arithmetic3A : i32
        %broadcast_in_dim3A = vector.broadcast %shift_right_arithmetic3A_484 : i32 to vector<16xi32>
        %and3A = arith.constant 127 : i32
        %and3A_485 = arith.andi %mul3A_481, %and3A : i32
        %add3A_486 = vector.broadcast %and3A_485 : i32 to vector<16xi32>
        %add3A_487 = arith.addi %add3A_486, %iota3A : vector<16xi32>
        %add3A_488 = arith.constant 0 : i32
        %add3A_489 = vector.broadcast %add3A_488 : i32 to vector<16xi32>
        %add3A_490 = arith.addi %add3A_489, %iota3A : vector<16xi32>
        %and3A_491 = arith.constant 31 : i32
        %and3A_492 = vector.broadcast %and3A_491 : i32 to vector<16xi32>
        %and3A_493 = arith.andi %add3A_490, %and3A_492 : vector<16xi32>
        %gather3A = arith.constant 0 : i32
        %gather3A_494 = arith.constant 0 : i32
        %gather3A_495 = arith.constant 0 : i32
        %gather3A_496 = tpu.memref_slice %arg7[%gather3A, %gather3A_494, %gather3A_495] : memref<2x512x32xf32, #tpu.memory_space<vmem>> -> memref<1x512x32xf32, #tpu.memory_space<vmem>>
        %gather3A_497 = tpu.memref_squeeze %gather3A_496 : memref<1x512x32xf32, #tpu.memory_space<vmem>> -> memref<512x32xf32, #tpu.memory_space<vmem>>
        %gather3A_498 = tpu.vector_load_idx %gather3A_497[%add3A_483, %and3A_493] : memref<512x32xf32, #tpu.memory_space<vmem>>[vector<16xi32>, vector<16xi32>], vector<16xf32>,
        %shift_right_arithmetic3A_499 = arith.constant 3 : i32
        %shift_right_arithmetic3A_500 = vector.broadcast %shift_right_arithmetic3A_499 : i32 to vector<16xi32>
        %shift_right_arithmetic3A_501 = arith.shrsi %and3A_493, %shift_right_arithmetic3A_500 : vector<16xi32>
        %and3A_502 = arith.constant 7 : i32
        %and3A_503 = vector.broadcast %and3A_502 : i32 to vector<16xi32>
        %and3A_504 = arith.andi %and3A_493, %and3A_503 : vector<16xi32>
        %shift_left3A = arith.constant 7 : i32
        %shift_left3A_505 = vector.broadcast %shift_left3A : i32 to vector<16xi32>
        %shift_left3A_506 = arith.shli %and3A_504, %shift_left3A_505 : vector<16xi32>
        %add3A_507 = arith.addi %shift_left3A_506, %add3A_487 : vector<16xi32>
        %scatter3A = arith.constant 0 : i32
        %scatter3A_508 = arith.constant 0 : i32
        %scatter3A_509 = arith.constant 0 : i32
        %scatter3A_510 = arith.constant 0 : i32
        %scatter3A_511 = tpu.memref_slice %arg8[%scatter3A, %scatter3A_508, %scatter3A_509, %scatter3A_510] : memref<2x4x4x1024xf32, #tpu.memory_space<vmem>> -> memref<1x4x4x1024xf32, #tpu.memory_space<vmem>>
        %scatter3A_512 = tpu.memref_squeeze %scatter3A_511 : memref<1x4x4x1024xf32, #tpu.memory_space<vmem>> -> memref<4x4x1024xf32, #tpu.memory_space<vmem>>
        tpu.vector_store_idx %scatter3A_512[%shift_right_arithmetic3A_501, %broadcast_in_dim3A, %add3A_507], %gather3A_498 : memref<4x4x1024xf32, #tpu.memory_space<vmem>>[vector<16xi32>, vector<16xi32>, vector<16xi32>], vector<16xf32>,
        %add3A_513 = arith.constant 1 : i32
        %add3A_514 = vector.broadcast %add3A_513 : i32 to vector<16xi32>
        %add3A_515 = arith.addi %add3A_514, %iota3A : vector<16xi32>
        %and3A_516 = arith.constant 31 : i32
        %and3A_517 = vector.broadcast %and3A_516 : i32 to vector<16xi32>
        %and3A_518 = arith.andi %add3A_515, %and3A_517 : vector<16xi32>
        %gather3A_519 = arith.constant 0 : i32
        %gather3A_520 = arith.constant 0 : i32
        %gather3A_521 = arith.constant 0 : i32
        %gather3A_522 = tpu.memref_slice %arg7[%gather3A_519, %gather3A_520, %gather3A_521] : memref<2x512x32xf32, #tpu.memory_space<vmem>> -> memref<1x512x32xf32, #tpu.memory_space<vmem>>
        %gather3A_523 = tpu.memref_squeeze %gather3A_522 : memref<1x512x32xf32, #tpu.memory_space<vmem>> -> memref<512x32xf32, #tpu.memory_space<vmem>>
        %gather3A_524 = tpu.vector_load_idx %gather3A_523[%add3A_483, %and3A_518] : memref<512x32xf32, #tpu.memory_space<vmem>>[vector<16xi32>, vector<16xi32>], vector<16xf32>,
        %shift_right_arithmetic3A_525 = arith.constant 3 : i32
        %shift_right_arithmetic3A_526 = vector.broadcast %shift_right_arithmetic3A_525 : i32 to vector<16xi32>
        %shift_right_arithmetic3A_527 = arith.shrsi %and3A_518, %shift_right_arithmetic3A_526 : vector<16xi32>
        %and3A_528 = arith.constant 7 : i32
        %and3A_529 = vector.broadcast %and3A_528 : i32 to vector<16xi32>
        %and3A_530 = arith.andi %and3A_518, %and3A_529 : vector<16xi32>
        %shift_left3A_531 = arith.constant 7 : i32
        %shift_left3A_532 = vector.broadcast %shift_left3A_531 : i32 to vector<16xi32>
        %shift_left3A_533 = arith.shli %and3A_530, %shift_left3A_532 : vector<16xi32>
        %add3A_534 = arith.addi %shift_left3A_533, %add3A_487 : vector<16xi32>
        %scatter3A_535 = arith.constant 0 : i32
        %scatter3A_536 = arith.constant 0 : i32
        %scatter3A_537 = arith.constant 0 : i32
        %scatter3A_538 = arith.constant 0 : i32
        %scatter3A_539 = tpu.memref_slice %arg8[%scatter3A_535, %scatter3A_536, %scatter3A_537, %scatter3A_538] : memref<2x4x4x1024xf32, #tpu.memory_space<vmem>> -> memref<1x4x4x1024xf32, #tpu.memory_space<vmem>>
        %scatter3A_540 = tpu.memref_squeeze %scatter3A_539 : memref<1x4x4x1024xf32, #tpu.memory_space<vmem>> -> memref<4x4x1024xf32, #tpu.memory_space<vmem>>
        tpu.vector_store_idx %scatter3A_540[%shift_right_arithmetic3A_527, %broadcast_in_dim3A, %add3A_534], %gather3A_524 : memref<4x4x1024xf32, #tpu.memory_space<vmem>>[vector<16xi32>, vector<16xi32>, vector<16xi32>], vector<16xf32>,
        %add3A_541 = arith.constant 2 : i32
        %add3A_542 = vector.broadcast %add3A_541 : i32 to vector<16xi32>
        %add3A_543 = arith.addi %add3A_542, %iota3A : vector<16xi32>
        %and3A_544 = arith.constant 31 : i32
        %and3A_545 = vector.broadcast %and3A_544 : i32 to vector<16xi32>
        %and3A_546 = arith.andi %add3A_543, %and3A_545 : vector<16xi32>
        %gather3A_547 = arith.constant 0 : i32
        %gather3A_548 = arith.constant 0 : i32
        %gather3A_549 = arith.constant 0 : i32
        %gather3A_550 = tpu.memref_slice %arg7[%gather3A_547, %gather3A_548, %gather3A_549] : memref<2x512x32xf32, #tpu.memory_space<vmem>> -> memref<1x512x32xf32, #tpu.memory_space<vmem>>
        %gather3A_551 = tpu.memref_squeeze %gather3A_550 : memref<1x512x32xf32, #tpu.memory_space<vmem>> -> memref<512x32xf32, #tpu.memory_space<vmem>>
        %gather3A_552 = tpu.vector_load_idx %gather3A_551[%add3A_483, %and3A_546] : memref<512x32xf32, #tpu.memory_space<vmem>>[vector<16xi32>, vector<16xi32>], vector<16xf32>,
        %shift_right_arithmetic3A_553 = arith.constant 3 : i32
        %shift_right_arithmetic3A_554 = vector.broadcast %shift_right_arithmetic3A_553 : i32 to vector<16xi32>
        %shift_right_arithmetic3A_555 = arith.shrsi %and3A_546, %shift_right_arithmetic3A_554 : vector<16xi32>
        %and3A_556 = arith.constant 7 : i32
        %and3A_557 = vector.broadcast %and3A_556 : i32 to vector<16xi32>
        %and3A_558 = arith.andi %and3A_546, %and3A_557 : vector<16xi32>
        %shift_left3A_559 = arith.constant 7 : i32
        %shift_left3A_560 = vector.broadcast %shift_left3A_559 : i32 to vector<16xi32>
        %shift_left3A_561 = arith.shli %and3A_558, %shift_left3A_560 : vector<16xi32>
        %add3A_562 = arith.addi %shift_left3A_561, %add3A_487 : vector<16xi32>
        %scatter3A_563 = arith.constant 0 : i32
        %scatter3A_564 = arith.constant 0 : i32
        %scatter3A_565 = arith.constant 0 : i32
        %scatter3A_566 = arith.constant 0 : i32
        %scatter3A_567 = tpu.memref_slice %arg8[%scatter3A_563, %scatter3A_564, %scatter3A_565, %scatter3A_566] : memref<2x4x4x1024xf32, #tpu.memory_space<vmem>> -> memref<1x4x4x1024xf32, #tpu.memory_space<vmem>>
        %scatter3A_568 = tpu.memref_squeeze %scatter3A_567 : memref<1x4x4x1024xf32, #tpu.memory_space<vmem>> -> memref<4x4x1024xf32, #tpu.memory_space<vmem>>
        tpu.vector_store_idx %scatter3A_568[%shift_right_arithmetic3A_555, %broadcast_in_dim3A, %add3A_562], %gather3A_552 : memref<4x4x1024xf32, #tpu.memory_space<vmem>>[vector<16xi32>, vector<16xi32>, vector<16xi32>], vector<16xf32>,
        %add3A_569 = arith.constant 3 : i32
        %add3A_570 = vector.broadcast %add3A_569 : i32 to vector<16xi32>
        %add3A_571 = arith.addi %add3A_570, %iota3A : vector<16xi32>
        %and3A_572 = arith.constant 31 : i32
        %and3A_573 = vector.broadcast %and3A_572 : i32 to vector<16xi32>
        %and3A_574 = arith.andi %add3A_571, %and3A_573 : vector<16xi32>
        %gather3A_575 = arith.constant 0 : i32
        %gather3A_576 = arith.constant 0 : i32
        %gather3A_577 = arith.constant 0 : i32
        %gather3A_578 = tpu.memref_slice %arg7[%gather3A_575, %gather3A_576, %gather3A_577] : memref<2x512x32xf32, #tpu.memory_space<vmem>> -> memref<1x512x32xf32, #tpu.memory_space<vmem>>
        %gather3A_579 = tpu.memref_squeeze %gather3A_578 : memref<1x512x32xf32, #tpu.memory_space<vmem>> -> memref<512x32xf32, #tpu.memory_space<vmem>>
        %gather3A_580 = tpu.vector_load_idx %gather3A_579[%add3A_483, %and3A_574] : memref<512x32xf32, #tpu.memory_space<vmem>>[vector<16xi32>, vector<16xi32>], vector<16xf32>,
        %shift_right_arithmetic3A_581 = arith.constant 3 : i32
        %shift_right_arithmetic3A_582 = vector.broadcast %shift_right_arithmetic3A_581 : i32 to vector<16xi32>
        %shift_right_arithmetic3A_583 = arith.shrsi %and3A_574, %shift_right_arithmetic3A_582 : vector<16xi32>
        %and3A_584 = arith.constant 7 : i32
        %and3A_585 = vector.broadcast %and3A_584 : i32 to vector<16xi32>
        %and3A_586 = arith.andi %and3A_574, %and3A_585 : vector<16xi32>
        %shift_left3A_587 = arith.constant 7 : i32
        %shift_left3A_588 = vector.broadcast %shift_left3A_587 : i32 to vector<16xi32>
        %shift_left3A_589 = arith.shli %and3A_586, %shift_left3A_588 : vector<16xi32>
        %add3A_590 = arith.addi %shift_left3A_589, %add3A_487 : vector<16xi32>
        %scatter3A_591 = arith.constant 0 : i32
        %scatter3A_592 = arith.constant 0 : i32
        %scatter3A_593 = arith.constant 0 : i32
        %scatter3A_594 = arith.constant 0 : i32
        %scatter3A_595 = tpu.memref_slice %arg8[%scatter3A_591, %scatter3A_592, %scatter3A_593, %scatter3A_594] : memref<2x4x4x1024xf32, #tpu.memory_space<vmem>> -> memref<1x4x4x1024xf32, #tpu.memory_space<vmem>>
        %scatter3A_596 = tpu.memref_squeeze %scatter3A_595 : memref<1x4x4x1024xf32, #tpu.memory_space<vmem>> -> memref<4x4x1024xf32, #tpu.memory_space<vmem>>
        tpu.vector_store_idx %scatter3A_596[%shift_right_arithmetic3A_583, %broadcast_in_dim3A, %add3A_590], %gather3A_580 : memref<4x4x1024xf32, #tpu.memory_space<vmem>>[vector<16xi32>, vector<16xi32>, vector<16xi32>], vector<16xf32>,
        %add3A_597 = arith.constant 4 : i32
        %add3A_598 = vector.broadcast %add3A_597 : i32 to vector<16xi32>
        %add3A_599 = arith.addi %add3A_598, %iota3A : vector<16xi32>
        %and3A_600 = arith.constant 31 : i32
        %and3A_601 = vector.broadcast %and3A_600 : i32 to vector<16xi32>
        %and3A_602 = arith.andi %add3A_599, %and3A_601 : vector<16xi32>
        %gather3A_603 = arith.constant 0 : i32
        %gather3A_604 = arith.constant 0 : i32
        %gather3A_605 = arith.constant 0 : i32
        %gather3A_606 = tpu.memref_slice %arg7[%gather3A_603, %gather3A_604, %gather3A_605] : memref<2x512x32xf32, #tpu.memory_space<vmem>> -> memref<1x512x32xf32, #tpu.memory_space<vmem>>
        %gather3A_607 = tpu.memref_squeeze %gather3A_606 : memref<1x512x32xf32, #tpu.memory_space<vmem>> -> memref<512x32xf32, #tpu.memory_space<vmem>>
        %gather3A_608 = tpu.vector_load_idx %gather3A_607[%add3A_483, %and3A_602] : memref<512x32xf32, #tpu.memory_space<vmem>>[vector<16xi32>, vector<16xi32>], vector<16xf32>,
        %shift_right_arithmetic3A_609 = arith.constant 3 : i32
        %shift_right_arithmetic3A_610 = vector.broadcast %shift_right_arithmetic3A_609 : i32 to vector<16xi32>
        %shift_right_arithmetic3A_611 = arith.shrsi %and3A_602, %shift_right_arithmetic3A_610 : vector<16xi32>
        %and3A_612 = arith.constant 7 : i32
        %and3A_613 = vector.broadcast %and3A_612 : i32 to vector<16xi32>
        %and3A_614 = arith.andi %and3A_602, %and3A_613 : vector<16xi32>
        %shift_left3A_615 = arith.constant 7 : i32
        %shift_left3A_616 = vector.broadcast %shift_left3A_615 : i32 to vector<16xi32>
        %shift_left3A_617 = arith.shli %and3A_614, %shift_left3A_616 : vector<16xi32>
        %add3A_618 = arith.addi %shift_left3A_617, %add3A_487 : vector<16xi32>
        %scatter3A_619 = arith.constant 0 : i32
        %scatter3A_620 = arith.constant 0 : i32
        %scatter3A_621 = arith.constant 0 : i32
        %scatter3A_622 = arith.constant 0 : i32
        %scatter3A_623 = tpu.memref_slice %arg8[%scatter3A_619, %scatter3A_620, %scatter3A_621, %scatter3A_622] : memref<2x4x4x1024xf32, #tpu.memory_space<vmem>> -> memref<1x4x4x1024xf32, #tpu.memory_space<vmem>>
        %scatter3A_624 = tpu.memref_squeeze %scatter3A_623 : memref<1x4x4x1024xf32, #tpu.memory_space<vmem>> -> memref<4x4x1024xf32, #tpu.memory_space<vmem>>
        tpu.vector_store_idx %scatter3A_624[%shift_right_arithmetic3A_611, %broadcast_in_dim3A, %add3A_618], %gather3A_608 : memref<4x4x1024xf32, #tpu.memory_space<vmem>>[vector<16xi32>, vector<16xi32>, vector<16xi32>], vector<16xf32>,
        %add3A_625 = arith.constant 5 : i32
        %add3A_626 = vector.broadcast %add3A_625 : i32 to vector<16xi32>
        %add3A_627 = arith.addi %add3A_626, %iota3A : vector<16xi32>
        %and3A_628 = arith.constant 31 : i32
        %and3A_629 = vector.broadcast %and3A_628 : i32 to vector<16xi32>
        %and3A_630 = arith.andi %add3A_627, %and3A_629 : vector<16xi32>
        %gather3A_631 = arith.constant 0 : i32
        %gather3A_632 = arith.constant 0 : i32
        %gather3A_633 = arith.constant 0 : i32
        %gather3A_634 = tpu.memref_slice %arg7[%gather3A_631, %gather3A_632, %gather3A_633] : memref<2x512x32xf32, #tpu.memory_space<vmem>> -> memref<1x512x32xf32, #tpu.memory_space<vmem>>
        %gather3A_635 = tpu.memref_squeeze %gather3A_634 : memref<1x512x32xf32, #tpu.memory_space<vmem>> -> memref<512x32xf32, #tpu.memory_space<vmem>>
        %gather3A_636 = tpu.vector_load_idx %gather3A_635[%add3A_483, %and3A_630] : memref<512x32xf32, #tpu.memory_space<vmem>>[vector<16xi32>, vector<16xi32>], vector<16xf32>,
        %shift_right_arithmetic3A_637 = arith.constant 3 : i32
        %shift_right_arithmetic3A_638 = vector.broadcast %shift_right_arithmetic3A_637 : i32 to vector<16xi32>
        %shift_right_arithmetic3A_639 = arith.shrsi %and3A_630, %shift_right_arithmetic3A_638 : vector<16xi32>
        %and3A_640 = arith.constant 7 : i32
        %and3A_641 = vector.broadcast %and3A_640 : i32 to vector<16xi32>
        %and3A_642 = arith.andi %and3A_630, %and3A_641 : vector<16xi32>
        %shift_left3A_643 = arith.constant 7 : i32
        %shift_left3A_644 = vector.broadcast %shift_left3A_643 : i32 to vector<16xi32>
        %shift_left3A_645 = arith.shli %and3A_642, %shift_left3A_644 : vector<16xi32>
        %add3A_646 = arith.addi %shift_left3A_645, %add3A_487 : vector<16xi32>
        %scatter3A_647 = arith.constant 0 : i32
        %scatter3A_648 = arith.constant 0 : i32
        %scatter3A_649 = arith.constant 0 : i32
        %scatter3A_650 = arith.constant 0 : i32
        %scatter3A_651 = tpu.memref_slice %arg8[%scatter3A_647, %scatter3A_648, %scatter3A_649, %scatter3A_650] : memref<2x4x4x1024xf32, #tpu.memory_space<vmem>> -> memref<1x4x4x1024xf32, #tpu.memory_space<vmem>>
        %scatter3A_652 = tpu.memref_squeeze %scatter3A_651 : memref<1x4x4x1024xf32, #tpu.memory_space<vmem>> -> memref<4x4x1024xf32, #tpu.memory_space<vmem>>
        tpu.vector_store_idx %scatter3A_652[%shift_right_arithmetic3A_639, %broadcast_in_dim3A, %add3A_646], %gather3A_636 : memref<4x4x1024xf32, #tpu.memory_space<vmem>>[vector<16xi32>, vector<16xi32>, vector<16xi32>], vector<16xf32>,
        %add3A_653 = arith.constant 6 : i32
        %add3A_654 = vector.broadcast %add3A_653 : i32 to vector<16xi32>
        %add3A_655 = arith.addi %add3A_654, %iota3A : vector<16xi32>
        %and3A_656 = arith.constant 31 : i32
        %and3A_657 = vector.broadcast %and3A_656 : i32 to vector<16xi32>
        %and3A_658 = arith.andi %add3A_655, %and3A_657 : vector<16xi32>
        %gather3A_659 = arith.constant 0 : i32
        %gather3A_660 = arith.constant 0 : i32
        %gather3A_661 = arith.constant 0 : i32
        %gather3A_662 = tpu.memref_slice %arg7[%gather3A_659, %gather3A_660, %gather3A_661] : memref<2x512x32xf32, #tpu.memory_space<vmem>> -> memref<1x512x32xf32, #tpu.memory_space<vmem>>
        %gather3A_663 = tpu.memref_squeeze %gather3A_662 : memref<1x512x32xf32, #tpu.memory_space<vmem>> -> memref<512x32xf32, #tpu.memory_space<vmem>>
        %gather3A_664 = tpu.vector_load_idx %gather3A_663[%add3A_483, %and3A_658] : memref<512x32xf32, #tpu.memory_space<vmem>>[vector<16xi32>, vector<16xi32>], vector<16xf32>,
        %shift_right_arithmetic3A_665 = arith.constant 3 : i32
        %shift_right_arithmetic3A_666 = vector.broadcast %shift_right_arithmetic3A_665 : i32 to vector<16xi32>
        %shift_right_arithmetic3A_667 = arith.shrsi %and3A_658, %shift_right_arithmetic3A_666 : vector<16xi32>
        %and3A_668 = arith.constant 7 : i32
        %and3A_669 = vector.broadcast %and3A_668 : i32 to vector<16xi32>
        %and3A_670 = arith.andi %and3A_658, %and3A_669 : vector<16xi32>
        %shift_left3A_671 = arith.constant 7 : i32
        %shift_left3A_672 = vector.broadcast %shift_left3A_671 : i32 to vector<16xi32>
        %shift_left3A_673 = arith.shli %and3A_670, %shift_left3A_672 : vector<16xi32>
        %add3A_674 = arith.addi %shift_left3A_673, %add3A_487 : vector<16xi32>
        %scatter3A_675 = arith.constant 0 : i32
        %scatter3A_676 = arith.constant 0 : i32
        %scatter3A_677 = arith.constant 0 : i32
        %scatter3A_678 = arith.constant 0 : i32
        %scatter3A_679 = tpu.memref_slice %arg8[%scatter3A_675, %scatter3A_676, %scatter3A_677, %scatter3A_678] : memref<2x4x4x1024xf32, #tpu.memory_space<vmem>> -> memref<1x4x4x1024xf32, #tpu.memory_space<vmem>>
        %scatter3A_680 = tpu.memref_squeeze %scatter3A_679 : memref<1x4x4x1024xf32, #tpu.memory_space<vmem>> -> memref<4x4x1024xf32, #tpu.memory_space<vmem>>
        tpu.vector_store_idx %scatter3A_680[%shift_right_arithmetic3A_667, %broadcast_in_dim3A, %add3A_674], %gather3A_664 : memref<4x4x1024xf32, #tpu.memory_space<vmem>>[vector<16xi32>, vector<16xi32>, vector<16xi32>], vector<16xf32>,
        %add3A_681 = arith.constant 7 : i32
        %add3A_682 = vector.broadcast %add3A_681 : i32 to vector<16xi32>
        %add3A_683 = arith.addi %add3A_682, %iota3A : vector<16xi32>
        %and3A_684 = arith.constant 31 : i32
        %and3A_685 = vector.broadcast %and3A_684 : i32 to vector<16xi32>
        %and3A_686 = arith.andi %add3A_683, %and3A_685 : vector<16xi32>
        %gather3A_687 = arith.constant 0 : i32
        %gather3A_688 = arith.constant 0 : i32
        %gather3A_689 = arith.constant 0 : i32
        %gather3A_690 = tpu.memref_slice %arg7[%gather3A_687, %gather3A_688, %gather3A_689] : memref<2x512x32xf32, #tpu.memory_space<vmem>> -> memref<1x512x32xf32, #tpu.memory_space<vmem>>
        %gather3A_691 = tpu.memref_squeeze %gather3A_690 : memref<1x512x32xf32, #tpu.memory_space<vmem>> -> memref<512x32xf32, #tpu.memory_space<vmem>>
        %gather3A_692 = tpu.vector_load_idx %gather3A_691[%add3A_483, %and3A_686] : memref<512x32xf32, #tpu.memory_space<vmem>>[vector<16xi32>, vector<16xi32>], vector<16xf32>,
        %shift_right_arithmetic3A_693 = arith.constant 3 : i32
        %shift_right_arithmetic3A_694 = vector.broadcast %shift_right_arithmetic3A_693 : i32 to vector<16xi32>
        %shift_right_arithmetic3A_695 = arith.shrsi %and3A_686, %shift_right_arithmetic3A_694 : vector<16xi32>
        %and3A_696 = arith.constant 7 : i32
        %and3A_697 = vector.broadcast %and3A_696 : i32 to vector<16xi32>
        %and3A_698 = arith.andi %and3A_686, %and3A_697 : vector<16xi32>
        %shift_left3A_699 = arith.constant 7 : i32
        %shift_left3A_700 = vector.broadcast %shift_left3A_699 : i32 to vector<16xi32>
        %shift_left3A_701 = arith.shli %and3A_698, %shift_left3A_700 : vector<16xi32>
        %add3A_702 = arith.addi %shift_left3A_701, %add3A_487 : vector<16xi32>
        %scatter3A_703 = arith.constant 0 : i32
        %scatter3A_704 = arith.constant 0 : i32
        %scatter3A_705 = arith.constant 0 : i32
        %scatter3A_706 = arith.constant 0 : i32
        %scatter3A_707 = tpu.memref_slice %arg8[%scatter3A_703, %scatter3A_704, %scatter3A_705, %scatter3A_706] : memref<2x4x4x1024xf32, #tpu.memory_space<vmem>> -> memref<1x4x4x1024xf32, #tpu.memory_space<vmem>>
        %scatter3A_708 = tpu.memref_squeeze %scatter3A_707 : memref<1x4x4x1024xf32, #tpu.memory_space<vmem>> -> memref<4x4x1024xf32, #tpu.memory_space<vmem>>
        tpu.vector_store_idx %scatter3A_708[%shift_right_arithmetic3A_695, %broadcast_in_dim3A, %add3A_702], %gather3A_692 : memref<4x4x1024xf32, #tpu.memory_space<vmem>>[vector<16xi32>, vector<16xi32>, vector<16xi32>], vector<16xf32>,
        %add3A_709 = arith.constant 8 : i32
        %add3A_710 = vector.broadcast %add3A_709 : i32 to vector<16xi32>
        %add3A_711 = arith.addi %add3A_710, %iota3A : vector<16xi32>
        %and3A_712 = arith.constant 31 : i32
        %and3A_713 = vector.broadcast %and3A_712 : i32 to vector<16xi32>
        %and3A_714 = arith.andi %add3A_711, %and3A_713 : vector<16xi32>
        %gather3A_715 = arith.constant 0 : i32
        %gather3A_716 = arith.constant 0 : i32
        %gather3A_717 = arith.constant 0 : i32
        %gather3A_718 = tpu.memref_slice %arg7[%gather3A_715, %gather3A_716, %gather3A_717] : memref<2x512x32xf32, #tpu.memory_space<vmem>> -> memref<1x512x32xf32, #tpu.memory_space<vmem>>
        %gather3A_719 = tpu.memref_squeeze %gather3A_718 : memref<1x512x32xf32, #tpu.memory_space<vmem>> -> memref<512x32xf32, #tpu.memory_space<vmem>>
        %gather3A_720 = tpu.vector_load_idx %gather3A_719[%add3A_483, %and3A_714] : memref<512x32xf32, #tpu.memory_space<vmem>>[vector<16xi32>, vector<16xi32>], vector<16xf32>,
        %shift_right_arithmetic3A_721 = arith.constant 3 : i32
        %shift_right_arithmetic3A_722 = vector.broadcast %shift_right_arithmetic3A_721 : i32 to vector<16xi32>
        %shift_right_arithmetic3A_723 = arith.shrsi %and3A_714, %shift_right_arithmetic3A_722 : vector<16xi32>
        %and3A_724 = arith.constant 7 : i32
        %and3A_725 = vector.broadcast %and3A_724 : i32 to vector<16xi32>
        %and3A_726 = arith.andi %and3A_714, %and3A_725 : vector<16xi32>
        %shift_left3A_727 = arith.constant 7 : i32
        %shift_left3A_728 = vector.broadcast %shift_left3A_727 : i32 to vector<16xi32>
        %shift_left3A_729 = arith.shli %and3A_726, %shift_left3A_728 : vector<16xi32>
        %add3A_730 = arith.addi %shift_left3A_729, %add3A_487 : vector<16xi32>
        %scatter3A_731 = arith.constant 0 : i32
        %scatter3A_732 = arith.constant 0 : i32
        %scatter3A_733 = arith.constant 0 : i32
        %scatter3A_734 = arith.constant 0 : i32
        %scatter3A_735 = tpu.memref_slice %arg8[%scatter3A_731, %scatter3A_732, %scatter3A_733, %scatter3A_734] : memref<2x4x4x1024xf32, #tpu.memory_space<vmem>> -> memref<1x4x4x1024xf32, #tpu.memory_space<vmem>>
        %scatter3A_736 = tpu.memref_squeeze %scatter3A_735 : memref<1x4x4x1024xf32, #tpu.memory_space<vmem>> -> memref<4x4x1024xf32, #tpu.memory_space<vmem>>
        tpu.vector_store_idx %scatter3A_736[%shift_right_arithmetic3A_723, %broadcast_in_dim3A, %add3A_730], %gather3A_720 : memref<4x4x1024xf32, #tpu.memory_space<vmem>>[vector<16xi32>, vector<16xi32>, vector<16xi32>], vector<16xf32>,
        %add3A_737 = arith.constant 9 : i32
        %add3A_738 = vector.broadcast %add3A_737 : i32 to vector<16xi32>
        %add3A_739 = arith.addi %add3A_738, %iota3A : vector<16xi32>
        %and3A_740 = arith.constant 31 : i32
        %and3A_741 = vector.broadcast %and3A_740 : i32 to vector<16xi32>
        %and3A_742 = arith.andi %add3A_739, %and3A_741 : vector<16xi32>
        %gather3A_743 = arith.constant 0 : i32
        %gather3A_744 = arith.constant 0 : i32
        %gather3A_745 = arith.constant 0 : i32
        %gather3A_746 = tpu.memref_slice %arg7[%gather3A_743, %gather3A_744, %gather3A_745] : memref<2x512x32xf32, #tpu.memory_space<vmem>> -> memref<1x512x32xf32, #tpu.memory_space<vmem>>
        %gather3A_747 = tpu.memref_squeeze %gather3A_746 : memref<1x512x32xf32, #tpu.memory_space<vmem>> -> memref<512x32xf32, #tpu.memory_space<vmem>>
        %gather3A_748 = tpu.vector_load_idx %gather3A_747[%add3A_483, %and3A_742] : memref<512x32xf32, #tpu.memory_space<vmem>>[vector<16xi32>, vector<16xi32>], vector<16xf32>,
        %shift_right_arithmetic3A_749 = arith.constant 3 : i32
        %shift_right_arithmetic3A_750 = vector.broadcast %shift_right_arithmetic3A_749 : i32 to vector<16xi32>
        %shift_right_arithmetic3A_751 = arith.shrsi %and3A_742, %shift_right_arithmetic3A_750 : vector<16xi32>
        %and3A_752 = arith.constant 7 : i32
        %and3A_753 = vector.broadcast %and3A_752 : i32 to vector<16xi32>
        %and3A_754 = arith.andi %and3A_742, %and3A_753 : vector<16xi32>
        %shift_left3A_755 = arith.constant 7 : i32
        %shift_left3A_756 = vector.broadcast %shift_left3A_755 : i32 to vector<16xi32>
        %shift_left3A_757 = arith.shli %and3A_754, %shift_left3A_756 : vector<16xi32>
        %add3A_758 = arith.addi %shift_left3A_757, %add3A_487 : vector<16xi32>
        %scatter3A_759 = arith.constant 0 : i32
        %scatter3A_760 = arith.constant 0 : i32
        %scatter3A_761 = arith.constant 0 : i32
        %scatter3A_762 = arith.constant 0 : i32
        %scatter3A_763 = tpu.memref_slice %arg8[%scatter3A_759, %scatter3A_760, %scatter3A_761, %scatter3A_762] : memref<2x4x4x1024xf32, #tpu.memory_space<vmem>> -> memref<1x4x4x1024xf32, #tpu.memory_space<vmem>>
        %scatter3A_764 = tpu.memref_squeeze %scatter3A_763 : memref<1x4x4x1024xf32, #tpu.memory_space<vmem>> -> memref<4x4x1024xf32, #tpu.memory_space<vmem>>
        tpu.vector_store_idx %scatter3A_764[%shift_right_arithmetic3A_751, %broadcast_in_dim3A, %add3A_758], %gather3A_748 : memref<4x4x1024xf32, #tpu.memory_space<vmem>>[vector<16xi32>, vector<16xi32>, vector<16xi32>], vector<16xf32>,
        %add3A_765 = arith.constant 10 : i32
        %add3A_766 = vector.broadcast %add3A_765 : i32 to vector<16xi32>
        %add3A_767 = arith.addi %add3A_766, %iota3A : vector<16xi32>
        %and3A_768 = arith.constant 31 : i32
        %and3A_769 = vector.broadcast %and3A_768 : i32 to vector<16xi32>
        %and3A_770 = arith.andi %add3A_767, %and3A_769 : vector<16xi32>
        %gather3A_771 = arith.constant 0 : i32
        %gather3A_772 = arith.constant 0 : i32
        %gather3A_773 = arith.constant 0 : i32
        %gather3A_774 = tpu.memref_slice %arg7[%gather3A_771, %gather3A_772, %gather3A_773] : memref<2x512x32xf32, #tpu.memory_space<vmem>> -> memref<1x512x32xf32, #tpu.memory_space<vmem>>
        %gather3A_775 = tpu.memref_squeeze %gather3A_774 : memref<1x512x32xf32, #tpu.memory_space<vmem>> -> memref<512x32xf32, #tpu.memory_space<vmem>>
        %gather3A_776 = tpu.vector_load_idx %gather3A_775[%add3A_483, %and3A_770] : memref<512x32xf32, #tpu.memory_space<vmem>>[vector<16xi32>, vector<16xi32>], vector<16xf32>,
        %shift_right_arithmetic3A_777 = arith.constant 3 : i32
        %shift_right_arithmetic3A_778 = vector.broadcast %shift_right_arithmetic3A_777 : i32 to vector<16xi32>
        %shift_right_arithmetic3A_779 = arith.shrsi %and3A_770, %shift_right_arithmetic3A_778 : vector<16xi32>
        %and3A_780 = arith.constant 7 : i32
        %and3A_781 = vector.broadcast %and3A_780 : i32 to vector<16xi32>
        %and3A_782 = arith.andi %and3A_770, %and3A_781 : vector<16xi32>
        %shift_left3A_783 = arith.constant 7 : i32
        %shift_left3A_784 = vector.broadcast %shift_left3A_783 : i32 to vector<16xi32>
        %shift_left3A_785 = arith.shli %and3A_782, %shift_left3A_784 : vector<16xi32>
        %add3A_786 = arith.addi %shift_left3A_785, %add3A_487 : vector<16xi32>
        %scatter3A_787 = arith.constant 0 : i32
        %scatter3A_788 = arith.constant 0 : i32
        %scatter3A_789 = arith.constant 0 : i32
        %scatter3A_790 = arith.constant 0 : i32
        %scatter3A_791 = tpu.memref_slice %arg8[%scatter3A_787, %scatter3A_788, %scatter3A_789, %scatter3A_790] : memref<2x4x4x1024xf32, #tpu.memory_space<vmem>> -> memref<1x4x4x1024xf32, #tpu.memory_space<vmem>>
        %scatter3A_792 = tpu.memref_squeeze %scatter3A_791 : memref<1x4x4x1024xf32, #tpu.memory_space<vmem>> -> memref<4x4x1024xf32, #tpu.memory_space<vmem>>
        tpu.vector_store_idx %scatter3A_792[%shift_right_arithmetic3A_779, %broadcast_in_dim3A, %add3A_786], %gather3A_776 : memref<4x4x1024xf32, #tpu.memory_space<vmem>>[vector<16xi32>, vector<16xi32>, vector<16xi32>], vector<16xf32>,
        %add3A_793 = arith.constant 11 : i32
        %add3A_794 = vector.broadcast %add3A_793 : i32 to vector<16xi32>
        %add3A_795 = arith.addi %add3A_794, %iota3A : vector<16xi32>
        %and3A_796 = arith.constant 31 : i32
        %and3A_797 = vector.broadcast %and3A_796 : i32 to vector<16xi32>
        %and3A_798 = arith.andi %add3A_795, %and3A_797 : vector<16xi32>
        %gather3A_799 = arith.constant 0 : i32
        %gather3A_800 = arith.constant 0 : i32
        %gather3A_801 = arith.constant 0 : i32
        %gather3A_802 = tpu.memref_slice %arg7[%gather3A_799, %gather3A_800, %gather3A_801] : memref<2x512x32xf32, #tpu.memory_space<vmem>> -> memref<1x512x32xf32, #tpu.memory_space<vmem>>
        %gather3A_803 = tpu.memref_squeeze %gather3A_802 : memref<1x512x32xf32, #tpu.memory_space<vmem>> -> memref<512x32xf32, #tpu.memory_space<vmem>>
        %gather3A_804 = tpu.vector_load_idx %gather3A_803[%add3A_483, %and3A_798] : memref<512x32xf32, #tpu.memory_space<vmem>>[vector<16xi32>, vector<16xi32>], vector<16xf32>,
        %shift_right_arithmetic3A_805 = arith.constant 3 : i32
        %shift_right_arithmetic3A_806 = vector.broadcast %shift_right_arithmetic3A_805 : i32 to vector<16xi32>
        %shift_right_arithmetic3A_807 = arith.shrsi %and3A_798, %shift_right_arithmetic3A_806 : vector<16xi32>
        %and3A_808 = arith.constant 7 : i32
        %and3A_809 = vector.broadcast %and3A_808 : i32 to vector<16xi32>
        %and3A_810 = arith.andi %and3A_798, %and3A_809 : vector<16xi32>
        %shift_left3A_811 = arith.constant 7 : i32
        %shift_left3A_812 = vector.broadcast %shift_left3A_811 : i32 to vector<16xi32>
        %shift_left3A_813 = arith.shli %and3A_810, %shift_left3A_812 : vector<16xi32>
        %add3A_814 = arith.addi %shift_left3A_813, %add3A_487 : vector<16xi32>
        %scatter3A_815 = arith.constant 0 : i32
        %scatter3A_816 = arith.constant 0 : i32
        %scatter3A_817 = arith.constant 0 : i32
        %scatter3A_818 = arith.constant 0 : i32
        %scatter3A_819 = tpu.memref_slice %arg8[%scatter3A_815, %scatter3A_816, %scatter3A_817, %scatter3A_818] : memref<2x4x4x1024xf32, #tpu.memory_space<vmem>> -> memref<1x4x4x1024xf32, #tpu.memory_space<vmem>>
        %scatter3A_820 = tpu.memref_squeeze %scatter3A_819 : memref<1x4x4x1024xf32, #tpu.memory_space<vmem>> -> memref<4x4x1024xf32, #tpu.memory_space<vmem>>
        tpu.vector_store_idx %scatter3A_820[%shift_right_arithmetic3A_807, %broadcast_in_dim3A, %add3A_814], %gather3A_804 : memref<4x4x1024xf32, #tpu.memory_space<vmem>>[vector<16xi32>, vector<16xi32>, vector<16xi32>], vector<16xf32>,
        %add3A_821 = arith.constant 12 : i32
        %add3A_822 = vector.broadcast %add3A_821 : i32 to vector<16xi32>
        %add3A_823 = arith.addi %add3A_822, %iota3A : vector<16xi32>
        %and3A_824 = arith.constant 31 : i32
        %and3A_825 = vector.broadcast %and3A_824 : i32 to vector<16xi32>
        %and3A_826 = arith.andi %add3A_823, %and3A_825 : vector<16xi32>
        %gather3A_827 = arith.constant 0 : i32
        %gather3A_828 = arith.constant 0 : i32
        %gather3A_829 = arith.constant 0 : i32
        %gather3A_830 = tpu.memref_slice %arg7[%gather3A_827, %gather3A_828, %gather3A_829] : memref<2x512x32xf32, #tpu.memory_space<vmem>> -> memref<1x512x32xf32, #tpu.memory_space<vmem>>
        %gather3A_831 = tpu.memref_squeeze %gather3A_830 : memref<1x512x32xf32, #tpu.memory_space<vmem>> -> memref<512x32xf32, #tpu.memory_space<vmem>>
        %gather3A_832 = tpu.vector_load_idx %gather3A_831[%add3A_483, %and3A_826] : memref<512x32xf32, #tpu.memory_space<vmem>>[vector<16xi32>, vector<16xi32>], vector<16xf32>,
        %shift_right_arithmetic3A_833 = arith.constant 3 : i32
        %shift_right_arithmetic3A_834 = vector.broadcast %shift_right_arithmetic3A_833 : i32 to vector<16xi32>
        %shift_right_arithmetic3A_835 = arith.shrsi %and3A_826, %shift_right_arithmetic3A_834 : vector<16xi32>
        %and3A_836 = arith.constant 7 : i32
        %and3A_837 = vector.broadcast %and3A_836 : i32 to vector<16xi32>
        %and3A_838 = arith.andi %and3A_826, %and3A_837 : vector<16xi32>
        %shift_left3A_839 = arith.constant 7 : i32
        %shift_left3A_840 = vector.broadcast %shift_left3A_839 : i32 to vector<16xi32>
        %shift_left3A_841 = arith.shli %and3A_838, %shift_left3A_840 : vector<16xi32>
        %add3A_842 = arith.addi %shift_left3A_841, %add3A_487 : vector<16xi32>
        %scatter3A_843 = arith.constant 0 : i32
        %scatter3A_844 = arith.constant 0 : i32
        %scatter3A_845 = arith.constant 0 : i32
        %scatter3A_846 = arith.constant 0 : i32
        %scatter3A_847 = tpu.memref_slice %arg8[%scatter3A_843, %scatter3A_844, %scatter3A_845, %scatter3A_846] : memref<2x4x4x1024xf32, #tpu.memory_space<vmem>> -> memref<1x4x4x1024xf32, #tpu.memory_space<vmem>>
        %scatter3A_848 = tpu.memref_squeeze %scatter3A_847 : memref<1x4x4x1024xf32, #tpu.memory_space<vmem>> -> memref<4x4x1024xf32, #tpu.memory_space<vmem>>
        tpu.vector_store_idx %scatter3A_848[%shift_right_arithmetic3A_835, %broadcast_in_dim3A, %add3A_842], %gather3A_832 : memref<4x4x1024xf32, #tpu.memory_space<vmem>>[vector<16xi32>, vector<16xi32>, vector<16xi32>], vector<16xf32>,
        %add3A_849 = arith.constant 13 : i32
        %add3A_850 = vector.broadcast %add3A_849 : i32 to vector<16xi32>
        %add3A_851 = arith.addi %add3A_850, %iota3A : vector<16xi32>
        %and3A_852 = arith.constant 31 : i32
        %and3A_853 = vector.broadcast %and3A_852 : i32 to vector<16xi32>
        %and3A_854 = arith.andi %add3A_851, %and3A_853 : vector<16xi32>
        %gather3A_855 = arith.constant 0 : i32
        %gather3A_856 = arith.constant 0 : i32
        %gather3A_857 = arith.constant 0 : i32
        %gather3A_858 = tpu.memref_slice %arg7[%gather3A_855, %gather3A_856, %gather3A_857] : memref<2x512x32xf32, #tpu.memory_space<vmem>> -> memref<1x512x32xf32, #tpu.memory_space<vmem>>
        %gather3A_859 = tpu.memref_squeeze %gather3A_858 : memref<1x512x32xf32, #tpu.memory_space<vmem>> -> memref<512x32xf32, #tpu.memory_space<vmem>>
        %gather3A_860 = tpu.vector_load_idx %gather3A_859[%add3A_483, %and3A_854] : memref<512x32xf32, #tpu.memory_space<vmem>>[vector<16xi32>, vector<16xi32>], vector<16xf32>,
        %shift_right_arithmetic3A_861 = arith.constant 3 : i32
        %shift_right_arithmetic3A_862 = vector.broadcast %shift_right_arithmetic3A_861 : i32 to vector<16xi32>
        %shift_right_arithmetic3A_863 = arith.shrsi %and3A_854, %shift_right_arithmetic3A_862 : vector<16xi32>
        %and3A_864 = arith.constant 7 : i32
        %and3A_865 = vector.broadcast %and3A_864 : i32 to vector<16xi32>
        %and3A_866 = arith.andi %and3A_854, %and3A_865 : vector<16xi32>
        %shift_left3A_867 = arith.constant 7 : i32
        %shift_left3A_868 = vector.broadcast %shift_left3A_867 : i32 to vector<16xi32>
        %shift_left3A_869 = arith.shli %and3A_866, %shift_left3A_868 : vector<16xi32>
        %add3A_870 = arith.addi %shift_left3A_869, %add3A_487 : vector<16xi32>
        %scatter3A_871 = arith.constant 0 : i32
        %scatter3A_872 = arith.constant 0 : i32
        %scatter3A_873 = arith.constant 0 : i32
        %scatter3A_874 = arith.constant 0 : i32
        %scatter3A_875 = tpu.memref_slice %arg8[%scatter3A_871, %scatter3A_872, %scatter3A_873, %scatter3A_874] : memref<2x4x4x1024xf32, #tpu.memory_space<vmem>> -> memref<1x4x4x1024xf32, #tpu.memory_space<vmem>>
        %scatter3A_876 = tpu.memref_squeeze %scatter3A_875 : memref<1x4x4x1024xf32, #tpu.memory_space<vmem>> -> memref<4x4x1024xf32, #tpu.memory_space<vmem>>
        tpu.vector_store_idx %scatter3A_876[%shift_right_arithmetic3A_863, %broadcast_in_dim3A, %add3A_870], %gather3A_860 : memref<4x4x1024xf32, #tpu.memory_space<vmem>>[vector<16xi32>, vector<16xi32>, vector<16xi32>], vector<16xf32>,
        %add3A_877 = arith.constant 14 : i32
        %add3A_878 = vector.broadcast %add3A_877 : i32 to vector<16xi32>
        %add3A_879 = arith.addi %add3A_878, %iota3A : vector<16xi32>
        %and3A_880 = arith.constant 31 : i32
        %and3A_881 = vector.broadcast %and3A_880 : i32 to vector<16xi32>
        %and3A_882 = arith.andi %add3A_879, %and3A_881 : vector<16xi32>
        %gather3A_883 = arith.constant 0 : i32
        %gather3A_884 = arith.constant 0 : i32
        %gather3A_885 = arith.constant 0 : i32
        %gather3A_886 = tpu.memref_slice %arg7[%gather3A_883, %gather3A_884, %gather3A_885] : memref<2x512x32xf32, #tpu.memory_space<vmem>> -> memref<1x512x32xf32, #tpu.memory_space<vmem>>
        %gather3A_887 = tpu.memref_squeeze %gather3A_886 : memref<1x512x32xf32, #tpu.memory_space<vmem>> -> memref<512x32xf32, #tpu.memory_space<vmem>>
        %gather3A_888 = tpu.vector_load_idx %gather3A_887[%add3A_483, %and3A_882] : memref<512x32xf32, #tpu.memory_space<vmem>>[vector<16xi32>, vector<16xi32>], vector<16xf32>,
        %shift_right_arithmetic3A_889 = arith.constant 3 : i32
        %shift_right_arithmetic3A_890 = vector.broadcast %shift_right_arithmetic3A_889 : i32 to vector<16xi32>
        %shift_right_arithmetic3A_891 = arith.shrsi %and3A_882, %shift_right_arithmetic3A_890 : vector<16xi32>
        %and3A_892 = arith.constant 7 : i32
        %and3A_893 = vector.broadcast %and3A_892 : i32 to vector<16xi32>
        %and3A_894 = arith.andi %and3A_882, %and3A_893 : vector<16xi32>
        %shift_left3A_895 = arith.constant 7 : i32
        %shift_left3A_896 = vector.broadcast %shift_left3A_895 : i32 to vector<16xi32>
        %shift_left3A_897 = arith.shli %and3A_894, %shift_left3A_896 : vector<16xi32>
        %add3A_898 = arith.addi %shift_left3A_897, %add3A_487 : vector<16xi32>
        %scatter3A_899 = arith.constant 0 : i32
        %scatter3A_900 = arith.constant 0 : i32
        %scatter3A_901 = arith.constant 0 : i32
        %scatter3A_902 = arith.constant 0 : i32
        %scatter3A_903 = tpu.memref_slice %arg8[%scatter3A_899, %scatter3A_900, %scatter3A_901, %scatter3A_902] : memref<2x4x4x1024xf32, #tpu.memory_space<vmem>> -> memref<1x4x4x1024xf32, #tpu.memory_space<vmem>>
        %scatter3A_904 = tpu.memref_squeeze %scatter3A_903 : memref<1x4x4x1024xf32, #tpu.memory_space<vmem>> -> memref<4x4x1024xf32, #tpu.memory_space<vmem>>
        tpu.vector_store_idx %scatter3A_904[%shift_right_arithmetic3A_891, %broadcast_in_dim3A, %add3A_898], %gather3A_888 : memref<4x4x1024xf32, #tpu.memory_space<vmem>>[vector<16xi32>, vector<16xi32>, vector<16xi32>], vector<16xf32>,
        %add3A_905 = arith.constant 15 : i32
        %add3A_906 = vector.broadcast %add3A_905 : i32 to vector<16xi32>
        %add3A_907 = arith.addi %add3A_906, %iota3A : vector<16xi32>
        %and3A_908 = arith.constant 31 : i32
        %and3A_909 = vector.broadcast %and3A_908 : i32 to vector<16xi32>
        %and3A_910 = arith.andi %add3A_907, %and3A_909 : vector<16xi32>
        %gather3A_911 = arith.constant 0 : i32
        %gather3A_912 = arith.constant 0 : i32
        %gather3A_913 = arith.constant 0 : i32
        %gather3A_914 = tpu.memref_slice %arg7[%gather3A_911, %gather3A_912, %gather3A_913] : memref<2x512x32xf32, #tpu.memory_space<vmem>> -> memref<1x512x32xf32, #tpu.memory_space<vmem>>
        %gather3A_915 = tpu.memref_squeeze %gather3A_914 : memref<1x512x32xf32, #tpu.memory_space<vmem>> -> memref<512x32xf32, #tpu.memory_space<vmem>>
        %gather3A_916 = tpu.vector_load_idx %gather3A_915[%add3A_483, %and3A_910] : memref<512x32xf32, #tpu.memory_space<vmem>>[vector<16xi32>, vector<16xi32>], vector<16xf32>,
        %shift_right_arithmetic3A_917 = arith.constant 3 : i32
        %shift_right_arithmetic3A_918 = vector.broadcast %shift_right_arithmetic3A_917 : i32 to vector<16xi32>
        %shift_right_arithmetic3A_919 = arith.shrsi %and3A_910, %shift_right_arithmetic3A_918 : vector<16xi32>
        %and3A_920 = arith.constant 7 : i32
        %and3A_921 = vector.broadcast %and3A_920 : i32 to vector<16xi32>
        %and3A_922 = arith.andi %and3A_910, %and3A_921 : vector<16xi32>
        %shift_left3A_923 = arith.constant 7 : i32
        %shift_left3A_924 = vector.broadcast %shift_left3A_923 : i32 to vector<16xi32>
        %shift_left3A_925 = arith.shli %and3A_922, %shift_left3A_924 : vector<16xi32>
        %add3A_926 = arith.addi %shift_left3A_925, %add3A_487 : vector<16xi32>
        %scatter3A_927 = arith.constant 0 : i32
        %scatter3A_928 = arith.constant 0 : i32
        %scatter3A_929 = arith.constant 0 : i32
        %scatter3A_930 = arith.constant 0 : i32
        %scatter3A_931 = tpu.memref_slice %arg8[%scatter3A_927, %scatter3A_928, %scatter3A_929, %scatter3A_930] : memref<2x4x4x1024xf32, #tpu.memory_space<vmem>> -> memref<1x4x4x1024xf32, #tpu.memory_space<vmem>>
        %scatter3A_932 = tpu.memref_squeeze %scatter3A_931 : memref<1x4x4x1024xf32, #tpu.memory_space<vmem>> -> memref<4x4x1024xf32, #tpu.memory_space<vmem>>
        tpu.vector_store_idx %scatter3A_932[%shift_right_arithmetic3A_919, %broadcast_in_dim3A, %add3A_926], %gather3A_916 : memref<4x4x1024xf32, #tpu.memory_space<vmem>>[vector<16xi32>, vector<16xi32>, vector<16xi32>], vector<16xf32>,
        %add3A_933 = arith.constant 16 : i32
        %add3A_934 = vector.broadcast %add3A_933 : i32 to vector<16xi32>
        %add3A_935 = arith.addi %add3A_934, %iota3A : vector<16xi32>
        %and3A_936 = arith.constant 31 : i32
        %and3A_937 = vector.broadcast %and3A_936 : i32 to vector<16xi32>
        %and3A_938 = arith.andi %add3A_935, %and3A_937 : vector<16xi32>
        %gather3A_939 = arith.constant 0 : i32
        %gather3A_940 = arith.constant 0 : i32
        %gather3A_941 = arith.constant 0 : i32
        %gather3A_942 = tpu.memref_slice %arg7[%gather3A_939, %gather3A_940, %gather3A_941] : memref<2x512x32xf32, #tpu.memory_space<vmem>> -> memref<1x512x32xf32, #tpu.memory_space<vmem>>
        %gather3A_943 = tpu.memref_squeeze %gather3A_942 : memref<1x512x32xf32, #tpu.memory_space<vmem>> -> memref<512x32xf32, #tpu.memory_space<vmem>>
        %gather3A_944 = tpu.vector_load_idx %gather3A_943[%add3A_483, %and3A_938] : memref<512x32xf32, #tpu.memory_space<vmem>>[vector<16xi32>, vector<16xi32>], vector<16xf32>,
        %shift_right_arithmetic3A_945 = arith.constant 3 : i32
        %shift_right_arithmetic3A_946 = vector.broadcast %shift_right_arithmetic3A_945 : i32 to vector<16xi32>
        %shift_right_arithmetic3A_947 = arith.shrsi %and3A_938, %shift_right_arithmetic3A_946 : vector<16xi32>
        %and3A_948 = arith.constant 7 : i32
        %and3A_949 = vector.broadcast %and3A_948 : i32 to vector<16xi32>
        %and3A_950 = arith.andi %and3A_938, %and3A_949 : vector<16xi32>
        %shift_left3A_951 = arith.constant 7 : i32
        %shift_left3A_952 = vector.broadcast %shift_left3A_951 : i32 to vector<16xi32>
        %shift_left3A_953 = arith.shli %and3A_950, %shift_left3A_952 : vector<16xi32>
        %add3A_954 = arith.addi %shift_left3A_953, %add3A_487 : vector<16xi32>
        %scatter3A_955 = arith.constant 0 : i32
        %scatter3A_956 = arith.constant 0 : i32
        %scatter3A_957 = arith.constant 0 : i32
        %scatter3A_958 = arith.constant 0 : i32
        %scatter3A_959 = tpu.memref_slice %arg8[%scatter3A_955, %scatter3A_956, %scatter3A_957, %scatter3A_958] : memref<2x4x4x1024xf32, #tpu.memory_space<vmem>> -> memref<1x4x4x1024xf32, #tpu.memory_space<vmem>>
        %scatter3A_960 = tpu.memref_squeeze %scatter3A_959 : memref<1x4x4x1024xf32, #tpu.memory_space<vmem>> -> memref<4x4x1024xf32, #tpu.memory_space<vmem>>
        tpu.vector_store_idx %scatter3A_960[%shift_right_arithmetic3A_947, %broadcast_in_dim3A, %add3A_954], %gather3A_944 : memref<4x4x1024xf32, #tpu.memory_space<vmem>>[vector<16xi32>, vector<16xi32>, vector<16xi32>], vector<16xf32>,
        %add3A_961 = arith.constant 17 : i32
        %add3A_962 = vector.broadcast %add3A_961 : i32 to vector<16xi32>
        %add3A_963 = arith.addi %add3A_962, %iota3A : vector<16xi32>
        %and3A_964 = arith.constant 31 : i32
        %and3A_965 = vector.broadcast %and3A_964 : i32 to vector<16xi32>
        %and3A_966 = arith.andi %add3A_963, %and3A_965 : vector<16xi32>
        %gather3A_967 = arith.constant 0 : i32
        %gather3A_968 = arith.constant 0 : i32
        %gather3A_969 = arith.constant 0 : i32
        %gather3A_970 = tpu.memref_slice %arg7[%gather3A_967, %gather3A_968, %gather3A_969] : memref<2x512x32xf32, #tpu.memory_space<vmem>> -> memref<1x512x32xf32, #tpu.memory_space<vmem>>
        %gather3A_971 = tpu.memref_squeeze %gather3A_970 : memref<1x512x32xf32, #tpu.memory_space<vmem>> -> memref<512x32xf32, #tpu.memory_space<vmem>>
        %gather3A_972 = tpu.vector_load_idx %gather3A_971[%add3A_483, %and3A_966] : memref<512x32xf32, #tpu.memory_space<vmem>>[vector<16xi32>, vector<16xi32>], vector<16xf32>,
        %shift_right_arithmetic3A_973 = arith.constant 3 : i32
        %shift_right_arithmetic3A_974 = vector.broadcast %shift_right_arithmetic3A_973 : i32 to vector<16xi32>
        %shift_right_arithmetic3A_975 = arith.shrsi %and3A_966, %shift_right_arithmetic3A_974 : vector<16xi32>
        %and3A_976 = arith.constant 7 : i32
        %and3A_977 = vector.broadcast %and3A_976 : i32 to vector<16xi32>
        %and3A_978 = arith.andi %and3A_966, %and3A_977 : vector<16xi32>
        %shift_left3A_979 = arith.constant 7 : i32
        %shift_left3A_980 = vector.broadcast %shift_left3A_979 : i32 to vector<16xi32>
        %shift_left3A_981 = arith.shli %and3A_978, %shift_left3A_980 : vector<16xi32>
        %add3A_982 = arith.addi %shift_left3A_981, %add3A_487 : vector<16xi32>
        %scatter3A_983 = arith.constant 0 : i32
        %scatter3A_984 = arith.constant 0 : i32
        %scatter3A_985 = arith.constant 0 : i32
        %scatter3A_986 = arith.constant 0 : i32
        %scatter3A_987 = tpu.memref_slice %arg8[%scatter3A_983, %scatter3A_984, %scatter3A_985, %scatter3A_986] : memref<2x4x4x1024xf32, #tpu.memory_space<vmem>> -> memref<1x4x4x1024xf32, #tpu.memory_space<vmem>>
        %scatter3A_988 = tpu.memref_squeeze %scatter3A_987 : memref<1x4x4x1024xf32, #tpu.memory_space<vmem>> -> memref<4x4x1024xf32, #tpu.memory_space<vmem>>
        tpu.vector_store_idx %scatter3A_988[%shift_right_arithmetic3A_975, %broadcast_in_dim3A, %add3A_982], %gather3A_972 : memref<4x4x1024xf32, #tpu.memory_space<vmem>>[vector<16xi32>, vector<16xi32>, vector<16xi32>], vector<16xf32>,
        %add3A_989 = arith.constant 18 : i32
        %add3A_990 = vector.broadcast %add3A_989 : i32 to vector<16xi32>
        %add3A_991 = arith.addi %add3A_990, %iota3A : vector<16xi32>
        %and3A_992 = arith.constant 31 : i32
        %and3A_993 = vector.broadcast %and3A_992 : i32 to vector<16xi32>
        %and3A_994 = arith.andi %add3A_991, %and3A_993 : vector<16xi32>
        %gather3A_995 = arith.constant 0 : i32
        %gather3A_996 = arith.constant 0 : i32
        %gather3A_997 = arith.constant 0 : i32
        %gather3A_998 = tpu.memref_slice %arg7[%gather3A_995, %gather3A_996, %gather3A_997] : memref<2x512x32xf32, #tpu.memory_space<vmem>> -> memref<1x512x32xf32, #tpu.memory_space<vmem>>
        %gather3A_999 = tpu.memref_squeeze %gather3A_998 : memref<1x512x32xf32, #tpu.memory_space<vmem>> -> memref<512x32xf32, #tpu.memory_space<vmem>>
        %gather3A_1000 = tpu.vector_load_idx %gather3A_999[%add3A_483, %and3A_994] : memref<512x32xf32, #tpu.memory_space<vmem>>[vector<16xi32>, vector<16xi32>], vector<16xf32>,
        %shift_right_arithmetic3A_1001 = arith.constant 3 : i32
        %shift_right_arithmetic3A_1002 = vector.broadcast %shift_right_arithmetic3A_1001 : i32 to vector<16xi32>
        %shift_right_arithmetic3A_1003 = arith.shrsi %and3A_994, %shift_right_arithmetic3A_1002 : vector<16xi32>
        %and3A_1004 = arith.constant 7 : i32
        %and3A_1005 = vector.broadcast %and3A_1004 : i32 to vector<16xi32>
        %and3A_1006 = arith.andi %and3A_994, %and3A_1005 : vector<16xi32>
        %shift_left3A_1007 = arith.constant 7 : i32
        %shift_left3A_1008 = vector.broadcast %shift_left3A_1007 : i32 to vector<16xi32>
        %shift_left3A_1009 = arith.shli %and3A_1006, %shift_left3A_1008 : vector<16xi32>
        %add3A_1010 = arith.addi %shift_left3A_1009, %add3A_487 : vector<16xi32>
        %scatter3A_1011 = arith.constant 0 : i32
        %scatter3A_1012 = arith.constant 0 : i32
        %scatter3A_1013 = arith.constant 0 : i32
        %scatter3A_1014 = arith.constant 0 : i32
        %scatter3A_1015 = tpu.memref_slice %arg8[%scatter3A_1011, %scatter3A_1012, %scatter3A_1013, %scatter3A_1014] : memref<2x4x4x1024xf32, #tpu.memory_space<vmem>> -> memref<1x4x4x1024xf32, #tpu.memory_space<vmem>>
        %scatter3A_1016 = tpu.memref_squeeze %scatter3A_1015 : memref<1x4x4x1024xf32, #tpu.memory_space<vmem>> -> memref<4x4x1024xf32, #tpu.memory_space<vmem>>
        tpu.vector_store_idx %scatter3A_1016[%shift_right_arithmetic3A_1003, %broadcast_in_dim3A, %add3A_1010], %gather3A_1000 : memref<4x4x1024xf32, #tpu.memory_space<vmem>>[vector<16xi32>, vector<16xi32>, vector<16xi32>], vector<16xf32>,
        %add3A_1017 = arith.constant 19 : i32
        %add3A_1018 = vector.broadcast %add3A_1017 : i32 to vector<16xi32>
        %add3A_1019 = arith.addi %add3A_1018, %iota3A : vector<16xi32>
        %and3A_1020 = arith.constant 31 : i32
        %and3A_1021 = vector.broadcast %and3A_1020 : i32 to vector<16xi32>
        %and3A_1022 = arith.andi %add3A_1019, %and3A_1021 : vector<16xi32>
        %gather3A_1023 = arith.constant 0 : i32
        %gather3A_1024 = arith.constant 0 : i32
        %gather3A_1025 = arith.constant 0 : i32
        %gather3A_1026 = tpu.memref_slice %arg7[%gather3A_1023, %gather3A_1024, %gather3A_1025] : memref<2x512x32xf32, #tpu.memory_space<vmem>> -> memref<1x512x32xf32, #tpu.memory_space<vmem>>
        %gather3A_1027 = tpu.memref_squeeze %gather3A_1026 : memref<1x512x32xf32, #tpu.memory_space<vmem>> -> memref<512x32xf32, #tpu.memory_space<vmem>>
        %gather3A_1028 = tpu.vector_load_idx %gather3A_1027[%add3A_483, %and3A_1022] : memref<512x32xf32, #tpu.memory_space<vmem>>[vector<16xi32>, vector<16xi32>], vector<16xf32>,
        %shift_right_arithmetic3A_1029 = arith.constant 3 : i32
        %shift_right_arithmetic3A_1030 = vector.broadcast %shift_right_arithmetic3A_1029 : i32 to vector<16xi32>
        %shift_right_arithmetic3A_1031 = arith.shrsi %and3A_1022, %shift_right_arithmetic3A_1030 : vector<16xi32>
        %and3A_1032 = arith.constant 7 : i32
        %and3A_1033 = vector.broadcast %and3A_1032 : i32 to vector<16xi32>
        %and3A_1034 = arith.andi %and3A_1022, %and3A_1033 : vector<16xi32>
        %shift_left3A_1035 = arith.constant 7 : i32
        %shift_left3A_1036 = vector.broadcast %shift_left3A_1035 : i32 to vector<16xi32>
        %shift_left3A_1037 = arith.shli %and3A_1034, %shift_left3A_1036 : vector<16xi32>
        %add3A_1038 = arith.addi %shift_left3A_1037, %add3A_487 : vector<16xi32>
        %scatter3A_1039 = arith.constant 0 : i32
        %scatter3A_1040 = arith.constant 0 : i32
        %scatter3A_1041 = arith.constant 0 : i32
        %scatter3A_1042 = arith.constant 0 : i32
        %scatter3A_1043 = tpu.memref_slice %arg8[%scatter3A_1039, %scatter3A_1040, %scatter3A_1041, %scatter3A_1042] : memref<2x4x4x1024xf32, #tpu.memory_space<vmem>> -> memref<1x4x4x1024xf32, #tpu.memory_space<vmem>>
        %scatter3A_1044 = tpu.memref_squeeze %scatter3A_1043 : memref<1x4x4x1024xf32, #tpu.memory_space<vmem>> -> memref<4x4x1024xf32, #tpu.memory_space<vmem>>
        tpu.vector_store_idx %scatter3A_1044[%shift_right_arithmetic3A_1031, %broadcast_in_dim3A, %add3A_1038], %gather3A_1028 : memref<4x4x1024xf32, #tpu.memory_space<vmem>>[vector<16xi32>, vector<16xi32>, vector<16xi32>], vector<16xf32>,
        %add3A_1045 = arith.constant 20 : i32
        %add3A_1046 = vector.broadcast %add3A_1045 : i32 to vector<16xi32>
        %add3A_1047 = arith.addi %add3A_1046, %iota3A : vector<16xi32>
        %and3A_1048 = arith.constant 31 : i32
        %and3A_1049 = vector.broadcast %and3A_1048 : i32 to vector<16xi32>
        %and3A_1050 = arith.andi %add3A_1047, %and3A_1049 : vector<16xi32>
        %gather3A_1051 = arith.constant 0 : i32
        %gather3A_1052 = arith.constant 0 : i32
        %gather3A_1053 = arith.constant 0 : i32
        %gather3A_1054 = tpu.memref_slice %arg7[%gather3A_1051, %gather3A_1052, %gather3A_1053] : memref<2x512x32xf32, #tpu.memory_space<vmem>> -> memref<1x512x32xf32, #tpu.memory_space<vmem>>
        %gather3A_1055 = tpu.memref_squeeze %gather3A_1054 : memref<1x512x32xf32, #tpu.memory_space<vmem>> -> memref<512x32xf32, #tpu.memory_space<vmem>>
        %gather3A_1056 = tpu.vector_load_idx %gather3A_1055[%add3A_483, %and3A_1050] : memref<512x32xf32, #tpu.memory_space<vmem>>[vector<16xi32>, vector<16xi32>], vector<16xf32>,
        %shift_right_arithmetic3A_1057 = arith.constant 3 : i32
        %shift_right_arithmetic3A_1058 = vector.broadcast %shift_right_arithmetic3A_1057 : i32 to vector<16xi32>
        %shift_right_arithmetic3A_1059 = arith.shrsi %and3A_1050, %shift_right_arithmetic3A_1058 : vector<16xi32>
        %and3A_1060 = arith.constant 7 : i32
        %and3A_1061 = vector.broadcast %and3A_1060 : i32 to vector<16xi32>
        %and3A_1062 = arith.andi %and3A_1050, %and3A_1061 : vector<16xi32>
        %shift_left3A_1063 = arith.constant 7 : i32
        %shift_left3A_1064 = vector.broadcast %shift_left3A_1063 : i32 to vector<16xi32>
        %shift_left3A_1065 = arith.shli %and3A_1062, %shift_left3A_1064 : vector<16xi32>
        %add3A_1066 = arith.addi %shift_left3A_1065, %add3A_487 : vector<16xi32>
        %scatter3A_1067 = arith.constant 0 : i32
        %scatter3A_1068 = arith.constant 0 : i32
        %scatter3A_1069 = arith.constant 0 : i32
        %scatter3A_1070 = arith.constant 0 : i32
        %scatter3A_1071 = tpu.memref_slice %arg8[%scatter3A_1067, %scatter3A_1068, %scatter3A_1069, %scatter3A_1070] : memref<2x4x4x1024xf32, #tpu.memory_space<vmem>> -> memref<1x4x4x1024xf32, #tpu.memory_space<vmem>>
        %scatter3A_1072 = tpu.memref_squeeze %scatter3A_1071 : memref<1x4x4x1024xf32, #tpu.memory_space<vmem>> -> memref<4x4x1024xf32, #tpu.memory_space<vmem>>
        tpu.vector_store_idx %scatter3A_1072[%shift_right_arithmetic3A_1059, %broadcast_in_dim3A, %add3A_1066], %gather3A_1056 : memref<4x4x1024xf32, #tpu.memory_space<vmem>>[vector<16xi32>, vector<16xi32>, vector<16xi32>], vector<16xf32>,
        %add3A_1073 = arith.constant 21 : i32
        %add3A_1074 = vector.broadcast %add3A_1073 : i32 to vector<16xi32>
        %add3A_1075 = arith.addi %add3A_1074, %iota3A : vector<16xi32>
        %and3A_1076 = arith.constant 31 : i32
        %and3A_1077 = vector.broadcast %and3A_1076 : i32 to vector<16xi32>
        %and3A_1078 = arith.andi %add3A_1075, %and3A_1077 : vector<16xi32>
        %gather3A_1079 = arith.constant 0 : i32
        %gather3A_1080 = arith.constant 0 : i32
        %gather3A_1081 = arith.constant 0 : i32
        %gather3A_1082 = tpu.memref_slice %arg7[%gather3A_1079, %gather3A_1080, %gather3A_1081] : memref<2x512x32xf32, #tpu.memory_space<vmem>> -> memref<1x512x32xf32, #tpu.memory_space<vmem>>
        %gather3A_1083 = tpu.memref_squeeze %gather3A_1082 : memref<1x512x32xf32, #tpu.memory_space<vmem>> -> memref<512x32xf32, #tpu.memory_space<vmem>>
        %gather3A_1084 = tpu.vector_load_idx %gather3A_1083[%add3A_483, %and3A_1078] : memref<512x32xf32, #tpu.memory_space<vmem>>[vector<16xi32>, vector<16xi32>], vector<16xf32>,
        %shift_right_arithmetic3A_1085 = arith.constant 3 : i32
        %shift_right_arithmetic3A_1086 = vector.broadcast %shift_right_arithmetic3A_1085 : i32 to vector<16xi32>
        %shift_right_arithmetic3A_1087 = arith.shrsi %and3A_1078, %shift_right_arithmetic3A_1086 : vector<16xi32>
        %and3A_1088 = arith.constant 7 : i32
        %and3A_1089 = vector.broadcast %and3A_1088 : i32 to vector<16xi32>
        %and3A_1090 = arith.andi %and3A_1078, %and3A_1089 : vector<16xi32>
        %shift_left3A_1091 = arith.constant 7 : i32
        %shift_left3A_1092 = vector.broadcast %shift_left3A_1091 : i32 to vector<16xi32>
        %shift_left3A_1093 = arith.shli %and3A_1090, %shift_left3A_1092 : vector<16xi32>
        %add3A_1094 = arith.addi %shift_left3A_1093, %add3A_487 : vector<16xi32>
        %scatter3A_1095 = arith.constant 0 : i32
        %scatter3A_1096 = arith.constant 0 : i32
        %scatter3A_1097 = arith.constant 0 : i32
        %scatter3A_1098 = arith.constant 0 : i32
        %scatter3A_1099 = tpu.memref_slice %arg8[%scatter3A_1095, %scatter3A_1096, %scatter3A_1097, %scatter3A_1098] : memref<2x4x4x1024xf32, #tpu.memory_space<vmem>> -> memref<1x4x4x1024xf32, #tpu.memory_space<vmem>>
        %scatter3A_1100 = tpu.memref_squeeze %scatter3A_1099 : memref<1x4x4x1024xf32, #tpu.memory_space<vmem>> -> memref<4x4x1024xf32, #tpu.memory_space<vmem>>
        tpu.vector_store_idx %scatter3A_1100[%shift_right_arithmetic3A_1087, %broadcast_in_dim3A, %add3A_1094], %gather3A_1084 : memref<4x4x1024xf32, #tpu.memory_space<vmem>>[vector<16xi32>, vector<16xi32>, vector<16xi32>], vector<16xf32>,
        %add3A_1101 = arith.constant 22 : i32
        %add3A_1102 = vector.broadcast %add3A_1101 : i32 to vector<16xi32>
        %add3A_1103 = arith.addi %add3A_1102, %iota3A : vector<16xi32>
        %and3A_1104 = arith.constant 31 : i32
        %and3A_1105 = vector.broadcast %and3A_1104 : i32 to vector<16xi32>
        %and3A_1106 = arith.andi %add3A_1103, %and3A_1105 : vector<16xi32>
        %gather3A_1107 = arith.constant 0 : i32
        %gather3A_1108 = arith.constant 0 : i32
        %gather3A_1109 = arith.constant 0 : i32
        %gather3A_1110 = tpu.memref_slice %arg7[%gather3A_1107, %gather3A_1108, %gather3A_1109] : memref<2x512x32xf32, #tpu.memory_space<vmem>> -> memref<1x512x32xf32, #tpu.memory_space<vmem>>
        %gather3A_1111 = tpu.memref_squeeze %gather3A_1110 : memref<1x512x32xf32, #tpu.memory_space<vmem>> -> memref<512x32xf32, #tpu.memory_space<vmem>>
        %gather3A_1112 = tpu.vector_load_idx %gather3A_1111[%add3A_483, %and3A_1106] : memref<512x32xf32, #tpu.memory_space<vmem>>[vector<16xi32>, vector<16xi32>], vector<16xf32>,
        %shift_right_arithmetic3A_1113 = arith.constant 3 : i32
        %shift_right_arithmetic3A_1114 = vector.broadcast %shift_right_arithmetic3A_1113 : i32 to vector<16xi32>
        %shift_right_arithmetic3A_1115 = arith.shrsi %and3A_1106, %shift_right_arithmetic3A_1114 : vector<16xi32>
        %and3A_1116 = arith.constant 7 : i32
        %and3A_1117 = vector.broadcast %and3A_1116 : i32 to vector<16xi32>
        %and3A_1118 = arith.andi %and3A_1106, %and3A_1117 : vector<16xi32>
        %shift_left3A_1119 = arith.constant 7 : i32
        %shift_left3A_1120 = vector.broadcast %shift_left3A_1119 : i32 to vector<16xi32>
        %shift_left3A_1121 = arith.shli %and3A_1118, %shift_left3A_1120 : vector<16xi32>
        %add3A_1122 = arith.addi %shift_left3A_1121, %add3A_487 : vector<16xi32>
        %scatter3A_1123 = arith.constant 0 : i32
        %scatter3A_1124 = arith.constant 0 : i32
        %scatter3A_1125 = arith.constant 0 : i32
        %scatter3A_1126 = arith.constant 0 : i32
        %scatter3A_1127 = tpu.memref_slice %arg8[%scatter3A_1123, %scatter3A_1124, %scatter3A_1125, %scatter3A_1126] : memref<2x4x4x1024xf32, #tpu.memory_space<vmem>> -> memref<1x4x4x1024xf32, #tpu.memory_space<vmem>>
        %scatter3A_1128 = tpu.memref_squeeze %scatter3A_1127 : memref<1x4x4x1024xf32, #tpu.memory_space<vmem>> -> memref<4x4x1024xf32, #tpu.memory_space<vmem>>
        tpu.vector_store_idx %scatter3A_1128[%shift_right_arithmetic3A_1115, %broadcast_in_dim3A, %add3A_1122], %gather3A_1112 : memref<4x4x1024xf32, #tpu.memory_space<vmem>>[vector<16xi32>, vector<16xi32>, vector<16xi32>], vector<16xf32>,
        %add3A_1129 = arith.constant 23 : i32
        %add3A_1130 = vector.broadcast %add3A_1129 : i32 to vector<16xi32>
        %add3A_1131 = arith.addi %add3A_1130, %iota3A : vector<16xi32>
        %and3A_1132 = arith.constant 31 : i32
        %and3A_1133 = vector.broadcast %and3A_1132 : i32 to vector<16xi32>
        %and3A_1134 = arith.andi %add3A_1131, %and3A_1133 : vector<16xi32>
        %gather3A_1135 = arith.constant 0 : i32
        %gather3A_1136 = arith.constant 0 : i32
        %gather3A_1137 = arith.constant 0 : i32
        %gather3A_1138 = tpu.memref_slice %arg7[%gather3A_1135, %gather3A_1136, %gather3A_1137] : memref<2x512x32xf32, #tpu.memory_space<vmem>> -> memref<1x512x32xf32, #tpu.memory_space<vmem>>
        %gather3A_1139 = tpu.memref_squeeze %gather3A_1138 : memref<1x512x32xf32, #tpu.memory_space<vmem>> -> memref<512x32xf32, #tpu.memory_space<vmem>>
        %gather3A_1140 = tpu.vector_load_idx %gather3A_1139[%add3A_483, %and3A_1134] : memref<512x32xf32, #tpu.memory_space<vmem>>[vector<16xi32>, vector<16xi32>], vector<16xf32>,
        %shift_right_arithmetic3A_1141 = arith.constant 3 : i32
        %shift_right_arithmetic3A_1142 = vector.broadcast %shift_right_arithmetic3A_1141 : i32 to vector<16xi32>
        %shift_right_arithmetic3A_1143 = arith.shrsi %and3A_1134, %shift_right_arithmetic3A_1142 : vector<16xi32>
        %and3A_1144 = arith.constant 7 : i32
        %and3A_1145 = vector.broadcast %and3A_1144 : i32 to vector<16xi32>
        %and3A_1146 = arith.andi %and3A_1134, %and3A_1145 : vector<16xi32>
        %shift_left3A_1147 = arith.constant 7 : i32
        %shift_left3A_1148 = vector.broadcast %shift_left3A_1147 : i32 to vector<16xi32>
        %shift_left3A_1149 = arith.shli %and3A_1146, %shift_left3A_1148 : vector<16xi32>
        %add3A_1150 = arith.addi %shift_left3A_1149, %add3A_487 : vector<16xi32>
        %scatter3A_1151 = arith.constant 0 : i32
        %scatter3A_1152 = arith.constant 0 : i32
        %scatter3A_1153 = arith.constant 0 : i32
        %scatter3A_1154 = arith.constant 0 : i32
        %scatter3A_1155 = tpu.memref_slice %arg8[%scatter3A_1151, %scatter3A_1152, %scatter3A_1153, %scatter3A_1154] : memref<2x4x4x1024xf32, #tpu.memory_space<vmem>> -> memref<1x4x4x1024xf32, #tpu.memory_space<vmem>>
        %scatter3A_1156 = tpu.memref_squeeze %scatter3A_1155 : memref<1x4x4x1024xf32, #tpu.memory_space<vmem>> -> memref<4x4x1024xf32, #tpu.memory_space<vmem>>
        tpu.vector_store_idx %scatter3A_1156[%shift_right_arithmetic3A_1143, %broadcast_in_dim3A, %add3A_1150], %gather3A_1140 : memref<4x4x1024xf32, #tpu.memory_space<vmem>>[vector<16xi32>, vector<16xi32>, vector<16xi32>], vector<16xf32>,
        %add3A_1157 = arith.constant 24 : i32
        %add3A_1158 = vector.broadcast %add3A_1157 : i32 to vector<16xi32>
        %add3A_1159 = arith.addi %add3A_1158, %iota3A : vector<16xi32>
        %and3A_1160 = arith.constant 31 : i32
        %and3A_1161 = vector.broadcast %and3A_1160 : i32 to vector<16xi32>
        %and3A_1162 = arith.andi %add3A_1159, %and3A_1161 : vector<16xi32>
        %gather3A_1163 = arith.constant 0 : i32
        %gather3A_1164 = arith.constant 0 : i32
        %gather3A_1165 = arith.constant 0 : i32
        %gather3A_1166 = tpu.memref_slice %arg7[%gather3A_1163, %gather3A_1164, %gather3A_1165] : memref<2x512x32xf32, #tpu.memory_space<vmem>> -> memref<1x512x32xf32, #tpu.memory_space<vmem>>
        %gather3A_1167 = tpu.memref_squeeze %gather3A_1166 : memref<1x512x32xf32, #tpu.memory_space<vmem>> -> memref<512x32xf32, #tpu.memory_space<vmem>>
        %gather3A_1168 = tpu.vector_load_idx %gather3A_1167[%add3A_483, %and3A_1162] : memref<512x32xf32, #tpu.memory_space<vmem>>[vector<16xi32>, vector<16xi32>], vector<16xf32>,
        %shift_right_arithmetic3A_1169 = arith.constant 3 : i32
        %shift_right_arithmetic3A_1170 = vector.broadcast %shift_right_arithmetic3A_1169 : i32 to vector<16xi32>
        %shift_right_arithmetic3A_1171 = arith.shrsi %and3A_1162, %shift_right_arithmetic3A_1170 : vector<16xi32>
        %and3A_1172 = arith.constant 7 : i32
        %and3A_1173 = vector.broadcast %and3A_1172 : i32 to vector<16xi32>
        %and3A_1174 = arith.andi %and3A_1162, %and3A_1173 : vector<16xi32>
        %shift_left3A_1175 = arith.constant 7 : i32
        %shift_left3A_1176 = vector.broadcast %shift_left3A_1175 : i32 to vector<16xi32>
        %shift_left3A_1177 = arith.shli %and3A_1174, %shift_left3A_1176 : vector<16xi32>
        %add3A_1178 = arith.addi %shift_left3A_1177, %add3A_487 : vector<16xi32>
        %scatter3A_1179 = arith.constant 0 : i32
        %scatter3A_1180 = arith.constant 0 : i32
        %scatter3A_1181 = arith.constant 0 : i32
        %scatter3A_1182 = arith.constant 0 : i32
        %scatter3A_1183 = tpu.memref_slice %arg8[%scatter3A_1179, %scatter3A_1180, %scatter3A_1181, %scatter3A_1182] : memref<2x4x4x1024xf32, #tpu.memory_space<vmem>> -> memref<1x4x4x1024xf32, #tpu.memory_space<vmem>>
        %scatter3A_1184 = tpu.memref_squeeze %scatter3A_1183 : memref<1x4x4x1024xf32, #tpu.memory_space<vmem>> -> memref<4x4x1024xf32, #tpu.memory_space<vmem>>
        tpu.vector_store_idx %scatter3A_1184[%shift_right_arithmetic3A_1171, %broadcast_in_dim3A, %add3A_1178], %gather3A_1168 : memref<4x4x1024xf32, #tpu.memory_space<vmem>>[vector<16xi32>, vector<16xi32>, vector<16xi32>], vector<16xf32>,
        %add3A_1185 = arith.constant 25 : i32
        %add3A_1186 = vector.broadcast %add3A_1185 : i32 to vector<16xi32>
        %add3A_1187 = arith.addi %add3A_1186, %iota3A : vector<16xi32>
        %and3A_1188 = arith.constant 31 : i32
        %and3A_1189 = vector.broadcast %and3A_1188 : i32 to vector<16xi32>
        %and3A_1190 = arith.andi %add3A_1187, %and3A_1189 : vector<16xi32>
        %gather3A_1191 = arith.constant 0 : i32
        %gather3A_1192 = arith.constant 0 : i32
        %gather3A_1193 = arith.constant 0 : i32
        %gather3A_1194 = tpu.memref_slice %arg7[%gather3A_1191, %gather3A_1192, %gather3A_1193] : memref<2x512x32xf32, #tpu.memory_space<vmem>> -> memref<1x512x32xf32, #tpu.memory_space<vmem>>
        %gather3A_1195 = tpu.memref_squeeze %gather3A_1194 : memref<1x512x32xf32, #tpu.memory_space<vmem>> -> memref<512x32xf32, #tpu.memory_space<vmem>>
        %gather3A_1196 = tpu.vector_load_idx %gather3A_1195[%add3A_483, %and3A_1190] : memref<512x32xf32, #tpu.memory_space<vmem>>[vector<16xi32>, vector<16xi32>], vector<16xf32>,
        %shift_right_arithmetic3A_1197 = arith.constant 3 : i32
        %shift_right_arithmetic3A_1198 = vector.broadcast %shift_right_arithmetic3A_1197 : i32 to vector<16xi32>
        %shift_right_arithmetic3A_1199 = arith.shrsi %and3A_1190, %shift_right_arithmetic3A_1198 : vector<16xi32>
        %and3A_1200 = arith.constant 7 : i32
        %and3A_1201 = vector.broadcast %and3A_1200 : i32 to vector<16xi32>
        %and3A_1202 = arith.andi %and3A_1190, %and3A_1201 : vector<16xi32>
        %shift_left3A_1203 = arith.constant 7 : i32
        %shift_left3A_1204 = vector.broadcast %shift_left3A_1203 : i32 to vector<16xi32>
        %shift_left3A_1205 = arith.shli %and3A_1202, %shift_left3A_1204 : vector<16xi32>
        %add3A_1206 = arith.addi %shift_left3A_1205, %add3A_487 : vector<16xi32>
        %scatter3A_1207 = arith.constant 0 : i32
        %scatter3A_1208 = arith.constant 0 : i32
        %scatter3A_1209 = arith.constant 0 : i32
        %scatter3A_1210 = arith.constant 0 : i32
        %scatter3A_1211 = tpu.memref_slice %arg8[%scatter3A_1207, %scatter3A_1208, %scatter3A_1209, %scatter3A_1210] : memref<2x4x4x1024xf32, #tpu.memory_space<vmem>> -> memref<1x4x4x1024xf32, #tpu.memory_space<vmem>>
        %scatter3A_1212 = tpu.memref_squeeze %scatter3A_1211 : memref<1x4x4x1024xf32, #tpu.memory_space<vmem>> -> memref<4x4x1024xf32, #tpu.memory_space<vmem>>
        tpu.vector_store_idx %scatter3A_1212[%shift_right_arithmetic3A_1199, %broadcast_in_dim3A, %add3A_1206], %gather3A_1196 : memref<4x4x1024xf32, #tpu.memory_space<vmem>>[vector<16xi32>, vector<16xi32>, vector<16xi32>], vector<16xf32>,
        %add3A_1213 = arith.constant 26 : i32
        %add3A_1214 = vector.broadcast %add3A_1213 : i32 to vector<16xi32>
        %add3A_1215 = arith.addi %add3A_1214, %iota3A : vector<16xi32>
        %and3A_1216 = arith.constant 31 : i32
        %and3A_1217 = vector.broadcast %and3A_1216 : i32 to vector<16xi32>
        %and3A_1218 = arith.andi %add3A_1215, %and3A_1217 : vector<16xi32>
        %gather3A_1219 = arith.constant 0 : i32
        %gather3A_1220 = arith.constant 0 : i32
        %gather3A_1221 = arith.constant 0 : i32
        %gather3A_1222 = tpu.memref_slice %arg7[%gather3A_1219, %gather3A_1220, %gather3A_1221] : memref<2x512x32xf32, #tpu.memory_space<vmem>> -> memref<1x512x32xf32, #tpu.memory_space<vmem>>
        %gather3A_1223 = tpu.memref_squeeze %gather3A_1222 : memref<1x512x32xf32, #tpu.memory_space<vmem>> -> memref<512x32xf32, #tpu.memory_space<vmem>>
        %gather3A_1224 = tpu.vector_load_idx %gather3A_1223[%add3A_483, %and3A_1218] : memref<512x32xf32, #tpu.memory_space<vmem>>[vector<16xi32>, vector<16xi32>], vector<16xf32>,
        %shift_right_arithmetic3A_1225 = arith.constant 3 : i32
        %shift_right_arithmetic3A_1226 = vector.broadcast %shift_right_arithmetic3A_1225 : i32 to vector<16xi32>
        %shift_right_arithmetic3A_1227 = arith.shrsi %and3A_1218, %shift_right_arithmetic3A_1226 : vector<16xi32>
        %and3A_1228 = arith.constant 7 : i32
        %and3A_1229 = vector.broadcast %and3A_1228 : i32 to vector<16xi32>
        %and3A_1230 = arith.andi %and3A_1218, %and3A_1229 : vector<16xi32>
        %shift_left3A_1231 = arith.constant 7 : i32
        %shift_left3A_1232 = vector.broadcast %shift_left3A_1231 : i32 to vector<16xi32>
        %shift_left3A_1233 = arith.shli %and3A_1230, %shift_left3A_1232 : vector<16xi32>
        %add3A_1234 = arith.addi %shift_left3A_1233, %add3A_487 : vector<16xi32>
        %scatter3A_1235 = arith.constant 0 : i32
        %scatter3A_1236 = arith.constant 0 : i32
        %scatter3A_1237 = arith.constant 0 : i32
        %scatter3A_1238 = arith.constant 0 : i32
        %scatter3A_1239 = tpu.memref_slice %arg8[%scatter3A_1235, %scatter3A_1236, %scatter3A_1237, %scatter3A_1238] : memref<2x4x4x1024xf32, #tpu.memory_space<vmem>> -> memref<1x4x4x1024xf32, #tpu.memory_space<vmem>>
        %scatter3A_1240 = tpu.memref_squeeze %scatter3A_1239 : memref<1x4x4x1024xf32, #tpu.memory_space<vmem>> -> memref<4x4x1024xf32, #tpu.memory_space<vmem>>
        tpu.vector_store_idx %scatter3A_1240[%shift_right_arithmetic3A_1227, %broadcast_in_dim3A, %add3A_1234], %gather3A_1224 : memref<4x4x1024xf32, #tpu.memory_space<vmem>>[vector<16xi32>, vector<16xi32>, vector<16xi32>], vector<16xf32>,
        %add3A_1241 = arith.constant 27 : i32
        %add3A_1242 = vector.broadcast %add3A_1241 : i32 to vector<16xi32>
        %add3A_1243 = arith.addi %add3A_1242, %iota3A : vector<16xi32>
        %and3A_1244 = arith.constant 31 : i32
        %and3A_1245 = vector.broadcast %and3A_1244 : i32 to vector<16xi32>
        %and3A_1246 = arith.andi %add3A_1243, %and3A_1245 : vector<16xi32>
        %gather3A_1247 = arith.constant 0 : i32
        %gather3A_1248 = arith.constant 0 : i32
        %gather3A_1249 = arith.constant 0 : i32
        %gather3A_1250 = tpu.memref_slice %arg7[%gather3A_1247, %gather3A_1248, %gather3A_1249] : memref<2x512x32xf32, #tpu.memory_space<vmem>> -> memref<1x512x32xf32, #tpu.memory_space<vmem>>
        %gather3A_1251 = tpu.memref_squeeze %gather3A_1250 : memref<1x512x32xf32, #tpu.memory_space<vmem>> -> memref<512x32xf32, #tpu.memory_space<vmem>>
        %gather3A_1252 = tpu.vector_load_idx %gather3A_1251[%add3A_483, %and3A_1246] : memref<512x32xf32, #tpu.memory_space<vmem>>[vector<16xi32>, vector<16xi32>], vector<16xf32>,
        %shift_right_arithmetic3A_1253 = arith.constant 3 : i32
        %shift_right_arithmetic3A_1254 = vector.broadcast %shift_right_arithmetic3A_1253 : i32 to vector<16xi32>
        %shift_right_arithmetic3A_1255 = arith.shrsi %and3A_1246, %shift_right_arithmetic3A_1254 : vector<16xi32>
        %and3A_1256 = arith.constant 7 : i32
        %and3A_1257 = vector.broadcast %and3A_1256 : i32 to vector<16xi32>
        %and3A_1258 = arith.andi %and3A_1246, %and3A_1257 : vector<16xi32>
        %shift_left3A_1259 = arith.constant 7 : i32
        %shift_left3A_1260 = vector.broadcast %shift_left3A_1259 : i32 to vector<16xi32>
        %shift_left3A_1261 = arith.shli %and3A_1258, %shift_left3A_1260 : vector<16xi32>
        %add3A_1262 = arith.addi %shift_left3A_1261, %add3A_487 : vector<16xi32>
        %scatter3A_1263 = arith.constant 0 : i32
        %scatter3A_1264 = arith.constant 0 : i32
        %scatter3A_1265 = arith.constant 0 : i32
        %scatter3A_1266 = arith.constant 0 : i32
        %scatter3A_1267 = tpu.memref_slice %arg8[%scatter3A_1263, %scatter3A_1264, %scatter3A_1265, %scatter3A_1266] : memref<2x4x4x1024xf32, #tpu.memory_space<vmem>> -> memref<1x4x4x1024xf32, #tpu.memory_space<vmem>>
        %scatter3A_1268 = tpu.memref_squeeze %scatter3A_1267 : memref<1x4x4x1024xf32, #tpu.memory_space<vmem>> -> memref<4x4x1024xf32, #tpu.memory_space<vmem>>
        tpu.vector_store_idx %scatter3A_1268[%shift_right_arithmetic3A_1255, %broadcast_in_dim3A, %add3A_1262], %gather3A_1252 : memref<4x4x1024xf32, #tpu.memory_space<vmem>>[vector<16xi32>, vector<16xi32>, vector<16xi32>], vector<16xf32>,
        %add3A_1269 = arith.constant 28 : i32
        %add3A_1270 = vector.broadcast %add3A_1269 : i32 to vector<16xi32>
        %add3A_1271 = arith.addi %add3A_1270, %iota3A : vector<16xi32>
        %and3A_1272 = arith.constant 31 : i32
        %and3A_1273 = vector.broadcast %and3A_1272 : i32 to vector<16xi32>
        %and3A_1274 = arith.andi %add3A_1271, %and3A_1273 : vector<16xi32>
        %gather3A_1275 = arith.constant 0 : i32
        %gather3A_1276 = arith.constant 0 : i32
        %gather3A_1277 = arith.constant 0 : i32
        %gather3A_1278 = tpu.memref_slice %arg7[%gather3A_1275, %gather3A_1276, %gather3A_1277] : memref<2x512x32xf32, #tpu.memory_space<vmem>> -> memref<1x512x32xf32, #tpu.memory_space<vmem>>
        %gather3A_1279 = tpu.memref_squeeze %gather3A_1278 : memref<1x512x32xf32, #tpu.memory_space<vmem>> -> memref<512x32xf32, #tpu.memory_space<vmem>>
        %gather3A_1280 = tpu.vector_load_idx %gather3A_1279[%add3A_483, %and3A_1274] : memref<512x32xf32, #tpu.memory_space<vmem>>[vector<16xi32>, vector<16xi32>], vector<16xf32>,
        %shift_right_arithmetic3A_1281 = arith.constant 3 : i32
        %shift_right_arithmetic3A_1282 = vector.broadcast %shift_right_arithmetic3A_1281 : i32 to vector<16xi32>
        %shift_right_arithmetic3A_1283 = arith.shrsi %and3A_1274, %shift_right_arithmetic3A_1282 : vector<16xi32>
        %and3A_1284 = arith.constant 7 : i32
        %and3A_1285 = vector.broadcast %and3A_1284 : i32 to vector<16xi32>
        %and3A_1286 = arith.andi %and3A_1274, %and3A_1285 : vector<16xi32>
        %shift_left3A_1287 = arith.constant 7 : i32
        %shift_left3A_1288 = vector.broadcast %shift_left3A_1287 : i32 to vector<16xi32>
        %shift_left3A_1289 = arith.shli %and3A_1286, %shift_left3A_1288 : vector<16xi32>
        %add3A_1290 = arith.addi %shift_left3A_1289, %add3A_487 : vector<16xi32>
        %scatter3A_1291 = arith.constant 0 : i32
        %scatter3A_1292 = arith.constant 0 : i32
        %scatter3A_1293 = arith.constant 0 : i32
        %scatter3A_1294 = arith.constant 0 : i32
        %scatter3A_1295 = tpu.memref_slice %arg8[%scatter3A_1291, %scatter3A_1292, %scatter3A_1293, %scatter3A_1294] : memref<2x4x4x1024xf32, #tpu.memory_space<vmem>> -> memref<1x4x4x1024xf32, #tpu.memory_space<vmem>>
        %scatter3A_1296 = tpu.memref_squeeze %scatter3A_1295 : memref<1x4x4x1024xf32, #tpu.memory_space<vmem>> -> memref<4x4x1024xf32, #tpu.memory_space<vmem>>
        tpu.vector_store_idx %scatter3A_1296[%shift_right_arithmetic3A_1283, %broadcast_in_dim3A, %add3A_1290], %gather3A_1280 : memref<4x4x1024xf32, #tpu.memory_space<vmem>>[vector<16xi32>, vector<16xi32>, vector<16xi32>], vector<16xf32>,
        %add3A_1297 = arith.constant 29 : i32
        %add3A_1298 = vector.broadcast %add3A_1297 : i32 to vector<16xi32>
        %add3A_1299 = arith.addi %add3A_1298, %iota3A : vector<16xi32>
        %and3A_1300 = arith.constant 31 : i32
        %and3A_1301 = vector.broadcast %and3A_1300 : i32 to vector<16xi32>
        %and3A_1302 = arith.andi %add3A_1299, %and3A_1301 : vector<16xi32>
        %gather3A_1303 = arith.constant 0 : i32
        %gather3A_1304 = arith.constant 0 : i32
        %gather3A_1305 = arith.constant 0 : i32
        %gather3A_1306 = tpu.memref_slice %arg7[%gather3A_1303, %gather3A_1304, %gather3A_1305] : memref<2x512x32xf32, #tpu.memory_space<vmem>> -> memref<1x512x32xf32, #tpu.memory_space<vmem>>
        %gather3A_1307 = tpu.memref_squeeze %gather3A_1306 : memref<1x512x32xf32, #tpu.memory_space<vmem>> -> memref<512x32xf32, #tpu.memory_space<vmem>>
        %gather3A_1308 = tpu.vector_load_idx %gather3A_1307[%add3A_483, %and3A_1302] : memref<512x32xf32, #tpu.memory_space<vmem>>[vector<16xi32>, vector<16xi32>], vector<16xf32>,
        %shift_right_arithmetic3A_1309 = arith.constant 3 : i32
        %shift_right_arithmetic3A_1310 = vector.broadcast %shift_right_arithmetic3A_1309 : i32 to vector<16xi32>
        %shift_right_arithmetic3A_1311 = arith.shrsi %and3A_1302, %shift_right_arithmetic3A_1310 : vector<16xi32>
        %and3A_1312 = arith.constant 7 : i32
        %and3A_1313 = vector.broadcast %and3A_1312 : i32 to vector<16xi32>
        %and3A_1314 = arith.andi %and3A_1302, %and3A_1313 : vector<16xi32>
        %shift_left3A_1315 = arith.constant 7 : i32
        %shift_left3A_1316 = vector.broadcast %shift_left3A_1315 : i32 to vector<16xi32>
        %shift_left3A_1317 = arith.shli %and3A_1314, %shift_left3A_1316 : vector<16xi32>
        %add3A_1318 = arith.addi %shift_left3A_1317, %add3A_487 : vector<16xi32>
        %scatter3A_1319 = arith.constant 0 : i32
        %scatter3A_1320 = arith.constant 0 : i32
        %scatter3A_1321 = arith.constant 0 : i32
        %scatter3A_1322 = arith.constant 0 : i32
        %scatter3A_1323 = tpu.memref_slice %arg8[%scatter3A_1319, %scatter3A_1320, %scatter3A_1321, %scatter3A_1322] : memref<2x4x4x1024xf32, #tpu.memory_space<vmem>> -> memref<1x4x4x1024xf32, #tpu.memory_space<vmem>>
        %scatter3A_1324 = tpu.memref_squeeze %scatter3A_1323 : memref<1x4x4x1024xf32, #tpu.memory_space<vmem>> -> memref<4x4x1024xf32, #tpu.memory_space<vmem>>
        tpu.vector_store_idx %scatter3A_1324[%shift_right_arithmetic3A_1311, %broadcast_in_dim3A, %add3A_1318], %gather3A_1308 : memref<4x4x1024xf32, #tpu.memory_space<vmem>>[vector<16xi32>, vector<16xi32>, vector<16xi32>], vector<16xf32>,
        %add3A_1325 = arith.constant 30 : i32
        %add3A_1326 = vector.broadcast %add3A_1325 : i32 to vector<16xi32>
        %add3A_1327 = arith.addi %add3A_1326, %iota3A : vector<16xi32>
        %and3A_1328 = arith.constant 31 : i32
        %and3A_1329 = vector.broadcast %and3A_1328 : i32 to vector<16xi32>
        %and3A_1330 = arith.andi %add3A_1327, %and3A_1329 : vector<16xi32>
        %gather3A_1331 = arith.constant 0 : i32
        %gather3A_1332 = arith.constant 0 : i32
        %gather3A_1333 = arith.constant 0 : i32
        %gather3A_1334 = tpu.memref_slice %arg7[%gather3A_1331, %gather3A_1332, %gather3A_1333] : memref<2x512x32xf32, #tpu.memory_space<vmem>> -> memref<1x512x32xf32, #tpu.memory_space<vmem>>
        %gather3A_1335 = tpu.memref_squeeze %gather3A_1334 : memref<1x512x32xf32, #tpu.memory_space<vmem>> -> memref<512x32xf32, #tpu.memory_space<vmem>>
        %gather3A_1336 = tpu.vector_load_idx %gather3A_1335[%add3A_483, %and3A_1330] : memref<512x32xf32, #tpu.memory_space<vmem>>[vector<16xi32>, vector<16xi32>], vector<16xf32>,
        %shift_right_arithmetic3A_1337 = arith.constant 3 : i32
        %shift_right_arithmetic3A_1338 = vector.broadcast %shift_right_arithmetic3A_1337 : i32 to vector<16xi32>
        %shift_right_arithmetic3A_1339 = arith.shrsi %and3A_1330, %shift_right_arithmetic3A_1338 : vector<16xi32>
        %and3A_1340 = arith.constant 7 : i32
        %and3A_1341 = vector.broadcast %and3A_1340 : i32 to vector<16xi32>
        %and3A_1342 = arith.andi %and3A_1330, %and3A_1341 : vector<16xi32>
        %shift_left3A_1343 = arith.constant 7 : i32
        %shift_left3A_1344 = vector.broadcast %shift_left3A_1343 : i32 to vector<16xi32>
        %shift_left3A_1345 = arith.shli %and3A_1342, %shift_left3A_1344 : vector<16xi32>
        %add3A_1346 = arith.addi %shift_left3A_1345, %add3A_487 : vector<16xi32>
        %scatter3A_1347 = arith.constant 0 : i32
        %scatter3A_1348 = arith.constant 0 : i32
        %scatter3A_1349 = arith.constant 0 : i32
        %scatter3A_1350 = arith.constant 0 : i32
        %scatter3A_1351 = tpu.memref_slice %arg8[%scatter3A_1347, %scatter3A_1348, %scatter3A_1349, %scatter3A_1350] : memref<2x4x4x1024xf32, #tpu.memory_space<vmem>> -> memref<1x4x4x1024xf32, #tpu.memory_space<vmem>>
        %scatter3A_1352 = tpu.memref_squeeze %scatter3A_1351 : memref<1x4x4x1024xf32, #tpu.memory_space<vmem>> -> memref<4x4x1024xf32, #tpu.memory_space<vmem>>
        tpu.vector_store_idx %scatter3A_1352[%shift_right_arithmetic3A_1339, %broadcast_in_dim3A, %add3A_1346], %gather3A_1336 : memref<4x4x1024xf32, #tpu.memory_space<vmem>>[vector<16xi32>, vector<16xi32>, vector<16xi32>], vector<16xf32>,
        %add3A_1353 = arith.constant 31 : i32
        %add3A_1354 = vector.broadcast %add3A_1353 : i32 to vector<16xi32>
        %add3A_1355 = arith.addi %add3A_1354, %iota3A : vector<16xi32>
        %and3A_1356 = arith.constant 31 : i32
        %and3A_1357 = vector.broadcast %and3A_1356 : i32 to vector<16xi32>
        %and3A_1358 = arith.andi %add3A_1355, %and3A_1357 : vector<16xi32>
        %gather3A_1359 = arith.constant 0 : i32
        %gather3A_1360 = arith.constant 0 : i32
        %gather3A_1361 = arith.constant 0 : i32
        %gather3A_1362 = tpu.memref_slice %arg7[%gather3A_1359, %gather3A_1360, %gather3A_1361] : memref<2x512x32xf32, #tpu.memory_space<vmem>> -> memref<1x512x32xf32, #tpu.memory_space<vmem>>
        %gather3A_1363 = tpu.memref_squeeze %gather3A_1362 : memref<1x512x32xf32, #tpu.memory_space<vmem>> -> memref<512x32xf32, #tpu.memory_space<vmem>>
        %gather3A_1364 = tpu.vector_load_idx %gather3A_1363[%add3A_483, %and3A_1358] : memref<512x32xf32, #tpu.memory_space<vmem>>[vector<16xi32>, vector<16xi32>], vector<16xf32>,
        %shift_right_arithmetic3A_1365 = arith.constant 3 : i32
        %shift_right_arithmetic3A_1366 = vector.broadcast %shift_right_arithmetic3A_1365 : i32 to vector<16xi32>
        %shift_right_arithmetic3A_1367 = arith.shrsi %and3A_1358, %shift_right_arithmetic3A_1366 : vector<16xi32>
        %and3A_1368 = arith.constant 7 : i32
        %and3A_1369 = vector.broadcast %and3A_1368 : i32 to vector<16xi32>
        %and3A_1370 = arith.andi %and3A_1358, %and3A_1369 : vector<16xi32>
        %shift_left3A_1371 = arith.constant 7 : i32
        %shift_left3A_1372 = vector.broadcast %shift_left3A_1371 : i32 to vector<16xi32>
        %shift_left3A_1373 = arith.shli %and3A_1370, %shift_left3A_1372 : vector<16xi32>
        %add3A_1374 = arith.addi %shift_left3A_1373, %add3A_487 : vector<16xi32>
        %scatter3A_1375 = arith.constant 0 : i32
        %scatter3A_1376 = arith.constant 0 : i32
        %scatter3A_1377 = arith.constant 0 : i32
        %scatter3A_1378 = arith.constant 0 : i32
        %scatter3A_1379 = tpu.memref_slice %arg8[%scatter3A_1375, %scatter3A_1376, %scatter3A_1377, %scatter3A_1378] : memref<2x4x4x1024xf32, #tpu.memory_space<vmem>> -> memref<1x4x4x1024xf32, #tpu.memory_space<vmem>>
        %scatter3A_1380 = tpu.memref_squeeze %scatter3A_1379 : memref<1x4x4x1024xf32, #tpu.memory_space<vmem>> -> memref<4x4x1024xf32, #tpu.memory_space<vmem>>
        tpu.vector_store_idx %scatter3A_1380[%shift_right_arithmetic3A_1367, %broadcast_in_dim3A, %add3A_1374], %gather3A_1364 : memref<4x4x1024xf32, #tpu.memory_space<vmem>>[vector<16xi32>, vector<16xi32>, vector<16xi32>], vector<16xf32>,
      }
      %scan3A_162 = arith.constant 32 : i32
      %dma_start3A_163 = arith.constant 0 : i32
      %dma_start3A_164 = arith.constant 0 : i32
      %dma_start3A_165 = arith.constant 0 : i32
      %dma_start3A_166 = arith.constant 0 : i32
      %dma_start3A_167 = arith.constant 0 : i32
      %dma_start3A_168 = tpu.memref_slice %arg8[%dma_start3A_163, %dma_start3A_164, %dma_start3A_166, %dma_start3A_167] : memref<2x4x4x1024xf32, #tpu.memory_space<vmem>> -> memref<1x1x4x1024xf32, #tpu.memory_space<vmem>>
      %dma_start3A_169 = tpu.memref_squeeze %dma_start3A_168 : memref<1x1x4x1024xf32, #tpu.memory_space<vmem>> -> memref<4x1024xf32, #tpu.memory_space<vmem>>
      %dma_start3A_170 = arith.constant 0 : i32
      %dma_start3A_171 = tpu.memref_slice %arg4[%mul3A_16, %dma_start3A_165, %mul3A_2, %dma_start3A_170] : memref<50x4x128x1024xf32, #tpu.memory_space<hbm>> -> memref<1x1x4x1024xf32, #tpu.memory_space<hbm>>
      %dma_start3A_172 = tpu.memref_squeeze %dma_start3A_171 : memref<1x1x4x1024xf32, #tpu.memory_space<hbm>> -> memref<4x1024xf32, #tpu.memory_space<hbm>>
      %dma_start3A_173 = arith.constant 0 : i32
      %dma_start3A_174 = tpu.memref_slice %arg4[%mul3A_16, %dma_start3A_165, %mul3A_2, %dma_start3A_173] : memref<50x4x128x1024xf32, #tpu.memory_space<hbm>> -> memref<1x1x4x1024xf32, #tpu.memory_space<hbm>>
      %dma_start3A_175 = tpu.memref_squeeze %dma_start3A_174 : memref<1x1x4x1024xf32, #tpu.memory_space<hbm>> -> memref<4x1024xf32, #tpu.memory_space<hbm>>
      %dma_start3A_176 = arith.constant 0 : i32
      %dma_start3A_177 = arith.constant 0 : i32
      %dma_start3A_178 = tpu.memref_slice %arg8[%dma_start3A_163, %dma_start3A_164, %dma_start3A_176, %dma_start3A_177] : memref<2x4x4x1024xf32, #tpu.memory_space<vmem>> -> memref<1x1x4x1024xf32, #tpu.memory_space<vmem>>
      %dma_start3A_179 = tpu.memref_squeeze %dma_start3A_178 : memref<1x1x4x1024xf32, #tpu.memory_space<vmem>> -> memref<4x1024xf32, #tpu.memory_space<vmem>>
      tpu.enqueue_dma source(%dma_start3A_179 : memref<4x1024xf32, #tpu.memory_space<vmem>>) target(%dma_start3A_175 : memref<4x1024xf32, #tpu.memory_space<hbm>>) target_semaphore(%arg13 : memref<!tpu.dma_semaphore, #tpu.memory_space<semaphore_mem>>)
      %dma_start3A_180 = arith.constant 0 : i32
      %dma_start3A_181 = arith.constant 1 : i32
      %dma_start3A_182 = arith.constant 1 : i32
      %dma_start3A_183 = arith.constant 0 : i32
      %dma_start3A_184 = arith.constant 0 : i32
      %dma_start3A_185 = tpu.memref_slice %arg8[%dma_start3A_180, %dma_start3A_181, %dma_start3A_183, %dma_start3A_184] : memref<2x4x4x1024xf32, #tpu.memory_space<vmem>> -> memref<1x1x4x1024xf32, #tpu.memory_space<vmem>>
      %dma_start3A_186 = tpu.memref_squeeze %dma_start3A_185 : memref<1x1x4x1024xf32, #tpu.memory_space<vmem>> -> memref<4x1024xf32, #tpu.memory_space<vmem>>
      %dma_start3A_187 = arith.constant 0 : i32
      %dma_start3A_188 = tpu.memref_slice %arg4[%mul3A_16, %dma_start3A_182, %mul3A_2, %dma_start3A_187] : memref<50x4x128x1024xf32, #tpu.memory_space<hbm>> -> memref<1x1x4x1024xf32, #tpu.memory_space<hbm>>
      %dma_start3A_189 = tpu.memref_squeeze %dma_start3A_188 : memref<1x1x4x1024xf32, #tpu.memory_space<hbm>> -> memref<4x1024xf32, #tpu.memory_space<hbm>>
      %dma_start3A_190 = arith.constant 0 : i32
      %dma_start3A_191 = tpu.memref_slice %arg4[%mul3A_16, %dma_start3A_182, %mul3A_2, %dma_start3A_190] : memref<50x4x128x1024xf32, #tpu.memory_space<hbm>> -> memref<1x1x4x1024xf32, #tpu.memory_space<hbm>>
      %dma_start3A_192 = tpu.memref_squeeze %dma_start3A_191 : memref<1x1x4x1024xf32, #tpu.memory_space<hbm>> -> memref<4x1024xf32, #tpu.memory_space<hbm>>
      %dma_start3A_193 = arith.constant 0 : i32
      %dma_start3A_194 = arith.constant 0 : i32
      %dma_start3A_195 = tpu.memref_slice %arg8[%dma_start3A_180, %dma_start3A_181, %dma_start3A_193, %dma_start3A_194] : memref<2x4x4x1024xf32, #tpu.memory_space<vmem>> -> memref<1x1x4x1024xf32, #tpu.memory_space<vmem>>
      %dma_start3A_196 = tpu.memref_squeeze %dma_start3A_195 : memref<1x1x4x1024xf32, #tpu.memory_space<vmem>> -> memref<4x1024xf32, #tpu.memory_space<vmem>>
      tpu.enqueue_dma source(%dma_start3A_196 : memref<4x1024xf32, #tpu.memory_space<vmem>>) target(%dma_start3A_192 : memref<4x1024xf32, #tpu.memory_space<hbm>>) target_semaphore(%arg13 : memref<!tpu.dma_semaphore, #tpu.memory_space<semaphore_mem>>)
      %dma_start3A_197 = arith.constant 0 : i32
      %dma_start3A_198 = arith.constant 2 : i32
      %dma_start3A_199 = arith.constant 2 : i32
      %dma_start3A_200 = arith.constant 0 : i32
      %dma_start3A_201 = arith.constant 0 : i32
      %dma_start3A_202 = tpu.memref_slice %arg8[%dma_start3A_197, %dma_start3A_198, %dma_start3A_200, %dma_start3A_201] : memref<2x4x4x1024xf32, #tpu.memory_space<vmem>> -> memref<1x1x4x1024xf32, #tpu.memory_space<vmem>>
      %dma_start3A_203 = tpu.memref_squeeze %dma_start3A_202 : memref<1x1x4x1024xf32, #tpu.memory_space<vmem>> -> memref<4x1024xf32, #tpu.memory_space<vmem>>
      %dma_start3A_204 = arith.constant 0 : i32
      %dma_start3A_205 = tpu.memref_slice %arg4[%mul3A_16, %dma_start3A_199, %mul3A_2, %dma_start3A_204] : memref<50x4x128x1024xf32, #tpu.memory_space<hbm>> -> memref<1x1x4x1024xf32, #tpu.memory_space<hbm>>
      %dma_start3A_206 = tpu.memref_squeeze %dma_start3A_205 : memref<1x1x4x1024xf32, #tpu.memory_space<hbm>> -> memref<4x1024xf32, #tpu.memory_space<hbm>>
      %dma_start3A_207 = arith.constant 0 : i32
      %dma_start3A_208 = tpu.memref_slice %arg4[%mul3A_16, %dma_start3A_199, %mul3A_2, %dma_start3A_207] : memref<50x4x128x1024xf32, #tpu.memory_space<hbm>> -> memref<1x1x4x1024xf32, #tpu.memory_space<hbm>>
      %dma_start3A_209 = tpu.memref_squeeze %dma_start3A_208 : memref<1x1x4x1024xf32, #tpu.memory_space<hbm>> -> memref<4x1024xf32, #tpu.memory_space<hbm>>
      %dma_start3A_210 = arith.constant 0 : i32
      %dma_start3A_211 = arith.constant 0 : i32
      %dma_start3A_212 = tpu.memref_slice %arg8[%dma_start3A_197, %dma_start3A_198, %dma_start3A_210, %dma_start3A_211] : memref<2x4x4x1024xf32, #tpu.memory_space<vmem>> -> memref<1x1x4x1024xf32, #tpu.memory_space<vmem>>
      %dma_start3A_213 = tpu.memref_squeeze %dma_start3A_212 : memref<1x1x4x1024xf32, #tpu.memory_space<vmem>> -> memref<4x1024xf32, #tpu.memory_space<vmem>>
      tpu.enqueue_dma source(%dma_start3A_213 : memref<4x1024xf32, #tpu.memory_space<vmem>>) target(%dma_start3A_209 : memref<4x1024xf32, #tpu.memory_space<hbm>>) target_semaphore(%arg13 : memref<!tpu.dma_semaphore, #tpu.memory_space<semaphore_mem>>)
      %dma_start3A_214 = arith.constant 0 : i32
      %dma_start3A_215 = arith.constant 3 : i32
      %dma_start3A_216 = arith.constant 3 : i32
      %dma_start3A_217 = arith.constant 0 : i32
      %dma_start3A_218 = arith.constant 0 : i32
      %dma_start3A_219 = tpu.memref_slice %arg8[%dma_start3A_214, %dma_start3A_215, %dma_start3A_217, %dma_start3A_218] : memref<2x4x4x1024xf32, #tpu.memory_space<vmem>> -> memref<1x1x4x1024xf32, #tpu.memory_space<vmem>>
      %dma_start3A_220 = tpu.memref_squeeze %dma_start3A_219 : memref<1x1x4x1024xf32, #tpu.memory_space<vmem>> -> memref<4x1024xf32, #tpu.memory_space<vmem>>
      %dma_start3A_221 = arith.constant 0 : i32
      %dma_start3A_222 = tpu.memref_slice %arg4[%mul3A_16, %dma_start3A_216, %mul3A_2, %dma_start3A_221] : memref<50x4x128x1024xf32, #tpu.memory_space<hbm>> -> memref<1x1x4x1024xf32, #tpu.memory_space<hbm>>
      %dma_start3A_223 = tpu.memref_squeeze %dma_start3A_222 : memref<1x1x4x1024xf32, #tpu.memory_space<hbm>> -> memref<4x1024xf32, #tpu.memory_space<hbm>>
      %dma_start3A_224 = arith.constant 0 : i32
      %dma_start3A_225 = tpu.memref_slice %arg4[%mul3A_16, %dma_start3A_216, %mul3A_2, %dma_start3A_224] : memref<50x4x128x1024xf32, #tpu.memory_space<hbm>> -> memref<1x1x4x1024xf32, #tpu.memory_space<hbm>>
      %dma_start3A_226 = tpu.memref_squeeze %dma_start3A_225 : memref<1x1x4x1024xf32, #tpu.memory_space<hbm>> -> memref<4x1024xf32, #tpu.memory_space<hbm>>
      %dma_start3A_227 = arith.constant 0 : i32
      %dma_start3A_228 = arith.constant 0 : i32
      %dma_start3A_229 = tpu.memref_slice %arg8[%dma_start3A_214, %dma_start3A_215, %dma_start3A_227, %dma_start3A_228] : memref<2x4x4x1024xf32, #tpu.memory_space<vmem>> -> memref<1x1x4x1024xf32, #tpu.memory_space<vmem>>
      %dma_start3A_230 = tpu.memref_squeeze %dma_start3A_229 : memref<1x1x4x1024xf32, #tpu.memory_space<vmem>> -> memref<4x1024xf32, #tpu.memory_space<vmem>>
      tpu.enqueue_dma source(%dma_start3A_230 : memref<4x1024xf32, #tpu.memory_space<vmem>>) target(%dma_start3A_226 : memref<4x1024xf32, #tpu.memory_space<hbm>>) target_semaphore(%arg13 : memref<!tpu.dma_semaphore, #tpu.memory_space<semaphore_mem>>)
      %dma_wait3A_231 = arith.constant 1 : i32
      %dma_wait3A_232 = arith.constant 0 : i32
      %dma_wait3A_233 = arith.constant 0 : i32
      %dma_wait3A_234 = tpu.memref_slice %arg7[%dma_wait3A_231, %dma_wait3A_232, %dma_wait3A_233] : memref<2x512x32xf32, #tpu.memory_space<vmem>> -> memref<1x128x32xf32, #tpu.memory_space<vmem>>
      %dma_wait3A_235 = tpu.memref_squeeze %dma_wait3A_234 : memref<1x128x32xf32, #tpu.memory_space<vmem>> -> memref<128x32xf32, #tpu.memory_space<vmem>>
      %dma_wait3A_236 = tpu.memref_slice %arg6[%add3A_73] : memref<25600xi32, #tpu.memory_space<vmem>> -> memref<128xi32, #tpu.memory_space<vmem>>
      %dma_wait3A_237 = arith.constant 0 : i32
      %dma_wait3A_238 = arith.constant 0 : i32
      %dma_wait3A_239 = tpu.memref_slice %arg3[%dma_wait3A_237, %dma_wait3A_238] : memref<1000000x32xf32, #tpu.memory_space<hbm>> -> memref<1000000x32xf32, #tpu.memory_space<hbm>>
      tpu.wait_indirect_dma semaphore(%arg12 : memref<!tpu.dma_semaphore, #tpu.memory_space<semaphore_mem>>) src(%dma_wait3A_239 : memref<1000000x32xf32, #tpu.memory_space<hbm>>) dst(%dma_wait3A_235 : memref<128x32xf32, #tpu.memory_space<vmem>>)
      %dma_wait3A_240 = arith.constant 1 : i32
      %dma_wait3A_241 = arith.constant 128 : i32
      %dma_wait3A_242 = arith.constant 0 : i32
      %dma_wait3A_243 = tpu.memref_slice %arg7[%dma_wait3A_240, %dma_wait3A_241, %dma_wait3A_242] : memref<2x512x32xf32, #tpu.memory_space<vmem>> -> memref<1x128x32xf32, #tpu.memory_space<vmem>>
      %dma_wait3A_244 = tpu.memref_squeeze %dma_wait3A_243 : memref<1x128x32xf32, #tpu.memory_space<vmem>> -> memref<128x32xf32, #tpu.memory_space<vmem>>
      %dma_wait3A_245 = tpu.memref_slice %arg6[%add3A_86] : memref<25600xi32, #tpu.memory_space<vmem>> -> memref<128xi32, #tpu.memory_space<vmem>>
      %dma_wait3A_246 = arith.constant 0 : i32
      %dma_wait3A_247 = arith.constant 0 : i32
      %dma_wait3A_248 = tpu.memref_slice %arg3[%dma_wait3A_246, %dma_wait3A_247] : memref<1000000x32xf32, #tpu.memory_space<hbm>> -> memref<1000000x32xf32, #tpu.memory_space<hbm>>
      tpu.wait_indirect_dma semaphore(%arg12 : memref<!tpu.dma_semaphore, #tpu.memory_space<semaphore_mem>>) src(%dma_wait3A_248 : memref<1000000x32xf32, #tpu.memory_space<hbm>>) dst(%dma_wait3A_244 : memref<128x32xf32, #tpu.memory_space<vmem>>)
      %dma_wait3A_249 = arith.constant 1 : i32
      %dma_wait3A_250 = arith.constant 256 : i32
      %dma_wait3A_251 = arith.constant 0 : i32
      %dma_wait3A_252 = tpu.memref_slice %arg7[%dma_wait3A_249, %dma_wait3A_250, %dma_wait3A_251] : memref<2x512x32xf32, #tpu.memory_space<vmem>> -> memref<1x128x32xf32, #tpu.memory_space<vmem>>
      %dma_wait3A_253 = tpu.memref_squeeze %dma_wait3A_252 : memref<1x128x32xf32, #tpu.memory_space<vmem>> -> memref<128x32xf32, #tpu.memory_space<vmem>>
      %dma_wait3A_254 = tpu.memref_slice %arg6[%add3A_99] : memref<25600xi32, #tpu.memory_space<vmem>> -> memref<128xi32, #tpu.memory_space<vmem>>
      %dma_wait3A_255 = arith.constant 0 : i32
      %dma_wait3A_256 = arith.constant 0 : i32
      %dma_wait3A_257 = tpu.memref_slice %arg3[%dma_wait3A_255, %dma_wait3A_256] : memref<1000000x32xf32, #tpu.memory_space<hbm>> -> memref<1000000x32xf32, #tpu.memory_space<hbm>>
      tpu.wait_indirect_dma semaphore(%arg12 : memref<!tpu.dma_semaphore, #tpu.memory_space<semaphore_mem>>) src(%dma_wait3A_257 : memref<1000000x32xf32, #tpu.memory_space<hbm>>) dst(%dma_wait3A_253 : memref<128x32xf32, #tpu.memory_space<vmem>>)
      %dma_wait3A_258 = arith.constant 1 : i32
      %dma_wait3A_259 = arith.constant 384 : i32
      %dma_wait3A_260 = arith.constant 0 : i32
      %dma_wait3A_261 = tpu.memref_slice %arg7[%dma_wait3A_258, %dma_wait3A_259, %dma_wait3A_260] : memref<2x512x32xf32, #tpu.memory_space<vmem>> -> memref<1x128x32xf32, #tpu.memory_space<vmem>>
      %dma_wait3A_262 = tpu.memref_squeeze %dma_wait3A_261 : memref<1x128x32xf32, #tpu.memory_space<vmem>> -> memref<128x32xf32, #tpu.memory_space<vmem>>
      %dma_wait3A_263 = tpu.memref_slice %arg6[%add3A_112] : memref<25600xi32, #tpu.memory_space<vmem>> -> memref<128xi32, #tpu.memory_space<vmem>>
      %dma_wait3A_264 = arith.constant 0 : i32
      %dma_wait3A_265 = arith.constant 0 : i32
      %dma_wait3A_266 = tpu.memref_slice %arg3[%dma_wait3A_264, %dma_wait3A_265] : memref<1000000x32xf32, #tpu.memory_space<hbm>> -> memref<1000000x32xf32, #tpu.memory_space<hbm>>
      tpu.wait_indirect_dma semaphore(%arg12 : memref<!tpu.dma_semaphore, #tpu.memory_space<semaphore_mem>>) src(%dma_wait3A_266 : memref<1000000x32xf32, #tpu.memory_space<hbm>>) dst(%dma_wait3A_262 : memref<128x32xf32, #tpu.memory_space<vmem>>)
      %scan3A_267 = arith.constant 0 : i32
      %scan3A_268 = arith.constant 0 : i32
      %scan3A_269 = arith.constant 32 : i32
      %scan3A_270 = arith.addi %scan3A_268, %scan3A_269 : i32
      %scan3A_271 = arith.constant 1 : i32
      scf.for %scan3A_479 = %scan3A_268 to %scan3A_270 step %scan3A_271  : i32 {
        %mul3A_480 = arith.constant 16 : i32
        %mul3A_481 = arith.muli %scan3A_479, %mul3A_480 : i32
        %add3A_482 = vector.broadcast %mul3A_481 : i32 to vector<16xi32>
        %add3A_483 = arith.addi %add3A_482, %iota3A : vector<16xi32>
        %shift_right_arithmetic3A = arith.constant 7 : i32
        %shift_right_arithmetic3A_484 = arith.shrsi %mul3A_481, %shift_right_arithmetic3A : i32
        %broadcast_in_dim3A = vector.broadcast %shift_right_arithmetic3A_484 : i32 to vector<16xi32>
        %and3A = arith.constant 127 : i32
        %and3A_485 = arith.andi %mul3A_481, %and3A : i32
        %add3A_486 = vector.broadcast %and3A_485 : i32 to vector<16xi32>
        %add3A_487 = arith.addi %add3A_486, %iota3A : vector<16xi32>
        %add3A_488 = arith.constant 0 : i32
        %add3A_489 = vector.broadcast %add3A_488 : i32 to vector<16xi32>
        %add3A_490 = arith.addi %add3A_489, %iota3A : vector<16xi32>
        %and3A_491 = arith.constant 31 : i32
        %and3A_492 = vector.broadcast %and3A_491 : i32 to vector<16xi32>
        %and3A_493 = arith.andi %add3A_490, %and3A_492 : vector<16xi32>
        %gather3A = arith.constant 1 : i32
        %gather3A_494 = arith.constant 0 : i32
        %gather3A_495 = arith.constant 0 : i32
        %gather3A_496 = tpu.memref_slice %arg7[%gather3A, %gather3A_494, %gather3A_495] : memref<2x512x32xf32, #tpu.memory_space<vmem>> -> memref<1x512x32xf32, #tpu.memory_space<vmem>>
        %gather3A_497 = tpu.memref_squeeze %gather3A_496 : memref<1x512x32xf32, #tpu.memory_space<vmem>> -> memref<512x32xf32, #tpu.memory_space<vmem>>
        %gather3A_498 = tpu.vector_load_idx %gather3A_497[%add3A_483, %and3A_493] : memref<512x32xf32, #tpu.memory_space<vmem>>[vector<16xi32>, vector<16xi32>], vector<16xf32>,
        %shift_right_arithmetic3A_499 = arith.constant 3 : i32
        %shift_right_arithmetic3A_500 = vector.broadcast %shift_right_arithmetic3A_499 : i32 to vector<16xi32>
        %shift_right_arithmetic3A_501 = arith.shrsi %and3A_493, %shift_right_arithmetic3A_500 : vector<16xi32>
        %and3A_502 = arith.constant 7 : i32
        %and3A_503 = vector.broadcast %and3A_502 : i32 to vector<16xi32>
        %and3A_504 = arith.andi %and3A_493, %and3A_503 : vector<16xi32>
        %shift_left3A = arith.constant 7 : i32
        %shift_left3A_505 = vector.broadcast %shift_left3A : i32 to vector<16xi32>
        %shift_left3A_506 = arith.shli %and3A_504, %shift_left3A_505 : vector<16xi32>
        %add3A_507 = arith.addi %shift_left3A_506, %add3A_487 : vector<16xi32>
        %scatter3A = arith.constant 1 : i32
        %scatter3A_508 = arith.constant 0 : i32
        %scatter3A_509 = arith.constant 0 : i32
        %scatter3A_510 = arith.constant 0 : i32
        %scatter3A_511 = tpu.memref_slice %arg8[%scatter3A, %scatter3A_508, %scatter3A_509, %scatter3A_510] : memref<2x4x4x1024xf32, #tpu.memory_space<vmem>> -> memref<1x4x4x1024xf32, #tpu.memory_space<vmem>>
        %scatter3A_512 = tpu.memref_squeeze %scatter3A_511 : memref<1x4x4x1024xf32, #tpu.memory_space<vmem>> -> memref<4x4x1024xf32, #tpu.memory_space<vmem>>
        tpu.vector_store_idx %scatter3A_512[%shift_right_arithmetic3A_501, %broadcast_in_dim3A, %add3A_507], %gather3A_498 : memref<4x4x1024xf32, #tpu.memory_space<vmem>>[vector<16xi32>, vector<16xi32>, vector<16xi32>], vector<16xf32>,
        %add3A_513 = arith.constant 1 : i32
        %add3A_514 = vector.broadcast %add3A_513 : i32 to vector<16xi32>
        %add3A_515 = arith.addi %add3A_514, %iota3A : vector<16xi32>
        %and3A_516 = arith.constant 31 : i32
        %and3A_517 = vector.broadcast %and3A_516 : i32 to vector<16xi32>
        %and3A_518 = arith.andi %add3A_515, %and3A_517 : vector<16xi32>
        %gather3A_519 = arith.constant 1 : i32
        %gather3A_520 = arith.constant 0 : i32
        %gather3A_521 = arith.constant 0 : i32
        %gather3A_522 = tpu.memref_slice %arg7[%gather3A_519, %gather3A_520, %gather3A_521] : memref<2x512x32xf32, #tpu.memory_space<vmem>> -> memref<1x512x32xf32, #tpu.memory_space<vmem>>
        %gather3A_523 = tpu.memref_squeeze %gather3A_522 : memref<1x512x32xf32, #tpu.memory_space<vmem>> -> memref<512x32xf32, #tpu.memory_space<vmem>>
        %gather3A_524 = tpu.vector_load_idx %gather3A_523[%add3A_483, %and3A_518] : memref<512x32xf32, #tpu.memory_space<vmem>>[vector<16xi32>, vector<16xi32>], vector<16xf32>,
        %shift_right_arithmetic3A_525 = arith.constant 3 : i32
        %shift_right_arithmetic3A_526 = vector.broadcast %shift_right_arithmetic3A_525 : i32 to vector<16xi32>
        %shift_right_arithmetic3A_527 = arith.shrsi %and3A_518, %shift_right_arithmetic3A_526 : vector<16xi32>
        %and3A_528 = arith.constant 7 : i32
        %and3A_529 = vector.broadcast %and3A_528 : i32 to vector<16xi32>
        %and3A_530 = arith.andi %and3A_518, %and3A_529 : vector<16xi32>
        %shift_left3A_531 = arith.constant 7 : i32
        %shift_left3A_532 = vector.broadcast %shift_left3A_531 : i32 to vector<16xi32>
        %shift_left3A_533 = arith.shli %and3A_530, %shift_left3A_532 : vector<16xi32>
        %add3A_534 = arith.addi %shift_left3A_533, %add3A_487 : vector<16xi32>
        %scatter3A_535 = arith.constant 1 : i32
        %scatter3A_536 = arith.constant 0 : i32
        %scatter3A_537 = arith.constant 0 : i32
        %scatter3A_538 = arith.constant 0 : i32
        %scatter3A_539 = tpu.memref_slice %arg8[%scatter3A_535, %scatter3A_536, %scatter3A_537, %scatter3A_538] : memref<2x4x4x1024xf32, #tpu.memory_space<vmem>> -> memref<1x4x4x1024xf32, #tpu.memory_space<vmem>>
        %scatter3A_540 = tpu.memref_squeeze %scatter3A_539 : memref<1x4x4x1024xf32, #tpu.memory_space<vmem>> -> memref<4x4x1024xf32, #tpu.memory_space<vmem>>
        tpu.vector_store_idx %scatter3A_540[%shift_right_arithmetic3A_527, %broadcast_in_dim3A, %add3A_534], %gather3A_524 : memref<4x4x1024xf32, #tpu.memory_space<vmem>>[vector<16xi32>, vector<16xi32>, vector<16xi32>], vector<16xf32>,
        %add3A_541 = arith.constant 2 : i32
        %add3A_542 = vector.broadcast %add3A_541 : i32 to vector<16xi32>
        %add3A_543 = arith.addi %add3A_542, %iota3A : vector<16xi32>
        %and3A_544 = arith.constant 31 : i32
        %and3A_545 = vector.broadcast %and3A_544 : i32 to vector<16xi32>
        %and3A_546 = arith.andi %add3A_543, %and3A_545 : vector<16xi32>
        %gather3A_547 = arith.constant 1 : i32
        %gather3A_548 = arith.constant 0 : i32
        %gather3A_549 = arith.constant 0 : i32
        %gather3A_550 = tpu.memref_slice %arg7[%gather3A_547, %gather3A_548, %gather3A_549] : memref<2x512x32xf32, #tpu.memory_space<vmem>> -> memref<1x512x32xf32, #tpu.memory_space<vmem>>
        %gather3A_551 = tpu.memref_squeeze %gather3A_550 : memref<1x512x32xf32, #tpu.memory_space<vmem>> -> memref<512x32xf32, #tpu.memory_space<vmem>>
        %gather3A_552 = tpu.vector_load_idx %gather3A_551[%add3A_483, %and3A_546] : memref<512x32xf32, #tpu.memory_space<vmem>>[vector<16xi32>, vector<16xi32>], vector<16xf32>,
        %shift_right_arithmetic3A_553 = arith.constant 3 : i32
        %shift_right_arithmetic3A_554 = vector.broadcast %shift_right_arithmetic3A_553 : i32 to vector<16xi32>
        %shift_right_arithmetic3A_555 = arith.shrsi %and3A_546, %shift_right_arithmetic3A_554 : vector<16xi32>
        %and3A_556 = arith.constant 7 : i32
        %and3A_557 = vector.broadcast %and3A_556 : i32 to vector<16xi32>
        %and3A_558 = arith.andi %and3A_546, %and3A_557 : vector<16xi32>
        %shift_left3A_559 = arith.constant 7 : i32
        %shift_left3A_560 = vector.broadcast %shift_left3A_559 : i32 to vector<16xi32>
        %shift_left3A_561 = arith.shli %and3A_558, %shift_left3A_560 : vector<16xi32>
        %add3A_562 = arith.addi %shift_left3A_561, %add3A_487 : vector<16xi32>
        %scatter3A_563 = arith.constant 1 : i32
        %scatter3A_564 = arith.constant 0 : i32
        %scatter3A_565 = arith.constant 0 : i32
        %scatter3A_566 = arith.constant 0 : i32
        %scatter3A_567 = tpu.memref_slice %arg8[%scatter3A_563, %scatter3A_564, %scatter3A_565, %scatter3A_566] : memref<2x4x4x1024xf32, #tpu.memory_space<vmem>> -> memref<1x4x4x1024xf32, #tpu.memory_space<vmem>>
        %scatter3A_568 = tpu.memref_squeeze %scatter3A_567 : memref<1x4x4x1024xf32, #tpu.memory_space<vmem>> -> memref<4x4x1024xf32, #tpu.memory_space<vmem>>
        tpu.vector_store_idx %scatter3A_568[%shift_right_arithmetic3A_555, %broadcast_in_dim3A, %add3A_562], %gather3A_552 : memref<4x4x1024xf32, #tpu.memory_space<vmem>>[vector<16xi32>, vector<16xi32>, vector<16xi32>], vector<16xf32>,
        %add3A_569 = arith.constant 3 : i32
        %add3A_570 = vector.broadcast %add3A_569 : i32 to vector<16xi32>
        %add3A_571 = arith.addi %add3A_570, %iota3A : vector<16xi32>
        %and3A_572 = arith.constant 31 : i32
        %and3A_573 = vector.broadcast %and3A_572 : i32 to vector<16xi32>
        %and3A_574 = arith.andi %add3A_571, %and3A_573 : vector<16xi32>
        %gather3A_575 = arith.constant 1 : i32
        %gather3A_576 = arith.constant 0 : i32
        %gather3A_577 = arith.constant 0 : i32
        %gather3A_578 = tpu.memref_slice %arg7[%gather3A_575, %gather3A_576, %gather3A_577] : memref<2x512x32xf32, #tpu.memory_space<vmem>> -> memref<1x512x32xf32, #tpu.memory_space<vmem>>
        %gather3A_579 = tpu.memref_squeeze %gather3A_578 : memref<1x512x32xf32, #tpu.memory_space<vmem>> -> memref<512x32xf32, #tpu.memory_space<vmem>>
        %gather3A_580 = tpu.vector_load_idx %gather3A_579[%add3A_483, %and3A_574] : memref<512x32xf32, #tpu.memory_space<vmem>>[vector<16xi32>, vector<16xi32>], vector<16xf32>,
        %shift_right_arithmetic3A_581 = arith.constant 3 : i32
        %shift_right_arithmetic3A_582 = vector.broadcast %shift_right_arithmetic3A_581 : i32 to vector<16xi32>
        %shift_right_arithmetic3A_583 = arith.shrsi %and3A_574, %shift_right_arithmetic3A_582 : vector<16xi32>
        %and3A_584 = arith.constant 7 : i32
        %and3A_585 = vector.broadcast %and3A_584 : i32 to vector<16xi32>
        %and3A_586 = arith.andi %and3A_574, %and3A_585 : vector<16xi32>
        %shift_left3A_587 = arith.constant 7 : i32
        %shift_left3A_588 = vector.broadcast %shift_left3A_587 : i32 to vector<16xi32>
        %shift_left3A_589 = arith.shli %and3A_586, %shift_left3A_588 : vector<16xi32>
        %add3A_590 = arith.addi %shift_left3A_589, %add3A_487 : vector<16xi32>
        %scatter3A_591 = arith.constant 1 : i32
        %scatter3A_592 = arith.constant 0 : i32
        %scatter3A_593 = arith.constant 0 : i32
        %scatter3A_594 = arith.constant 0 : i32
        %scatter3A_595 = tpu.memref_slice %arg8[%scatter3A_591, %scatter3A_592, %scatter3A_593, %scatter3A_594] : memref<2x4x4x1024xf32, #tpu.memory_space<vmem>> -> memref<1x4x4x1024xf32, #tpu.memory_space<vmem>>
        %scatter3A_596 = tpu.memref_squeeze %scatter3A_595 : memref<1x4x4x1024xf32, #tpu.memory_space<vmem>> -> memref<4x4x1024xf32, #tpu.memory_space<vmem>>
        tpu.vector_store_idx %scatter3A_596[%shift_right_arithmetic3A_583, %broadcast_in_dim3A, %add3A_590], %gather3A_580 : memref<4x4x1024xf32, #tpu.memory_space<vmem>>[vector<16xi32>, vector<16xi32>, vector<16xi32>], vector<16xf32>,
        %add3A_597 = arith.constant 4 : i32
        %add3A_598 = vector.broadcast %add3A_597 : i32 to vector<16xi32>
        %add3A_599 = arith.addi %add3A_598, %iota3A : vector<16xi32>
        %and3A_600 = arith.constant 31 : i32
        %and3A_601 = vector.broadcast %and3A_600 : i32 to vector<16xi32>
        %and3A_602 = arith.andi %add3A_599, %and3A_601 : vector<16xi32>
        %gather3A_603 = arith.constant 1 : i32
        %gather3A_604 = arith.constant 0 : i32
        %gather3A_605 = arith.constant 0 : i32
        %gather3A_606 = tpu.memref_slice %arg7[%gather3A_603, %gather3A_604, %gather3A_605] : memref<2x512x32xf32, #tpu.memory_space<vmem>> -> memref<1x512x32xf32, #tpu.memory_space<vmem>>
        %gather3A_607 = tpu.memref_squeeze %gather3A_606 : memref<1x512x32xf32, #tpu.memory_space<vmem>> -> memref<512x32xf32, #tpu.memory_space<vmem>>
        %gather3A_608 = tpu.vector_load_idx %gather3A_607[%add3A_483, %and3A_602] : memref<512x32xf32, #tpu.memory_space<vmem>>[vector<16xi32>, vector<16xi32>], vector<16xf32>,
        %shift_right_arithmetic3A_609 = arith.constant 3 : i32
        %shift_right_arithmetic3A_610 = vector.broadcast %shift_right_arithmetic3A_609 : i32 to vector<16xi32>
        %shift_right_arithmetic3A_611 = arith.shrsi %and3A_602, %shift_right_arithmetic3A_610 : vector<16xi32>
        %and3A_612 = arith.constant 7 : i32
        %and3A_613 = vector.broadcast %and3A_612 : i32 to vector<16xi32>
        %and3A_614 = arith.andi %and3A_602, %and3A_613 : vector<16xi32>
        %shift_left3A_615 = arith.constant 7 : i32
        %shift_left3A_616 = vector.broadcast %shift_left3A_615 : i32 to vector<16xi32>
        %shift_left3A_617 = arith.shli %and3A_614, %shift_left3A_616 : vector<16xi32>
        %add3A_618 = arith.addi %shift_left3A_617, %add3A_487 : vector<16xi32>
        %scatter3A_619 = arith.constant 1 : i32
        %scatter3A_620 = arith.constant 0 : i32
        %scatter3A_621 = arith.constant 0 : i32
        %scatter3A_622 = arith.constant 0 : i32
        %scatter3A_623 = tpu.memref_slice %arg8[%scatter3A_619, %scatter3A_620, %scatter3A_621, %scatter3A_622] : memref<2x4x4x1024xf32, #tpu.memory_space<vmem>> -> memref<1x4x4x1024xf32, #tpu.memory_space<vmem>>
        %scatter3A_624 = tpu.memref_squeeze %scatter3A_623 : memref<1x4x4x1024xf32, #tpu.memory_space<vmem>> -> memref<4x4x1024xf32, #tpu.memory_space<vmem>>
        tpu.vector_store_idx %scatter3A_624[%shift_right_arithmetic3A_611, %broadcast_in_dim3A, %add3A_618], %gather3A_608 : memref<4x4x1024xf32, #tpu.memory_space<vmem>>[vector<16xi32>, vector<16xi32>, vector<16xi32>], vector<16xf32>,
        %add3A_625 = arith.constant 5 : i32
        %add3A_626 = vector.broadcast %add3A_625 : i32 to vector<16xi32>
        %add3A_627 = arith.addi %add3A_626, %iota3A : vector<16xi32>
        %and3A_628 = arith.constant 31 : i32
        %and3A_629 = vector.broadcast %and3A_628 : i32 to vector<16xi32>
        %and3A_630 = arith.andi %add3A_627, %and3A_629 : vector<16xi32>
        %gather3A_631 = arith.constant 1 : i32
        %gather3A_632 = arith.constant 0 : i32
        %gather3A_633 = arith.constant 0 : i32
        %gather3A_634 = tpu.memref_slice %arg7[%gather3A_631, %gather3A_632, %gather3A_633] : memref<2x512x32xf32, #tpu.memory_space<vmem>> -> memref<1x512x32xf32, #tpu.memory_space<vmem>>
        %gather3A_635 = tpu.memref_squeeze %gather3A_634 : memref<1x512x32xf32, #tpu.memory_space<vmem>> -> memref<512x32xf32, #tpu.memory_space<vmem>>
        %gather3A_636 = tpu.vector_load_idx %gather3A_635[%add3A_483, %and3A_630] : memref<512x32xf32, #tpu.memory_space<vmem>>[vector<16xi32>, vector<16xi32>], vector<16xf32>,
        %shift_right_arithmetic3A_637 = arith.constant 3 : i32
        %shift_right_arithmetic3A_638 = vector.broadcast %shift_right_arithmetic3A_637 : i32 to vector<16xi32>
        %shift_right_arithmetic3A_639 = arith.shrsi %and3A_630, %shift_right_arithmetic3A_638 : vector<16xi32>
        %and3A_640 = arith.constant 7 : i32
        %and3A_641 = vector.broadcast %and3A_640 : i32 to vector<16xi32>
        %and3A_642 = arith.andi %and3A_630, %and3A_641 : vector<16xi32>
        %shift_left3A_643 = arith.constant 7 : i32
        %shift_left3A_644 = vector.broadcast %shift_left3A_643 : i32 to vector<16xi32>
        %shift_left3A_645 = arith.shli %and3A_642, %shift_left3A_644 : vector<16xi32>
        %add3A_646 = arith.addi %shift_left3A_645, %add3A_487 : vector<16xi32>
        %scatter3A_647 = arith.constant 1 : i32
        %scatter3A_648 = arith.constant 0 : i32
        %scatter3A_649 = arith.constant 0 : i32
        %scatter3A_650 = arith.constant 0 : i32
        %scatter3A_651 = tpu.memref_slice %arg8[%scatter3A_647, %scatter3A_648, %scatter3A_649, %scatter3A_650] : memref<2x4x4x1024xf32, #tpu.memory_space<vmem>> -> memref<1x4x4x1024xf32, #tpu.memory_space<vmem>>
        %scatter3A_652 = tpu.memref_squeeze %scatter3A_651 : memref<1x4x4x1024xf32, #tpu.memory_space<vmem>> -> memref<4x4x1024xf32, #tpu.memory_space<vmem>>
        tpu.vector_store_idx %scatter3A_652[%shift_right_arithmetic3A_639, %broadcast_in_dim3A, %add3A_646], %gather3A_636 : memref<4x4x1024xf32, #tpu.memory_space<vmem>>[vector<16xi32>, vector<16xi32>, vector<16xi32>], vector<16xf32>,
        %add3A_653 = arith.constant 6 : i32
        %add3A_654 = vector.broadcast %add3A_653 : i32 to vector<16xi32>
        %add3A_655 = arith.addi %add3A_654, %iota3A : vector<16xi32>
        %and3A_656 = arith.constant 31 : i32
        %and3A_657 = vector.broadcast %and3A_656 : i32 to vector<16xi32>
        %and3A_658 = arith.andi %add3A_655, %and3A_657 : vector<16xi32>
        %gather3A_659 = arith.constant 1 : i32
        %gather3A_660 = arith.constant 0 : i32
        %gather3A_661 = arith.constant 0 : i32
        %gather3A_662 = tpu.memref_slice %arg7[%gather3A_659, %gather3A_660, %gather3A_661] : memref<2x512x32xf32, #tpu.memory_space<vmem>> -> memref<1x512x32xf32, #tpu.memory_space<vmem>>
        %gather3A_663 = tpu.memref_squeeze %gather3A_662 : memref<1x512x32xf32, #tpu.memory_space<vmem>> -> memref<512x32xf32, #tpu.memory_space<vmem>>
        %gather3A_664 = tpu.vector_load_idx %gather3A_663[%add3A_483, %and3A_658] : memref<512x32xf32, #tpu.memory_space<vmem>>[vector<16xi32>, vector<16xi32>], vector<16xf32>,
        %shift_right_arithmetic3A_665 = arith.constant 3 : i32
        %shift_right_arithmetic3A_666 = vector.broadcast %shift_right_arithmetic3A_665 : i32 to vector<16xi32>
        %shift_right_arithmetic3A_667 = arith.shrsi %and3A_658, %shift_right_arithmetic3A_666 : vector<16xi32>
        %and3A_668 = arith.constant 7 : i32
        %and3A_669 = vector.broadcast %and3A_668 : i32 to vector<16xi32>
        %and3A_670 = arith.andi %and3A_658, %and3A_669 : vector<16xi32>
        %shift_left3A_671 = arith.constant 7 : i32
        %shift_left3A_672 = vector.broadcast %shift_left3A_671 : i32 to vector<16xi32>
        %shift_left3A_673 = arith.shli %and3A_670, %shift_left3A_672 : vector<16xi32>
        %add3A_674 = arith.addi %shift_left3A_673, %add3A_487 : vector<16xi32>
        %scatter3A_675 = arith.constant 1 : i32
        %scatter3A_676 = arith.constant 0 : i32
        %scatter3A_677 = arith.constant 0 : i32
        %scatter3A_678 = arith.constant 0 : i32
        %scatter3A_679 = tpu.memref_slice %arg8[%scatter3A_675, %scatter3A_676, %scatter3A_677, %scatter3A_678] : memref<2x4x4x1024xf32, #tpu.memory_space<vmem>> -> memref<1x4x4x1024xf32, #tpu.memory_space<vmem>>
        %scatter3A_680 = tpu.memref_squeeze %scatter3A_679 : memref<1x4x4x1024xf32, #tpu.memory_space<vmem>> -> memref<4x4x1024xf32, #tpu.memory_space<vmem>>
        tpu.vector_store_idx %scatter3A_680[%shift_right_arithmetic3A_667, %broadcast_in_dim3A, %add3A_674], %gather3A_664 : memref<4x4x1024xf32, #tpu.memory_space<vmem>>[vector<16xi32>, vector<16xi32>, vector<16xi32>], vector<16xf32>,
        %add3A_681 = arith.constant 7 : i32
        %add3A_682 = vector.broadcast %add3A_681 : i32 to vector<16xi32>
        %add3A_683 = arith.addi %add3A_682, %iota3A : vector<16xi32>
        %and3A_684 = arith.constant 31 : i32
        %and3A_685 = vector.broadcast %and3A_684 : i32 to vector<16xi32>
        %and3A_686 = arith.andi %add3A_683, %and3A_685 : vector<16xi32>
        %gather3A_687 = arith.constant 1 : i32
        %gather3A_688 = arith.constant 0 : i32
        %gather3A_689 = arith.constant 0 : i32
        %gather3A_690 = tpu.memref_slice %arg7[%gather3A_687, %gather3A_688, %gather3A_689] : memref<2x512x32xf32, #tpu.memory_space<vmem>> -> memref<1x512x32xf32, #tpu.memory_space<vmem>>
        %gather3A_691 = tpu.memref_squeeze %gather3A_690 : memref<1x512x32xf32, #tpu.memory_space<vmem>> -> memref<512x32xf32, #tpu.memory_space<vmem>>
        %gather3A_692 = tpu.vector_load_idx %gather3A_691[%add3A_483, %and3A_686] : memref<512x32xf32, #tpu.memory_space<vmem>>[vector<16xi32>, vector<16xi32>], vector<16xf32>,
        %shift_right_arithmetic3A_693 = arith.constant 3 : i32
        %shift_right_arithmetic3A_694 = vector.broadcast %shift_right_arithmetic3A_693 : i32 to vector<16xi32>
        %shift_right_arithmetic3A_695 = arith.shrsi %and3A_686, %shift_right_arithmetic3A_694 : vector<16xi32>
        %and3A_696 = arith.constant 7 : i32
        %and3A_697 = vector.broadcast %and3A_696 : i32 to vector<16xi32>
        %and3A_698 = arith.andi %and3A_686, %and3A_697 : vector<16xi32>
        %shift_left3A_699 = arith.constant 7 : i32
        %shift_left3A_700 = vector.broadcast %shift_left3A_699 : i32 to vector<16xi32>
        %shift_left3A_701 = arith.shli %and3A_698, %shift_left3A_700 : vector<16xi32>
        %add3A_702 = arith.addi %shift_left3A_701, %add3A_487 : vector<16xi32>
        %scatter3A_703 = arith.constant 1 : i32
        %scatter3A_704 = arith.constant 0 : i32
        %scatter3A_705 = arith.constant 0 : i32
        %scatter3A_706 = arith.constant 0 : i32
        %scatter3A_707 = tpu.memref_slice %arg8[%scatter3A_703, %scatter3A_704, %scatter3A_705, %scatter3A_706] : memref<2x4x4x1024xf32, #tpu.memory_space<vmem>> -> memref<1x4x4x1024xf32, #tpu.memory_space<vmem>>
        %scatter3A_708 = tpu.memref_squeeze %scatter3A_707 : memref<1x4x4x1024xf32, #tpu.memory_space<vmem>> -> memref<4x4x1024xf32, #tpu.memory_space<vmem>>
        tpu.vector_store_idx %scatter3A_708[%shift_right_arithmetic3A_695, %broadcast_in_dim3A, %add3A_702], %gather3A_692 : memref<4x4x1024xf32, #tpu.memory_space<vmem>>[vector<16xi32>, vector<16xi32>, vector<16xi32>], vector<16xf32>,
        %add3A_709 = arith.constant 8 : i32
        %add3A_710 = vector.broadcast %add3A_709 : i32 to vector<16xi32>
        %add3A_711 = arith.addi %add3A_710, %iota3A : vector<16xi32>
        %and3A_712 = arith.constant 31 : i32
        %and3A_713 = vector.broadcast %and3A_712 : i32 to vector<16xi32>
        %and3A_714 = arith.andi %add3A_711, %and3A_713 : vector<16xi32>
        %gather3A_715 = arith.constant 1 : i32
        %gather3A_716 = arith.constant 0 : i32
        %gather3A_717 = arith.constant 0 : i32
        %gather3A_718 = tpu.memref_slice %arg7[%gather3A_715, %gather3A_716, %gather3A_717] : memref<2x512x32xf32, #tpu.memory_space<vmem>> -> memref<1x512x32xf32, #tpu.memory_space<vmem>>
        %gather3A_719 = tpu.memref_squeeze %gather3A_718 : memref<1x512x32xf32, #tpu.memory_space<vmem>> -> memref<512x32xf32, #tpu.memory_space<vmem>>
        %gather3A_720 = tpu.vector_load_idx %gather3A_719[%add3A_483, %and3A_714] : memref<512x32xf32, #tpu.memory_space<vmem>>[vector<16xi32>, vector<16xi32>], vector<16xf32>,
        %shift_right_arithmetic3A_721 = arith.constant 3 : i32
        %shift_right_arithmetic3A_722 = vector.broadcast %shift_right_arithmetic3A_721 : i32 to vector<16xi32>
        %shift_right_arithmetic3A_723 = arith.shrsi %and3A_714, %shift_right_arithmetic3A_722 : vector<16xi32>
        %and3A_724 = arith.constant 7 : i32
        %and3A_725 = vector.broadcast %and3A_724 : i32 to vector<16xi32>
        %and3A_726 = arith.andi %and3A_714, %and3A_725 : vector<16xi32>
        %shift_left3A_727 = arith.constant 7 : i32
        %shift_left3A_728 = vector.broadcast %shift_left3A_727 : i32 to vector<16xi32>
        %shift_left3A_729 = arith.shli %and3A_726, %shift_left3A_728 : vector<16xi32>
        %add3A_730 = arith.addi %shift_left3A_729, %add3A_487 : vector<16xi32>
        %scatter3A_731 = arith.constant 1 : i32
        %scatter3A_732 = arith.constant 0 : i32
        %scatter3A_733 = arith.constant 0 : i32
        %scatter3A_734 = arith.constant 0 : i32
        %scatter3A_735 = tpu.memref_slice %arg8[%scatter3A_731, %scatter3A_732, %scatter3A_733, %scatter3A_734] : memref<2x4x4x1024xf32, #tpu.memory_space<vmem>> -> memref<1x4x4x1024xf32, #tpu.memory_space<vmem>>
        %scatter3A_736 = tpu.memref_squeeze %scatter3A_735 : memref<1x4x4x1024xf32, #tpu.memory_space<vmem>> -> memref<4x4x1024xf32, #tpu.memory_space<vmem>>
        tpu.vector_store_idx %scatter3A_736[%shift_right_arithmetic3A_723, %broadcast_in_dim3A, %add3A_730], %gather3A_720 : memref<4x4x1024xf32, #tpu.memory_space<vmem>>[vector<16xi32>, vector<16xi32>, vector<16xi32>], vector<16xf32>,
        %add3A_737 = arith.constant 9 : i32
        %add3A_738 = vector.broadcast %add3A_737 : i32 to vector<16xi32>
        %add3A_739 = arith.addi %add3A_738, %iota3A : vector<16xi32>
        %and3A_740 = arith.constant 31 : i32
        %and3A_741 = vector.broadcast %and3A_740 : i32 to vector<16xi32>
        %and3A_742 = arith.andi %add3A_739, %and3A_741 : vector<16xi32>
        %gather3A_743 = arith.constant 1 : i32
        %gather3A_744 = arith.constant 0 : i32
        %gather3A_745 = arith.constant 0 : i32
        %gather3A_746 = tpu.memref_slice %arg7[%gather3A_743, %gather3A_744, %gather3A_745] : memref<2x512x32xf32, #tpu.memory_space<vmem>> -> memref<1x512x32xf32, #tpu.memory_space<vmem>>
        %gather3A_747 = tpu.memref_squeeze %gather3A_746 : memref<1x512x32xf32, #tpu.memory_space<vmem>> -> memref<512x32xf32, #tpu.memory_space<vmem>>
        %gather3A_748 = tpu.vector_load_idx %gather3A_747[%add3A_483, %and3A_742] : memref<512x32xf32, #tpu.memory_space<vmem>>[vector<16xi32>, vector<16xi32>], vector<16xf32>,
        %shift_right_arithmetic3A_749 = arith.constant 3 : i32
        %shift_right_arithmetic3A_750 = vector.broadcast %shift_right_arithmetic3A_749 : i32 to vector<16xi32>
        %shift_right_arithmetic3A_751 = arith.shrsi %and3A_742, %shift_right_arithmetic3A_750 : vector<16xi32>
        %and3A_752 = arith.constant 7 : i32
        %and3A_753 = vector.broadcast %and3A_752 : i32 to vector<16xi32>
        %and3A_754 = arith.andi %and3A_742, %and3A_753 : vector<16xi32>
        %shift_left3A_755 = arith.constant 7 : i32
        %shift_left3A_756 = vector.broadcast %shift_left3A_755 : i32 to vector<16xi32>
        %shift_left3A_757 = arith.shli %and3A_754, %shift_left3A_756 : vector<16xi32>
        %add3A_758 = arith.addi %shift_left3A_757, %add3A_487 : vector<16xi32>
        %scatter3A_759 = arith.constant 1 : i32
        %scatter3A_760 = arith.constant 0 : i32
        %scatter3A_761 = arith.constant 0 : i32
        %scatter3A_762 = arith.constant 0 : i32
        %scatter3A_763 = tpu.memref_slice %arg8[%scatter3A_759, %scatter3A_760, %scatter3A_761, %scatter3A_762] : memref<2x4x4x1024xf32, #tpu.memory_space<vmem>> -> memref<1x4x4x1024xf32, #tpu.memory_space<vmem>>
        %scatter3A_764 = tpu.memref_squeeze %scatter3A_763 : memref<1x4x4x1024xf32, #tpu.memory_space<vmem>> -> memref<4x4x1024xf32, #tpu.memory_space<vmem>>
        tpu.vector_store_idx %scatter3A_764[%shift_right_arithmetic3A_751, %broadcast_in_dim3A, %add3A_758], %gather3A_748 : memref<4x4x1024xf32, #tpu.memory_space<vmem>>[vector<16xi32>, vector<16xi32>, vector<16xi32>], vector<16xf32>,
        %add3A_765 = arith.constant 10 : i32
        %add3A_766 = vector.broadcast %add3A_765 : i32 to vector<16xi32>
        %add3A_767 = arith.addi %add3A_766, %iota3A : vector<16xi32>
        %and3A_768 = arith.constant 31 : i32
        %and3A_769 = vector.broadcast %and3A_768 : i32 to vector<16xi32>
        %and3A_770 = arith.andi %add3A_767, %and3A_769 : vector<16xi32>
        %gather3A_771 = arith.constant 1 : i32
        %gather3A_772 = arith.constant 0 : i32
        %gather3A_773 = arith.constant 0 : i32
        %gather3A_774 = tpu.memref_slice %arg7[%gather3A_771, %gather3A_772, %gather3A_773] : memref<2x512x32xf32, #tpu.memory_space<vmem>> -> memref<1x512x32xf32, #tpu.memory_space<vmem>>
        %gather3A_775 = tpu.memref_squeeze %gather3A_774 : memref<1x512x32xf32, #tpu.memory_space<vmem>> -> memref<512x32xf32, #tpu.memory_space<vmem>>
        %gather3A_776 = tpu.vector_load_idx %gather3A_775[%add3A_483, %and3A_770] : memref<512x32xf32, #tpu.memory_space<vmem>>[vector<16xi32>, vector<16xi32>], vector<16xf32>,
        %shift_right_arithmetic3A_777 = arith.constant 3 : i32
        %shift_right_arithmetic3A_778 = vector.broadcast %shift_right_arithmetic3A_777 : i32 to vector<16xi32>
        %shift_right_arithmetic3A_779 = arith.shrsi %and3A_770, %shift_right_arithmetic3A_778 : vector<16xi32>
        %and3A_780 = arith.constant 7 : i32
        %and3A_781 = vector.broadcast %and3A_780 : i32 to vector<16xi32>
        %and3A_782 = arith.andi %and3A_770, %and3A_781 : vector<16xi32>
        %shift_left3A_783 = arith.constant 7 : i32
        %shift_left3A_784 = vector.broadcast %shift_left3A_783 : i32 to vector<16xi32>
        %shift_left3A_785 = arith.shli %and3A_782, %shift_left3A_784 : vector<16xi32>
        %add3A_786 = arith.addi %shift_left3A_785, %add3A_487 : vector<16xi32>
        %scatter3A_787 = arith.constant 1 : i32
        %scatter3A_788 = arith.constant 0 : i32
        %scatter3A_789 = arith.constant 0 : i32
        %scatter3A_790 = arith.constant 0 : i32
        %scatter3A_791 = tpu.memref_slice %arg8[%scatter3A_787, %scatter3A_788, %scatter3A_789, %scatter3A_790] : memref<2x4x4x1024xf32, #tpu.memory_space<vmem>> -> memref<1x4x4x1024xf32, #tpu.memory_space<vmem>>
        %scatter3A_792 = tpu.memref_squeeze %scatter3A_791 : memref<1x4x4x1024xf32, #tpu.memory_space<vmem>> -> memref<4x4x1024xf32, #tpu.memory_space<vmem>>
        tpu.vector_store_idx %scatter3A_792[%shift_right_arithmetic3A_779, %broadcast_in_dim3A, %add3A_786], %gather3A_776 : memref<4x4x1024xf32, #tpu.memory_space<vmem>>[vector<16xi32>, vector<16xi32>, vector<16xi32>], vector<16xf32>,
        %add3A_793 = arith.constant 11 : i32
        %add3A_794 = vector.broadcast %add3A_793 : i32 to vector<16xi32>
        %add3A_795 = arith.addi %add3A_794, %iota3A : vector<16xi32>
        %and3A_796 = arith.constant 31 : i32
        %and3A_797 = vector.broadcast %and3A_796 : i32 to vector<16xi32>
        %and3A_798 = arith.andi %add3A_795, %and3A_797 : vector<16xi32>
        %gather3A_799 = arith.constant 1 : i32
        %gather3A_800 = arith.constant 0 : i32
        %gather3A_801 = arith.constant 0 : i32
        %gather3A_802 = tpu.memref_slice %arg7[%gather3A_799, %gather3A_800, %gather3A_801] : memref<2x512x32xf32, #tpu.memory_space<vmem>> -> memref<1x512x32xf32, #tpu.memory_space<vmem>>
        %gather3A_803 = tpu.memref_squeeze %gather3A_802 : memref<1x512x32xf32, #tpu.memory_space<vmem>> -> memref<512x32xf32, #tpu.memory_space<vmem>>
        %gather3A_804 = tpu.vector_load_idx %gather3A_803[%add3A_483, %and3A_798] : memref<512x32xf32, #tpu.memory_space<vmem>>[vector<16xi32>, vector<16xi32>], vector<16xf32>,
        %shift_right_arithmetic3A_805 = arith.constant 3 : i32
        %shift_right_arithmetic3A_806 = vector.broadcast %shift_right_arithmetic3A_805 : i32 to vector<16xi32>
        %shift_right_arithmetic3A_807 = arith.shrsi %and3A_798, %shift_right_arithmetic3A_806 : vector<16xi32>
        %and3A_808 = arith.constant 7 : i32
        %and3A_809 = vector.broadcast %and3A_808 : i32 to vector<16xi32>
        %and3A_810 = arith.andi %and3A_798, %and3A_809 : vector<16xi32>
        %shift_left3A_811 = arith.constant 7 : i32
        %shift_left3A_812 = vector.broadcast %shift_left3A_811 : i32 to vector<16xi32>
        %shift_left3A_813 = arith.shli %and3A_810, %shift_left3A_812 : vector<16xi32>
        %add3A_814 = arith.addi %shift_left3A_813, %add3A_487 : vector<16xi32>
        %scatter3A_815 = arith.constant 1 : i32
        %scatter3A_816 = arith.constant 0 : i32
        %scatter3A_817 = arith.constant 0 : i32
        %scatter3A_818 = arith.constant 0 : i32
        %scatter3A_819 = tpu.memref_slice %arg8[%scatter3A_815, %scatter3A_816, %scatter3A_817, %scatter3A_818] : memref<2x4x4x1024xf32, #tpu.memory_space<vmem>> -> memref<1x4x4x1024xf32, #tpu.memory_space<vmem>>
        %scatter3A_820 = tpu.memref_squeeze %scatter3A_819 : memref<1x4x4x1024xf32, #tpu.memory_space<vmem>> -> memref<4x4x1024xf32, #tpu.memory_space<vmem>>
        tpu.vector_store_idx %scatter3A_820[%shift_right_arithmetic3A_807, %broadcast_in_dim3A, %add3A_814], %gather3A_804 : memref<4x4x1024xf32, #tpu.memory_space<vmem>>[vector<16xi32>, vector<16xi32>, vector<16xi32>], vector<16xf32>,
        %add3A_821 = arith.constant 12 : i32
        %add3A_822 = vector.broadcast %add3A_821 : i32 to vector<16xi32>
        %add3A_823 = arith.addi %add3A_822, %iota3A : vector<16xi32>
        %and3A_824 = arith.constant 31 : i32
        %and3A_825 = vector.broadcast %and3A_824 : i32 to vector<16xi32>
        %and3A_826 = arith.andi %add3A_823, %and3A_825 : vector<16xi32>
        %gather3A_827 = arith.constant 1 : i32
        %gather3A_828 = arith.constant 0 : i32
        %gather3A_829 = arith.constant 0 : i32
        %gather3A_830 = tpu.memref_slice %arg7[%gather3A_827, %gather3A_828, %gather3A_829] : memref<2x512x32xf32, #tpu.memory_space<vmem>> -> memref<1x512x32xf32, #tpu.memory_space<vmem>>
        %gather3A_831 = tpu.memref_squeeze %gather3A_830 : memref<1x512x32xf32, #tpu.memory_space<vmem>> -> memref<512x32xf32, #tpu.memory_space<vmem>>
        %gather3A_832 = tpu.vector_load_idx %gather3A_831[%add3A_483, %and3A_826] : memref<512x32xf32, #tpu.memory_space<vmem>>[vector<16xi32>, vector<16xi32>], vector<16xf32>,
        %shift_right_arithmetic3A_833 = arith.constant 3 : i32
        %shift_right_arithmetic3A_834 = vector.broadcast %shift_right_arithmetic3A_833 : i32 to vector<16xi32>
        %shift_right_arithmetic3A_835 = arith.shrsi %and3A_826, %shift_right_arithmetic3A_834 : vector<16xi32>
        %and3A_836 = arith.constant 7 : i32
        %and3A_837 = vector.broadcast %and3A_836 : i32 to vector<16xi32>
        %and3A_838 = arith.andi %and3A_826, %and3A_837 : vector<16xi32>
        %shift_left3A_839 = arith.constant 7 : i32
        %shift_left3A_840 = vector.broadcast %shift_left3A_839 : i32 to vector<16xi32>
        %shift_left3A_841 = arith.shli %and3A_838, %shift_left3A_840 : vector<16xi32>
        %add3A_842 = arith.addi %shift_left3A_841, %add3A_487 : vector<16xi32>
        %scatter3A_843 = arith.constant 1 : i32
        %scatter3A_844 = arith.constant 0 : i32
        %scatter3A_845 = arith.constant 0 : i32
        %scatter3A_846 = arith.constant 0 : i32
        %scatter3A_847 = tpu.memref_slice %arg8[%scatter3A_843, %scatter3A_844, %scatter3A_845, %scatter3A_846] : memref<2x4x4x1024xf32, #tpu.memory_space<vmem>> -> memref<1x4x4x1024xf32, #tpu.memory_space<vmem>>
        %scatter3A_848 = tpu.memref_squeeze %scatter3A_847 : memref<1x4x4x1024xf32, #tpu.memory_space<vmem>> -> memref<4x4x1024xf32, #tpu.memory_space<vmem>>
        tpu.vector_store_idx %scatter3A_848[%shift_right_arithmetic3A_835, %broadcast_in_dim3A, %add3A_842], %gather3A_832 : memref<4x4x1024xf32, #tpu.memory_space<vmem>>[vector<16xi32>, vector<16xi32>, vector<16xi32>], vector<16xf32>,
        %add3A_849 = arith.constant 13 : i32
        %add3A_850 = vector.broadcast %add3A_849 : i32 to vector<16xi32>
        %add3A_851 = arith.addi %add3A_850, %iota3A : vector<16xi32>
        %and3A_852 = arith.constant 31 : i32
        %and3A_853 = vector.broadcast %and3A_852 : i32 to vector<16xi32>
        %and3A_854 = arith.andi %add3A_851, %and3A_853 : vector<16xi32>
        %gather3A_855 = arith.constant 1 : i32
        %gather3A_856 = arith.constant 0 : i32
        %gather3A_857 = arith.constant 0 : i32
        %gather3A_858 = tpu.memref_slice %arg7[%gather3A_855, %gather3A_856, %gather3A_857] : memref<2x512x32xf32, #tpu.memory_space<vmem>> -> memref<1x512x32xf32, #tpu.memory_space<vmem>>
        %gather3A_859 = tpu.memref_squeeze %gather3A_858 : memref<1x512x32xf32, #tpu.memory_space<vmem>> -> memref<512x32xf32, #tpu.memory_space<vmem>>
        %gather3A_860 = tpu.vector_load_idx %gather3A_859[%add3A_483, %and3A_854] : memref<512x32xf32, #tpu.memory_space<vmem>>[vector<16xi32>, vector<16xi32>], vector<16xf32>,
        %shift_right_arithmetic3A_861 = arith.constant 3 : i32
        %shift_right_arithmetic3A_862 = vector.broadcast %shift_right_arithmetic3A_861 : i32 to vector<16xi32>
        %shift_right_arithmetic3A_863 = arith.shrsi %and3A_854, %shift_right_arithmetic3A_862 : vector<16xi32>
        %and3A_864 = arith.constant 7 : i32
        %and3A_865 = vector.broadcast %and3A_864 : i32 to vector<16xi32>
        %and3A_866 = arith.andi %and3A_854, %and3A_865 : vector<16xi32>
        %shift_left3A_867 = arith.constant 7 : i32
        %shift_left3A_868 = vector.broadcast %shift_left3A_867 : i32 to vector<16xi32>
        %shift_left3A_869 = arith.shli %and3A_866, %shift_left3A_868 : vector<16xi32>
        %add3A_870 = arith.addi %shift_left3A_869, %add3A_487 : vector<16xi32>
        %scatter3A_871 = arith.constant 1 : i32
        %scatter3A_872 = arith.constant 0 : i32
        %scatter3A_873 = arith.constant 0 : i32
        %scatter3A_874 = arith.constant 0 : i32
        %scatter3A_875 = tpu.memref_slice %arg8[%scatter3A_871, %scatter3A_872, %scatter3A_873, %scatter3A_874] : memref<2x4x4x1024xf32, #tpu.memory_space<vmem>> -> memref<1x4x4x1024xf32, #tpu.memory_space<vmem>>
        %scatter3A_876 = tpu.memref_squeeze %scatter3A_875 : memref<1x4x4x1024xf32, #tpu.memory_space<vmem>> -> memref<4x4x1024xf32, #tpu.memory_space<vmem>>
        tpu.vector_store_idx %scatter3A_876[%shift_right_arithmetic3A_863, %broadcast_in_dim3A, %add3A_870], %gather3A_860 : memref<4x4x1024xf32, #tpu.memory_space<vmem>>[vector<16xi32>, vector<16xi32>, vector<16xi32>], vector<16xf32>,
        %add3A_877 = arith.constant 14 : i32
        %add3A_878 = vector.broadcast %add3A_877 : i32 to vector<16xi32>
        %add3A_879 = arith.addi %add3A_878, %iota3A : vector<16xi32>
        %and3A_880 = arith.constant 31 : i32
        %and3A_881 = vector.broadcast %and3A_880 : i32 to vector<16xi32>
        %and3A_882 = arith.andi %add3A_879, %and3A_881 : vector<16xi32>
        %gather3A_883 = arith.constant 1 : i32
        %gather3A_884 = arith.constant 0 : i32
        %gather3A_885 = arith.constant 0 : i32
        %gather3A_886 = tpu.memref_slice %arg7[%gather3A_883, %gather3A_884, %gather3A_885] : memref<2x512x32xf32, #tpu.memory_space<vmem>> -> memref<1x512x32xf32, #tpu.memory_space<vmem>>
        %gather3A_887 = tpu.memref_squeeze %gather3A_886 : memref<1x512x32xf32, #tpu.memory_space<vmem>> -> memref<512x32xf32, #tpu.memory_space<vmem>>
        %gather3A_888 = tpu.vector_load_idx %gather3A_887[%add3A_483, %and3A_882] : memref<512x32xf32, #tpu.memory_space<vmem>>[vector<16xi32>, vector<16xi32>], vector<16xf32>,
        %shift_right_arithmetic3A_889 = arith.constant 3 : i32
        %shift_right_arithmetic3A_890 = vector.broadcast %shift_right_arithmetic3A_889 : i32 to vector<16xi32>
        %shift_right_arithmetic3A_891 = arith.shrsi %and3A_882, %shift_right_arithmetic3A_890 : vector<16xi32>
        %and3A_892 = arith.constant 7 : i32
        %and3A_893 = vector.broadcast %and3A_892 : i32 to vector<16xi32>
        %and3A_894 = arith.andi %and3A_882, %and3A_893 : vector<16xi32>
        %shift_left3A_895 = arith.constant 7 : i32
        %shift_left3A_896 = vector.broadcast %shift_left3A_895 : i32 to vector<16xi32>
        %shift_left3A_897 = arith.shli %and3A_894, %shift_left3A_896 : vector<16xi32>
        %add3A_898 = arith.addi %shift_left3A_897, %add3A_487 : vector<16xi32>
        %scatter3A_899 = arith.constant 1 : i32
        %scatter3A_900 = arith.constant 0 : i32
        %scatter3A_901 = arith.constant 0 : i32
        %scatter3A_902 = arith.constant 0 : i32
        %scatter3A_903 = tpu.memref_slice %arg8[%scatter3A_899, %scatter3A_900, %scatter3A_901, %scatter3A_902] : memref<2x4x4x1024xf32, #tpu.memory_space<vmem>> -> memref<1x4x4x1024xf32, #tpu.memory_space<vmem>>
        %scatter3A_904 = tpu.memref_squeeze %scatter3A_903 : memref<1x4x4x1024xf32, #tpu.memory_space<vmem>> -> memref<4x4x1024xf32, #tpu.memory_space<vmem>>
        tpu.vector_store_idx %scatter3A_904[%shift_right_arithmetic3A_891, %broadcast_in_dim3A, %add3A_898], %gather3A_888 : memref<4x4x1024xf32, #tpu.memory_space<vmem>>[vector<16xi32>, vector<16xi32>, vector<16xi32>], vector<16xf32>,
        %add3A_905 = arith.constant 15 : i32
        %add3A_906 = vector.broadcast %add3A_905 : i32 to vector<16xi32>
        %add3A_907 = arith.addi %add3A_906, %iota3A : vector<16xi32>
        %and3A_908 = arith.constant 31 : i32
        %and3A_909 = vector.broadcast %and3A_908 : i32 to vector<16xi32>
        %and3A_910 = arith.andi %add3A_907, %and3A_909 : vector<16xi32>
        %gather3A_911 = arith.constant 1 : i32
        %gather3A_912 = arith.constant 0 : i32
        %gather3A_913 = arith.constant 0 : i32
        %gather3A_914 = tpu.memref_slice %arg7[%gather3A_911, %gather3A_912, %gather3A_913] : memref<2x512x32xf32, #tpu.memory_space<vmem>> -> memref<1x512x32xf32, #tpu.memory_space<vmem>>
        %gather3A_915 = tpu.memref_squeeze %gather3A_914 : memref<1x512x32xf32, #tpu.memory_space<vmem>> -> memref<512x32xf32, #tpu.memory_space<vmem>>
        %gather3A_916 = tpu.vector_load_idx %gather3A_915[%add3A_483, %and3A_910] : memref<512x32xf32, #tpu.memory_space<vmem>>[vector<16xi32>, vector<16xi32>], vector<16xf32>,
        %shift_right_arithmetic3A_917 = arith.constant 3 : i32
        %shift_right_arithmetic3A_918 = vector.broadcast %shift_right_arithmetic3A_917 : i32 to vector<16xi32>
        %shift_right_arithmetic3A_919 = arith.shrsi %and3A_910, %shift_right_arithmetic3A_918 : vector<16xi32>
        %and3A_920 = arith.constant 7 : i32
        %and3A_921 = vector.broadcast %and3A_920 : i32 to vector<16xi32>
        %and3A_922 = arith.andi %and3A_910, %and3A_921 : vector<16xi32>
        %shift_left3A_923 = arith.constant 7 : i32
        %shift_left3A_924 = vector.broadcast %shift_left3A_923 : i32 to vector<16xi32>
        %shift_left3A_925 = arith.shli %and3A_922, %shift_left3A_924 : vector<16xi32>
        %add3A_926 = arith.addi %shift_left3A_925, %add3A_487 : vector<16xi32>
        %scatter3A_927 = arith.constant 1 : i32
        %scatter3A_928 = arith.constant 0 : i32
        %scatter3A_929 = arith.constant 0 : i32
        %scatter3A_930 = arith.constant 0 : i32
        %scatter3A_931 = tpu.memref_slice %arg8[%scatter3A_927, %scatter3A_928, %scatter3A_929, %scatter3A_930] : memref<2x4x4x1024xf32, #tpu.memory_space<vmem>> -> memref<1x4x4x1024xf32, #tpu.memory_space<vmem>>
        %scatter3A_932 = tpu.memref_squeeze %scatter3A_931 : memref<1x4x4x1024xf32, #tpu.memory_space<vmem>> -> memref<4x4x1024xf32, #tpu.memory_space<vmem>>
        tpu.vector_store_idx %scatter3A_932[%shift_right_arithmetic3A_919, %broadcast_in_dim3A, %add3A_926], %gather3A_916 : memref<4x4x1024xf32, #tpu.memory_space<vmem>>[vector<16xi32>, vector<16xi32>, vector<16xi32>], vector<16xf32>,
        %add3A_933 = arith.constant 16 : i32
        %add3A_934 = vector.broadcast %add3A_933 : i32 to vector<16xi32>
        %add3A_935 = arith.addi %add3A_934, %iota3A : vector<16xi32>
        %and3A_936 = arith.constant 31 : i32
        %and3A_937 = vector.broadcast %and3A_936 : i32 to vector<16xi32>
        %and3A_938 = arith.andi %add3A_935, %and3A_937 : vector<16xi32>
        %gather3A_939 = arith.constant 1 : i32
        %gather3A_940 = arith.constant 0 : i32
        %gather3A_941 = arith.constant 0 : i32
        %gather3A_942 = tpu.memref_slice %arg7[%gather3A_939, %gather3A_940, %gather3A_941] : memref<2x512x32xf32, #tpu.memory_space<vmem>> -> memref<1x512x32xf32, #tpu.memory_space<vmem>>
        %gather3A_943 = tpu.memref_squeeze %gather3A_942 : memref<1x512x32xf32, #tpu.memory_space<vmem>> -> memref<512x32xf32, #tpu.memory_space<vmem>>
        %gather3A_944 = tpu.vector_load_idx %gather3A_943[%add3A_483, %and3A_938] : memref<512x32xf32, #tpu.memory_space<vmem>>[vector<16xi32>, vector<16xi32>], vector<16xf32>,
        %shift_right_arithmetic3A_945 = arith.constant 3 : i32
        %shift_right_arithmetic3A_946 = vector.broadcast %shift_right_arithmetic3A_945 : i32 to vector<16xi32>
        %shift_right_arithmetic3A_947 = arith.shrsi %and3A_938, %shift_right_arithmetic3A_946 : vector<16xi32>
        %and3A_948 = arith.constant 7 : i32
        %and3A_949 = vector.broadcast %and3A_948 : i32 to vector<16xi32>
        %and3A_950 = arith.andi %and3A_938, %and3A_949 : vector<16xi32>
        %shift_left3A_951 = arith.constant 7 : i32
        %shift_left3A_952 = vector.broadcast %shift_left3A_951 : i32 to vector<16xi32>
        %shift_left3A_953 = arith.shli %and3A_950, %shift_left3A_952 : vector<16xi32>
        %add3A_954 = arith.addi %shift_left3A_953, %add3A_487 : vector<16xi32>
        %scatter3A_955 = arith.constant 1 : i32
        %scatter3A_956 = arith.constant 0 : i32
        %scatter3A_957 = arith.constant 0 : i32
        %scatter3A_958 = arith.constant 0 : i32
        %scatter3A_959 = tpu.memref_slice %arg8[%scatter3A_955, %scatter3A_956, %scatter3A_957, %scatter3A_958] : memref<2x4x4x1024xf32, #tpu.memory_space<vmem>> -> memref<1x4x4x1024xf32, #tpu.memory_space<vmem>>
        %scatter3A_960 = tpu.memref_squeeze %scatter3A_959 : memref<1x4x4x1024xf32, #tpu.memory_space<vmem>> -> memref<4x4x1024xf32, #tpu.memory_space<vmem>>
        tpu.vector_store_idx %scatter3A_960[%shift_right_arithmetic3A_947, %broadcast_in_dim3A, %add3A_954], %gather3A_944 : memref<4x4x1024xf32, #tpu.memory_space<vmem>>[vector<16xi32>, vector<16xi32>, vector<16xi32>], vector<16xf32>,
        %add3A_961 = arith.constant 17 : i32
        %add3A_962 = vector.broadcast %add3A_961 : i32 to vector<16xi32>
        %add3A_963 = arith.addi %add3A_962, %iota3A : vector<16xi32>
        %and3A_964 = arith.constant 31 : i32
        %and3A_965 = vector.broadcast %and3A_964 : i32 to vector<16xi32>
        %and3A_966 = arith.andi %add3A_963, %and3A_965 : vector<16xi32>
        %gather3A_967 = arith.constant 1 : i32
        %gather3A_968 = arith.constant 0 : i32
        %gather3A_969 = arith.constant 0 : i32
        %gather3A_970 = tpu.memref_slice %arg7[%gather3A_967, %gather3A_968, %gather3A_969] : memref<2x512x32xf32, #tpu.memory_space<vmem>> -> memref<1x512x32xf32, #tpu.memory_space<vmem>>
        %gather3A_971 = tpu.memref_squeeze %gather3A_970 : memref<1x512x32xf32, #tpu.memory_space<vmem>> -> memref<512x32xf32, #tpu.memory_space<vmem>>
        %gather3A_972 = tpu.vector_load_idx %gather3A_971[%add3A_483, %and3A_966] : memref<512x32xf32, #tpu.memory_space<vmem>>[vector<16xi32>, vector<16xi32>], vector<16xf32>,
        %shift_right_arithmetic3A_973 = arith.constant 3 : i32
        %shift_right_arithmetic3A_974 = vector.broadcast %shift_right_arithmetic3A_973 : i32 to vector<16xi32>
        %shift_right_arithmetic3A_975 = arith.shrsi %and3A_966, %shift_right_arithmetic3A_974 : vector<16xi32>
        %and3A_976 = arith.constant 7 : i32
        %and3A_977 = vector.broadcast %and3A_976 : i32 to vector<16xi32>
        %and3A_978 = arith.andi %and3A_966, %and3A_977 : vector<16xi32>
        %shift_left3A_979 = arith.constant 7 : i32
        %shift_left3A_980 = vector.broadcast %shift_left3A_979 : i32 to vector<16xi32>
        %shift_left3A_981 = arith.shli %and3A_978, %shift_left3A_980 : vector<16xi32>
        %add3A_982 = arith.addi %shift_left3A_981, %add3A_487 : vector<16xi32>
        %scatter3A_983 = arith.constant 1 : i32
        %scatter3A_984 = arith.constant 0 : i32
        %scatter3A_985 = arith.constant 0 : i32
        %scatter3A_986 = arith.constant 0 : i32
        %scatter3A_987 = tpu.memref_slice %arg8[%scatter3A_983, %scatter3A_984, %scatter3A_985, %scatter3A_986] : memref<2x4x4x1024xf32, #tpu.memory_space<vmem>> -> memref<1x4x4x1024xf32, #tpu.memory_space<vmem>>
        %scatter3A_988 = tpu.memref_squeeze %scatter3A_987 : memref<1x4x4x1024xf32, #tpu.memory_space<vmem>> -> memref<4x4x1024xf32, #tpu.memory_space<vmem>>
        tpu.vector_store_idx %scatter3A_988[%shift_right_arithmetic3A_975, %broadcast_in_dim3A, %add3A_982], %gather3A_972 : memref<4x4x1024xf32, #tpu.memory_space<vmem>>[vector<16xi32>, vector<16xi32>, vector<16xi32>], vector<16xf32>,
        %add3A_989 = arith.constant 18 : i32
        %add3A_990 = vector.broadcast %add3A_989 : i32 to vector<16xi32>
        %add3A_991 = arith.addi %add3A_990, %iota3A : vector<16xi32>
        %and3A_992 = arith.constant 31 : i32
        %and3A_993 = vector.broadcast %and3A_992 : i32 to vector<16xi32>
        %and3A_994 = arith.andi %add3A_991, %and3A_993 : vector<16xi32>
        %gather3A_995 = arith.constant 1 : i32
        %gather3A_996 = arith.constant 0 : i32
        %gather3A_997 = arith.constant 0 : i32
        %gather3A_998 = tpu.memref_slice %arg7[%gather3A_995, %gather3A_996, %gather3A_997] : memref<2x512x32xf32, #tpu.memory_space<vmem>> -> memref<1x512x32xf32, #tpu.memory_space<vmem>>
        %gather3A_999 = tpu.memref_squeeze %gather3A_998 : memref<1x512x32xf32, #tpu.memory_space<vmem>> -> memref<512x32xf32, #tpu.memory_space<vmem>>
        %gather3A_1000 = tpu.vector_load_idx %gather3A_999[%add3A_483, %and3A_994] : memref<512x32xf32, #tpu.memory_space<vmem>>[vector<16xi32>, vector<16xi32>], vector<16xf32>,
        %shift_right_arithmetic3A_1001 = arith.constant 3 : i32
        %shift_right_arithmetic3A_1002 = vector.broadcast %shift_right_arithmetic3A_1001 : i32 to vector<16xi32>
        %shift_right_arithmetic3A_1003 = arith.shrsi %and3A_994, %shift_right_arithmetic3A_1002 : vector<16xi32>
        %and3A_1004 = arith.constant 7 : i32
        %and3A_1005 = vector.broadcast %and3A_1004 : i32 to vector<16xi32>
        %and3A_1006 = arith.andi %and3A_994, %and3A_1005 : vector<16xi32>
        %shift_left3A_1007 = arith.constant 7 : i32
        %shift_left3A_1008 = vector.broadcast %shift_left3A_1007 : i32 to vector<16xi32>
        %shift_left3A_1009 = arith.shli %and3A_1006, %shift_left3A_1008 : vector<16xi32>
        %add3A_1010 = arith.addi %shift_left3A_1009, %add3A_487 : vector<16xi32>
        %scatter3A_1011 = arith.constant 1 : i32
        %scatter3A_1012 = arith.constant 0 : i32
        %scatter3A_1013 = arith.constant 0 : i32
        %scatter3A_1014 = arith.constant 0 : i32
        %scatter3A_1015 = tpu.memref_slice %arg8[%scatter3A_1011, %scatter3A_1012, %scatter3A_1013, %scatter3A_1014] : memref<2x4x4x1024xf32, #tpu.memory_space<vmem>> -> memref<1x4x4x1024xf32, #tpu.memory_space<vmem>>
        %scatter3A_1016 = tpu.memref_squeeze %scatter3A_1015 : memref<1x4x4x1024xf32, #tpu.memory_space<vmem>> -> memref<4x4x1024xf32, #tpu.memory_space<vmem>>
        tpu.vector_store_idx %scatter3A_1016[%shift_right_arithmetic3A_1003, %broadcast_in_dim3A, %add3A_1010], %gather3A_1000 : memref<4x4x1024xf32, #tpu.memory_space<vmem>>[vector<16xi32>, vector<16xi32>, vector<16xi32>], vector<16xf32>,
        %add3A_1017 = arith.constant 19 : i32
        %add3A_1018 = vector.broadcast %add3A_1017 : i32 to vector<16xi32>
        %add3A_1019 = arith.addi %add3A_1018, %iota3A : vector<16xi32>
        %and3A_1020 = arith.constant 31 : i32
        %and3A_1021 = vector.broadcast %and3A_1020 : i32 to vector<16xi32>
        %and3A_1022 = arith.andi %add3A_1019, %and3A_1021 : vector<16xi32>
        %gather3A_1023 = arith.constant 1 : i32
        %gather3A_1024 = arith.constant 0 : i32
        %gather3A_1025 = arith.constant 0 : i32
        %gather3A_1026 = tpu.memref_slice %arg7[%gather3A_1023, %gather3A_1024, %gather3A_1025] : memref<2x512x32xf32, #tpu.memory_space<vmem>> -> memref<1x512x32xf32, #tpu.memory_space<vmem>>
        %gather3A_1027 = tpu.memref_squeeze %gather3A_1026 : memref<1x512x32xf32, #tpu.memory_space<vmem>> -> memref<512x32xf32, #tpu.memory_space<vmem>>
        %gather3A_1028 = tpu.vector_load_idx %gather3A_1027[%add3A_483, %and3A_1022] : memref<512x32xf32, #tpu.memory_space<vmem>>[vector<16xi32>, vector<16xi32>], vector<16xf32>,
        %shift_right_arithmetic3A_1029 = arith.constant 3 : i32
        %shift_right_arithmetic3A_1030 = vector.broadcast %shift_right_arithmetic3A_1029 : i32 to vector<16xi32>
        %shift_right_arithmetic3A_1031 = arith.shrsi %and3A_1022, %shift_right_arithmetic3A_1030 : vector<16xi32>
        %and3A_1032 = arith.constant 7 : i32
        %and3A_1033 = vector.broadcast %and3A_1032 : i32 to vector<16xi32>
        %and3A_1034 = arith.andi %and3A_1022, %and3A_1033 : vector<16xi32>
        %shift_left3A_1035 = arith.constant 7 : i32
        %shift_left3A_1036 = vector.broadcast %shift_left3A_1035 : i32 to vector<16xi32>
        %shift_left3A_1037 = arith.shli %and3A_1034, %shift_left3A_1036 : vector<16xi32>
        %add3A_1038 = arith.addi %shift_left3A_1037, %add3A_487 : vector<16xi32>
        %scatter3A_1039 = arith.constant 1 : i32
        %scatter3A_1040 = arith.constant 0 : i32
        %scatter3A_1041 = arith.constant 0 : i32
        %scatter3A_1042 = arith.constant 0 : i32
        %scatter3A_1043 = tpu.memref_slice %arg8[%scatter3A_1039, %scatter3A_1040, %scatter3A_1041, %scatter3A_1042] : memref<2x4x4x1024xf32, #tpu.memory_space<vmem>> -> memref<1x4x4x1024xf32, #tpu.memory_space<vmem>>
        %scatter3A_1044 = tpu.memref_squeeze %scatter3A_1043 : memref<1x4x4x1024xf32, #tpu.memory_space<vmem>> -> memref<4x4x1024xf32, #tpu.memory_space<vmem>>
        tpu.vector_store_idx %scatter3A_1044[%shift_right_arithmetic3A_1031, %broadcast_in_dim3A, %add3A_1038], %gather3A_1028 : memref<4x4x1024xf32, #tpu.memory_space<vmem>>[vector<16xi32>, vector<16xi32>, vector<16xi32>], vector<16xf32>,
        %add3A_1045 = arith.constant 20 : i32
        %add3A_1046 = vector.broadcast %add3A_1045 : i32 to vector<16xi32>
        %add3A_1047 = arith.addi %add3A_1046, %iota3A : vector<16xi32>
        %and3A_1048 = arith.constant 31 : i32
        %and3A_1049 = vector.broadcast %and3A_1048 : i32 to vector<16xi32>
        %and3A_1050 = arith.andi %add3A_1047, %and3A_1049 : vector<16xi32>
        %gather3A_1051 = arith.constant 1 : i32
        %gather3A_1052 = arith.constant 0 : i32
        %gather3A_1053 = arith.constant 0 : i32
        %gather3A_1054 = tpu.memref_slice %arg7[%gather3A_1051, %gather3A_1052, %gather3A_1053] : memref<2x512x32xf32, #tpu.memory_space<vmem>> -> memref<1x512x32xf32, #tpu.memory_space<vmem>>
        %gather3A_1055 = tpu.memref_squeeze %gather3A_1054 : memref<1x512x32xf32, #tpu.memory_space<vmem>> -> memref<512x32xf32, #tpu.memory_space<vmem>>
        %gather3A_1056 = tpu.vector_load_idx %gather3A_1055[%add3A_483, %and3A_1050] : memref<512x32xf32, #tpu.memory_space<vmem>>[vector<16xi32>, vector<16xi32>], vector<16xf32>,
        %shift_right_arithmetic3A_1057 = arith.constant 3 : i32
        %shift_right_arithmetic3A_1058 = vector.broadcast %shift_right_arithmetic3A_1057 : i32 to vector<16xi32>
        %shift_right_arithmetic3A_1059 = arith.shrsi %and3A_1050, %shift_right_arithmetic3A_1058 : vector<16xi32>
        %and3A_1060 = arith.constant 7 : i32
        %and3A_1061 = vector.broadcast %and3A_1060 : i32 to vector<16xi32>
        %and3A_1062 = arith.andi %and3A_1050, %and3A_1061 : vector<16xi32>
        %shift_left3A_1063 = arith.constant 7 : i32
        %shift_left3A_1064 = vector.broadcast %shift_left3A_1063 : i32 to vector<16xi32>
        %shift_left3A_1065 = arith.shli %and3A_1062, %shift_left3A_1064 : vector<16xi32>
        %add3A_1066 = arith.addi %shift_left3A_1065, %add3A_487 : vector<16xi32>
        %scatter3A_1067 = arith.constant 1 : i32
        %scatter3A_1068 = arith.constant 0 : i32
        %scatter3A_1069 = arith.constant 0 : i32
        %scatter3A_1070 = arith.constant 0 : i32
        %scatter3A_1071 = tpu.memref_slice %arg8[%scatter3A_1067, %scatter3A_1068, %scatter3A_1069, %scatter3A_1070] : memref<2x4x4x1024xf32, #tpu.memory_space<vmem>> -> memref<1x4x4x1024xf32, #tpu.memory_space<vmem>>
        %scatter3A_1072 = tpu.memref_squeeze %scatter3A_1071 : memref<1x4x4x1024xf32, #tpu.memory_space<vmem>> -> memref<4x4x1024xf32, #tpu.memory_space<vmem>>
        tpu.vector_store_idx %scatter3A_1072[%shift_right_arithmetic3A_1059, %broadcast_in_dim3A, %add3A_1066], %gather3A_1056 : memref<4x4x1024xf32, #tpu.memory_space<vmem>>[vector<16xi32>, vector<16xi32>, vector<16xi32>], vector<16xf32>,
        %add3A_1073 = arith.constant 21 : i32
        %add3A_1074 = vector.broadcast %add3A_1073 : i32 to vector<16xi32>
        %add3A_1075 = arith.addi %add3A_1074, %iota3A : vector<16xi32>
        %and3A_1076 = arith.constant 31 : i32
        %and3A_1077 = vector.broadcast %and3A_1076 : i32 to vector<16xi32>
        %and3A_1078 = arith.andi %add3A_1075, %and3A_1077 : vector<16xi32>
        %gather3A_1079 = arith.constant 1 : i32
        %gather3A_1080 = arith.constant 0 : i32
        %gather3A_1081 = arith.constant 0 : i32
        %gather3A_1082 = tpu.memref_slice %arg7[%gather3A_1079, %gather3A_1080, %gather3A_1081] : memref<2x512x32xf32, #tpu.memory_space<vmem>> -> memref<1x512x32xf32, #tpu.memory_space<vmem>>
        %gather3A_1083 = tpu.memref_squeeze %gather3A_1082 : memref<1x512x32xf32, #tpu.memory_space<vmem>> -> memref<512x32xf32, #tpu.memory_space<vmem>>
        %gather3A_1084 = tpu.vector_load_idx %gather3A_1083[%add3A_483, %and3A_1078] : memref<512x32xf32, #tpu.memory_space<vmem>>[vector<16xi32>, vector<16xi32>], vector<16xf32>,
        %shift_right_arithmetic3A_1085 = arith.constant 3 : i32
        %shift_right_arithmetic3A_1086 = vector.broadcast %shift_right_arithmetic3A_1085 : i32 to vector<16xi32>
        %shift_right_arithmetic3A_1087 = arith.shrsi %and3A_1078, %shift_right_arithmetic3A_1086 : vector<16xi32>
        %and3A_1088 = arith.constant 7 : i32
        %and3A_1089 = vector.broadcast %and3A_1088 : i32 to vector<16xi32>
        %and3A_1090 = arith.andi %and3A_1078, %and3A_1089 : vector<16xi32>
        %shift_left3A_1091 = arith.constant 7 : i32
        %shift_left3A_1092 = vector.broadcast %shift_left3A_1091 : i32 to vector<16xi32>
        %shift_left3A_1093 = arith.shli %and3A_1090, %shift_left3A_1092 : vector<16xi32>
        %add3A_1094 = arith.addi %shift_left3A_1093, %add3A_487 : vector<16xi32>
        %scatter3A_1095 = arith.constant 1 : i32
        %scatter3A_1096 = arith.constant 0 : i32
        %scatter3A_1097 = arith.constant 0 : i32
        %scatter3A_1098 = arith.constant 0 : i32
        %scatter3A_1099 = tpu.memref_slice %arg8[%scatter3A_1095, %scatter3A_1096, %scatter3A_1097, %scatter3A_1098] : memref<2x4x4x1024xf32, #tpu.memory_space<vmem>> -> memref<1x4x4x1024xf32, #tpu.memory_space<vmem>>
        %scatter3A_1100 = tpu.memref_squeeze %scatter3A_1099 : memref<1x4x4x1024xf32, #tpu.memory_space<vmem>> -> memref<4x4x1024xf32, #tpu.memory_space<vmem>>
        tpu.vector_store_idx %scatter3A_1100[%shift_right_arithmetic3A_1087, %broadcast_in_dim3A, %add3A_1094], %gather3A_1084 : memref<4x4x1024xf32, #tpu.memory_space<vmem>>[vector<16xi32>, vector<16xi32>, vector<16xi32>], vector<16xf32>,
        %add3A_1101 = arith.constant 22 : i32
        %add3A_1102 = vector.broadcast %add3A_1101 : i32 to vector<16xi32>
        %add3A_1103 = arith.addi %add3A_1102, %iota3A : vector<16xi32>
        %and3A_1104 = arith.constant 31 : i32
        %and3A_1105 = vector.broadcast %and3A_1104 : i32 to vector<16xi32>
        %and3A_1106 = arith.andi %add3A_1103, %and3A_1105 : vector<16xi32>
        %gather3A_1107 = arith.constant 1 : i32
        %gather3A_1108 = arith.constant 0 : i32
        %gather3A_1109 = arith.constant 0 : i32
        %gather3A_1110 = tpu.memref_slice %arg7[%gather3A_1107, %gather3A_1108, %gather3A_1109] : memref<2x512x32xf32, #tpu.memory_space<vmem>> -> memref<1x512x32xf32, #tpu.memory_space<vmem>>
        %gather3A_1111 = tpu.memref_squeeze %gather3A_1110 : memref<1x512x32xf32, #tpu.memory_space<vmem>> -> memref<512x32xf32, #tpu.memory_space<vmem>>
        %gather3A_1112 = tpu.vector_load_idx %gather3A_1111[%add3A_483, %and3A_1106] : memref<512x32xf32, #tpu.memory_space<vmem>>[vector<16xi32>, vector<16xi32>], vector<16xf32>,
        %shift_right_arithmetic3A_1113 = arith.constant 3 : i32
        %shift_right_arithmetic3A_1114 = vector.broadcast %shift_right_arithmetic3A_1113 : i32 to vector<16xi32>
        %shift_right_arithmetic3A_1115 = arith.shrsi %and3A_1106, %shift_right_arithmetic3A_1114 : vector<16xi32>
        %and3A_1116 = arith.constant 7 : i32
        %and3A_1117 = vector.broadcast %and3A_1116 : i32 to vector<16xi32>
        %and3A_1118 = arith.andi %and3A_1106, %and3A_1117 : vector<16xi32>
        %shift_left3A_1119 = arith.constant 7 : i32
        %shift_left3A_1120 = vector.broadcast %shift_left3A_1119 : i32 to vector<16xi32>
        %shift_left3A_1121 = arith.shli %and3A_1118, %shift_left3A_1120 : vector<16xi32>
        %add3A_1122 = arith.addi %shift_left3A_1121, %add3A_487 : vector<16xi32>
        %scatter3A_1123 = arith.constant 1 : i32
        %scatter3A_1124 = arith.constant 0 : i32
        %scatter3A_1125 = arith.constant 0 : i32
        %scatter3A_1126 = arith.constant 0 : i32
        %scatter3A_1127 = tpu.memref_slice %arg8[%scatter3A_1123, %scatter3A_1124, %scatter3A_1125, %scatter3A_1126] : memref<2x4x4x1024xf32, #tpu.memory_space<vmem>> -> memref<1x4x4x1024xf32, #tpu.memory_space<vmem>>
        %scatter3A_1128 = tpu.memref_squeeze %scatter3A_1127 : memref<1x4x4x1024xf32, #tpu.memory_space<vmem>> -> memref<4x4x1024xf32, #tpu.memory_space<vmem>>
        tpu.vector_store_idx %scatter3A_1128[%shift_right_arithmetic3A_1115, %broadcast_in_dim3A, %add3A_1122], %gather3A_1112 : memref<4x4x1024xf32, #tpu.memory_space<vmem>>[vector<16xi32>, vector<16xi32>, vector<16xi32>], vector<16xf32>,
        %add3A_1129 = arith.constant 23 : i32
        %add3A_1130 = vector.broadcast %add3A_1129 : i32 to vector<16xi32>
        %add3A_1131 = arith.addi %add3A_1130, %iota3A : vector<16xi32>
        %and3A_1132 = arith.constant 31 : i32
        %and3A_1133 = vector.broadcast %and3A_1132 : i32 to vector<16xi32>
        %and3A_1134 = arith.andi %add3A_1131, %and3A_1133 : vector<16xi32>
        %gather3A_1135 = arith.constant 1 : i32
        %gather3A_1136 = arith.constant 0 : i32
        %gather3A_1137 = arith.constant 0 : i32
        %gather3A_1138 = tpu.memref_slice %arg7[%gather3A_1135, %gather3A_1136, %gather3A_1137] : memref<2x512x32xf32, #tpu.memory_space<vmem>> -> memref<1x512x32xf32, #tpu.memory_space<vmem>>
        %gather3A_1139 = tpu.memref_squeeze %gather3A_1138 : memref<1x512x32xf32, #tpu.memory_space<vmem>> -> memref<512x32xf32, #tpu.memory_space<vmem>>
        %gather3A_1140 = tpu.vector_load_idx %gather3A_1139[%add3A_483, %and3A_1134] : memref<512x32xf32, #tpu.memory_space<vmem>>[vector<16xi32>, vector<16xi32>], vector<16xf32>,
        %shift_right_arithmetic3A_1141 = arith.constant 3 : i32
        %shift_right_arithmetic3A_1142 = vector.broadcast %shift_right_arithmetic3A_1141 : i32 to vector<16xi32>
        %shift_right_arithmetic3A_1143 = arith.shrsi %and3A_1134, %shift_right_arithmetic3A_1142 : vector<16xi32>
        %and3A_1144 = arith.constant 7 : i32
        %and3A_1145 = vector.broadcast %and3A_1144 : i32 to vector<16xi32>
        %and3A_1146 = arith.andi %and3A_1134, %and3A_1145 : vector<16xi32>
        %shift_left3A_1147 = arith.constant 7 : i32
        %shift_left3A_1148 = vector.broadcast %shift_left3A_1147 : i32 to vector<16xi32>
        %shift_left3A_1149 = arith.shli %and3A_1146, %shift_left3A_1148 : vector<16xi32>
        %add3A_1150 = arith.addi %shift_left3A_1149, %add3A_487 : vector<16xi32>
        %scatter3A_1151 = arith.constant 1 : i32
        %scatter3A_1152 = arith.constant 0 : i32
        %scatter3A_1153 = arith.constant 0 : i32
        %scatter3A_1154 = arith.constant 0 : i32
        %scatter3A_1155 = tpu.memref_slice %arg8[%scatter3A_1151, %scatter3A_1152, %scatter3A_1153, %scatter3A_1154] : memref<2x4x4x1024xf32, #tpu.memory_space<vmem>> -> memref<1x4x4x1024xf32, #tpu.memory_space<vmem>>
        %scatter3A_1156 = tpu.memref_squeeze %scatter3A_1155 : memref<1x4x4x1024xf32, #tpu.memory_space<vmem>> -> memref<4x4x1024xf32, #tpu.memory_space<vmem>>
        tpu.vector_store_idx %scatter3A_1156[%shift_right_arithmetic3A_1143, %broadcast_in_dim3A, %add3A_1150], %gather3A_1140 : memref<4x4x1024xf32, #tpu.memory_space<vmem>>[vector<16xi32>, vector<16xi32>, vector<16xi32>], vector<16xf32>,
        %add3A_1157 = arith.constant 24 : i32
        %add3A_1158 = vector.broadcast %add3A_1157 : i32 to vector<16xi32>
        %add3A_1159 = arith.addi %add3A_1158, %iota3A : vector<16xi32>
        %and3A_1160 = arith.constant 31 : i32
        %and3A_1161 = vector.broadcast %and3A_1160 : i32 to vector<16xi32>
        %and3A_1162 = arith.andi %add3A_1159, %and3A_1161 : vector<16xi32>
        %gather3A_1163 = arith.constant 1 : i32
        %gather3A_1164 = arith.constant 0 : i32
        %gather3A_1165 = arith.constant 0 : i32
        %gather3A_1166 = tpu.memref_slice %arg7[%gather3A_1163, %gather3A_1164, %gather3A_1165] : memref<2x512x32xf32, #tpu.memory_space<vmem>> -> memref<1x512x32xf32, #tpu.memory_space<vmem>>
        %gather3A_1167 = tpu.memref_squeeze %gather3A_1166 : memref<1x512x32xf32, #tpu.memory_space<vmem>> -> memref<512x32xf32, #tpu.memory_space<vmem>>
        %gather3A_1168 = tpu.vector_load_idx %gather3A_1167[%add3A_483, %and3A_1162] : memref<512x32xf32, #tpu.memory_space<vmem>>[vector<16xi32>, vector<16xi32>], vector<16xf32>,
        %shift_right_arithmetic3A_1169 = arith.constant 3 : i32
        %shift_right_arithmetic3A_1170 = vector.broadcast %shift_right_arithmetic3A_1169 : i32 to vector<16xi32>
        %shift_right_arithmetic3A_1171 = arith.shrsi %and3A_1162, %shift_right_arithmetic3A_1170 : vector<16xi32>
        %and3A_1172 = arith.constant 7 : i32
        %and3A_1173 = vector.broadcast %and3A_1172 : i32 to vector<16xi32>
        %and3A_1174 = arith.andi %and3A_1162, %and3A_1173 : vector<16xi32>
        %shift_left3A_1175 = arith.constant 7 : i32
        %shift_left3A_1176 = vector.broadcast %shift_left3A_1175 : i32 to vector<16xi32>
        %shift_left3A_1177 = arith.shli %and3A_1174, %shift_left3A_1176 : vector<16xi32>
        %add3A_1178 = arith.addi %shift_left3A_1177, %add3A_487 : vector<16xi32>
        %scatter3A_1179 = arith.constant 1 : i32
        %scatter3A_1180 = arith.constant 0 : i32
        %scatter3A_1181 = arith.constant 0 : i32
        %scatter3A_1182 = arith.constant 0 : i32
        %scatter3A_1183 = tpu.memref_slice %arg8[%scatter3A_1179, %scatter3A_1180, %scatter3A_1181, %scatter3A_1182] : memref<2x4x4x1024xf32, #tpu.memory_space<vmem>> -> memref<1x4x4x1024xf32, #tpu.memory_space<vmem>>
        %scatter3A_1184 = tpu.memref_squeeze %scatter3A_1183 : memref<1x4x4x1024xf32, #tpu.memory_space<vmem>> -> memref<4x4x1024xf32, #tpu.memory_space<vmem>>
        tpu.vector_store_idx %scatter3A_1184[%shift_right_arithmetic3A_1171, %broadcast_in_dim3A, %add3A_1178], %gather3A_1168 : memref<4x4x1024xf32, #tpu.memory_space<vmem>>[vector<16xi32>, vector<16xi32>, vector<16xi32>], vector<16xf32>,
        %add3A_1185 = arith.constant 25 : i32
        %add3A_1186 = vector.broadcast %add3A_1185 : i32 to vector<16xi32>
        %add3A_1187 = arith.addi %add3A_1186, %iota3A : vector<16xi32>
        %and3A_1188 = arith.constant 31 : i32
        %and3A_1189 = vector.broadcast %and3A_1188 : i32 to vector<16xi32>
        %and3A_1190 = arith.andi %add3A_1187, %and3A_1189 : vector<16xi32>
        %gather3A_1191 = arith.constant 1 : i32
        %gather3A_1192 = arith.constant 0 : i32
        %gather3A_1193 = arith.constant 0 : i32
        %gather3A_1194 = tpu.memref_slice %arg7[%gather3A_1191, %gather3A_1192, %gather3A_1193] : memref<2x512x32xf32, #tpu.memory_space<vmem>> -> memref<1x512x32xf32, #tpu.memory_space<vmem>>
        %gather3A_1195 = tpu.memref_squeeze %gather3A_1194 : memref<1x512x32xf32, #tpu.memory_space<vmem>> -> memref<512x32xf32, #tpu.memory_space<vmem>>
        %gather3A_1196 = tpu.vector_load_idx %gather3A_1195[%add3A_483, %and3A_1190] : memref<512x32xf32, #tpu.memory_space<vmem>>[vector<16xi32>, vector<16xi32>], vector<16xf32>,
        %shift_right_arithmetic3A_1197 = arith.constant 3 : i32
        %shift_right_arithmetic3A_1198 = vector.broadcast %shift_right_arithmetic3A_1197 : i32 to vector<16xi32>
        %shift_right_arithmetic3A_1199 = arith.shrsi %and3A_1190, %shift_right_arithmetic3A_1198 : vector<16xi32>
        %and3A_1200 = arith.constant 7 : i32
        %and3A_1201 = vector.broadcast %and3A_1200 : i32 to vector<16xi32>
        %and3A_1202 = arith.andi %and3A_1190, %and3A_1201 : vector<16xi32>
        %shift_left3A_1203 = arith.constant 7 : i32
        %shift_left3A_1204 = vector.broadcast %shift_left3A_1203 : i32 to vector<16xi32>
        %shift_left3A_1205 = arith.shli %and3A_1202, %shift_left3A_1204 : vector<16xi32>
        %add3A_1206 = arith.addi %shift_left3A_1205, %add3A_487 : vector<16xi32>
        %scatter3A_1207 = arith.constant 1 : i32
        %scatter3A_1208 = arith.constant 0 : i32
        %scatter3A_1209 = arith.constant 0 : i32
        %scatter3A_1210 = arith.constant 0 : i32
        %scatter3A_1211 = tpu.memref_slice %arg8[%scatter3A_1207, %scatter3A_1208, %scatter3A_1209, %scatter3A_1210] : memref<2x4x4x1024xf32, #tpu.memory_space<vmem>> -> memref<1x4x4x1024xf32, #tpu.memory_space<vmem>>
        %scatter3A_1212 = tpu.memref_squeeze %scatter3A_1211 : memref<1x4x4x1024xf32, #tpu.memory_space<vmem>> -> memref<4x4x1024xf32, #tpu.memory_space<vmem>>
        tpu.vector_store_idx %scatter3A_1212[%shift_right_arithmetic3A_1199, %broadcast_in_dim3A, %add3A_1206], %gather3A_1196 : memref<4x4x1024xf32, #tpu.memory_space<vmem>>[vector<16xi32>, vector<16xi32>, vector<16xi32>], vector<16xf32>,
        %add3A_1213 = arith.constant 26 : i32
        %add3A_1214 = vector.broadcast %add3A_1213 : i32 to vector<16xi32>
        %add3A_1215 = arith.addi %add3A_1214, %iota3A : vector<16xi32>
        %and3A_1216 = arith.constant 31 : i32
        %and3A_1217 = vector.broadcast %and3A_1216 : i32 to vector<16xi32>
        %and3A_1218 = arith.andi %add3A_1215, %and3A_1217 : vector<16xi32>
        %gather3A_1219 = arith.constant 1 : i32
        %gather3A_1220 = arith.constant 0 : i32
        %gather3A_1221 = arith.constant 0 : i32
        %gather3A_1222 = tpu.memref_slice %arg7[%gather3A_1219, %gather3A_1220, %gather3A_1221] : memref<2x512x32xf32, #tpu.memory_space<vmem>> -> memref<1x512x32xf32, #tpu.memory_space<vmem>>
        %gather3A_1223 = tpu.memref_squeeze %gather3A_1222 : memref<1x512x32xf32, #tpu.memory_space<vmem>> -> memref<512x32xf32, #tpu.memory_space<vmem>>
        %gather3A_1224 = tpu.vector_load_idx %gather3A_1223[%add3A_483, %and3A_1218] : memref<512x32xf32, #tpu.memory_space<vmem>>[vector<16xi32>, vector<16xi32>], vector<16xf32>,
        %shift_right_arithmetic3A_1225 = arith.constant 3 : i32
        %shift_right_arithmetic3A_1226 = vector.broadcast %shift_right_arithmetic3A_1225 : i32 to vector<16xi32>
        %shift_right_arithmetic3A_1227 = arith.shrsi %and3A_1218, %shift_right_arithmetic3A_1226 : vector<16xi32>
        %and3A_1228 = arith.constant 7 : i32
        %and3A_1229 = vector.broadcast %and3A_1228 : i32 to vector<16xi32>
        %and3A_1230 = arith.andi %and3A_1218, %and3A_1229 : vector<16xi32>
        %shift_left3A_1231 = arith.constant 7 : i32
        %shift_left3A_1232 = vector.broadcast %shift_left3A_1231 : i32 to vector<16xi32>
        %shift_left3A_1233 = arith.shli %and3A_1230, %shift_left3A_1232 : vector<16xi32>
        %add3A_1234 = arith.addi %shift_left3A_1233, %add3A_487 : vector<16xi32>
        %scatter3A_1235 = arith.constant 1 : i32
        %scatter3A_1236 = arith.constant 0 : i32
        %scatter3A_1237 = arith.constant 0 : i32
        %scatter3A_1238 = arith.constant 0 : i32
        %scatter3A_1239 = tpu.memref_slice %arg8[%scatter3A_1235, %scatter3A_1236, %scatter3A_1237, %scatter3A_1238] : memref<2x4x4x1024xf32, #tpu.memory_space<vmem>> -> memref<1x4x4x1024xf32, #tpu.memory_space<vmem>>
        %scatter3A_1240 = tpu.memref_squeeze %scatter3A_1239 : memref<1x4x4x1024xf32, #tpu.memory_space<vmem>> -> memref<4x4x1024xf32, #tpu.memory_space<vmem>>
        tpu.vector_store_idx %scatter3A_1240[%shift_right_arithmetic3A_1227, %broadcast_in_dim3A, %add3A_1234], %gather3A_1224 : memref<4x4x1024xf32, #tpu.memory_space<vmem>>[vector<16xi32>, vector<16xi32>, vector<16xi32>], vector<16xf32>,
        %add3A_1241 = arith.constant 27 : i32
        %add3A_1242 = vector.broadcast %add3A_1241 : i32 to vector<16xi32>
        %add3A_1243 = arith.addi %add3A_1242, %iota3A : vector<16xi32>
        %and3A_1244 = arith.constant 31 : i32
        %and3A_1245 = vector.broadcast %and3A_1244 : i32 to vector<16xi32>
        %and3A_1246 = arith.andi %add3A_1243, %and3A_1245 : vector<16xi32>
        %gather3A_1247 = arith.constant 1 : i32
        %gather3A_1248 = arith.constant 0 : i32
        %gather3A_1249 = arith.constant 0 : i32
        %gather3A_1250 = tpu.memref_slice %arg7[%gather3A_1247, %gather3A_1248, %gather3A_1249] : memref<2x512x32xf32, #tpu.memory_space<vmem>> -> memref<1x512x32xf32, #tpu.memory_space<vmem>>
        %gather3A_1251 = tpu.memref_squeeze %gather3A_1250 : memref<1x512x32xf32, #tpu.memory_space<vmem>> -> memref<512x32xf32, #tpu.memory_space<vmem>>
        %gather3A_1252 = tpu.vector_load_idx %gather3A_1251[%add3A_483, %and3A_1246] : memref<512x32xf32, #tpu.memory_space<vmem>>[vector<16xi32>, vector<16xi32>], vector<16xf32>,
        %shift_right_arithmetic3A_1253 = arith.constant 3 : i32
        %shift_right_arithmetic3A_1254 = vector.broadcast %shift_right_arithmetic3A_1253 : i32 to vector<16xi32>
        %shift_right_arithmetic3A_1255 = arith.shrsi %and3A_1246, %shift_right_arithmetic3A_1254 : vector<16xi32>
        %and3A_1256 = arith.constant 7 : i32
        %and3A_1257 = vector.broadcast %and3A_1256 : i32 to vector<16xi32>
        %and3A_1258 = arith.andi %and3A_1246, %and3A_1257 : vector<16xi32>
        %shift_left3A_1259 = arith.constant 7 : i32
        %shift_left3A_1260 = vector.broadcast %shift_left3A_1259 : i32 to vector<16xi32>
        %shift_left3A_1261 = arith.shli %and3A_1258, %shift_left3A_1260 : vector<16xi32>
        %add3A_1262 = arith.addi %shift_left3A_1261, %add3A_487 : vector<16xi32>
        %scatter3A_1263 = arith.constant 1 : i32
        %scatter3A_1264 = arith.constant 0 : i32
        %scatter3A_1265 = arith.constant 0 : i32
        %scatter3A_1266 = arith.constant 0 : i32
        %scatter3A_1267 = tpu.memref_slice %arg8[%scatter3A_1263, %scatter3A_1264, %scatter3A_1265, %scatter3A_1266] : memref<2x4x4x1024xf32, #tpu.memory_space<vmem>> -> memref<1x4x4x1024xf32, #tpu.memory_space<vmem>>
        %scatter3A_1268 = tpu.memref_squeeze %scatter3A_1267 : memref<1x4x4x1024xf32, #tpu.memory_space<vmem>> -> memref<4x4x1024xf32, #tpu.memory_space<vmem>>
        tpu.vector_store_idx %scatter3A_1268[%shift_right_arithmetic3A_1255, %broadcast_in_dim3A, %add3A_1262], %gather3A_1252 : memref<4x4x1024xf32, #tpu.memory_space<vmem>>[vector<16xi32>, vector<16xi32>, vector<16xi32>], vector<16xf32>,
        %add3A_1269 = arith.constant 28 : i32
        %add3A_1270 = vector.broadcast %add3A_1269 : i32 to vector<16xi32>
        %add3A_1271 = arith.addi %add3A_1270, %iota3A : vector<16xi32>
        %and3A_1272 = arith.constant 31 : i32
        %and3A_1273 = vector.broadcast %and3A_1272 : i32 to vector<16xi32>
        %and3A_1274 = arith.andi %add3A_1271, %and3A_1273 : vector<16xi32>
        %gather3A_1275 = arith.constant 1 : i32
        %gather3A_1276 = arith.constant 0 : i32
        %gather3A_1277 = arith.constant 0 : i32
        %gather3A_1278 = tpu.memref_slice %arg7[%gather3A_1275, %gather3A_1276, %gather3A_1277] : memref<2x512x32xf32, #tpu.memory_space<vmem>> -> memref<1x512x32xf32, #tpu.memory_space<vmem>>
        %gather3A_1279 = tpu.memref_squeeze %gather3A_1278 : memref<1x512x32xf32, #tpu.memory_space<vmem>> -> memref<512x32xf32, #tpu.memory_space<vmem>>
        %gather3A_1280 = tpu.vector_load_idx %gather3A_1279[%add3A_483, %and3A_1274] : memref<512x32xf32, #tpu.memory_space<vmem>>[vector<16xi32>, vector<16xi32>], vector<16xf32>,
        %shift_right_arithmetic3A_1281 = arith.constant 3 : i32
        %shift_right_arithmetic3A_1282 = vector.broadcast %shift_right_arithmetic3A_1281 : i32 to vector<16xi32>
        %shift_right_arithmetic3A_1283 = arith.shrsi %and3A_1274, %shift_right_arithmetic3A_1282 : vector<16xi32>
        %and3A_1284 = arith.constant 7 : i32
        %and3A_1285 = vector.broadcast %and3A_1284 : i32 to vector<16xi32>
        %and3A_1286 = arith.andi %and3A_1274, %and3A_1285 : vector<16xi32>
        %shift_left3A_1287 = arith.constant 7 : i32
        %shift_left3A_1288 = vector.broadcast %shift_left3A_1287 : i32 to vector<16xi32>
        %shift_left3A_1289 = arith.shli %and3A_1286, %shift_left3A_1288 : vector<16xi32>
        %add3A_1290 = arith.addi %shift_left3A_1289, %add3A_487 : vector<16xi32>
        %scatter3A_1291 = arith.constant 1 : i32
        %scatter3A_1292 = arith.constant 0 : i32
        %scatter3A_1293 = arith.constant 0 : i32
        %scatter3A_1294 = arith.constant 0 : i32
        %scatter3A_1295 = tpu.memref_slice %arg8[%scatter3A_1291, %scatter3A_1292, %scatter3A_1293, %scatter3A_1294] : memref<2x4x4x1024xf32, #tpu.memory_space<vmem>> -> memref<1x4x4x1024xf32, #tpu.memory_space<vmem>>
        %scatter3A_1296 = tpu.memref_squeeze %scatter3A_1295 : memref<1x4x4x1024xf32, #tpu.memory_space<vmem>> -> memref<4x4x1024xf32, #tpu.memory_space<vmem>>
        tpu.vector_store_idx %scatter3A_1296[%shift_right_arithmetic3A_1283, %broadcast_in_dim3A, %add3A_1290], %gather3A_1280 : memref<4x4x1024xf32, #tpu.memory_space<vmem>>[vector<16xi32>, vector<16xi32>, vector<16xi32>], vector<16xf32>,
        %add3A_1297 = arith.constant 29 : i32
        %add3A_1298 = vector.broadcast %add3A_1297 : i32 to vector<16xi32>
        %add3A_1299 = arith.addi %add3A_1298, %iota3A : vector<16xi32>
        %and3A_1300 = arith.constant 31 : i32
        %and3A_1301 = vector.broadcast %and3A_1300 : i32 to vector<16xi32>
        %and3A_1302 = arith.andi %add3A_1299, %and3A_1301 : vector<16xi32>
        %gather3A_1303 = arith.constant 1 : i32
        %gather3A_1304 = arith.constant 0 : i32
        %gather3A_1305 = arith.constant 0 : i32
        %gather3A_1306 = tpu.memref_slice %arg7[%gather3A_1303, %gather3A_1304, %gather3A_1305] : memref<2x512x32xf32, #tpu.memory_space<vmem>> -> memref<1x512x32xf32, #tpu.memory_space<vmem>>
        %gather3A_1307 = tpu.memref_squeeze %gather3A_1306 : memref<1x512x32xf32, #tpu.memory_space<vmem>> -> memref<512x32xf32, #tpu.memory_space<vmem>>
        %gather3A_1308 = tpu.vector_load_idx %gather3A_1307[%add3A_483, %and3A_1302] : memref<512x32xf32, #tpu.memory_space<vmem>>[vector<16xi32>, vector<16xi32>], vector<16xf32>,
        %shift_right_arithmetic3A_1309 = arith.constant 3 : i32
        %shift_right_arithmetic3A_1310 = vector.broadcast %shift_right_arithmetic3A_1309 : i32 to vector<16xi32>
        %shift_right_arithmetic3A_1311 = arith.shrsi %and3A_1302, %shift_right_arithmetic3A_1310 : vector<16xi32>
        %and3A_1312 = arith.constant 7 : i32
        %and3A_1313 = vector.broadcast %and3A_1312 : i32 to vector<16xi32>
        %and3A_1314 = arith.andi %and3A_1302, %and3A_1313 : vector<16xi32>
        %shift_left3A_1315 = arith.constant 7 : i32
        %shift_left3A_1316 = vector.broadcast %shift_left3A_1315 : i32 to vector<16xi32>
        %shift_left3A_1317 = arith.shli %and3A_1314, %shift_left3A_1316 : vector<16xi32>
        %add3A_1318 = arith.addi %shift_left3A_1317, %add3A_487 : vector<16xi32>
        %scatter3A_1319 = arith.constant 1 : i32
        %scatter3A_1320 = arith.constant 0 : i32
        %scatter3A_1321 = arith.constant 0 : i32
        %scatter3A_1322 = arith.constant 0 : i32
        %scatter3A_1323 = tpu.memref_slice %arg8[%scatter3A_1319, %scatter3A_1320, %scatter3A_1321, %scatter3A_1322] : memref<2x4x4x1024xf32, #tpu.memory_space<vmem>> -> memref<1x4x4x1024xf32, #tpu.memory_space<vmem>>
        %scatter3A_1324 = tpu.memref_squeeze %scatter3A_1323 : memref<1x4x4x1024xf32, #tpu.memory_space<vmem>> -> memref<4x4x1024xf32, #tpu.memory_space<vmem>>
        tpu.vector_store_idx %scatter3A_1324[%shift_right_arithmetic3A_1311, %broadcast_in_dim3A, %add3A_1318], %gather3A_1308 : memref<4x4x1024xf32, #tpu.memory_space<vmem>>[vector<16xi32>, vector<16xi32>, vector<16xi32>], vector<16xf32>,
        %add3A_1325 = arith.constant 30 : i32
        %add3A_1326 = vector.broadcast %add3A_1325 : i32 to vector<16xi32>
        %add3A_1327 = arith.addi %add3A_1326, %iota3A : vector<16xi32>
        %and3A_1328 = arith.constant 31 : i32
        %and3A_1329 = vector.broadcast %and3A_1328 : i32 to vector<16xi32>
        %and3A_1330 = arith.andi %add3A_1327, %and3A_1329 : vector<16xi32>
        %gather3A_1331 = arith.constant 1 : i32
        %gather3A_1332 = arith.constant 0 : i32
        %gather3A_1333 = arith.constant 0 : i32
        %gather3A_1334 = tpu.memref_slice %arg7[%gather3A_1331, %gather3A_1332, %gather3A_1333] : memref<2x512x32xf32, #tpu.memory_space<vmem>> -> memref<1x512x32xf32, #tpu.memory_space<vmem>>
        %gather3A_1335 = tpu.memref_squeeze %gather3A_1334 : memref<1x512x32xf32, #tpu.memory_space<vmem>> -> memref<512x32xf32, #tpu.memory_space<vmem>>
        %gather3A_1336 = tpu.vector_load_idx %gather3A_1335[%add3A_483, %and3A_1330] : memref<512x32xf32, #tpu.memory_space<vmem>>[vector<16xi32>, vector<16xi32>], vector<16xf32>,
        %shift_right_arithmetic3A_1337 = arith.constant 3 : i32
        %shift_right_arithmetic3A_1338 = vector.broadcast %shift_right_arithmetic3A_1337 : i32 to vector<16xi32>
        %shift_right_arithmetic3A_1339 = arith.shrsi %and3A_1330, %shift_right_arithmetic3A_1338 : vector<16xi32>
        %and3A_1340 = arith.constant 7 : i32
        %and3A_1341 = vector.broadcast %and3A_1340 : i32 to vector<16xi32>
        %and3A_1342 = arith.andi %and3A_1330, %and3A_1341 : vector<16xi32>
        %shift_left3A_1343 = arith.constant 7 : i32
        %shift_left3A_1344 = vector.broadcast %shift_left3A_1343 : i32 to vector<16xi32>
        %shift_left3A_1345 = arith.shli %and3A_1342, %shift_left3A_1344 : vector<16xi32>
        %add3A_1346 = arith.addi %shift_left3A_1345, %add3A_487 : vector<16xi32>
        %scatter3A_1347 = arith.constant 1 : i32
        %scatter3A_1348 = arith.constant 0 : i32
        %scatter3A_1349 = arith.constant 0 : i32
        %scatter3A_1350 = arith.constant 0 : i32
        %scatter3A_1351 = tpu.memref_slice %arg8[%scatter3A_1347, %scatter3A_1348, %scatter3A_1349, %scatter3A_1350] : memref<2x4x4x1024xf32, #tpu.memory_space<vmem>> -> memref<1x4x4x1024xf32, #tpu.memory_space<vmem>>
        %scatter3A_1352 = tpu.memref_squeeze %scatter3A_1351 : memref<1x4x4x1024xf32, #tpu.memory_space<vmem>> -> memref<4x4x1024xf32, #tpu.memory_space<vmem>>
        tpu.vector_store_idx %scatter3A_1352[%shift_right_arithmetic3A_1339, %broadcast_in_dim3A, %add3A_1346], %gather3A_1336 : memref<4x4x1024xf32, #tpu.memory_space<vmem>>[vector<16xi32>, vector<16xi32>, vector<16xi32>], vector<16xf32>,
        %add3A_1353 = arith.constant 31 : i32
        %add3A_1354 = vector.broadcast %add3A_1353 : i32 to vector<16xi32>
        %add3A_1355 = arith.addi %add3A_1354, %iota3A : vector<16xi32>
        %and3A_1356 = arith.constant 31 : i32
        %and3A_1357 = vector.broadcast %and3A_1356 : i32 to vector<16xi32>
        %and3A_1358 = arith.andi %add3A_1355, %and3A_1357 : vector<16xi32>
        %gather3A_1359 = arith.constant 1 : i32
        %gather3A_1360 = arith.constant 0 : i32
        %gather3A_1361 = arith.constant 0 : i32
        %gather3A_1362 = tpu.memref_slice %arg7[%gather3A_1359, %gather3A_1360, %gather3A_1361] : memref<2x512x32xf32, #tpu.memory_space<vmem>> -> memref<1x512x32xf32, #tpu.memory_space<vmem>>
        %gather3A_1363 = tpu.memref_squeeze %gather3A_1362 : memref<1x512x32xf32, #tpu.memory_space<vmem>> -> memref<512x32xf32, #tpu.memory_space<vmem>>
        %gather3A_1364 = tpu.vector_load_idx %gather3A_1363[%add3A_483, %and3A_1358] : memref<512x32xf32, #tpu.memory_space<vmem>>[vector<16xi32>, vector<16xi32>], vector<16xf32>,
        %shift_right_arithmetic3A_1365 = arith.constant 3 : i32
        %shift_right_arithmetic3A_1366 = vector.broadcast %shift_right_arithmetic3A_1365 : i32 to vector<16xi32>
        %shift_right_arithmetic3A_1367 = arith.shrsi %and3A_1358, %shift_right_arithmetic3A_1366 : vector<16xi32>
        %and3A_1368 = arith.constant 7 : i32
        %and3A_1369 = vector.broadcast %and3A_1368 : i32 to vector<16xi32>
        %and3A_1370 = arith.andi %and3A_1358, %and3A_1369 : vector<16xi32>
        %shift_left3A_1371 = arith.constant 7 : i32
        %shift_left3A_1372 = vector.broadcast %shift_left3A_1371 : i32 to vector<16xi32>
        %shift_left3A_1373 = arith.shli %and3A_1370, %shift_left3A_1372 : vector<16xi32>
        %add3A_1374 = arith.addi %shift_left3A_1373, %add3A_487 : vector<16xi32>
        %scatter3A_1375 = arith.constant 1 : i32
        %scatter3A_1376 = arith.constant 0 : i32
        %scatter3A_1377 = arith.constant 0 : i32
        %scatter3A_1378 = arith.constant 0 : i32
        %scatter3A_1379 = tpu.memref_slice %arg8[%scatter3A_1375, %scatter3A_1376, %scatter3A_1377, %scatter3A_1378] : memref<2x4x4x1024xf32, #tpu.memory_space<vmem>> -> memref<1x4x4x1024xf32, #tpu.memory_space<vmem>>
        %scatter3A_1380 = tpu.memref_squeeze %scatter3A_1379 : memref<1x4x4x1024xf32, #tpu.memory_space<vmem>> -> memref<4x4x1024xf32, #tpu.memory_space<vmem>>
        tpu.vector_store_idx %scatter3A_1380[%shift_right_arithmetic3A_1367, %broadcast_in_dim3A, %add3A_1374], %gather3A_1364 : memref<4x4x1024xf32, #tpu.memory_space<vmem>>[vector<16xi32>, vector<16xi32>, vector<16xi32>], vector<16xf32>,
      }
      %scan3A_272 = arith.constant 32 : i32
      %add3A_273 = arith.constant 1 : i32
      %add3A_274 = arith.addi %mul3A_16, %add3A_273 : i32
      %dma_start3A_275 = arith.constant 1 : i32
      %dma_start3A_276 = arith.constant 0 : i32
      %dma_start3A_277 = arith.constant 0 : i32
      %dma_start3A_278 = arith.constant 0 : i32
      %dma_start3A_279 = arith.constant 0 : i32
      %dma_start3A_280 = tpu.memref_slice %arg8[%dma_start3A_275, %dma_start3A_276, %dma_start3A_278, %dma_start3A_279] : memref<2x4x4x1024xf32, #tpu.memory_space<vmem>> -> memref<1x1x4x1024xf32, #tpu.memory_space<vmem>>
      %dma_start3A_281 = tpu.memref_squeeze %dma_start3A_280 : memref<1x1x4x1024xf32, #tpu.memory_space<vmem>> -> memref<4x1024xf32, #tpu.memory_space<vmem>>
      %dma_start3A_282 = arith.constant 0 : i32
      %dma_start3A_283 = tpu.memref_slice %arg4[%add3A_274, %dma_start3A_277, %mul3A_2, %dma_start3A_282] : memref<50x4x128x1024xf32, #tpu.memory_space<hbm>> -> memref<1x1x4x1024xf32, #tpu.memory_space<hbm>>
      %dma_start3A_284 = tpu.memref_squeeze %dma_start3A_283 : memref<1x1x4x1024xf32, #tpu.memory_space<hbm>> -> memref<4x1024xf32, #tpu.memory_space<hbm>>
      %dma_start3A_285 = arith.constant 0 : i32
      %dma_start3A_286 = tpu.memref_slice %arg4[%add3A_274, %dma_start3A_277, %mul3A_2, %dma_start3A_285] : memref<50x4x128x1024xf32, #tpu.memory_space<hbm>> -> memref<1x1x4x1024xf32, #tpu.memory_space<hbm>>
      %dma_start3A_287 = tpu.memref_squeeze %dma_start3A_286 : memref<1x1x4x1024xf32, #tpu.memory_space<hbm>> -> memref<4x1024xf32, #tpu.memory_space<hbm>>
      %dma_start3A_288 = arith.constant 0 : i32
      %dma_start3A_289 = arith.constant 0 : i32
      %dma_start3A_290 = tpu.memref_slice %arg8[%dma_start3A_275, %dma_start3A_276, %dma_start3A_288, %dma_start3A_289] : memref<2x4x4x1024xf32, #tpu.memory_space<vmem>> -> memref<1x1x4x1024xf32, #tpu.memory_space<vmem>>
      %dma_start3A_291 = tpu.memref_squeeze %dma_start3A_290 : memref<1x1x4x1024xf32, #tpu.memory_space<vmem>> -> memref<4x1024xf32, #tpu.memory_space<vmem>>
      tpu.enqueue_dma source(%dma_start3A_291 : memref<4x1024xf32, #tpu.memory_space<vmem>>) target(%dma_start3A_287 : memref<4x1024xf32, #tpu.memory_space<hbm>>) target_semaphore(%arg14 : memref<!tpu.dma_semaphore, #tpu.memory_space<semaphore_mem>>)
      %dma_start3A_292 = arith.constant 1 : i32
      %dma_start3A_293 = arith.constant 1 : i32
      %dma_start3A_294 = arith.constant 1 : i32
      %dma_start3A_295 = arith.constant 0 : i32
      %dma_start3A_296 = arith.constant 0 : i32
      %dma_start3A_297 = tpu.memref_slice %arg8[%dma_start3A_292, %dma_start3A_293, %dma_start3A_295, %dma_start3A_296] : memref<2x4x4x1024xf32, #tpu.memory_space<vmem>> -> memref<1x1x4x1024xf32, #tpu.memory_space<vmem>>
      %dma_start3A_298 = tpu.memref_squeeze %dma_start3A_297 : memref<1x1x4x1024xf32, #tpu.memory_space<vmem>> -> memref<4x1024xf32, #tpu.memory_space<vmem>>
      %dma_start3A_299 = arith.constant 0 : i32
      %dma_start3A_300 = tpu.memref_slice %arg4[%add3A_274, %dma_start3A_294, %mul3A_2, %dma_start3A_299] : memref<50x4x128x1024xf32, #tpu.memory_space<hbm>> -> memref<1x1x4x1024xf32, #tpu.memory_space<hbm>>
      %dma_start3A_301 = tpu.memref_squeeze %dma_start3A_300 : memref<1x1x4x1024xf32, #tpu.memory_space<hbm>> -> memref<4x1024xf32, #tpu.memory_space<hbm>>
      %dma_start3A_302 = arith.constant 0 : i32
      %dma_start3A_303 = tpu.memref_slice %arg4[%add3A_274, %dma_start3A_294, %mul3A_2, %dma_start3A_302] : memref<50x4x128x1024xf32, #tpu.memory_space<hbm>> -> memref<1x1x4x1024xf32, #tpu.memory_space<hbm>>
      %dma_start3A_304 = tpu.memref_squeeze %dma_start3A_303 : memref<1x1x4x1024xf32, #tpu.memory_space<hbm>> -> memref<4x1024xf32, #tpu.memory_space<hbm>>
      %dma_start3A_305 = arith.constant 0 : i32
      %dma_start3A_306 = arith.constant 0 : i32
      %dma_start3A_307 = tpu.memref_slice %arg8[%dma_start3A_292, %dma_start3A_293, %dma_start3A_305, %dma_start3A_306] : memref<2x4x4x1024xf32, #tpu.memory_space<vmem>> -> memref<1x1x4x1024xf32, #tpu.memory_space<vmem>>
      %dma_start3A_308 = tpu.memref_squeeze %dma_start3A_307 : memref<1x1x4x1024xf32, #tpu.memory_space<vmem>> -> memref<4x1024xf32, #tpu.memory_space<vmem>>
      tpu.enqueue_dma source(%dma_start3A_308 : memref<4x1024xf32, #tpu.memory_space<vmem>>) target(%dma_start3A_304 : memref<4x1024xf32, #tpu.memory_space<hbm>>) target_semaphore(%arg14 : memref<!tpu.dma_semaphore, #tpu.memory_space<semaphore_mem>>)
      %dma_start3A_309 = arith.constant 1 : i32
      %dma_start3A_310 = arith.constant 2 : i32
      %dma_start3A_311 = arith.constant 2 : i32
      %dma_start3A_312 = arith.constant 0 : i32
      %dma_start3A_313 = arith.constant 0 : i32
      %dma_start3A_314 = tpu.memref_slice %arg8[%dma_start3A_309, %dma_start3A_310, %dma_start3A_312, %dma_start3A_313] : memref<2x4x4x1024xf32, #tpu.memory_space<vmem>> -> memref<1x1x4x1024xf32, #tpu.memory_space<vmem>>
      %dma_start3A_315 = tpu.memref_squeeze %dma_start3A_314 : memref<1x1x4x1024xf32, #tpu.memory_space<vmem>> -> memref<4x1024xf32, #tpu.memory_space<vmem>>
      %dma_start3A_316 = arith.constant 0 : i32
      %dma_start3A_317 = tpu.memref_slice %arg4[%add3A_274, %dma_start3A_311, %mul3A_2, %dma_start3A_316] : memref<50x4x128x1024xf32, #tpu.memory_space<hbm>> -> memref<1x1x4x1024xf32, #tpu.memory_space<hbm>>
      %dma_start3A_318 = tpu.memref_squeeze %dma_start3A_317 : memref<1x1x4x1024xf32, #tpu.memory_space<hbm>> -> memref<4x1024xf32, #tpu.memory_space<hbm>>
      %dma_start3A_319 = arith.constant 0 : i32
      %dma_start3A_320 = tpu.memref_slice %arg4[%add3A_274, %dma_start3A_311, %mul3A_2, %dma_start3A_319] : memref<50x4x128x1024xf32, #tpu.memory_space<hbm>> -> memref<1x1x4x1024xf32, #tpu.memory_space<hbm>>
      %dma_start3A_321 = tpu.memref_squeeze %dma_start3A_320 : memref<1x1x4x1024xf32, #tpu.memory_space<hbm>> -> memref<4x1024xf32, #tpu.memory_space<hbm>>
      %dma_start3A_322 = arith.constant 0 : i32
      %dma_start3A_323 = arith.constant 0 : i32
      %dma_start3A_324 = tpu.memref_slice %arg8[%dma_start3A_309, %dma_start3A_310, %dma_start3A_322, %dma_start3A_323] : memref<2x4x4x1024xf32, #tpu.memory_space<vmem>> -> memref<1x1x4x1024xf32, #tpu.memory_space<vmem>>
      %dma_start3A_325 = tpu.memref_squeeze %dma_start3A_324 : memref<1x1x4x1024xf32, #tpu.memory_space<vmem>> -> memref<4x1024xf32, #tpu.memory_space<vmem>>
      tpu.enqueue_dma source(%dma_start3A_325 : memref<4x1024xf32, #tpu.memory_space<vmem>>) target(%dma_start3A_321 : memref<4x1024xf32, #tpu.memory_space<hbm>>) target_semaphore(%arg14 : memref<!tpu.dma_semaphore, #tpu.memory_space<semaphore_mem>>)
      %dma_start3A_326 = arith.constant 1 : i32
      %dma_start3A_327 = arith.constant 3 : i32
      %dma_start3A_328 = arith.constant 3 : i32
      %dma_start3A_329 = arith.constant 0 : i32
      %dma_start3A_330 = arith.constant 0 : i32
      %dma_start3A_331 = tpu.memref_slice %arg8[%dma_start3A_326, %dma_start3A_327, %dma_start3A_329, %dma_start3A_330] : memref<2x4x4x1024xf32, #tpu.memory_space<vmem>> -> memref<1x1x4x1024xf32, #tpu.memory_space<vmem>>
      %dma_start3A_332 = tpu.memref_squeeze %dma_start3A_331 : memref<1x1x4x1024xf32, #tpu.memory_space<vmem>> -> memref<4x1024xf32, #tpu.memory_space<vmem>>
      %dma_start3A_333 = arith.constant 0 : i32
      %dma_start3A_334 = tpu.memref_slice %arg4[%add3A_274, %dma_start3A_328, %mul3A_2, %dma_start3A_333] : memref<50x4x128x1024xf32, #tpu.memory_space<hbm>> -> memref<1x1x4x1024xf32, #tpu.memory_space<hbm>>
      %dma_start3A_335 = tpu.memref_squeeze %dma_start3A_334 : memref<1x1x4x1024xf32, #tpu.memory_space<hbm>> -> memref<4x1024xf32, #tpu.memory_space<hbm>>
      %dma_start3A_336 = arith.constant 0 : i32
      %dma_start3A_337 = tpu.memref_slice %arg4[%add3A_274, %dma_start3A_328, %mul3A_2, %dma_start3A_336] : memref<50x4x128x1024xf32, #tpu.memory_space<hbm>> -> memref<1x1x4x1024xf32, #tpu.memory_space<hbm>>
      %dma_start3A_338 = tpu.memref_squeeze %dma_start3A_337 : memref<1x1x4x1024xf32, #tpu.memory_space<hbm>> -> memref<4x1024xf32, #tpu.memory_space<hbm>>
      %dma_start3A_339 = arith.constant 0 : i32
      %dma_start3A_340 = arith.constant 0 : i32
      %dma_start3A_341 = tpu.memref_slice %arg8[%dma_start3A_326, %dma_start3A_327, %dma_start3A_339, %dma_start3A_340] : memref<2x4x4x1024xf32, #tpu.memory_space<vmem>> -> memref<1x1x4x1024xf32, #tpu.memory_space<vmem>>
      %dma_start3A_342 = tpu.memref_squeeze %dma_start3A_341 : memref<1x1x4x1024xf32, #tpu.memory_space<vmem>> -> memref<4x1024xf32, #tpu.memory_space<vmem>>
      tpu.enqueue_dma source(%dma_start3A_342 : memref<4x1024xf32, #tpu.memory_space<vmem>>) target(%dma_start3A_338 : memref<4x1024xf32, #tpu.memory_space<hbm>>) target_semaphore(%arg14 : memref<!tpu.dma_semaphore, #tpu.memory_space<semaphore_mem>>)
      %dma_wait3A_343 = arith.constant 0 : i32
      %dma_wait3A_344 = arith.constant 0 : i32
      %dma_wait3A_345 = arith.constant 0 : i32
      %dma_wait3A_346 = arith.constant 0 : i32
      %dma_wait3A_347 = arith.constant 0 : i32
      %dma_wait3A_348 = tpu.memref_slice %arg8[%dma_wait3A_343, %dma_wait3A_344, %dma_wait3A_346, %dma_wait3A_347] : memref<2x4x4x1024xf32, #tpu.memory_space<vmem>> -> memref<1x1x4x1024xf32, #tpu.memory_space<vmem>>
      %dma_wait3A_349 = tpu.memref_squeeze %dma_wait3A_348 : memref<1x1x4x1024xf32, #tpu.memory_space<vmem>> -> memref<4x1024xf32, #tpu.memory_space<vmem>>
      %dma_wait3A_350 = arith.constant 0 : i32
      %dma_wait3A_351 = tpu.memref_slice %arg4[%mul3A_16, %dma_wait3A_345, %mul3A_2, %dma_wait3A_350] : memref<50x4x128x1024xf32, #tpu.memory_space<hbm>> -> memref<1x1x4x1024xf32, #tpu.memory_space<hbm>>
      %dma_wait3A_352 = tpu.memref_squeeze %dma_wait3A_351 : memref<1x1x4x1024xf32, #tpu.memory_space<hbm>> -> memref<4x1024xf32, #tpu.memory_space<hbm>>
      %dma_wait3A_353 = arith.constant 0 : i32
      %dma_wait3A_354 = tpu.memref_slice %arg4[%mul3A_16, %dma_wait3A_345, %mul3A_2, %dma_wait3A_353] : memref<50x4x128x1024xf32, #tpu.memory_space<hbm>> -> memref<1x1x4x1024xf32, #tpu.memory_space<hbm>>
      %dma_wait3A_355 = tpu.memref_squeeze %dma_wait3A_354 : memref<1x1x4x1024xf32, #tpu.memory_space<hbm>> -> memref<4x1024xf32, #tpu.memory_space<hbm>>
      %dma_wait3A_356 = arith.constant 0 : i32
      %dma_wait3A_357 = arith.constant 0 : i32
      %dma_wait3A_358 = tpu.memref_slice %arg8[%dma_wait3A_343, %dma_wait3A_344, %dma_wait3A_356, %dma_wait3A_357] : memref<2x4x4x1024xf32, #tpu.memory_space<vmem>> -> memref<1x1x4x1024xf32, #tpu.memory_space<vmem>>
      %dma_wait3A_359 = tpu.memref_squeeze %dma_wait3A_358 : memref<1x1x4x1024xf32, #tpu.memory_space<vmem>> -> memref<4x1024xf32, #tpu.memory_space<vmem>>
      tpu.wait_dma2 semaphore(%arg13 : memref<!tpu.dma_semaphore, #tpu.memory_space<semaphore_mem>>) src(%dma_wait3A_359 : memref<4x1024xf32, #tpu.memory_space<vmem>>) dst(%dma_wait3A_355 : memref<4x1024xf32, #tpu.memory_space<hbm>>)
      %dma_wait3A_360 = arith.constant 0 : i32
      %dma_wait3A_361 = arith.constant 1 : i32
      %dma_wait3A_362 = arith.constant 1 : i32
      %dma_wait3A_363 = arith.constant 0 : i32
      %dma_wait3A_364 = arith.constant 0 : i32
      %dma_wait3A_365 = tpu.memref_slice %arg8[%dma_wait3A_360, %dma_wait3A_361, %dma_wait3A_363, %dma_wait3A_364] : memref<2x4x4x1024xf32, #tpu.memory_space<vmem>> -> memref<1x1x4x1024xf32, #tpu.memory_space<vmem>>
      %dma_wait3A_366 = tpu.memref_squeeze %dma_wait3A_365 : memref<1x1x4x1024xf32, #tpu.memory_space<vmem>> -> memref<4x1024xf32, #tpu.memory_space<vmem>>
      %dma_wait3A_367 = arith.constant 0 : i32
      %dma_wait3A_368 = tpu.memref_slice %arg4[%mul3A_16, %dma_wait3A_362, %mul3A_2, %dma_wait3A_367] : memref<50x4x128x1024xf32, #tpu.memory_space<hbm>> -> memref<1x1x4x1024xf32, #tpu.memory_space<hbm>>
      %dma_wait3A_369 = tpu.memref_squeeze %dma_wait3A_368 : memref<1x1x4x1024xf32, #tpu.memory_space<hbm>> -> memref<4x1024xf32, #tpu.memory_space<hbm>>
      %dma_wait3A_370 = arith.constant 0 : i32
      %dma_wait3A_371 = tpu.memref_slice %arg4[%mul3A_16, %dma_wait3A_362, %mul3A_2, %dma_wait3A_370] : memref<50x4x128x1024xf32, #tpu.memory_space<hbm>> -> memref<1x1x4x1024xf32, #tpu.memory_space<hbm>>
      %dma_wait3A_372 = tpu.memref_squeeze %dma_wait3A_371 : memref<1x1x4x1024xf32, #tpu.memory_space<hbm>> -> memref<4x1024xf32, #tpu.memory_space<hbm>>
      %dma_wait3A_373 = arith.constant 0 : i32
      %dma_wait3A_374 = arith.constant 0 : i32
      %dma_wait3A_375 = tpu.memref_slice %arg8[%dma_wait3A_360, %dma_wait3A_361, %dma_wait3A_373, %dma_wait3A_374] : memref<2x4x4x1024xf32, #tpu.memory_space<vmem>> -> memref<1x1x4x1024xf32, #tpu.memory_space<vmem>>
      %dma_wait3A_376 = tpu.memref_squeeze %dma_wait3A_375 : memref<1x1x4x1024xf32, #tpu.memory_space<vmem>> -> memref<4x1024xf32, #tpu.memory_space<vmem>>
      tpu.wait_dma2 semaphore(%arg13 : memref<!tpu.dma_semaphore, #tpu.memory_space<semaphore_mem>>) src(%dma_wait3A_376 : memref<4x1024xf32, #tpu.memory_space<vmem>>) dst(%dma_wait3A_372 : memref<4x1024xf32, #tpu.memory_space<hbm>>)
      %dma_wait3A_377 = arith.constant 0 : i32
      %dma_wait3A_378 = arith.constant 2 : i32
      %dma_wait3A_379 = arith.constant 2 : i32
      %dma_wait3A_380 = arith.constant 0 : i32
      %dma_wait3A_381 = arith.constant 0 : i32
      %dma_wait3A_382 = tpu.memref_slice %arg8[%dma_wait3A_377, %dma_wait3A_378, %dma_wait3A_380, %dma_wait3A_381] : memref<2x4x4x1024xf32, #tpu.memory_space<vmem>> -> memref<1x1x4x1024xf32, #tpu.memory_space<vmem>>
      %dma_wait3A_383 = tpu.memref_squeeze %dma_wait3A_382 : memref<1x1x4x1024xf32, #tpu.memory_space<vmem>> -> memref<4x1024xf32, #tpu.memory_space<vmem>>
      %dma_wait3A_384 = arith.constant 0 : i32
      %dma_wait3A_385 = tpu.memref_slice %arg4[%mul3A_16, %dma_wait3A_379, %mul3A_2, %dma_wait3A_384] : memref<50x4x128x1024xf32, #tpu.memory_space<hbm>> -> memref<1x1x4x1024xf32, #tpu.memory_space<hbm>>
      %dma_wait3A_386 = tpu.memref_squeeze %dma_wait3A_385 : memref<1x1x4x1024xf32, #tpu.memory_space<hbm>> -> memref<4x1024xf32, #tpu.memory_space<hbm>>
      %dma_wait3A_387 = arith.constant 0 : i32
      %dma_wait3A_388 = tpu.memref_slice %arg4[%mul3A_16, %dma_wait3A_379, %mul3A_2, %dma_wait3A_387] : memref<50x4x128x1024xf32, #tpu.memory_space<hbm>> -> memref<1x1x4x1024xf32, #tpu.memory_space<hbm>>
      %dma_wait3A_389 = tpu.memref_squeeze %dma_wait3A_388 : memref<1x1x4x1024xf32, #tpu.memory_space<hbm>> -> memref<4x1024xf32, #tpu.memory_space<hbm>>
      %dma_wait3A_390 = arith.constant 0 : i32
      %dma_wait3A_391 = arith.constant 0 : i32
      %dma_wait3A_392 = tpu.memref_slice %arg8[%dma_wait3A_377, %dma_wait3A_378, %dma_wait3A_390, %dma_wait3A_391] : memref<2x4x4x1024xf32, #tpu.memory_space<vmem>> -> memref<1x1x4x1024xf32, #tpu.memory_space<vmem>>
      %dma_wait3A_393 = tpu.memref_squeeze %dma_wait3A_392 : memref<1x1x4x1024xf32, #tpu.memory_space<vmem>> -> memref<4x1024xf32, #tpu.memory_space<vmem>>
      tpu.wait_dma2 semaphore(%arg13 : memref<!tpu.dma_semaphore, #tpu.memory_space<semaphore_mem>>) src(%dma_wait3A_393 : memref<4x1024xf32, #tpu.memory_space<vmem>>) dst(%dma_wait3A_389 : memref<4x1024xf32, #tpu.memory_space<hbm>>)
      %dma_wait3A_394 = arith.constant 0 : i32
      %dma_wait3A_395 = arith.constant 3 : i32
      %dma_wait3A_396 = arith.constant 3 : i32
      %dma_wait3A_397 = arith.constant 0 : i32
      %dma_wait3A_398 = arith.constant 0 : i32
      %dma_wait3A_399 = tpu.memref_slice %arg8[%dma_wait3A_394, %dma_wait3A_395, %dma_wait3A_397, %dma_wait3A_398] : memref<2x4x4x1024xf32, #tpu.memory_space<vmem>> -> memref<1x1x4x1024xf32, #tpu.memory_space<vmem>>
      %dma_wait3A_400 = tpu.memref_squeeze %dma_wait3A_399 : memref<1x1x4x1024xf32, #tpu.memory_space<vmem>> -> memref<4x1024xf32, #tpu.memory_space<vmem>>
      %dma_wait3A_401 = arith.constant 0 : i32
      %dma_wait3A_402 = tpu.memref_slice %arg4[%mul3A_16, %dma_wait3A_396, %mul3A_2, %dma_wait3A_401] : memref<50x4x128x1024xf32, #tpu.memory_space<hbm>> -> memref<1x1x4x1024xf32, #tpu.memory_space<hbm>>
      %dma_wait3A_403 = tpu.memref_squeeze %dma_wait3A_402 : memref<1x1x4x1024xf32, #tpu.memory_space<hbm>> -> memref<4x1024xf32, #tpu.memory_space<hbm>>
      %dma_wait3A_404 = arith.constant 0 : i32
      %dma_wait3A_405 = tpu.memref_slice %arg4[%mul3A_16, %dma_wait3A_396, %mul3A_2, %dma_wait3A_404] : memref<50x4x128x1024xf32, #tpu.memory_space<hbm>> -> memref<1x1x4x1024xf32, #tpu.memory_space<hbm>>
      %dma_wait3A_406 = tpu.memref_squeeze %dma_wait3A_405 : memref<1x1x4x1024xf32, #tpu.memory_space<hbm>> -> memref<4x1024xf32, #tpu.memory_space<hbm>>
      %dma_wait3A_407 = arith.constant 0 : i32
      %dma_wait3A_408 = arith.constant 0 : i32
      %dma_wait3A_409 = tpu.memref_slice %arg8[%dma_wait3A_394, %dma_wait3A_395, %dma_wait3A_407, %dma_wait3A_408] : memref<2x4x4x1024xf32, #tpu.memory_space<vmem>> -> memref<1x1x4x1024xf32, #tpu.memory_space<vmem>>
      %dma_wait3A_410 = tpu.memref_squeeze %dma_wait3A_409 : memref<1x1x4x1024xf32, #tpu.memory_space<vmem>> -> memref<4x1024xf32, #tpu.memory_space<vmem>>
      tpu.wait_dma2 semaphore(%arg13 : memref<!tpu.dma_semaphore, #tpu.memory_space<semaphore_mem>>) src(%dma_wait3A_410 : memref<4x1024xf32, #tpu.memory_space<vmem>>) dst(%dma_wait3A_406 : memref<4x1024xf32, #tpu.memory_space<hbm>>)
      %dma_wait3A_411 = arith.constant 1 : i32
      %dma_wait3A_412 = arith.constant 0 : i32
      %dma_wait3A_413 = arith.constant 0 : i32
      %dma_wait3A_414 = arith.constant 0 : i32
      %dma_wait3A_415 = arith.constant 0 : i32
      %dma_wait3A_416 = tpu.memref_slice %arg8[%dma_wait3A_411, %dma_wait3A_412, %dma_wait3A_414, %dma_wait3A_415] : memref<2x4x4x1024xf32, #tpu.memory_space<vmem>> -> memref<1x1x4x1024xf32, #tpu.memory_space<vmem>>
      %dma_wait3A_417 = tpu.memref_squeeze %dma_wait3A_416 : memref<1x1x4x1024xf32, #tpu.memory_space<vmem>> -> memref<4x1024xf32, #tpu.memory_space<vmem>>
      %dma_wait3A_418 = arith.constant 0 : i32
      %dma_wait3A_419 = tpu.memref_slice %arg4[%add3A_274, %dma_wait3A_413, %mul3A_2, %dma_wait3A_418] : memref<50x4x128x1024xf32, #tpu.memory_space<hbm>> -> memref<1x1x4x1024xf32, #tpu.memory_space<hbm>>
      %dma_wait3A_420 = tpu.memref_squeeze %dma_wait3A_419 : memref<1x1x4x1024xf32, #tpu.memory_space<hbm>> -> memref<4x1024xf32, #tpu.memory_space<hbm>>
      %dma_wait3A_421 = arith.constant 0 : i32
      %dma_wait3A_422 = tpu.memref_slice %arg4[%add3A_274, %dma_wait3A_413, %mul3A_2, %dma_wait3A_421] : memref<50x4x128x1024xf32, #tpu.memory_space<hbm>> -> memref<1x1x4x1024xf32, #tpu.memory_space<hbm>>
      %dma_wait3A_423 = tpu.memref_squeeze %dma_wait3A_422 : memref<1x1x4x1024xf32, #tpu.memory_space<hbm>> -> memref<4x1024xf32, #tpu.memory_space<hbm>>
      %dma_wait3A_424 = arith.constant 0 : i32
      %dma_wait3A_425 = arith.constant 0 : i32
      %dma_wait3A_426 = tpu.memref_slice %arg8[%dma_wait3A_411, %dma_wait3A_412, %dma_wait3A_424, %dma_wait3A_425] : memref<2x4x4x1024xf32, #tpu.memory_space<vmem>> -> memref<1x1x4x1024xf32, #tpu.memory_space<vmem>>
      %dma_wait3A_427 = tpu.memref_squeeze %dma_wait3A_426 : memref<1x1x4x1024xf32, #tpu.memory_space<vmem>> -> memref<4x1024xf32, #tpu.memory_space<vmem>>
      tpu.wait_dma2 semaphore(%arg14 : memref<!tpu.dma_semaphore, #tpu.memory_space<semaphore_mem>>) src(%dma_wait3A_427 : memref<4x1024xf32, #tpu.memory_space<vmem>>) dst(%dma_wait3A_423 : memref<4x1024xf32, #tpu.memory_space<hbm>>)
      %dma_wait3A_428 = arith.constant 1 : i32
      %dma_wait3A_429 = arith.constant 1 : i32
      %dma_wait3A_430 = arith.constant 1 : i32
      %dma_wait3A_431 = arith.constant 0 : i32
      %dma_wait3A_432 = arith.constant 0 : i32
      %dma_wait3A_433 = tpu.memref_slice %arg8[%dma_wait3A_428, %dma_wait3A_429, %dma_wait3A_431, %dma_wait3A_432] : memref<2x4x4x1024xf32, #tpu.memory_space<vmem>> -> memref<1x1x4x1024xf32, #tpu.memory_space<vmem>>
      %dma_wait3A_434 = tpu.memref_squeeze %dma_wait3A_433 : memref<1x1x4x1024xf32, #tpu.memory_space<vmem>> -> memref<4x1024xf32, #tpu.memory_space<vmem>>
      %dma_wait3A_435 = arith.constant 0 : i32
      %dma_wait3A_436 = tpu.memref_slice %arg4[%add3A_274, %dma_wait3A_430, %mul3A_2, %dma_wait3A_435] : memref<50x4x128x1024xf32, #tpu.memory_space<hbm>> -> memref<1x1x4x1024xf32, #tpu.memory_space<hbm>>
      %dma_wait3A_437 = tpu.memref_squeeze %dma_wait3A_436 : memref<1x1x4x1024xf32, #tpu.memory_space<hbm>> -> memref<4x1024xf32, #tpu.memory_space<hbm>>
      %dma_wait3A_438 = arith.constant 0 : i32
      %dma_wait3A_439 = tpu.memref_slice %arg4[%add3A_274, %dma_wait3A_430, %mul3A_2, %dma_wait3A_438] : memref<50x4x128x1024xf32, #tpu.memory_space<hbm>> -> memref<1x1x4x1024xf32, #tpu.memory_space<hbm>>
      %dma_wait3A_440 = tpu.memref_squeeze %dma_wait3A_439 : memref<1x1x4x1024xf32, #tpu.memory_space<hbm>> -> memref<4x1024xf32, #tpu.memory_space<hbm>>
      %dma_wait3A_441 = arith.constant 0 : i32
      %dma_wait3A_442 = arith.constant 0 : i32
      %dma_wait3A_443 = tpu.memref_slice %arg8[%dma_wait3A_428, %dma_wait3A_429, %dma_wait3A_441, %dma_wait3A_442] : memref<2x4x4x1024xf32, #tpu.memory_space<vmem>> -> memref<1x1x4x1024xf32, #tpu.memory_space<vmem>>
      %dma_wait3A_444 = tpu.memref_squeeze %dma_wait3A_443 : memref<1x1x4x1024xf32, #tpu.memory_space<vmem>> -> memref<4x1024xf32, #tpu.memory_space<vmem>>
      tpu.wait_dma2 semaphore(%arg14 : memref<!tpu.dma_semaphore, #tpu.memory_space<semaphore_mem>>) src(%dma_wait3A_444 : memref<4x1024xf32, #tpu.memory_space<vmem>>) dst(%dma_wait3A_440 : memref<4x1024xf32, #tpu.memory_space<hbm>>)
      %dma_wait3A_445 = arith.constant 1 : i32
      %dma_wait3A_446 = arith.constant 2 : i32
      %dma_wait3A_447 = arith.constant 2 : i32
      %dma_wait3A_448 = arith.constant 0 : i32
      %dma_wait3A_449 = arith.constant 0 : i32
      %dma_wait3A_450 = tpu.memref_slice %arg8[%dma_wait3A_445, %dma_wait3A_446, %dma_wait3A_448, %dma_wait3A_449] : memref<2x4x4x1024xf32, #tpu.memory_space<vmem>> -> memref<1x1x4x1024xf32, #tpu.memory_space<vmem>>
      %dma_wait3A_451 = tpu.memref_squeeze %dma_wait3A_450 : memref<1x1x4x1024xf32, #tpu.memory_space<vmem>> -> memref<4x1024xf32, #tpu.memory_space<vmem>>
      %dma_wait3A_452 = arith.constant 0 : i32
      %dma_wait3A_453 = tpu.memref_slice %arg4[%add3A_274, %dma_wait3A_447, %mul3A_2, %dma_wait3A_452] : memref<50x4x128x1024xf32, #tpu.memory_space<hbm>> -> memref<1x1x4x1024xf32, #tpu.memory_space<hbm>>
      %dma_wait3A_454 = tpu.memref_squeeze %dma_wait3A_453 : memref<1x1x4x1024xf32, #tpu.memory_space<hbm>> -> memref<4x1024xf32, #tpu.memory_space<hbm>>
      %dma_wait3A_455 = arith.constant 0 : i32
      %dma_wait3A_456 = tpu.memref_slice %arg4[%add3A_274, %dma_wait3A_447, %mul3A_2, %dma_wait3A_455] : memref<50x4x128x1024xf32, #tpu.memory_space<hbm>> -> memref<1x1x4x1024xf32, #tpu.memory_space<hbm>>
      %dma_wait3A_457 = tpu.memref_squeeze %dma_wait3A_456 : memref<1x1x4x1024xf32, #tpu.memory_space<hbm>> -> memref<4x1024xf32, #tpu.memory_space<hbm>>
      %dma_wait3A_458 = arith.constant 0 : i32
      %dma_wait3A_459 = arith.constant 0 : i32
      %dma_wait3A_460 = tpu.memref_slice %arg8[%dma_wait3A_445, %dma_wait3A_446, %dma_wait3A_458, %dma_wait3A_459] : memref<2x4x4x1024xf32, #tpu.memory_space<vmem>> -> memref<1x1x4x1024xf32, #tpu.memory_space<vmem>>
      %dma_wait3A_461 = tpu.memref_squeeze %dma_wait3A_460 : memref<1x1x4x1024xf32, #tpu.memory_space<vmem>> -> memref<4x1024xf32, #tpu.memory_space<vmem>>
      tpu.wait_dma2 semaphore(%arg14 : memref<!tpu.dma_semaphore, #tpu.memory_space<semaphore_mem>>) src(%dma_wait3A_461 : memref<4x1024xf32, #tpu.memory_space<vmem>>) dst(%dma_wait3A_457 : memref<4x1024xf32, #tpu.memory_space<hbm>>)
      %dma_wait3A_462 = arith.constant 1 : i32
      %dma_wait3A_463 = arith.constant 3 : i32
      %dma_wait3A_464 = arith.constant 3 : i32
      %dma_wait3A_465 = arith.constant 0 : i32
      %dma_wait3A_466 = arith.constant 0 : i32
      %dma_wait3A_467 = tpu.memref_slice %arg8[%dma_wait3A_462, %dma_wait3A_463, %dma_wait3A_465, %dma_wait3A_466] : memref<2x4x4x1024xf32, #tpu.memory_space<vmem>> -> memref<1x1x4x1024xf32, #tpu.memory_space<vmem>>
      %dma_wait3A_468 = tpu.memref_squeeze %dma_wait3A_467 : memref<1x1x4x1024xf32, #tpu.memory_space<vmem>> -> memref<4x1024xf32, #tpu.memory_space<vmem>>
      %dma_wait3A_469 = arith.constant 0 : i32
      %dma_wait3A_470 = tpu.memref_slice %arg4[%add3A_274, %dma_wait3A_464, %mul3A_2, %dma_wait3A_469] : memref<50x4x128x1024xf32, #tpu.memory_space<hbm>> -> memref<1x1x4x1024xf32, #tpu.memory_space<hbm>>
      %dma_wait3A_471 = tpu.memref_squeeze %dma_wait3A_470 : memref<1x1x4x1024xf32, #tpu.memory_space<hbm>> -> memref<4x1024xf32, #tpu.memory_space<hbm>>
      %dma_wait3A_472 = arith.constant 0 : i32
      %dma_wait3A_473 = tpu.memref_slice %arg4[%add3A_274, %dma_wait3A_464, %mul3A_2, %dma_wait3A_472] : memref<50x4x128x1024xf32, #tpu.memory_space<hbm>> -> memref<1x1x4x1024xf32, #tpu.memory_space<hbm>>
      %dma_wait3A_474 = tpu.memref_squeeze %dma_wait3A_473 : memref<1x1x4x1024xf32, #tpu.memory_space<hbm>> -> memref<4x1024xf32, #tpu.memory_space<hbm>>
      %dma_wait3A_475 = arith.constant 0 : i32
      %dma_wait3A_476 = arith.constant 0 : i32
      %dma_wait3A_477 = tpu.memref_slice %arg8[%dma_wait3A_462, %dma_wait3A_463, %dma_wait3A_475, %dma_wait3A_476] : memref<2x4x4x1024xf32, #tpu.memory_space<vmem>> -> memref<1x1x4x1024xf32, #tpu.memory_space<vmem>>
      %dma_wait3A_478 = tpu.memref_squeeze %dma_wait3A_477 : memref<1x1x4x1024xf32, #tpu.memory_space<vmem>> -> memref<4x1024xf32, #tpu.memory_space<vmem>>
      tpu.wait_dma2 semaphore(%arg14 : memref<!tpu.dma_semaphore, #tpu.memory_space<semaphore_mem>>) src(%dma_wait3A_478 : memref<4x1024xf32, #tpu.memory_space<vmem>>) dst(%dma_wait3A_474 : memref<4x1024xf32, #tpu.memory_space<hbm>>)
    }
    %scan3A_13 = arith.constant 25 : i32
    return
  }
}

</mosaic_0001>

<sc_bundles>
// kernel: kernel.3.cloned.1.call-start
scs
__scs_entry_jumppad:
0x0: {  	(pc) =	sbr.rel $0x88, $3  }
0x1: {  	(tag) =	ssettag $0x0;
	lr =	simm.s32 $0x1  }
0x2: {  	[smem:$0x3F9F] =	sst lr;
	_ =	strace $0xD0000000  }
0x3: {  	_ = 	snop  }
0x4: {  	_ = 	snop  }
0x5: {  	_ = 	snop  }
0x6: {  	_ = 	snop  }
0x7: {  	_ = 	snop  }
__scs_overlays_trampoline_lowered:
0x8: {  	[smem:$0x3FAE] =	sst s0  }
0x9: {  	[smem:$0x3FAF] =	sst s1  }
0xa: {  	[smem:$0x3FB0] =	sst s2  }
0xb: {  	[smem:$0x3FB1] =	sst s3  }
0xc: {  	[smem:$0x3FB2] =	sst s4  }
0xd: {  	[smem:$0x3FB3] =	sst s5  }
0xe: {  	[smem:$0x3FB4] =	sst s6  }
0xf: {  	[smem:$0x3FB5] =	sst s7  }
0x10: {  	[smem:$0x3FB6] =	sst s8  }
0x11: {  	[smem:$0x3FB7] =	sst s9;
	s0 =	simm.s32 @!p0 $0x0  }
0x12: {  	s1 =	sld [smem:$0x3F9D];
	s0 =	simm.s32 @p0 $0x1  }
0x13: {  	[smem:$0x3FB8] =	sst s0;
	s0 =	simm.s32 @!p1 $0x0  }
0x14: {  	s2 =	sld [smem:$0x3F9C];
	s0 =	simm.s32 @p1 $0x1  }
0x15: {  	[smem:$0x3FB9] =	sst s0;
	s0 =	simm.s32 @!p2 $0x0  }
0x16: {  	s3 =	sld [smem:$0x3FDB];
	s0 =	simm.s32 @p2 $0x1  }
0x17: {  	s4 =	simm.s32 $0x1BF5;
	[smem:$0x3FBB] =	sst s0  }
0x18: {  	s0 =	sld [smem:$0x3F9E];
	_ =	swait.ge [sflag:s4], $0x0  }
0x19: {  	s7 =	sld [smem:$0x3F9F]  }
0x1a: {  	s8 =	sadd.s32 $0xFFFFE003, lr  }
0x1b: {  	s9 =	sadd.s32 $0xFFFFFEF7, lr;
	s5 =	simm.s32 $0xFFFFFFFF;
	p2 =	slt.u32 s8, $0xFFFFF086  }
0x1c: {  	p1 =	slt.u32 s9, $0xF7A;
	s5 =	simm.s32 @!p2 $0x0  }
0x1d: {  	s5 =	simm.s32 @p1 $0x1;
	p0 =	seq.s32 s7, s2  }
0x1e: {  	s7 =	smul.u32 @!p0 $0xF7A, s2;
	p2 =	seq.s32 @!p0 s5, $0x0  }
0x1f: {  	s9 =	smul.u32 $0xF7A, s1;
	s8 =	simm.s32 @!p0 $0x1BF5;
	p2 =	por !p2, p0  }
0x20: {  	[sflag:s8] =	ssyncset.s32 @!p0 $0xFFFFF086;
	s6 =	sadd.s32 @!p0 s3, s7;
	s7 =	simm.s32 @!p0 $0x108  }
0x21: {  	s3 =	sadd.s32 s3, s9;
	s6 =	sadd.s32 @!p0 $0x88, s6;
	s7 =	simm.s32 @p2 $0x1082  }
0x22: {  	[simem:s7], [sflag:s8] =	dma.local @!p0 [hbm:s6], $0xF7A  }
0x23: {  	s9 =	sor.u32 $0xD0000000, s2;
	s6 =	simm.s32 $0x108;
	_ =	swait.ge @!p0 [sflag:s8], $0x0  }
0x24: {  	s3 =	sadd.s32 $0x88, s3;
	s6 =	simm.s32 @!p1 $0x1082;
	[sflag:s4] =	ssyncset.s32 $0xFFFFF086  }
0x25: {  	[simem:s6], [sflag:s4] =	dma.local [hbm:s3], $0xF7A  }
0x26: {  	[smem:$0x3F9F] =	sst s1;
	(tag) =	ssettag s2;
	_ =	strace s9  }
0x27: {  	s1 =	sld [smem:$0x3FAF]  }
0x28: {  	s2 =	sld [smem:$0x3FB0]  }
0x29: {  	s4 =	sld [smem:$0x3FB2]  }
0x2a: {  	p0 =	seq.s32 s5, $0x0;
	s5 =	sld [smem:$0x3FB3]  }
0x2b: {  	s6 =	sld [smem:$0x3FB4]  }
0x2c: {  	s7 =	sld [smem:$0x3FB5]  }
0x2d: {  	s3 =	simm.s32 $0x108;
	s8 =	sld [smem:$0x3FB6]  }
0x2e: {  	s3 =	simm.s32 @!p0 $0x1082;
	s9 =	sld [smem:$0x3FB7]  }
0x2f: {  	lr =	sadd.s32 s0, s3;
	s0 =	sld [smem:$0x3FAE]  }
0x30: {  	s3 =	sld [smem:$0x3FB1]  }
0x31: {  	[smem:$0x3FBA] =	sst s10  }
0x32: {  	s10 =	sld [smem:$0x3FB8];
	_ =	sdelay $0x3  }
0x33: {  	p0 =	seq.s32 s10, $0x1;
	s10 =	sld [smem:$0x3FBA];
	_ =	sdelay $0x3  }
0x34: {  	[smem:$0x3FBA] =	sst s10  }
0x35: {  	s10 =	sld [smem:$0x3FB9];
	_ =	sdelay $0x3  }
0x36: {  	p1 =	seq.s32 s10, $0x1;
	s10 =	sld [smem:$0x3FBA];
	_ =	sdelay $0x3  }
0x37: {  	[smem:$0x3FBA] =	sst s10  }
0x38: {  	s10 =	sld [smem:$0x3FBB]  }
0x39: {  	_ = 	snop;
	(pc) =	sbr.ind lr, $3  }
0x3a: {  	_ = 	snop  }
0x3b: {  	_ = 	snop  }
0x3c: {  	p2 =	seq.s32 s10, $0x1;
	s10 =	sld [smem:$0x3FBA]  }
0x3d: {  	_ =	shalt  }
0x3e: {  	_ =	shalt  }
0x3f: {  	_ =	shalt  }
0x40: {  	_ =	shalt  }
0x41: {  	_ =	shalt  }
0x42: {  	_ =	shalt  }
0x43: {  	_ =	shalt  }
0x44: {  	_ =	shalt  }
0x45: {  	_ =	shalt  }
0x46: {  	_ =	shalt  }
0x47: {  	_ =	shalt  }
0x48: {  	_ =	shalt  }
0x49: {  	_ =	shalt  }
0x4a: {  	_ =	shalt  }
0x4b: {  	_ =	shalt  }
0x4c: {  	_ =	shalt  }
0x4d: {  	_ =	shalt  }
0x4e: {  	_ =	shalt  }
0x4f: {  	_ =	shalt  }
0x50: {  	_ =	shalt  }
0x51: {  	_ =	shalt  }
0x52: {  	_ =	shalt  }
0x53: {  	_ =	shalt  }
0x54: {  	_ =	shalt  }
0x55: {  	_ =	shalt  }
0x56: {  	_ =	shalt  }
0x57: {  	_ =	shalt  }
0x58: {  	_ =	shalt  }
0x59: {  	_ =	shalt  }
0x5a: {  	_ =	shalt  }
0x5b: {  	_ =	shalt  }
0x5c: {  	_ =	shalt  }
0x5d: {  	_ =	shalt  }
0x5e: {  	_ =	shalt  }
0x5f: {  	_ =	shalt  }
0x60: {  	_ =	shalt  }
0x61: {  	_ =	shalt  }
0x62: {  	_ =	shalt  }
0x63: {  	_ =	shalt  }
0x64: {  	_ =	shalt  }
0x65: {  	_ =	shalt  }
0x66: {  	_ =	shalt  }
0x67: {  	_ =	shalt  }
0x68: {  	_ =	shalt  }
0x69: {  	_ =	shalt  }
0x6a: {  	_ =	shalt  }
0x6b: {  	_ =	shalt  }
0x6c: {  	_ =	shalt  }
0x6d: {  	_ =	shalt  }
0x6e: {  	_ =	shalt  }
0x6f: {  	_ =	shalt  }
0x70: {  	_ =	shalt  }
0x71: {  	_ =	shalt  }
0x72: {  	_ =	shalt  }
0x73: {  	_ =	shalt  }
0x74: {  	_ =	shalt  }
0x75: {  	_ =	shalt  }
0x76: {  	_ =	shalt  }
0x77: {  	_ =	shalt  }
0x78: {  	_ =	shalt  }
0x79: {  	_ =	shalt  }
0x7a: {  	_ =	shalt  }
0x7b: {  	_ =	shalt  }
0x7c: {  	_ =	shalt  }
0x7d: {  	_ =	shalt  }
0x7e: {  	_ =	shalt  }
0x7f: {  	_ =	shalt  }
0x80: {  	_ =	shalt  }
0x81: {  	_ =	shalt  }
0x82: {  	_ =	shalt  }
0x83: {  	_ =	shalt  }
0x84: {  	_ =	shalt  }
0x85: {  	_ =	shalt  }
0x86: {  	_ =	shalt  }
0x87: {  	_ =	shalt  }
.Lfunc_end0:
.L_simem_size_0:
called_computation_lowered:
.L_overlay_start_0:
0x88: {  	s2 =	sld [smem:$0x3FD9]  }
0x89: {  	s3 =	sld [smem:$0x3FFE];
	_ =	sdelay $0x1  }
0x8a: {  	s1 =	srdreg.scid  }
0x8b: {  	s0 =	sand.u32 $0x1, s1  }
0x8c: {  	s17 =	sshll.u32 s0, $0xA;
	s2 =	sadd.s32 s3, s2  }
0x8d: {  	s2 =	sadd.s32 s2, s17  }
0x8e: {  	[smem:$0x3FC6] =	sst s2  }
0x8f: {  	_ = 	snop  }
0x90: {  	s2 =	sld [smem:$0x3FC9]  }
0x91: {  	s18 =	sld [smem:$0x3FD0];
	(tm) =	ssettm $0x1  }
0x92: {  	s4 =	sld [smem:$0x3FFB];
	_ =	sdelay $0x3  }
0x93: {  	_ =	strace s4  }
0x94: {  	s4 =	sld [smem:$0x3FFC];
	_ =	sdelay $0x3  }
0x95: {  	_ =	strace s4  }
0x96: {  	s4 =	sld [smem:$0x3FFD];
	_ =	sdelay $0x3  }
0x97: {  	_ =	strace s4  }
0x98: {  	_ =	strace $0x8FFFFFFF  }
0x99: {  	s19 =	sld [smem:$0x3FDB];
	_ =	sdelay $0x1  }
0x9a: {  	s5 =	simm.s32 $_scs_section_size  }
0x9b: {  	s6 =	simm.s32 $_size__tile_overlayer_lowered;
	s7 =	simm.s32 $_tile_overlayer_lowered  }
0x9c: {  	s22 =	simm.s32 $0x1BFF;
	s21 =	sshll.u32 s7, $0x1;
	s4 =	sadd.s32 s5, s19  }
0x9d: {  	s8 =	simm.s32 $0x0;
	s20 =	sshll.u32 s6, $0x1;
	s6 =	sadd.s32 s21, s4  }
0x9e: {  	[timem:s8], [sflag:s22] =	dma.local [hbm:s6], s20  }
0x9f: {  	_ =	swait.ge [sflag:s22], s20  }
0xa0: {  	s5 =	ssub.s32 $0x0, s20;
	[sflag:s22] =	ssyncset.done $0x0  }
0xa1: {  	[sflag:s22] =	ssyncadd.s32 s5;
	_ =	sdelay $0x1  }
0xa2: {  	s23 =	simm.s32 $0x1B8B  }
0xa3: {  	_ =	swait.ge [sflag:s23], $0x1  }
0xa4: {  	[sflag:s23] =	ssyncset.done $0x0  }
0xa5: {  	s25 =	simm.s32 $0x1B8E;
	s24 =	sld [smem:$0x3FFE];
	[sflag:s23] =	ssyncadd.s32 $0xFFFFFFFF  }
0xa6: {  	s26 =	simm.s32 $execute0_lowered;
	[smem:$0x3FD2] =	sst s25  }
0xa7: {  	s6 =	sshll.u32 s26, $0x1;
	_ =	strace $0x80000046;
	[dreg:$0x1] =	wrdreg $0xFFFFFFFF  }
0xa8: {  	s28 =	simm.s32 $_size_execute0_lowered;
	s4 =	sadd.s32 s4, s6;
	[dreg:$0x0] =	wrdreg $0x0  }
0xa9: {  	s6 =	sshll.u32 s28, $0x1;
	[dreg:$0x2] =	wrdreg s4  }
0xaa: {  	[dreg:$0x3] =	wrdreg s6  }
0xab: {  	[dreg:$0x4] =	wrdreg $0xC0  }
0xac: {  	_ =	task [dreg:s8], $0x5FFFF  }
0xad: {  	[dreg:$0x1] =	wrdreg $0xFFFFFFFF  }
0xae: {  	[dreg:$0x0] =	wrdreg $0x60  }
0xaf: {  	[dreg:$0x2] =	wrdreg s2  }
0xb0: {  	[dreg:$0x3] =	wrdreg s24  }
0xb1: {  	[dreg:$0x4] =	wrdreg s18  }
0xb2: {  	[dreg:$0x5] =	wrdreg $0x9  }
0xb3: {  	_ =	task.clear_ibuf [dreg:s8], $0x6FFFF;
	_ =	strace $0x90000046  }
0xb4: {  	s29 =	simm.s32 $0x9;
	_ =	strace $0x80000048  }
0xb5: {  	_ =	swait.ge [sflag:s29], $0x1  }
0xb6: {  	[sflag:s29] =	ssyncadd.s32 $0xFFFFFFFF  }
0xb7: {  	_ =	strace $0x90000048  }
0xb8: {  	_ =	sfence  }
0xb9: {  	s30 =	sld [smem:$0x0];
	_ =	sdelay $0x2  }
0xba: {  	s31 =	sshll.u32 s1, $0xD;
	s1 =	sshrl.u32 s1, $0x2  }
0xbb: {  	s3 =	sand.u32 $0x4000, s31;
	s1 =	sadd.s32 s1, s30  }
0xbc: {  	s0 =	sor.u32 s3, s0;
	s1 =	sshll.u32 s1, $0x11  }
0xbd: {  	s0 =	sor.u32 s1, s0  }
0xbe: {  	s0 =	sadd.s32 $0x8F2B, s0  }
0xbf: {  	[sflag:s0] =	ssyncadd.remote.s32 $0x1  }
0xc0: {  	_ =	sfence.sel $0xFFFF  }
0xc1: {  	[dreg:$0x0] =	wrdreg $0xFFFFFFFF;
	(pc) =	sbr.abs _section_cstart, $3  }
0xc2: {  	[dreg:$0x1] =	wrdreg $0xFFFFFFFF  }
0xc3: {  	_ =	task.clear_ibuf [dreg:s8], $0x2FFFF;
	_ =	strace $0x9FFFFFFF  }
0xc4: {  	(tm) =	ssettm $0x7FFFFFFF  }
0xc5: {  	_ =	shalt  }
tec
execute0_lowered:
.L_overlay_start_1:
0x0: {  	(tag) =	ssettag $0x1  }
0x1: {  	vm14 =	vcmask $0x300;
	v0 =	vimm.s32 $0x388;
	vm0 =	vcmask $0x704  }
0x2: {  	vm1 =	vcmask $0xB08;
	vm2 =	vcmask $0xF0C;
	vm3 =	vcmask $0x1310  }
0x3: {  	vm4 =	vcmask $0x1714;
	vm5 =	vcmask $0x1B18;
	vm6 =	vcmask $0x1F1C  }
0x4: {  	vm7 =	vcmask $0x2320;
	vm8 =	vcmask $0x2724;
	v1 =	vimm.s32 $0x76543210  }
0x5: {  	vm9 =	vcmask $0x2B28;
	vm10 =	vcmask $0x2F2C;
	v32 =	vimm.s32 $0x8  }
0x6: {  	vm12 =	vcmask $0x1F00;
	vm11 =	vcmask $0x3330;
	vm13 =	vcmask $0x3B38  }
0x7: {  	v3 =	vimm.s32 $0x6543210;
	vm15 =	vcmask $0x1B00;
	v35 =	vimm.s32 $0x88  }
0x8: {  	v36 =	vimm.s32 $0x543210;
	v42 =	vimm.s32 $0x108;
	v45 =	vimm.s32 $0x43210  }
0x9: {  	v47 =	vimm.s32 $0x188;
	v49 =	vimm.s32 $0x3020100;
	v52 =	vimm.s32 $0x208  }
0xa: {  	v55 =	vimm.s32 $0x20100;
	v58 =	vimm.s32 $0x288;
	v61 =	vimm.s32 $0x100  }
0xb: {  	v4 =	vimm.s32 $0x308;
	v7 =	vimm.s32 $0x2007;
	v0 =	vsel vm14, $0x0, v0  }
0xc: {  	v1 =	vunpack.c.l.s4.s8 v1;
	v3 =	vunpack.c.l.s4.s8 v3;
	v54 =	vsel vm14, $0x280, v52  }
0xd: {  	v63 =	vunpack.c.0.s8.s32 v61;
	v52 =	vimm.s32 $0x14131211;
	v0 =	vsel vm0, $0x80, v0  }
0xe: {  	v0 =	vsel vm1, $0x100, v0;
	v2 =	vunpack.c.0.s8.s32 v1;
	v1 =	vsel vm14, $0x80, v32  }
0xf: {  	v34 =	vunpack.c.0.s8.s32 v3;
	v3 =	vunpack.c.l.s4.s8 v36;
	v32 =	vsel vm14, $0x0, v7  }
0x10: {  	v36 =	vsel vm14, $0x1000, v7;
	v0 =	vsel vm2, $0x180, v0;
	v1 =	vsel vm0, $0x100, v1  }
0x11: {  	v0 =	vsel vm3, $0x200, v0;
	[tilespmem:$0x1FC20] =	vst v2;
	v2 =	vnsel vm12, $0x1007, v2;
	v1 =	vsel vm1, $0x180, v1  }
0x12: {  	vm12 =	vcmask $0x3734;
	v39 =	vunpack.c.0.s8.s32 v3;
	v3 =	vsel vm0, $0x1001, v32  }
0x13: {  	v0 =	vsel vm4, $0x280, v0;
	v2 =	vsel vm7, $0x1000, v2;
	v1 =	vsel vm2, $0x200, v1  }
0x14: {  	v3 =	vsel vm1, $0x1002, v3;
	v0 =	vsel vm5, $0x300, v0;
	v2 =	vsel vm8, $0x1001, v2  }
0x15: {  	v1 =	vsel vm3, $0x280, v1;
	v3 =	vsel vm2, $0x1003, v3;
	v0 =	vsel vm6, $0x380, v0  }
0x16: {  	v2 =	vsel vm9, $0x1002, v2;
	v1 =	vsel vm4, $0x300, v1;
	v3 =	vsel vm3, $0x1004, v3  }
0x17: {  	v0 =	vsel vm7, $0x8, v0;
	v2 =	vsel vm10, $0x1003, v2;
	v1 =	vsel vm5, $0x380, v1  }
0x18: {  	v0 =	vsel vm8, $0x88, v0;
	v2 =	vsel vm11, $0x1004, v2;
	v1 =	vsel vm6, $0x0, v1  }
0x19: {  	v0 =	vsel vm9, $0x108, v0;
	v2 =	vsel vm12, $0x1005, v2;
	v33 =	vsel vm7, $0x88, v1  }
0x1a: {  	v1 =	vnsel vm15, $0x2007, v34;
	vm15 =	vcmask $0x1700;
	v34 =	vsel vm4, $0x1005, v3  }
0x1b: {  	v0 =	vsel vm10, $0x188, v0;
	v24 =	vsel vm13, $0x1006, v2;
	v2 =	vsel vm14, $0x100, v35  }
0x1c: {  	v1 =	vsel vm6, $0x1007, v1;
	v41 =	vnsel vm15, $0x2007, v39;
	vm15 =	vcmask $0x1300  }
0x1d: {  	v35 =	vsel vm5, $0x1006, v34;
	v39 =	vimm.s32 $0x7;
	v0 =	vsel vm11, $0x208, v0  }
0x1e: {  	v2 =	vsel vm0, $0x180, v2;
	v1 =	vsel vm7, $0x1000, v1;
	v0 =	vsel vm12, $0x288, v0  }
0x1f: {  	v2 =	vsel vm1, $0x200, v2;
	v1 =	vsel vm8, $0x1001, v1;
	v23 =	vsel vm13, $0x308, v0  }
0x20: {  	v0 =	vsel vm8, $0x108, v33;
	v2 =	vsel vm2, $0x280, v2;
	v1 =	vsel vm9, $0x1002, v1  }
0x21: {  	v0 =	vsel vm9, $0x188, v0;
	v2 =	vsel vm3, $0x300, v2;
	v37 =	vsel vm10, $0x1003, v1  }
0x22: {  	v0 =	vsel vm10, $0x208, v0;
	v38 =	vsel vm4, $0x380, v2;
	v2 =	vsel vm14, $0x180, v42  }
0x23: {  	v0 =	vsel vm11, $0x288, v0;
	v1 =	vsel vm5, $0x0, v38;
	v2 =	vsel vm0, $0x200, v2  }
0x24: {  	v0 =	vsel vm12, $0x308, v0;
	v1 =	vsel vm6, $0x80, v1;
	v2 =	vsel vm1, $0x280, v2  }
0x25: {  	v26 =	vsel vm13, $0x388, v0;
	v0 =	vsel vm11, $0x1004, v37;
	v40 =	vsel vm7, $0x108, v1  }
0x26: {  	v1 =	vsel vm5, $0x1006, v41;
	v44 =	vsel vm2, $0x300, v2;
	v2 =	vunpack.c.l.s4.s8 v45  }
0x27: {  	v37 =	vimm.s32 $0x3007;
	v0 =	vsel vm12, $0x1005, v0;
	v1 =	vsel vm6, $0x1007, v1  }
0x28: {  	v27 =	vsel vm13, $0x1006, v0;
	v0 =	vsel vm8, $0x188, v40;
	v1 =	vsel vm7, $0x1000, v1  }
0x29: {  	v2 =	vunpack.c.0.s8.s32 v2;
	v0 =	vsel vm9, $0x208, v0;
	v1 =	vsel vm8, $0x1001, v1  }
0x2a: {  	v38 =	vsel vm14, $0x1000, v37;
	v0 =	vsel vm10, $0x288, v0;
	v1 =	vsel vm9, $0x1002, v1  }
0x2b: {  	v2 =	vnsel vm15, $0x2007, v2;
	v0 =	vsel vm11, $0x308, v0;
	v43 =	vsel vm10, $0x1003, v1  }
0x2c: {  	v1 =	vsel vm3, $0x380, v44;
	v2 =	vsel vm4, $0x1005, v2;
	v0 =	vsel vm12, $0x388, v0  }
0x2d: {  	v1 =	vsel vm4, $0x0, v1;
	v2 =	vsel vm5, $0x1006, v2;
	v30 =	vsel vm13, $0x8, v0  }
0x2e: {  	v0 =	vsel vm11, $0x1004, v43;
	v46 =	vsel vm5, $0x80, v1;
	v1 =	vsel vm14, $0x200, v47  }
0x2f: {  	v2 =	vsel vm6, $0x1007, v2;
	v0 =	vsel vm12, $0x1005, v0;
	v1 =	vsel vm0, $0x280, v1  }
0x30: {  	v2 =	vsel vm7, $0x1000, v2;
	v31 =	vsel vm13, $0x2006, v0;
	v0 =	vsel vm6, $0x100, v46  }
0x31: {  	v1 =	vsel vm1, $0x300, v1;
	v48 =	vsel vm8, $0x1001, v2;
	v2 =	vunpack.c.0.s8.s32 v49  }
0x32: {  	vm15 =	vcmask $0xF00;
	v0 =	vsel vm7, $0x188, v0;
	v1 =	vsel vm2, $0x380, v1  }
0x33: {  	v0 =	vsel vm8, $0x208, v0;
	v1 =	vsel vm3, $0x0, v1;
	[tilespmem:$0x1FC30] =	vst v2;
	v2 =	vnsel vm15, $0x2007, v2  }
0x34: {  	v0 =	vsel vm9, $0x288, v0;
	v1 =	vsel vm4, $0x80, v1;
	v51 =	vsel vm3, $0x1004, v2  }
0x35: {  	v2 =	vunpack.c.0.s8.s32 v55;
	v0 =	vsel vm10, $0x308, v0;
	v1 =	vsel vm5, $0x100, v1  }
0x36: {  	vm15 =	vcmask $0xB00;
	v0 =	vsel vm11, $0x388, v0;
	v1 =	vsel vm6, $0x180, v1  }
0x37: {  	v2 =	vnsel vm15, $0x2007, v2;
	vm15 =	vcmask $0x700;
	v0 =	vsel vm12, $0x8, v0  }
0x38: {  	v1 =	vsel vm7, $0x208, v1;
	v2 =	vsel vm2, $0x1003, v2;
	v41 =	vsel vm13, $0x88, v0  }
0x39: {  	v0 =	vsel vm9, $0x1002, v48;
	v1 =	vsel vm8, $0x288, v1;
	v2 =	vsel vm3, $0x1004, v2  }
0x3a: {  	v0 =	vsel vm10, $0x1003, v0;
	v1 =	vsel vm9, $0x308, v1;
	v2 =	vsel vm4, $0x1005, v2  }
0x3b: {  	v0 =	vsel vm11, $0x1004, v0;
	v1 =	vsel vm10, $0x388, v1;
	v57 =	vsel vm5, $0x1006, v2  }
0x3c: {  	v2 =	vsel vm14, $0x300, v58;
	v0 =	vsel vm12, $0x2005, v0;
	v50 =	vsel vm11, $0x8, v1  }
0x3d: {  	v1 =	vsel vm4, $0x1005, v51;
	v2 =	vsel vm0, $0x380, v2;
	v42 =	vsel vm13, $0x2006, v0  }
0x3e: {  	v0 =	vsel vm12, $0x88, v50;
	v53 =	vsel vm5, $0x1006, v1;
	v1 =	vsel vm0, $0x300, v54  }
0x3f: {  	v2 =	vsel vm1, $0x0, v2;
	v43 =	vsel vm13, $0x108, v0;
	v0 =	vsel vm6, $0x1007, v53  }
0x40: {  	v1 =	vsel vm1, $0x380, v1;
	v2 =	vsel vm2, $0x80, v2;
	v0 =	vsel vm7, $0x1000, v0  }
0x41: {  	v1 =	vsel vm2, $0x0, v1;
	v60 =	vsel vm3, $0x100, v2;
	v2 =	vsel vm14, $0x380, v4  }
0x42: {  	v4 =	vsel vm0, $0x1001, v38;
	v0 =	vsel vm8, $0x1001, v0;
	v1 =	vsel vm3, $0x80, v1  }
0x43: {  	v2 =	vsel vm0, $0x0, v2;
	v0 =	vsel vm9, $0x1002, v0;
	v1 =	vsel vm4, $0x100, v1  }
0x44: {  	v2 =	vsel vm1, $0x80, v2;
	v0 =	vsel vm10, $0x1003, v0;
	v1 =	vsel vm5, $0x180, v1  }
0x45: {  	v2 =	vsel vm2, $0x100, v2;
	v0 =	vsel vm11, $0x2004, v0;
	v1 =	vsel vm6, $0x200, v1  }
0x46: {  	v2 =	vsel vm3, $0x180, v2;
	v0 =	vsel vm12, $0x2005, v0;
	v56 =	vsel vm7, $0x288, v1  }
0x47: {  	v1 =	vsel vm6, $0x1007, v57;
	v2 =	vsel vm4, $0x200, v2;
	v44 =	vsel vm13, $0x2006, v0  }
0x48: {  	v0 =	vsel vm8, $0x308, v56;
	v1 =	vsel vm7, $0x1000, v1;
	v6 =	vsel vm5, $0x280, v2  }
0x49: {  	v2 =	vsel vm14, $0x2000, v37;
	v0 =	vsel vm9, $0x388, v0;
	v1 =	vsel vm8, $0x1001, v1  }
0x4a: {  	v2 =	vsel vm0, $0x2001, v2;
	v0 =	vsel vm10, $0x8, v0;
	v1 =	vsel vm9, $0x1002, v1  }
0x4b: {  	v2 =	vsel vm1, $0x2002, v2;
	v0 =	vsel vm11, $0x88, v0;
	v1 =	vsel vm10, $0x2003, v1  }
0x4c: {  	v2 =	vsel vm2, $0x2003, v2;
	v0 =	vsel vm12, $0x108, v0;
	v59 =	vsel vm11, $0x2004, v1  }
0x4d: {  	v1 =	vsel vm4, $0x180, v60;
	v2 =	vsel vm3, $0x2004, v2;
	v45 =	vsel vm13, $0x188, v0  }
0x4e: {  	v0 =	vsel vm12, $0x2005, v59;
	v62 =	vsel vm5, $0x200, v1;
	v1 =	vnsel vm15, $0x2007, v63  }
0x4f: {  	v2 =	vsel vm4, $0x2005, v2;
	vm15 =	vcmask $0x1F08;
	v48 =	vsel vm13, $0x2006, v0  }
0x50: {  	v0 =	vsel vm6, $0x280, v62;
	v1 =	vsel vm1, $0x1002, v1;
	v2 =	vsel vm5, $0x2006, v2  }
0x51: {  	v0 =	vsel vm7, $0x308, v0;
	v1 =	vsel vm2, $0x1003, v1;
	v2 =	vsel vm6, $0x2007, v2  }
0x52: {  	v0 =	vsel vm8, $0x388, v0;
	v1 =	vsel vm3, $0x1004, v1;
	v37 =	vsel vm7, $0x3000, v2  }
0x53: {  	v2 =	vsel vm14, $0x2000, v39;
	v0 =	vsel vm9, $0x8, v0;
	v1 =	vsel vm4, $0x1005, v1  }
0x54: {  	v2 =	vsel vm0, $0x2001, v2;
	v0 =	vsel vm10, $0x88, v0;
	v1 =	vsel vm5, $0x1006, v1  }
0x55: {  	v2 =	vsel vm1, $0x2002, v2;
	v0 =	vsel vm11, $0x108, v0;
	v5 =	vsel vm6, $0x1007, v1  }
0x56: {  	v1 =	vsel vm6, $0x300, v6;
	v49 =	vsel vm2, $0x2003, v2;
	v0 =	vsel vm12, $0x188, v0  }
0x57: {  	v1 =	vsel vm7, $0x388, v1;
	v61 =	vsel vm13, $0x208, v0;
	v0 =	vsel vm7, $0x1000, v5  }
0x58: {  	v1 =	vsel vm8, $0x8, v1;
	v5 =	vsel vm1, $0x1002, v4;
	v4 =	vsel vm1, $0x2002, v4  }
0x59: {  	v0 =	vsel vm8, $0x1001, v0;
	v1 =	vsel vm9, $0x88, v1;
	v6 =	vsel vm2, $0x1003, v5  }
0x5a: {  	v63 =	vsel vm2, $0x2003, v5;
	v4 =	vsel vm2, $0x2003, v4;
	v0 =	vsel vm9, $0x2002, v0  }
0x5b: {  	v1 =	vsel vm10, $0x108, v1;
	v7 =	vsel vm3, $0x1004, v6;
	v32 =	vsel vm3, $0x2004, v6  }
0x5c: {  	v4 =	vsel vm3, $0x2004, v4;
	v0 =	vsel vm10, $0x2003, v0;
	v1 =	vsel vm11, $0x188, v1  }
0x5d: {  	v8 =	vsel vm4, $0x1005, v7;
	v7 =	vsel vm4, $0x2005, v7;
	v5 =	vsel vm4, $0x2005, v32  }
0x5e: {  	v34 =	vsel vm4, $0x2005, v4;
	v32 =	vimm.s32 $0x32107654;
	v0 =	vsel vm11, $0x2004, v0  }
0x5f: {  	v33 =	vsel vm12, $0x208, v1;
	v1 =	vsel vm0, $0x1001, v36;
	v54 =	vsel vm5, $0x1006, v8  }
0x60: {  	v8 =	vsel vm5, $0x2006, v8;
	v60 =	vsel vm5, $0x2006, v7;
	v5 =	vsel vm5, $0x2006, v5  }
0x61: {  	v0 =	vsel vm12, $0x2005, v0;
	v56 =	vsel vm13, $0x288, v33;
	v1 =	vsel vm1, $0x1002, v1  }
0x62: {  	v8 =	vsel vm6, $0x2007, v8;
	v62 =	vsel vm6, $0x2007, v60;
	v5 =	vsel vm6, $0x2007, v5  }
0x63: {  	v60 =	vimm.s32 $0x1001F1E;
	v17 =	vsel vm13, $0x2006, v0;
	v0 =	vsel vm6, $0x1007, v35  }
0x64: {  	v1 =	vsel vm2, $0x1003, v1;
	v8 =	vsel vm7, $0x2000, v8;
	v5 =	vsel vm7, $0x2000, v5  }
0x65: {  	v35 =	vsel vm0, $0x2001, v38;
	v11 =	vunpack.c.0.s8.s32 v60;
	v60 =	vimm.s32 $0xC0B0A09  }
0x66: {  	v0 =	vsel vm7, $0x1000, v0;
	v1 =	vsel vm3, $0x1004, v1;
	v8 =	vsel vm8, $0x2001, v8  }
0x67: {  	v5 =	vsel vm8, $0x2001, v5;
	v0 =	vsel vm8, $0x2001, v0;
	v1 =	vsel vm4, $0x1005, v1  }
0x68: {  	v8 =	vsel vm9, $0x2002, v8;
	v33 =	vsel vm9, $0x2002, v5;
	v5 =	vunpack.c.l.s4.s8 v32  }
0x69: {  	v32 =	vimm.s32 $0x19181716;
	v0 =	vsel vm9, $0x2002, v0;
	v1 =	vsel vm5, $0x1006, v1  }
0x6a: {  	v57 =	vsel vm10, $0x2003, v8;
	v8 =	vimm.s32 $0xE0D0C0B;
	v0 =	vsel vm10, $0x2003, v0  }
0x6b: {  	v1 =	vsel vm6, $0x1007, v1;
	v39 =	vunpack.c.0.s8.s32 v5;
	v8 =	vunpack.c.0.s8.s32 v8  }
0x6c: {  	v0 =	vsel vm11, $0x2004, v0;
	v53 =	vsel vm7, $0x2000, v1;
	v1 =	vsel vm6, $0x2007, v54  }
0x6d: {  	v0 =	vsel vm12, $0x2005, v0;
	v1 =	vsel vm7, $0x2000, v1;
	v4 =	vand.u32 $0xF, v39  }
0x6e: {  	v59 =	vsel vm13, $0x2006, v0;
	v0 =	vsel vm8, $0x2001, v53;
	v1 =	vsel vm8, $0x2001, v1  }
0x6f: {  	v53 =	vimm.s32 $0x18171615;
	v0 =	vsel vm9, $0x2002, v0;
	v1 =	vsel vm9, $0x2002, v1  }
0x70: {  	v9 =	vunpack.c.0.s8.s32 v53;
	v0 =	vsel vm10, $0x2003, v0;
	v1 =	vsel vm10, $0x2003, v1  }
0x71: {  	v0 =	vsel vm11, $0x2004, v0;
	v55 =	vsel vm11, $0x2004, v1;
	v1 =	vsel vm11, $0x2004, v57  }
0x72: {  	v53 =	vimm.s32 $0xB0A0908;
	v0 =	vsel vm12, $0x2005, v0;
	v58 =	vsel vm12, $0x2005, v1  }
0x73: {  	v1 =	vsel vm3, $0x2004, v63;
	v63 =	vimm.s32 $0x201001F;
	v15 =	vsel vm13, $0x2006, v0  }
0x74: {  	v0 =	vsel vm12, $0x2005, v55;
	v16 =	vsel vm13, $0x3006, v58;
	v1 =	vsel vm4, $0x2005, v1  }
0x75: {  	v55 =	vimm.s32 $0x1C1B1A19;
	v58 =	vimm.s32 $0x1F1E1D;
	v13 =	vunpack.c.0.s8.s32 v63  }
0x76: {  	v50 =	vsel vm13, $0x2006, v0;
	v0 =	vsel vm7, $0x2000, v62;
	v1 =	vsel vm5, $0x2006, v1  }
0x77: {  	v10 =	vunpack.c.0.s8.s32 v55;
	v0 =	vsel vm8, $0x2001, v0;
	v1 =	vsel vm6, $0x2007, v1  }
0x78: {  	v62 =	vimm.s32 $0x76543200;
	v0 =	vsel vm9, $0x2002, v0;
	v1 =	vsel vm7, $0x2000, v1  }
0x79: {  	v55 =	vimm.s32 $0x6543A987;
	v0 =	vsel vm10, $0x2003, v0;
	v1 =	vsel vm8, $0x2001, v1  }
0x7a: {  	v3 =	vunpack.c.l.s4.s8 v62;
	v0 =	vsel vm11, $0x2004, v0;
	v1 =	vsel vm9, $0x2002, v1  }
0x7b: {  	v62 =	vimm.s32 $0xD0C0B0A;
	v0 =	vsel vm12, $0x3005, v0;
	v1 =	vsel vm10, $0x3003, v1  }
0x7c: {  	v51 =	vsel vm13, $0x3006, v0;
	v0 =	vsel vm10, $0x2003, v33;
	v1 =	vsel vm11, $0x3004, v1  }
0x7d: {  	v7 =	vunpack.c.0.s8.s32 v62;
	v0 =	vsel vm11, $0x3004, v0;
	v1 =	vsel vm12, $0x3005, v1  }
0x7e: {  	v3 =	vunpack.c.0.s8.s32 v3;
	v0 =	vsel vm12, $0x3005, v0;
	v46 =	vsel vm13, $0x3006, v1  }
0x7f: {  	v1 =	vsel vm1, $0x2002, v35;
	v40 =	vsel vm13, $0x3006, v0;
	v0 =	vsel vm5, $0x2006, v34  }
0x80: {  	v33 =	vimm.s32 $0x3000;
	v1 =	vsel vm2, $0x2003, v1;
	v0 =	vsel vm6, $0x2007, v0  }
0x81: {  	v35 =	vsel vm0, $0x3001, v33;
	v1 =	vsel vm3, $0x2004, v1;
	v0 =	vsel vm7, $0x2000, v0  }
0x82: {  	v33 =	vimm.s32 $0x16151413;
	v1 =	vsel vm4, $0x2005, v1;
	v0 =	vsel vm8, $0x2001, v0  }
0x83: {  	v3 =	vsel vm15, v3, v35;
	v1 =	vsel vm5, $0x2006, v1;
	v0 =	vsel vm9, $0x3002, v0  }
0x84: {  	vm15 =	vcmask $0x2F10;
	v1 =	vsel vm6, $0x2007, v1;
	v0 =	vsel vm10, $0x3003, v0  }
0x85: {  	[tilespmem:$0x1FC60] =	vst v35;
	v35 =	vimm.s32 $0x1A191817;
	v1 =	vsel vm7, $0x2000, v1;
	v0 =	vsel vm11, $0x3004, v0  }
0x86: {  	v36 =	vsel vm8, $0x3001, v1;
	v1 =	vsel vm8, $0x3001, v37;
	v0 =	vsel vm12, $0x3005, v0  }
0x87: {  	v1 =	vsel vm9, $0x3002, v1;
	v38 =	vsel vm13, $0x3006, v0;
	v0 =	vsel vm9, $0x3002, v36  }
0x88: {  	v1 =	vsel vm10, $0x3003, v1;
	v36 =	vimm.s32 $0x1F1E1D1C;
	v0 =	vsel vm10, $0x3003, v0  }
0x89: {  	v1 =	vsel vm11, $0x3004, v1;
	v37 =	vunpack.c.0.s8.s32 v36;
	v36 =	vimm.s32 $0x1D1C1B1A  }
0x8a: {  	v0 =	vsel vm11, $0x3004, v0;
	v47 =	vsel vm12, $0x3005, v1;
	v1 =	vsel vm3, $0x2004, v49  }
0x8b: {  	v49 =	vimm.s32 $0x43218765;
	v0 =	vsel vm12, $0x3005, v0;
	v29 =	vsel vm13, $0x3006, v47  }
0x8c: {  	v54 =	vsel vm4, $0x2005, v1;
	v1 =	vunpack.c.0.s8.s32 v58;
	v47 =	vimm.s32 $0x1007  }
0x8d: {  	v5 =	vunpack.c.l.s4.s8 v49;
	v58 =	vunpack.c.l.s4.s8 v55;
	v34 =	vsel vm13, $0x3006, v0  }
0x8e: {  	[tilespmem:$0x1FC70] =	vst v3;
	v0 =	vunpack.c.0.s8.s32 v52;
	v57 =	vsel vm5, $0x2006, v54;
	v3 =	vsel vm14, $0x3000, v47  }
0x8f: {  	[tilespmem:$0x1FC50] =	vst v54;
	v52 =	vsel vm15, v4, v37;
	v4 =	vunpack.c.0.s8.s32 v53;
	v54 =	vimm.s32 $0x54329876  }
0x90: {  	[tilespmem:$0x1FC40] =	vst v2;
	vm14 =	vcmask $0x3F30;
	v47 =	vunpack.c.0.s8.s32 v36;
	v2 =	vsel vm6, $0x3007, v57  }
0x91: {  	v5 =	vunpack.c.0.s8.s32 v5;
	v6 =	vunpack.c.l.s4.s8 v54;
	v2 =	vsel vm7, $0x3000, v2  }
0x92: {  	[tilespmem:$0x1FC90] =	vst v37;
	v37 =	vsel vm14, v4, v52;
	v4 =	vunpack.c.0.s8.s32 v58;
	v2 =	vsel vm8, $0x3001, v2  }
0x93: {  	v57 =	vand.u32 $0xF, v5;
	v6 =	vunpack.c.0.s8.s32 v6;
	v5 =	vunpack.c.0.s8.s32 v60  }
0x94: {  	[tilespmem:$0x1FC80] =	vst v3;
	v3 =	vsel vm15, v57, v1;
	v4 =	vand.u32 $0xF, v4;
	v2 =	vsel vm9, $0x3002, v2  }
0x95: {  	v57 =	vimm.s32 $0x1B1A1918;
	v6 =	vand.u32 $0xF, v6;
	v55 =	vsel vm14, v5, v3  }
0x96: {  	v63 =	vsel vm15, v4, v13;
	v2 =	vsel vm10, $0x3003, v2;
	v58 =	vunpack.c.0.s8.s32 v57  }
0x97: {  	[tilespmem:$0x1FCA0] =	vst v9;
	v6 =	vsel vm15, v6, v11;
	vm15 =	vcmask $0x1F10;
	v5 =	vsel vm11, $0x3004, v2  }
0x98: {  	[tilespmem:$0x1FCB0] =	vst v10;
	v7 =	vsel vm14, v7, v6;
	v0 =	vsel vm15, v9, v0;
	v3 =	vsel vm15, v1, v10  }
0x99: {  	[tilespmem:$0x1FCE0] =	vst v47;
	v6 =	vimm.s32 $0x15141312;
	v9 =	vunpack.c.0.s8.s32 v32;
	v18 =	vcombine.low v0, v3  }
0x9a: {  	[tilespmem:$0x1FD30] =	vst v58;
	v0 =	vsel vm12, $0x3005, v5;
	v2 =	vunpack.c.0.s8.s32 v6;
	v5 =	vunpack.c.0.s8.s32 v35  }
0x9b: {  	v53 =	vimm.s32 $0x17161514;
	v52 =	vimm.s32 $0x1E1D1C1B;
	v4 =	vunpack.c.0.s8.s32 v33;
	[tilespmem:$0x1FCC0] =	vst v9  }
0x9c: {  	v8 =	vsel vm14, v8, v63;
	v63 =	vimm.s32 $0x7060500;
	v39 =	vsel vm15, v9, v2;
	[tilespmem:$0x1FCF0] =	vst v5  }
0x9d: {  	v19 =	vsel vm13, $0x3006, v0;
	v0 =	vunpack.c.0.s8.s32 v52;
	v49 =	vsel vm15, v5, v4;
	[tilespmem:$0x1FCD0] =	vst v39  }
0x9e: {  	v54 =	vunpack.c.0.s8.s32 v53;
	v60 =	vimm.s32 $0x4030201;
	v5 =	vunpack.c.0.s8.s32 v63;
	[tilespmem:$0x1FD00] =	vst v49  }
0x9f: {  	s0 =	rddreg [dreg:$0x0];
	v2 =	vunpack.c.0.s8.s32 v60;
	[tilespmem:$0x1FD10] =	vst v0  }
0xa0: {  	s1 =	rddreg [dreg:$0x1];
	s3 =	simm.s32 $0x0;
	v47 =	vimm.s32 $0xA9876543;
	v33 =	vimm.s32 $0x3060504;
	v0 =	vsel vm15, v58, v54;
	[tilespmem:$0x1FD20] =	vst v5  }
0xa1: {  	[smem:$0x7FF] =	sst s3;
	v57 =	vunpack.c.0.s8.s32 v33;
	v6 =	vunpack.c.l.s4.s8 v47;
	[tilespmem:$0x1FD40] =	vst v0;
	v1 =	vsel vm15, v2, v1  }
0xa2: {  	s2 =	rddreg [dreg:$0x2];
	_ =	strace $0x80000047;
	[tilespmem:$0x1FD50] =	vst v1  }
0xa3: {  	v53 =	vunpack.c.0.s8.s32 v6;
	[tilespmem:$0x1FD70] =	vst v57  }
0xa4: {  	[tilespmem:$0x1FD80] =	vst v11  }
0xa5: {  	v63 =	vand.u32 $0xF, v53;
	[tilespmem:$0x1FDA0] =	vst v13  }
0xa6: {  	[tilespmem:$0x1FDD0] =	vst v63  }
0xa7: {  	v20 =	vlaneseq.u32;
	[tilespmem:$0x1FDE0] =	vst v17  }
0xa8: {  	v10 =	vadd.s32 $0x3, v20;
	[tilespmem:$0x1FDF0] =	vst v61  }
0xa9: {  	[tilespmem:$0x1FE00] =	vst v10  }
0xaa: {  	[tilespmem:$0x1FE20] =	vst v19  }
0xab: {  	[tilespmem:$0x1FE30] =	vst v18  }
0xac: {  	[tilespmem:$0x1FE40] =	vst v29  }
0xad: {  	v39 =	vimm.s32 $0x98765432;
	[tilespmem:$0x1FE60] =	vst v34  }
0xae: {  	v5 =	vunpack.c.l.s4.s8 v39;
	v39 =	vor.u32 $0x10, v20;
	[tilespmem:$0x1FE70] =	vst v38  }
0xaf: {  	[tilespmem:$0x1FE80] =	vst v39  }
0xb0: {  	[tilespmem:$0x1FE90] =	vst v46  }
0xb1: {  	[tilespmem:$0x1FEA0] =	vst v40  }
0xb2: {  	[tilespmem:$0x1FEC0] =	vst v51  }
0xb3: {  	[tilespmem:$0x1FED0] =	vst v8  }
0xb4: {  	[tilespmem:$0x1FEE0] =	vst v7  }
0xb5: {  	[tilespmem:$0x1FEF0] =	vst v50  }
0xb6: {  	[tilespmem:$0x1FF00] =	vst v16  }
0xb7: {  	[tilespmem:$0x1FF10] =	vst v55  }
0xb8: {  	v33 =	vadd.s32 $0x9, v20;
	v32 =	vimm.s32 $0x7060504;
	[tilespmem:$0x1FF20] =	vst v37  }
0xb9: {  	v0 =	vunpack.c.0.s8.s32 v32;
	v32 =	vadd.s32 $0x5, v20;
	[tilespmem:$0x1FF80] =	vst v33  }
0xba: {  	[tilespmem:$0x1FF90] =	vst v32  }
0xbb: {  	v22 =	vadd.s32 $0x8, v20;
	v62 =	vimm.s32 $0x87654321;
	[tilespmem:$0x1FFA0] =	vst v15  }
0xbc: {  	v4 =	vunpack.c.l.s4.s8 v62;
	[tilespmem:$0x1FFB0] =	vst v22  }
0xbd: {  	v36 =	vimm.s32 $0x5040302;
	[tilespmem:$0x1FFC0] =	vst v59  }
0xbe: {  	v35 =	vunpack.c.0.s8.s32 v4;
	v4 =	vunpack.c.0.s8.s32 v36;
	v36 =	vadd.s32 $0x6, v20;
	[tilespmem:$0x1FFD0] =	vst v56  }
0xbf: {  	[tilespmem:$0x1FFF0] =	vst v36  }
0xc0: {  	v57 =	vadd.s32 $0xB, v20;
	[tilespmem:$0x1FD60] =	vst v0  }
0xc1: {  	v49 =	vimm.s32 $0x6050403;
	v63 =	vadd.s32 $0x7, v20;
	[tilespmem:$0x1FF30] =	vst v57  }
0xc2: {  	s4 =	srdreg.scid;
	s5 =	stileid.u32;
	s12 =	simm.s32 $0x800;
	v2 =	vand.u32 $0xF, v35;
	v52 =	vunpack.c.0.s8.s32 v5;
	v58 =	vsel vm15, v4, v11;
	[tilespmem:$0x1FFE0] =	vst v63  }
0xc3: {  	s13 =	simm.s32 $0x10000;
	s11 =	simm.s32 $0x2800;
	s15 =	simm.s32 $0x1;
	v54 =	vcombine.low v3, v2;
	v2 =	vunpack.c.0.s8.s32 v49;
	[tilespmem:$0x1FD90] =	vst v58;
	v49 =	vadd.s32 $0xE, v20  }
0xc4: {  	s16 =	simm.s32 $0x2;
	s17 =	simm.s32 $0x80;
	s18 =	simm.s32 $0xB400;
	v58 =	vadd.s32 $0xA, v20;
	[tilespmem:$0x1FEB0] =	vst v49  }
0xc5: {  	s22 =	simm.s32 $0xF400;
	s26 =	simm.s32 $0x3;
	s28 =	simm.s32 $0x13400;
	v62 =	vand.u32 $0xF, v52;
	[tilespmem:$0x1FF60] =	vst v58  }
0xc6: {  	s19 =	simm.s32 $0x1A400;
	s20 =	simm.s32 $0x5;
	s21 =	simm.s32 $0x6;
	v52 =	vadd.s32 $0xD, v20;
	[tilespmem:$0x1FDC0] =	vst v62  }
0xc7: {  	s14 =	simm.s32 $0x0;
	s4 =	sand.u32 $0x1, s4;
	s8 =	sshll.u32 s5, $0x3;
	[tilespmem:$0x1FE50] =	vst v52  }
0xc8: {  	s5 =	sadd.s32 $0xF42800, s1;
	s9 =	sadd.s32 $0x8000, s2;
	s6 =	ssub.s32 $0x2, s4;
	v60 =	vsel vm15, v2, v13;
	[tilespmem:$0x1FF40] =	vst v54  }
0xc9: {  	s10 =	sadd.s32 $0xC000, s2;
	s4 =	sshll.u32 s4, $0x2;
	s7 =	sshrl.u32 s6, $0x1;
	v13 =	vadd.s32 $0x4, v20;
	[tilespmem:$0x1FDB0] =	vst v60  }
0xca: {  	s4 =	sor.u32 s4, s8;
	s8 =	sadd.s32 $0x4000, s2;
	s31 =	ssub.s32 s6, s7;
	v62 =	vadd.s32 $0xC, v20;
	[tilespmem:$0x1FE10] =	vst v13  }
0xcb: {  	s6 =	sshll.u32 s4, $0x9;
	s7 =	sshll.u32 s4, $0xA;
	s1 =	smax.u32 s31, $0x1;
	v60 =	vadd.s32 $0xF, v20;
	[tilespmem:$0x1FF50] =	vst v62  }
0xcc: {  	v21 =	vmul.u32 $0x20, v20;
	v25 =	vadd.s32 $0x1, v20;
	v28 =	vadd.s32 $0x2, v20;
	s4 =	simm.s32 $0x17400;
	[dreg:$0x4] =	wrdreg s1;
	s1 =	simm.s32 $0x4;
	[tilespmem:$0x1FF70] =	vst v60  }
.LBB2_1:
0xcd: {  	s24 =	simm.s32 $0x5100;
	s25 =	simm.s32 $0x5A00;
	s29 =	simm.s32 $0x0  }
.LBB2_2:
0xce: {  	s23 =	smul.u32 $0xA0000, s29;
	_ =	sdelay $0x1  }
0xcf: {  	s30 =	sor.u32 s6, s23  }
0xd0: {  	s23 =	sshrl.u32 s30, $0x3;
	s30 =	sadd.s32 $0x50000, s30  }
0xd1: {  	s31 =	sadd.s32 s0, s23;
	s23 =	simm.s32 $0x0;
	s30 =	sshrl.u32 s30, $0x3  }
0xd2: {  	[tilespmem:s23], [sflag:$0x1] =	stream.strided.gather [hbm4b:s31+s12], $0x2800, s13, s12, $0x38;
	[tilespmem:$0x1B400] =	vst v63  }
0xd3: {  	s30 =	sadd.s32 s0, s30  }
0xd4: {  	[tilespmem:s11], [sflag:$0x2] =	stream.strided.gather [hbm4b:s30+s12], $0x2800, s13, s12, $0x38;
	[tilespmem:$0x1B400] =	vst v63  }
0xd5: {  	_ =	swait.ge [sflag:s15], $0x2800  }
0xd6: {  	[sflag:s15] =	ssyncset.done $0x0  }
0xd7: {  	v0 =	vmov s24;
	s30 =	simm.s32 $0x400;
	[sflag:s15] =	ssyncadd.s32 $0xFFFFD800  }
.LBB2_3:
0xd8: {  	v1 =	vld [tilespmem:s30+$0xFFFFFC00]  }
0xd9: {  	v2 =	vld [tilespmem:s30+$0xFFFFFC80]  }
0xda: {  	v3 =	vld [tilespmem:s30+$0xFFFFFD00]  }
0xdb: {  	v4 =	vld [tilespmem:s30+$0xFFFFFD80];
	_ =	sdelay $0x4  }
0xdc: {  	v1 =	vadd.f32 v3, v1;
	v2 =	vadd.f32 v4, v2;
	_ =	sdelay $0x1  }
0xdd: {  	v1 =	vadd.f32 v2, v1;
	_ =	sdelay $0x1  }
0xde: {  	v1 =	vmul.f32 $2.500000000e-01, v1;
	_ =	sdelay $0x1  }
0xdf: {  	v1 =	vtrunc.f32 v1  }
0xe0: {  	v1 =	vcvt.f32.s32 v1  }
0xe1: {  	s31 =	sshra.s32 s23, $0x2  }
0xe2: {  	[tilespmem:v0+s31+$0xFFFFFF00 ss:$0x1] =	vst.idx.msk $0xffff, v1  }
0xe3: {  	v1 =	vld [tilespmem:s30+$0xFFFFFC10]  }
0xe4: {  	v2 =	vld [tilespmem:s30+$0xFFFFFC90]  }
0xe5: {  	v3 =	vld [tilespmem:s30+$0xFFFFFD10]  }
0xe6: {  	v53 =	vld [tilespmem:s30+$0xFFFFFD90];
	_ =	sdelay $0x4  }
0xe7: {  	v1 =	vadd.f32 v3, v1;
	v2 =	vadd.f32 v53, v2;
	_ =	sdelay $0x1  }
0xe8: {  	v1 =	vadd.f32 v2, v1;
	_ =	sdelay $0x1  }
0xe9: {  	v1 =	vmul.f32 $2.500000000e-01, v1;
	_ =	sdelay $0x1  }
0xea: {  	v1 =	vtrunc.f32 v1  }
0xeb: {  	v1 =	vcvt.f32.s32 v1;
	_ =	sdelay $0x1  }
0xec: {  	[tilespmem:v0+s31+$0xFFFFFF10 ss:$0x1] =	vst.idx.msk $0xffff, v1  }
0xed: {  	v1 =	vld [tilespmem:s30+$0xFFFFFC20]  }
0xee: {  	v2 =	vld [tilespmem:s30+$0xFFFFFCA0]  }
0xef: {  	v3 =	vld [tilespmem:s30+$0xFFFFFD20]  }
0xf0: {  	v35 =	vld [tilespmem:s30+$0xFFFFFDA0];
	_ =	sdelay $0x4  }
0xf1: {  	v1 =	vadd.f32 v3, v1;
	v2 =	vadd.f32 v35, v2;
	_ =	sdelay $0x1  }
0xf2: {  	v1 =	vadd.f32 v2, v1;
	_ =	sdelay $0x1  }
0xf3: {  	v1 =	vmul.f32 $2.500000000e-01, v1;
	_ =	sdelay $0x1  }
0xf4: {  	v1 =	vtrunc.f32 v1  }
0xf5: {  	v1 =	vcvt.f32.s32 v1;
	_ =	sdelay $0x1  }
0xf6: {  	[tilespmem:v0+s31+$0xFFFFFF20 ss:$0x1] =	vst.idx.msk $0xffff, v1  }
0xf7: {  	v1 =	vld [tilespmem:s30+$0xFFFFFC30]  }
0xf8: {  	v2 =	vld [tilespmem:s30+$0xFFFFFCB0]  }
0xf9: {  	v3 =	vld [tilespmem:s30+$0xFFFFFD30]  }
0xfa: {  	v47 =	vld [tilespmem:s30+$0xFFFFFDB0];
	_ =	sdelay $0x4  }
0xfb: {  	v1 =	vadd.f32 v3, v1;
	v2 =	vadd.f32 v47, v2;
	_ =	sdelay $0x1  }
0xfc: {  	v1 =	vadd.f32 v2, v1;
	_ =	sdelay $0x1  }
0xfd: {  	v1 =	vmul.f32 $2.500000000e-01, v1;
	_ =	sdelay $0x1  }
0xfe: {  	v1 =	vtrunc.f32 v1  }
0xff: {  	v1 =	vcvt.f32.s32 v1;
	_ =	sdelay $0x1  }
0x100: {  	[tilespmem:v0+s31+$0xFFFFFF30 ss:$0x1] =	vst.idx.msk $0xffff, v1  }
0x101: {  	v1 =	vld [tilespmem:s30+$0xFFFFFC40]  }
0x102: {  	v2 =	vld [tilespmem:s30+$0xFFFFFCC0]  }
0x103: {  	v3 =	vld [tilespmem:s30+$0xFFFFFD40]  }
0x104: {  	v53 =	vld [tilespmem:s30+$0xFFFFFDC0];
	_ =	sdelay $0x4  }
0x105: {  	v1 =	vadd.f32 v3, v1;
	v2 =	vadd.f32 v53, v2;
	_ =	sdelay $0x1  }
0x106: {  	v1 =	vadd.f32 v2, v1;
	_ =	sdelay $0x1  }
0x107: {  	v1 =	vmul.f32 $2.500000000e-01, v1;
	_ =	sdelay $0x1  }
0x108: {  	v1 =	vtrunc.f32 v1  }
0x109: {  	v1 =	vcvt.f32.s32 v1;
	_ =	sdelay $0x1  }
0x10a: {  	[tilespmem:v0+s31+$0xFFFFFF40 ss:$0x1] =	vst.idx.msk $0xffff, v1  }
0x10b: {  	v1 =	vld [tilespmem:s30+$0xFFFFFC50]  }
0x10c: {  	v2 =	vld [tilespmem:s30+$0xFFFFFCD0]  }
0x10d: {  	v3 =	vld [tilespmem:s30+$0xFFFFFD50]  }
0x10e: {  	v35 =	vld [tilespmem:s30+$0xFFFFFDD0];
	_ =	sdelay $0x4  }
0x10f: {  	v1 =	vadd.f32 v3, v1;
	v2 =	vadd.f32 v35, v2;
	_ =	sdelay $0x1  }
0x110: {  	v1 =	vadd.f32 v2, v1;
	_ =	sdelay $0x1  }
0x111: {  	v1 =	vmul.f32 $2.500000000e-01, v1;
	_ =	sdelay $0x1  }
0x112: {  	v1 =	vtrunc.f32 v1  }
0x113: {  	v1 =	vcvt.f32.s32 v1;
	_ =	sdelay $0x1  }
0x114: {  	[tilespmem:v0+s31+$0xFFFFFF50 ss:$0x1] =	vst.idx.msk $0xffff, v1  }
0x115: {  	v1 =	vld [tilespmem:s30+$0xFFFFFC60]  }
0x116: {  	v2 =	vld [tilespmem:s30+$0xFFFFFCE0]  }
0x117: {  	v3 =	vld [tilespmem:s30+$0xFFFFFD60]  }
0x118: {  	v47 =	vld [tilespmem:s30+$0xFFFFFDE0];
	_ =	sdelay $0x4  }
0x119: {  	v1 =	vadd.f32 v3, v1;
	v2 =	vadd.f32 v47, v2;
	_ =	sdelay $0x1  }
0x11a: {  	v1 =	vadd.f32 v2, v1;
	_ =	sdelay $0x1  }
0x11b: {  	v1 =	vmul.f32 $2.500000000e-01, v1;
	_ =	sdelay $0x1  }
0x11c: {  	v1 =	vtrunc.f32 v1  }
0x11d: {  	v1 =	vcvt.f32.s32 v1;
	_ =	sdelay $0x1  }
0x11e: {  	[tilespmem:v0+s31+$0xFFFFFF60 ss:$0x1] =	vst.idx.msk $0xffff, v1  }
0x11f: {  	v1 =	vld [tilespmem:s30+$0xFFFFFC70]  }
0x120: {  	v2 =	vld [tilespmem:s30+$0xFFFFFCF0]  }
0x121: {  	v3 =	vld [tilespmem:s30+$0xFFFFFD70]  }
0x122: {  	v53 =	vld [tilespmem:s30+$0xFFFFFDF0];
	_ =	sdelay $0x4  }
0x123: {  	v1 =	vadd.f32 v3, v1;
	v2 =	vadd.f32 v53, v2;
	_ =	sdelay $0x1  }
0x124: {  	v1 =	vadd.f32 v2, v1;
	_ =	sdelay $0x1  }
0x125: {  	v1 =	vmul.f32 $2.500000000e-01, v1;
	_ =	sdelay $0x1  }
0x126: {  	v1 =	vtrunc.f32 v1  }
0x127: {  	v1 =	vcvt.f32.s32 v1;
	_ =	sdelay $0x1  }
0x128: {  	[tilespmem:v0+s31+$0xFFFFFF70 ss:$0x1] =	vst.idx.msk $0xffff, v1  }
0x129: {  	v1 =	vld [tilespmem:s30+$0xFFFFFE00]  }
0x12a: {  	v2 =	vld [tilespmem:s30+$0xFFFFFE80]  }
0x12b: {  	v3 =	vld [tilespmem:s30+$0xFFFFFF00]  }
0x12c: {  	v35 =	vld [tilespmem:s30+$0xFFFFFF80];
	_ =	sdelay $0x4  }
0x12d: {  	v1 =	vadd.f32 v3, v1;
	v2 =	vadd.f32 v35, v2;
	_ =	sdelay $0x1  }
0x12e: {  	v1 =	vadd.f32 v2, v1;
	_ =	sdelay $0x1  }
0x12f: {  	v1 =	vmul.f32 $2.500000000e-01, v1;
	_ =	sdelay $0x1  }
0x130: {  	v1 =	vtrunc.f32 v1  }
0x131: {  	v1 =	vcvt.f32.s32 v1;
	_ =	sdelay $0x1  }
0x132: {  	[tilespmem:v0+s31+$0xFFFFFF80 ss:$0x1] =	vst.idx.msk $0xffff, v1  }
0x133: {  	v1 =	vld [tilespmem:s30+$0xFFFFFE10]  }
0x134: {  	v2 =	vld [tilespmem:s30+$0xFFFFFE90]  }
0x135: {  	v3 =	vld [tilespmem:s30+$0xFFFFFF10]  }
0x136: {  	v47 =	vld [tilespmem:s30+$0xFFFFFF90];
	_ =	sdelay $0x4  }
0x137: {  	v1 =	vadd.f32 v3, v1;
	v2 =	vadd.f32 v47, v2;
	_ =	sdelay $0x1  }
0x138: {  	v1 =	vadd.f32 v2, v1;
	_ =	sdelay $0x1  }
0x139: {  	v1 =	vmul.f32 $2.500000000e-01, v1;
	_ =	sdelay $0x1  }
0x13a: {  	v1 =	vtrunc.f32 v1  }
0x13b: {  	v1 =	vcvt.f32.s32 v1;
	_ =	sdelay $0x1  }
0x13c: {  	[tilespmem:v0+s31+$0xFFFFFF90 ss:$0x1] =	vst.idx.msk $0xffff, v1  }
0x13d: {  	v1 =	vld [tilespmem:s30+$0xFFFFFE20]  }
0x13e: {  	v2 =	vld [tilespmem:s30+$0xFFFFFEA0]  }
0x13f: {  	v3 =	vld [tilespmem:s30+$0xFFFFFF20]  }
0x140: {  	v53 =	vld [tilespmem:s30+$0xFFFFFFA0];
	_ =	sdelay $0x4  }
0x141: {  	v1 =	vadd.f32 v3, v1;
	v2 =	vadd.f32 v53, v2;
	_ =	sdelay $0x1  }
0x142: {  	v1 =	vadd.f32 v2, v1;
	_ =	sdelay $0x1  }
0x143: {  	v1 =	vmul.f32 $2.500000000e-01, v1;
	_ =	sdelay $0x1  }
0x144: {  	v1 =	vtrunc.f32 v1  }
0x145: {  	v1 =	vcvt.f32.s32 v1;
	_ =	sdelay $0x1  }
0x146: {  	[tilespmem:v0+s31+$0xFFFFFFA0 ss:$0x1] =	vst.idx.msk $0xffff, v1  }
0x147: {  	v1 =	vld [tilespmem:s30+$0xFFFFFE30]  }
0x148: {  	v2 =	vld [tilespmem:s30+$0xFFFFFEB0]  }
0x149: {  	v3 =	vld [tilespmem:s30+$0xFFFFFF30]  }
0x14a: {  	v35 =	vld [tilespmem:s30+$0xFFFFFFB0];
	_ =	sdelay $0x4  }
0x14b: {  	v1 =	vadd.f32 v3, v1;
	v2 =	vadd.f32 v35, v2;
	_ =	sdelay $0x1  }
0x14c: {  	v1 =	vadd.f32 v2, v1;
	_ =	sdelay $0x1  }
0x14d: {  	v1 =	vmul.f32 $2.500000000e-01, v1;
	_ =	sdelay $0x1  }
0x14e: {  	v1 =	vtrunc.f32 v1  }
0x14f: {  	v1 =	vcvt.f32.s32 v1;
	_ =	sdelay $0x1  }
0x150: {  	[tilespmem:v0+s31+$0xFFFFFFB0 ss:$0x1] =	vst.idx.msk $0xffff, v1  }
0x151: {  	v1 =	vld [tilespmem:s30+$0xFFFFFE40]  }
0x152: {  	v2 =	vld [tilespmem:s30+$0xFFFFFEC0]  }
0x153: {  	v3 =	vld [tilespmem:s30+$0xFFFFFF40]  }
0x154: {  	v47 =	vld [tilespmem:s30+$0xFFFFFFC0];
	_ =	sdelay $0x4  }
0x155: {  	v1 =	vadd.f32 v3, v1;
	v2 =	vadd.f32 v47, v2;
	_ =	sdelay $0x1  }
0x156: {  	v1 =	vadd.f32 v2, v1;
	_ =	sdelay $0x1  }
0x157: {  	v1 =	vmul.f32 $2.500000000e-01, v1;
	_ =	sdelay $0x1  }
0x158: {  	v1 =	vtrunc.f32 v1  }
0x159: {  	v1 =	vcvt.f32.s32 v1;
	_ =	sdelay $0x1  }
0x15a: {  	[tilespmem:v0+s31+$0xFFFFFFC0 ss:$0x1] =	vst.idx.msk $0xffff, v1  }
0x15b: {  	v1 =	vld [tilespmem:s30+$0xFFFFFE50]  }
0x15c: {  	v2 =	vld [tilespmem:s30+$0xFFFFFED0]  }
0x15d: {  	v3 =	vld [tilespmem:s30+$0xFFFFFF50]  }
0x15e: {  	v53 =	vld [tilespmem:s30+$0xFFFFFFD0];
	_ =	sdelay $0x4  }
0x15f: {  	v1 =	vadd.f32 v3, v1;
	v2 =	vadd.f32 v53, v2;
	_ =	sdelay $0x1  }
0x160: {  	v1 =	vadd.f32 v2, v1;
	_ =	sdelay $0x1  }
0x161: {  	v1 =	vmul.f32 $2.500000000e-01, v1;
	_ =	sdelay $0x1  }
0x162: {  	v1 =	vtrunc.f32 v1  }
0x163: {  	v1 =	vcvt.f32.s32 v1;
	_ =	sdelay $0x1  }
0x164: {  	[tilespmem:v0+s31+$0xFFFFFFD0 ss:$0x1] =	vst.idx.msk $0xffff, v1  }
0x165: {  	v1 =	vld [tilespmem:s30+$0xFFFFFE60]  }
0x166: {  	v2 =	vld [tilespmem:s30+$0xFFFFFEE0]  }
0x167: {  	v3 =	vld [tilespmem:s30+$0xFFFFFF60]  }
0x168: {  	v35 =	vld [tilespmem:s30+$0xFFFFFFE0];
	_ =	sdelay $0x4  }
0x169: {  	v1 =	vadd.f32 v3, v1;
	v2 =	vadd.f32 v35, v2;
	_ =	sdelay $0x1  }
0x16a: {  	v1 =	vadd.f32 v2, v1;
	_ =	sdelay $0x1  }
0x16b: {  	v1 =	vmul.f32 $2.500000000e-01, v1;
	_ =	sdelay $0x1  }
0x16c: {  	v1 =	vtrunc.f32 v1  }
0x16d: {  	v1 =	vcvt.f32.s32 v1;
	_ =	sdelay $0x1  }
0x16e: {  	[tilespmem:v0+s31+$0xFFFFFFE0 ss:$0x1] =	vst.idx.msk $0xffff, v1  }
0x16f: {  	v1 =	vld [tilespmem:s30+$0xFFFFFE70]  }
0x170: {  	v2 =	vld [tilespmem:s30+$0xFFFFFEF0]  }
0x171: {  	v3 =	vld [tilespmem:s30+$0xFFFFFF70]  }
0x172: {  	v47 =	vld [tilespmem:s30+$0xFFFFFFF0];
	_ =	sdelay $0x4  }
0x173: {  	v1 =	vadd.f32 v3, v1;
	v2 =	vadd.f32 v47, v2;
	_ =	sdelay $0x1  }
0x174: {  	v1 =	vadd.f32 v2, v1;
	_ =	sdelay $0x1  }
0x175: {  	v1 =	vmul.f32 $2.500000000e-01, v1;
	_ =	sdelay $0x1  }
0x176: {  	v1 =	vtrunc.f32 v1  }
0x177: {  	v1 =	vcvt.f32.s32 v1;
	_ =	sdelay $0x1  }
0x178: {  	[tilespmem:v0+s31+$0xFFFFFFF0 ss:$0x1] =	vst.idx.msk $0xffff, v1  }
0x179: {  	v1 =	vld [tilespmem:s30+$0x0]  }
0x17a: {  	v2 =	vld [tilespmem:s30+$0x80]  }
0x17b: {  	v3 =	vld [tilespmem:s30+$0x100]  }
0x17c: {  	v53 =	vld [tilespmem:s30+$0x180];
	_ =	sdelay $0x4  }
0x17d: {  	v1 =	vadd.f32 v3, v1;
	v2 =	vadd.f32 v53, v2;
	_ =	sdelay $0x1  }
0x17e: {  	v1 =	vadd.f32 v2, v1;
	_ =	sdelay $0x1  }
0x17f: {  	v1 =	vmul.f32 $2.500000000e-01, v1;
	_ =	sdelay $0x1  }
0x180: {  	v1 =	vtrunc.f32 v1  }
0x181: {  	v1 =	vcvt.f32.s32 v1;
	_ =	sdelay $0x1  }
0x182: {  	[tilespmem:v0+s31+$0x0 ss:$0x1] =	vst.idx.msk $0xffff, v1  }
0x183: {  	v1 =	vld [tilespmem:s30+$0x10]  }
0x184: {  	v2 =	vld [tilespmem:s30+$0x90]  }
0x185: {  	v3 =	vld [tilespmem:s30+$0x110]  }
0x186: {  	v35 =	vld [tilespmem:s30+$0x190];
	_ =	sdelay $0x4  }
0x187: {  	v1 =	vadd.f32 v3, v1;
	v2 =	vadd.f32 v35, v2;
	_ =	sdelay $0x1  }
0x188: {  	v1 =	vadd.f32 v2, v1;
	_ =	sdelay $0x1  }
0x189: {  	v1 =	vmul.f32 $2.500000000e-01, v1;
	_ =	sdelay $0x1  }
0x18a: {  	v1 =	vtrunc.f32 v1  }
0x18b: {  	v1 =	vcvt.f32.s32 v1;
	_ =	sdelay $0x1  }
0x18c: {  	[tilespmem:v0+s31+$0x10 ss:$0x1] =	vst.idx.msk $0xffff, v1  }
0x18d: {  	v1 =	vld [tilespmem:s30+$0x20]  }
0x18e: {  	v2 =	vld [tilespmem:s30+$0xA0]  }
0x18f: {  	v3 =	vld [tilespmem:s30+$0x120]  }
0x190: {  	v47 =	vld [tilespmem:s30+$0x1A0];
	_ =	sdelay $0x4  }
0x191: {  	v1 =	vadd.f32 v3, v1;
	v2 =	vadd.f32 v47, v2;
	_ =	sdelay $0x1  }
0x192: {  	v1 =	vadd.f32 v2, v1;
	_ =	sdelay $0x1  }
0x193: {  	v1 =	vmul.f32 $2.500000000e-01, v1;
	_ =	sdelay $0x1  }
0x194: {  	v1 =	vtrunc.f32 v1  }
0x195: {  	v1 =	vcvt.f32.s32 v1;
	_ =	sdelay $0x1  }
0x196: {  	[tilespmem:v0+s31+$0x20 ss:$0x1] =	vst.idx.msk $0xffff, v1  }
0x197: {  	v1 =	vld [tilespmem:s30+$0x30]  }
0x198: {  	v2 =	vld [tilespmem:s30+$0xB0]  }
0x199: {  	v3 =	vld [tilespmem:s30+$0x130]  }
0x19a: {  	v53 =	vld [tilespmem:s30+$0x1B0];
	_ =	sdelay $0x4  }
0x19b: {  	v1 =	vadd.f32 v3, v1;
	v2 =	vadd.f32 v53, v2;
	_ =	sdelay $0x1  }
0x19c: {  	v1 =	vadd.f32 v2, v1;
	_ =	sdelay $0x1  }
0x19d: {  	v1 =	vmul.f32 $2.500000000e-01, v1;
	_ =	sdelay $0x1  }
0x19e: {  	v1 =	vtrunc.f32 v1  }
0x19f: {  	v1 =	vcvt.f32.s32 v1;
	_ =	sdelay $0x1  }
0x1a0: {  	[tilespmem:v0+s31+$0x30 ss:$0x1] =	vst.idx.msk $0xffff, v1  }
0x1a1: {  	v1 =	vld [tilespmem:s30+$0x40]  }
0x1a2: {  	v2 =	vld [tilespmem:s30+$0xC0]  }
0x1a3: {  	v3 =	vld [tilespmem:s30+$0x140]  }
0x1a4: {  	v35 =	vld [tilespmem:s30+$0x1C0];
	_ =	sdelay $0x4  }
0x1a5: {  	v1 =	vadd.f32 v3, v1;
	v2 =	vadd.f32 v35, v2;
	_ =	sdelay $0x1  }
0x1a6: {  	v1 =	vadd.f32 v2, v1;
	_ =	sdelay $0x1  }
0x1a7: {  	v1 =	vmul.f32 $2.500000000e-01, v1;
	_ =	sdelay $0x1  }
0x1a8: {  	v1 =	vtrunc.f32 v1  }
0x1a9: {  	v1 =	vcvt.f32.s32 v1;
	_ =	sdelay $0x1  }
0x1aa: {  	[tilespmem:v0+s31+$0x40 ss:$0x1] =	vst.idx.msk $0xffff, v1  }
0x1ab: {  	v1 =	vld [tilespmem:s30+$0x50]  }
0x1ac: {  	v2 =	vld [tilespmem:s30+$0xD0]  }
0x1ad: {  	v3 =	vld [tilespmem:s30+$0x150]  }
0x1ae: {  	v47 =	vld [tilespmem:s30+$0x1D0];
	_ =	sdelay $0x4  }
0x1af: {  	v1 =	vadd.f32 v3, v1;
	v2 =	vadd.f32 v47, v2;
	_ =	sdelay $0x1  }
0x1b0: {  	v1 =	vadd.f32 v2, v1;
	_ =	sdelay $0x1  }
0x1b1: {  	v1 =	vmul.f32 $2.500000000e-01, v1;
	_ =	sdelay $0x1  }
0x1b2: {  	v1 =	vtrunc.f32 v1  }
0x1b3: {  	v1 =	vcvt.f32.s32 v1;
	_ =	sdelay $0x1  }
0x1b4: {  	[tilespmem:v0+s31+$0x50 ss:$0x1] =	vst.idx.msk $0xffff, v1  }
0x1b5: {  	v1 =	vld [tilespmem:s30+$0x60]  }
0x1b6: {  	v2 =	vld [tilespmem:s30+$0xE0]  }
0x1b7: {  	v3 =	vld [tilespmem:s30+$0x160]  }
0x1b8: {  	v53 =	vld [tilespmem:s30+$0x1E0];
	_ =	sdelay $0x4  }
0x1b9: {  	v1 =	vadd.f32 v3, v1;
	v2 =	vadd.f32 v53, v2;
	_ =	sdelay $0x1  }
0x1ba: {  	v1 =	vadd.f32 v2, v1;
	_ =	sdelay $0x1  }
0x1bb: {  	v1 =	vmul.f32 $2.500000000e-01, v1;
	_ =	sdelay $0x1  }
0x1bc: {  	v1 =	vtrunc.f32 v1  }
0x1bd: {  	v1 =	vcvt.f32.s32 v1;
	_ =	sdelay $0x1  }
0x1be: {  	[tilespmem:v0+s31+$0x60 ss:$0x1] =	vst.idx.msk $0xffff, v1  }
0x1bf: {  	v1 =	vld [tilespmem:s30+$0x70]  }
0x1c0: {  	v2 =	vld [tilespmem:s30+$0xF0]  }
0x1c1: {  	v3 =	vld [tilespmem:s30+$0x170]  }
0x1c2: {  	v35 =	vld [tilespmem:s30+$0x1F0];
	_ =	sdelay $0x4  }
0x1c3: {  	v1 =	vadd.f32 v3, v1;
	v2 =	vadd.f32 v35, v2;
	_ =	sdelay $0x1  }
0x1c4: {  	v1 =	vadd.f32 v2, v1;
	_ =	sdelay $0x1  }
0x1c5: {  	v1 =	vmul.f32 $2.500000000e-01, v1;
	_ =	sdelay $0x1  }
0x1c6: {  	v1 =	vtrunc.f32 v1  }
0x1c7: {  	v1 =	vcvt.f32.s32 v1;
	_ =	sdelay $0x1  }
0x1c8: {  	[tilespmem:v0+s31+$0x70 ss:$0x1] =	vst.idx.msk $0xffff, v1  }
0x1c9: {  	v1 =	vld [tilespmem:s30+$0x200]  }
0x1ca: {  	v2 =	vld [tilespmem:s30+$0x280]  }
0x1cb: {  	v3 =	vld [tilespmem:s30+$0x300]  }
0x1cc: {  	v47 =	vld [tilespmem:s30+$0x380];
	_ =	sdelay $0x4  }
0x1cd: {  	v1 =	vadd.f32 v3, v1;
	v2 =	vadd.f32 v47, v2;
	_ =	sdelay $0x1  }
0x1ce: {  	v1 =	vadd.f32 v2, v1;
	_ =	sdelay $0x1  }
0x1cf: {  	v1 =	vmul.f32 $2.500000000e-01, v1;
	_ =	sdelay $0x1  }
0x1d0: {  	v1 =	vtrunc.f32 v1  }
0x1d1: {  	v1 =	vcvt.f32.s32 v1;
	_ =	sdelay $0x1  }
0x1d2: {  	[tilespmem:v0+s31+$0x80 ss:$0x1] =	vst.idx.msk $0xffff, v1  }
0x1d3: {  	v1 =	vld [tilespmem:s30+$0x210]  }
0x1d4: {  	v2 =	vld [tilespmem:s30+$0x290]  }
0x1d5: {  	v3 =	vld [tilespmem:s30+$0x310]  }
0x1d6: {  	v53 =	vld [tilespmem:s30+$0x390];
	_ =	sdelay $0x4  }
0x1d7: {  	v1 =	vadd.f32 v3, v1;
	v2 =	vadd.f32 v53, v2;
	_ =	sdelay $0x1  }
0x1d8: {  	v1 =	vadd.f32 v2, v1;
	_ =	sdelay $0x1  }
0x1d9: {  	v1 =	vmul.f32 $2.500000000e-01, v1;
	_ =	sdelay $0x1  }
0x1da: {  	v1 =	vtrunc.f32 v1  }
0x1db: {  	v1 =	vcvt.f32.s32 v1;
	_ =	sdelay $0x1  }
0x1dc: {  	[tilespmem:v0+s31+$0x90 ss:$0x1] =	vst.idx.msk $0xffff, v1  }
0x1dd: {  	v1 =	vld [tilespmem:s30+$0x220]  }
0x1de: {  	v2 =	vld [tilespmem:s30+$0x2A0]  }
0x1df: {  	v3 =	vld [tilespmem:s30+$0x320]  }
0x1e0: {  	v35 =	vld [tilespmem:s30+$0x3A0];
	_ =	sdelay $0x4  }
0x1e1: {  	v1 =	vadd.f32 v3, v1;
	v2 =	vadd.f32 v35, v2;
	_ =	sdelay $0x1  }
0x1e2: {  	v1 =	vadd.f32 v2, v1;
	_ =	sdelay $0x1  }
0x1e3: {  	v1 =	vmul.f32 $2.500000000e-01, v1;
	_ =	sdelay $0x1  }
0x1e4: {  	v1 =	vtrunc.f32 v1  }
0x1e5: {  	v1 =	vcvt.f32.s32 v1;
	_ =	sdelay $0x1  }
0x1e6: {  	[tilespmem:v0+s31+$0xA0 ss:$0x1] =	vst.idx.msk $0xffff, v1  }
0x1e7: {  	v1 =	vld [tilespmem:s30+$0x230]  }
0x1e8: {  	v2 =	vld [tilespmem:s30+$0x2B0]  }
0x1e9: {  	v3 =	vld [tilespmem:s30+$0x330]  }
0x1ea: {  	v47 =	vld [tilespmem:s30+$0x3B0];
	_ =	sdelay $0x4  }
0x1eb: {  	v1 =	vadd.f32 v3, v1;
	v2 =	vadd.f32 v47, v2;
	_ =	sdelay $0x1  }
0x1ec: {  	v1 =	vadd.f32 v2, v1;
	_ =	sdelay $0x1  }
0x1ed: {  	v1 =	vmul.f32 $2.500000000e-01, v1;
	_ =	sdelay $0x1  }
0x1ee: {  	v1 =	vtrunc.f32 v1  }
0x1ef: {  	v1 =	vcvt.f32.s32 v1;
	_ =	sdelay $0x1  }
0x1f0: {  	[tilespmem:v0+s31+$0xB0 ss:$0x1] =	vst.idx.msk $0xffff, v1  }
0x1f1: {  	v1 =	vld [tilespmem:s30+$0x240]  }
0x1f2: {  	v2 =	vld [tilespmem:s30+$0x2C0]  }
0x1f3: {  	v3 =	vld [tilespmem:s30+$0x340]  }
0x1f4: {  	v53 =	vld [tilespmem:s30+$0x3C0];
	_ =	sdelay $0x4  }
0x1f5: {  	v1 =	vadd.f32 v3, v1;
	v2 =	vadd.f32 v53, v2;
	_ =	sdelay $0x1  }
0x1f6: {  	v1 =	vadd.f32 v2, v1;
	_ =	sdelay $0x1  }
0x1f7: {  	v1 =	vmul.f32 $2.500000000e-01, v1;
	_ =	sdelay $0x1  }
0x1f8: {  	v1 =	vtrunc.f32 v1  }
0x1f9: {  	v1 =	vcvt.f32.s32 v1;
	_ =	sdelay $0x1  }
0x1fa: {  	[tilespmem:v0+s31+$0xC0 ss:$0x1] =	vst.idx.msk $0xffff, v1  }
0x1fb: {  	v1 =	vld [tilespmem:s30+$0x250]  }
0x1fc: {  	v2 =	vld [tilespmem:s30+$0x2D0]  }
0x1fd: {  	v3 =	vld [tilespmem:s30+$0x350]  }
0x1fe: {  	v35 =	vld [tilespmem:s30+$0x3D0];
	_ =	sdelay $0x4  }
0x1ff: {  	v1 =	vadd.f32 v3, v1;
	v2 =	vadd.f32 v35, v2;
	_ =	sdelay $0x1  }
0x200: {  	v1 =	vadd.f32 v2, v1;
	_ =	sdelay $0x1  }
0x201: {  	v1 =	vmul.f32 $2.500000000e-01, v1;
	_ =	sdelay $0x1  }
0x202: {  	v1 =	vtrunc.f32 v1  }
0x203: {  	v1 =	vcvt.f32.s32 v1;
	_ =	sdelay $0x1  }
0x204: {  	[tilespmem:v0+s31+$0xD0 ss:$0x1] =	vst.idx.msk $0xffff, v1  }
0x205: {  	v1 =	vld [tilespmem:s30+$0x260]  }
0x206: {  	v2 =	vld [tilespmem:s30+$0x2E0]  }
0x207: {  	v3 =	vld [tilespmem:s30+$0x360]  }
0x208: {  	v47 =	vld [tilespmem:s30+$0x3E0];
	_ =	sdelay $0x4  }
0x209: {  	v1 =	vadd.f32 v3, v1;
	v2 =	vadd.f32 v47, v2;
	_ =	sdelay $0x1  }
0x20a: {  	v1 =	vadd.f32 v2, v1;
	_ =	sdelay $0x1  }
0x20b: {  	v1 =	vmul.f32 $2.500000000e-01, v1;
	_ =	sdelay $0x1  }
0x20c: {  	v1 =	vtrunc.f32 v1  }
0x20d: {  	v1 =	vcvt.f32.s32 v1;
	_ =	sdelay $0x1  }
0x20e: {  	[tilespmem:v0+s31+$0xE0 ss:$0x1] =	vst.idx.msk $0xffff, v1  }
0x20f: {  	v1 =	vld [tilespmem:s30+$0x270]  }
0x210: {  	v2 =	vld [tilespmem:s30+$0x2F0]  }
0x211: {  	v3 =	vld [tilespmem:s30+$0x370]  }
0x212: {  	v53 =	vld [tilespmem:s30+$0x3F0];
	_ =	sdelay $0x4  }
0x213: {  	v1 =	vadd.f32 v3, v1;
	v2 =	vadd.f32 v53, v2;
	_ =	sdelay $0x1  }
0x214: {  	v1 =	vadd.f32 v2, v1;
	_ =	sdelay $0x1  }
0x215: {  	p0 =	sne.s32 s23, $0x2000;
	v1 =	vmul.f32 $2.500000000e-01, v1  }
.Ltmp0:
0x216: {  	_ = 	snop;
	(pc) =	sbr.rel @p0 .LBB2_3-.Ltmp0, $3  }
0x217: {  	v1 =	vtrunc.f32 v1  }
0x218: {  	v1 =	vcvt.f32.s32 v1;
	_ =	sdelay $0x1  }
0x219: {  	s23 =	sadd.s32 $0x800, s23;
	s30 =	sadd.s32 $0x800, s30;
	[tilespmem:v0+s31+$0xF0 ss:$0x1] =	vst.idx.msk $0xffff, v1  }
0x21a: {  	_ =	swait.ge [sflag:s16], $0x2800  }
0x21b: {  	[sflag:s16] =	ssyncset.done $0x0  }
0x21c: {  	s23 =	simm.s32 $0x0;
	s30 =	simm.s32 $0x2FF0;
	v0 =	vmov s25;
	[sflag:s16] =	ssyncadd.s32 $0xFFFFD800  }
.LBB2_5:
0x21d: {  	v1 =	vld [tilespmem:s30+$0xFFFFF810]  }
0x21e: {  	v2 =	vld [tilespmem:s30+$0xFFFFF890]  }
0x21f: {  	v3 =	vld [tilespmem:s30+$0xFFFFF910]  }
0x220: {  	v4 =	vld [tilespmem:s30+$0xFFFFF990];
	_ =	sdelay $0x4  }
0x221: {  	v1 =	vadd.f32 v3, v1;
	v2 =	vadd.f32 v4, v2;
	_ =	sdelay $0x1  }
0x222: {  	v1 =	vadd.f32 v2, v1;
	_ =	sdelay $0x1  }
0x223: {  	v1 =	vmul.f32 $2.500000000e-01, v1;
	_ =	sdelay $0x1  }
0x224: {  	v1 =	vtrunc.f32 v1  }
0x225: {  	v1 =	vcvt.f32.s32 v1  }
0x226: {  	s31 =	sshra.s32 s23, $0x2  }
0x227: {  	[tilespmem:v0+s31+$0x0 ss:$0x1] =	vst.idx.msk $0xffff, v1  }
0x228: {  	v1 =	vld [tilespmem:s30+$0xFFFFF820]  }
0x229: {  	v2 =	vld [tilespmem:s30+$0xFFFFF8A0]  }
0x22a: {  	v3 =	vld [tilespmem:s30+$0xFFFFF920]  }
0x22b: {  	v53 =	vld [tilespmem:s30+$0xFFFFF9A0];
	_ =	sdelay $0x4  }
0x22c: {  	v1 =	vadd.f32 v3, v1;
	v2 =	vadd.f32 v53, v2;
	_ =	sdelay $0x1  }
0x22d: {  	v1 =	vadd.f32 v2, v1;
	_ =	sdelay $0x1  }
0x22e: {  	v1 =	vmul.f32 $2.500000000e-01, v1;
	_ =	sdelay $0x1  }
0x22f: {  	v1 =	vtrunc.f32 v1  }
0x230: {  	v1 =	vcvt.f32.s32 v1;
	_ =	sdelay $0x1  }
0x231: {  	[tilespmem:v0+s31+$0x10 ss:$0x1] =	vst.idx.msk $0xffff, v1  }
0x232: {  	v1 =	vld [tilespmem:s30+$0xFFFFF830]  }
0x233: {  	v2 =	vld [tilespmem:s30+$0xFFFFF8B0]  }
0x234: {  	v3 =	vld [tilespmem:s30+$0xFFFFF930]  }
0x235: {  	v35 =	vld [tilespmem:s30+$0xFFFFF9B0];
	_ =	sdelay $0x4  }
0x236: {  	v1 =	vadd.f32 v3, v1;
	v2 =	vadd.f32 v35, v2;
	_ =	sdelay $0x1  }
0x237: {  	v1 =	vadd.f32 v2, v1;
	_ =	sdelay $0x1  }
0x238: {  	v1 =	vmul.f32 $2.500000000e-01, v1;
	_ =	sdelay $0x1  }
0x239: {  	v1 =	vtrunc.f32 v1  }
0x23a: {  	v1 =	vcvt.f32.s32 v1;
	_ =	sdelay $0x1  }
0x23b: {  	[tilespmem:v0+s31+$0x20 ss:$0x1] =	vst.idx.msk $0xffff, v1  }
0x23c: {  	v1 =	vld [tilespmem:s30+$0xFFFFF840]  }
0x23d: {  	v2 =	vld [tilespmem:s30+$0xFFFFF8C0]  }
0x23e: {  	v3 =	vld [tilespmem:s30+$0xFFFFF940]  }
0x23f: {  	v47 =	vld [tilespmem:s30+$0xFFFFF9C0];
	_ =	sdelay $0x4  }
0x240: {  	v1 =	vadd.f32 v3, v1;
	v2 =	vadd.f32 v47, v2;
	_ =	sdelay $0x1  }
0x241: {  	v1 =	vadd.f32 v2, v1;
	_ =	sdelay $0x1  }
0x242: {  	v1 =	vmul.f32 $2.500000000e-01, v1;
	_ =	sdelay $0x1  }
0x243: {  	v1 =	vtrunc.f32 v1  }
0x244: {  	v1 =	vcvt.f32.s32 v1;
	_ =	sdelay $0x1  }
0x245: {  	[tilespmem:v0+s31+$0x30 ss:$0x1] =	vst.idx.msk $0xffff, v1  }
0x246: {  	v1 =	vld [tilespmem:s30+$0xFFFFF850]  }
0x247: {  	v2 =	vld [tilespmem:s30+$0xFFFFF8D0]  }
0x248: {  	v3 =	vld [tilespmem:s30+$0xFFFFF950]  }
0x249: {  	v53 =	vld [tilespmem:s30+$0xFFFFF9D0];
	_ =	sdelay $0x4  }
0x24a: {  	v1 =	vadd.f32 v3, v1;
	v2 =	vadd.f32 v53, v2;
	_ =	sdelay $0x1  }
0x24b: {  	v1 =	vadd.f32 v2, v1;
	_ =	sdelay $0x1  }
0x24c: {  	v1 =	vmul.f32 $2.500000000e-01, v1;
	_ =	sdelay $0x1  }
0x24d: {  	v1 =	vtrunc.f32 v1  }
0x24e: {  	v1 =	vcvt.f32.s32 v1;
	_ =	sdelay $0x1  }
0x24f: {  	[tilespmem:v0+s31+$0x40 ss:$0x1] =	vst.idx.msk $0xffff, v1  }
0x250: {  	v1 =	vld [tilespmem:s30+$0xFFFFF860]  }
0x251: {  	v2 =	vld [tilespmem:s30+$0xFFFFF8E0]  }
0x252: {  	v3 =	vld [tilespmem:s30+$0xFFFFF960]  }
0x253: {  	v35 =	vld [tilespmem:s30+$0xFFFFF9E0];
	_ =	sdelay $0x4  }
0x254: {  	v1 =	vadd.f32 v3, v1;
	v2 =	vadd.f32 v35, v2;
	_ =	sdelay $0x1  }
0x255: {  	v1 =	vadd.f32 v2, v1;
	_ =	sdelay $0x1  }
0x256: {  	v1 =	vmul.f32 $2.500000000e-01, v1;
	_ =	sdelay $0x1  }
0x257: {  	v1 =	vtrunc.f32 v1  }
0x258: {  	v1 =	vcvt.f32.s32 v1;
	_ =	sdelay $0x1  }
0x259: {  	[tilespmem:v0+s31+$0x50 ss:$0x1] =	vst.idx.msk $0xffff, v1  }
0x25a: {  	v1 =	vld [tilespmem:s30+$0xFFFFF870]  }
0x25b: {  	v2 =	vld [tilespmem:s30+$0xFFFFF8F0]  }
0x25c: {  	v3 =	vld [tilespmem:s30+$0xFFFFF970]  }
0x25d: {  	v47 =	vld [tilespmem:s30+$0xFFFFF9F0];
	_ =	sdelay $0x4  }
0x25e: {  	v1 =	vadd.f32 v3, v1;
	v2 =	vadd.f32 v47, v2;
	_ =	sdelay $0x1  }
0x25f: {  	v1 =	vadd.f32 v2, v1;
	_ =	sdelay $0x1  }
0x260: {  	v1 =	vmul.f32 $2.500000000e-01, v1;
	_ =	sdelay $0x1  }
0x261: {  	v1 =	vtrunc.f32 v1  }
0x262: {  	v1 =	vcvt.f32.s32 v1;
	_ =	sdelay $0x1  }
0x263: {  	[tilespmem:v0+s31+$0x60 ss:$0x1] =	vst.idx.msk $0xffff, v1  }
0x264: {  	v1 =	vld [tilespmem:s30+$0xFFFFF880]  }
0x265: {  	v2 =	vld [tilespmem:s30+$0xFFFFF900]  }
0x266: {  	v3 =	vld [tilespmem:s30+$0xFFFFF980]  }
0x267: {  	v53 =	vld [tilespmem:s30+$0xFFFFFA00];
	_ =	sdelay $0x4  }
0x268: {  	v1 =	vadd.f32 v3, v1;
	v2 =	vadd.f32 v53, v2;
	_ =	sdelay $0x1  }
0x269: {  	v1 =	vadd.f32 v2, v1;
	_ =	sdelay $0x1  }
0x26a: {  	v1 =	vmul.f32 $2.500000000e-01, v1;
	_ =	sdelay $0x1  }
0x26b: {  	v1 =	vtrunc.f32 v1  }
0x26c: {  	v1 =	vcvt.f32.s32 v1;
	_ =	sdelay $0x1  }
0x26d: {  	[tilespmem:v0+s31+$0x70 ss:$0x1] =	vst.idx.msk $0xffff, v1  }
0x26e: {  	v1 =	vld [tilespmem:s30+$0xFFFFFA10]  }
0x26f: {  	v2 =	vld [tilespmem:s30+$0xFFFFFA90]  }
0x270: {  	v3 =	vld [tilespmem:s30+$0xFFFFFB10]  }
0x271: {  	v35 =	vld [tilespmem:s30+$0xFFFFFB90];
	_ =	sdelay $0x4  }
0x272: {  	v1 =	vadd.f32 v3, v1;
	v2 =	vadd.f32 v35, v2;
	_ =	sdelay $0x1  }
0x273: {  	v1 =	vadd.f32 v2, v1;
	_ =	sdelay $0x1  }
0x274: {  	v1 =	vmul.f32 $2.500000000e-01, v1;
	_ =	sdelay $0x1  }
0x275: {  	v1 =	vtrunc.f32 v1  }
0x276: {  	v1 =	vcvt.f32.s32 v1;
	_ =	sdelay $0x1  }
0x277: {  	[tilespmem:v0+s31+$0x80 ss:$0x1] =	vst.idx.msk $0xffff, v1  }
0x278: {  	v1 =	vld [tilespmem:s30+$0xFFFFFA20]  }
0x279: {  	v2 =	vld [tilespmem:s30+$0xFFFFFAA0]  }
0x27a: {  	v3 =	vld [tilespmem:s30+$0xFFFFFB20]  }
0x27b: {  	v47 =	vld [tilespmem:s30+$0xFFFFFBA0];
	_ =	sdelay $0x4  }
0x27c: {  	v1 =	vadd.f32 v3, v1;
	v2 =	vadd.f32 v47, v2;
	_ =	sdelay $0x1  }
0x27d: {  	v1 =	vadd.f32 v2, v1;
	_ =	sdelay $0x1  }
0x27e: {  	v1 =	vmul.f32 $2.500000000e-01, v1;
	_ =	sdelay $0x1  }
0x27f: {  	v1 =	vtrunc.f32 v1  }
0x280: {  	v1 =	vcvt.f32.s32 v1;
	_ =	sdelay $0x1  }
0x281: {  	[tilespmem:v0+s31+$0x90 ss:$0x1] =	vst.idx.msk $0xffff, v1  }
0x282: {  	v1 =	vld [tilespmem:s30+$0xFFFFFA30]  }
0x283: {  	v2 =	vld [tilespmem:s30+$0xFFFFFAB0]  }
0x284: {  	v3 =	vld [tilespmem:s30+$0xFFFFFB30]  }
0x285: {  	v53 =	vld [tilespmem:s30+$0xFFFFFBB0];
	_ =	sdelay $0x4  }
0x286: {  	v1 =	vadd.f32 v3, v1;
	v2 =	vadd.f32 v53, v2;
	_ =	sdelay $0x1  }
0x287: {  	v1 =	vadd.f32 v2, v1;
	_ =	sdelay $0x1  }
0x288: {  	v1 =	vmul.f32 $2.500000000e-01, v1;
	_ =	sdelay $0x1  }
0x289: {  	v1 =	vtrunc.f32 v1  }
0x28a: {  	v1 =	vcvt.f32.s32 v1;
	_ =	sdelay $0x1  }
0x28b: {  	[tilespmem:v0+s31+$0xA0 ss:$0x1] =	vst.idx.msk $0xffff, v1  }
0x28c: {  	v1 =	vld [tilespmem:s30+$0xFFFFFA40]  }
0x28d: {  	v2 =	vld [tilespmem:s30+$0xFFFFFAC0]  }
0x28e: {  	v3 =	vld [tilespmem:s30+$0xFFFFFB40]  }
0x28f: {  	v35 =	vld [tilespmem:s30+$0xFFFFFBC0];
	_ =	sdelay $0x4  }
0x290: {  	v1 =	vadd.f32 v3, v1;
	v2 =	vadd.f32 v35, v2;
	_ =	sdelay $0x1  }
0x291: {  	v1 =	vadd.f32 v2, v1;
	_ =	sdelay $0x1  }
0x292: {  	v1 =	vmul.f32 $2.500000000e-01, v1;
	_ =	sdelay $0x1  }
0x293: {  	v1 =	vtrunc.f32 v1  }
0x294: {  	v1 =	vcvt.f32.s32 v1;
	_ =	sdelay $0x1  }
0x295: {  	[tilespmem:v0+s31+$0xB0 ss:$0x1] =	vst.idx.msk $0xffff, v1  }
0x296: {  	v1 =	vld [tilespmem:s30+$0xFFFFFA50]  }
0x297: {  	v2 =	vld [tilespmem:s30+$0xFFFFFAD0]  }
0x298: {  	v3 =	vld [tilespmem:s30+$0xFFFFFB50]  }
0x299: {  	v47 =	vld [tilespmem:s30+$0xFFFFFBD0];
	_ =	sdelay $0x4  }
0x29a: {  	v1 =	vadd.f32 v3, v1;
	v2 =	vadd.f32 v47, v2;
	_ =	sdelay $0x1  }
0x29b: {  	v1 =	vadd.f32 v2, v1;
	_ =	sdelay $0x1  }
0x29c: {  	v1 =	vmul.f32 $2.500000000e-01, v1;
	_ =	sdelay $0x1  }
0x29d: {  	v1 =	vtrunc.f32 v1  }
0x29e: {  	v1 =	vcvt.f32.s32 v1;
	_ =	sdelay $0x1  }
0x29f: {  	[tilespmem:v0+s31+$0xC0 ss:$0x1] =	vst.idx.msk $0xffff, v1  }
0x2a0: {  	v1 =	vld [tilespmem:s30+$0xFFFFFA60]  }
0x2a1: {  	v2 =	vld [tilespmem:s30+$0xFFFFFAE0]  }
0x2a2: {  	v3 =	vld [tilespmem:s30+$0xFFFFFB60]  }
0x2a3: {  	v53 =	vld [tilespmem:s30+$0xFFFFFBE0];
	_ =	sdelay $0x4  }
0x2a4: {  	v1 =	vadd.f32 v3, v1;
	v2 =	vadd.f32 v53, v2;
	_ =	sdelay $0x1  }
0x2a5: {  	v1 =	vadd.f32 v2, v1;
	_ =	sdelay $0x1  }
0x2a6: {  	v1 =	vmul.f32 $2.500000000e-01, v1;
	_ =	sdelay $0x1  }
0x2a7: {  	v1 =	vtrunc.f32 v1  }
0x2a8: {  	v1 =	vcvt.f32.s32 v1;
	_ =	sdelay $0x1  }
0x2a9: {  	[tilespmem:v0+s31+$0xD0 ss:$0x1] =	vst.idx.msk $0xffff, v1  }
0x2aa: {  	v1 =	vld [tilespmem:s30+$0xFFFFFA70]  }
0x2ab: {  	v2 =	vld [tilespmem:s30+$0xFFFFFAF0]  }
0x2ac: {  	v3 =	vld [tilespmem:s30+$0xFFFFFB70]  }
0x2ad: {  	v35 =	vld [tilespmem:s30+$0xFFFFFBF0];
	_ =	sdelay $0x4  }
0x2ae: {  	v1 =	vadd.f32 v3, v1;
	v2 =	vadd.f32 v35, v2;
	_ =	sdelay $0x1  }
0x2af: {  	v1 =	vadd.f32 v2, v1;
	_ =	sdelay $0x1  }
0x2b0: {  	v1 =	vmul.f32 $2.500000000e-01, v1;
	_ =	sdelay $0x1  }
0x2b1: {  	v1 =	vtrunc.f32 v1  }
0x2b2: {  	v1 =	vcvt.f32.s32 v1;
	_ =	sdelay $0x1  }
0x2b3: {  	[tilespmem:v0+s31+$0xE0 ss:$0x1] =	vst.idx.msk $0xffff, v1  }
0x2b4: {  	v1 =	vld [tilespmem:s30+$0xFFFFFA80]  }
0x2b5: {  	v2 =	vld [tilespmem:s30+$0xFFFFFB00]  }
0x2b6: {  	v3 =	vld [tilespmem:s30+$0xFFFFFB80]  }
0x2b7: {  	v47 =	vld [tilespmem:s30+$0xFFFFFC00];
	_ =	sdelay $0x4  }
0x2b8: {  	v1 =	vadd.f32 v3, v1;
	v2 =	vadd.f32 v47, v2;
	_ =	sdelay $0x1  }
0x2b9: {  	v1 =	vadd.f32 v2, v1;
	_ =	sdelay $0x1  }
0x2ba: {  	v1 =	vmul.f32 $2.500000000e-01, v1;
	_ =	sdelay $0x1  }
0x2bb: {  	v1 =	vtrunc.f32 v1  }
0x2bc: {  	v1 =	vcvt.f32.s32 v1;
	_ =	sdelay $0x1  }
0x2bd: {  	[tilespmem:v0+s31+$0xF0 ss:$0x1] =	vst.idx.msk $0xffff, v1  }
0x2be: {  	v1 =	vld [tilespmem:s30+$0xFFFFFC10]  }
0x2bf: {  	v2 =	vld [tilespmem:s30+$0xFFFFFC90]  }
0x2c0: {  	v3 =	vld [tilespmem:s30+$0xFFFFFD10]  }
0x2c1: {  	v53 =	vld [tilespmem:s30+$0xFFFFFD90];
	_ =	sdelay $0x4  }
0x2c2: {  	v1 =	vadd.f32 v3, v1;
	v2 =	vadd.f32 v53, v2;
	_ =	sdelay $0x1  }
0x2c3: {  	v1 =	vadd.f32 v2, v1;
	_ =	sdelay $0x1  }
0x2c4: {  	v1 =	vmul.f32 $2.500000000e-01, v1;
	_ =	sdelay $0x1  }
0x2c5: {  	v1 =	vtrunc.f32 v1  }
0x2c6: {  	v1 =	vcvt.f32.s32 v1;
	_ =	sdelay $0x1  }
0x2c7: {  	[tilespmem:v0+s31+$0x100 ss:$0x1] =	vst.idx.msk $0xffff, v1  }
0x2c8: {  	v1 =	vld [tilespmem:s30+$0xFFFFFC20]  }
0x2c9: {  	v2 =	vld [tilespmem:s30+$0xFFFFFCA0]  }
0x2ca: {  	v3 =	vld [tilespmem:s30+$0xFFFFFD20]  }
0x2cb: {  	v35 =	vld [tilespmem:s30+$0xFFFFFDA0];
	_ =	sdelay $0x4  }
0x2cc: {  	v1 =	vadd.f32 v3, v1;
	v2 =	vadd.f32 v35, v2;
	_ =	sdelay $0x1  }
0x2cd: {  	v1 =	vadd.f32 v2, v1;
	_ =	sdelay $0x1  }
0x2ce: {  	v1 =	vmul.f32 $2.500000000e-01, v1;
	_ =	sdelay $0x1  }
0x2cf: {  	v1 =	vtrunc.f32 v1  }
0x2d0: {  	v1 =	vcvt.f32.s32 v1;
	_ =	sdelay $0x1  }
0x2d1: {  	[tilespmem:v0+s31+$0x110 ss:$0x1] =	vst.idx.msk $0xffff, v1  }
0x2d2: {  	v1 =	vld [tilespmem:s30+$0xFFFFFC30]  }
0x2d3: {  	v2 =	vld [tilespmem:s30+$0xFFFFFCB0]  }
0x2d4: {  	v3 =	vld [tilespmem:s30+$0xFFFFFD30]  }
0x2d5: {  	v47 =	vld [tilespmem:s30+$0xFFFFFDB0];
	_ =	sdelay $0x4  }
0x2d6: {  	v1 =	vadd.f32 v3, v1;
	v2 =	vadd.f32 v47, v2;
	_ =	sdelay $0x1  }
0x2d7: {  	v1 =	vadd.f32 v2, v1;
	_ =	sdelay $0x1  }
0x2d8: {  	v1 =	vmul.f32 $2.500000000e-01, v1;
	_ =	sdelay $0x1  }
0x2d9: {  	v1 =	vtrunc.f32 v1  }
0x2da: {  	v1 =	vcvt.f32.s32 v1;
	_ =	sdelay $0x1  }
0x2db: {  	[tilespmem:v0+s31+$0x120 ss:$0x1] =	vst.idx.msk $0xffff, v1  }
0x2dc: {  	v1 =	vld [tilespmem:s30+$0xFFFFFC40]  }
0x2dd: {  	v2 =	vld [tilespmem:s30+$0xFFFFFCC0]  }
0x2de: {  	v3 =	vld [tilespmem:s30+$0xFFFFFD40]  }
0x2df: {  	v53 =	vld [tilespmem:s30+$0xFFFFFDC0];
	_ =	sdelay $0x4  }
0x2e0: {  	v1 =	vadd.f32 v3, v1;
	v2 =	vadd.f32 v53, v2;
	_ =	sdelay $0x1  }
0x2e1: {  	v1 =	vadd.f32 v2, v1;
	_ =	sdelay $0x1  }
0x2e2: {  	v1 =	vmul.f32 $2.500000000e-01, v1;
	_ =	sdelay $0x1  }
0x2e3: {  	v1 =	vtrunc.f32 v1  }
0x2e4: {  	v1 =	vcvt.f32.s32 v1;
	_ =	sdelay $0x1  }
0x2e5: {  	[tilespmem:v0+s31+$0x130 ss:$0x1] =	vst.idx.msk $0xffff, v1  }
0x2e6: {  	v1 =	vld [tilespmem:s30+$0xFFFFFC50]  }
0x2e7: {  	v2 =	vld [tilespmem:s30+$0xFFFFFCD0]  }
0x2e8: {  	v3 =	vld [tilespmem:s30+$0xFFFFFD50]  }
0x2e9: {  	v35 =	vld [tilespmem:s30+$0xFFFFFDD0];
	_ =	sdelay $0x4  }
0x2ea: {  	v1 =	vadd.f32 v3, v1;
	v2 =	vadd.f32 v35, v2;
	_ =	sdelay $0x1  }
0x2eb: {  	v1 =	vadd.f32 v2, v1;
	_ =	sdelay $0x1  }
0x2ec: {  	v1 =	vmul.f32 $2.500000000e-01, v1;
	_ =	sdelay $0x1  }
0x2ed: {  	v1 =	vtrunc.f32 v1  }
0x2ee: {  	v1 =	vcvt.f32.s32 v1;
	_ =	sdelay $0x1  }
0x2ef: {  	[tilespmem:v0+s31+$0x140 ss:$0x1] =	vst.idx.msk $0xffff, v1  }
0x2f0: {  	v1 =	vld [tilespmem:s30+$0xFFFFFC60]  }
0x2f1: {  	v2 =	vld [tilespmem:s30+$0xFFFFFCE0]  }
0x2f2: {  	v3 =	vld [tilespmem:s30+$0xFFFFFD60]  }
0x2f3: {  	v47 =	vld [tilespmem:s30+$0xFFFFFDE0];
	_ =	sdelay $0x4  }
0x2f4: {  	v1 =	vadd.f32 v3, v1;
	v2 =	vadd.f32 v47, v2;
	_ =	sdelay $0x1  }
0x2f5: {  	v1 =	vadd.f32 v2, v1;
	_ =	sdelay $0x1  }
0x2f6: {  	v1 =	vmul.f32 $2.500000000e-01, v1;
	_ =	sdelay $0x1  }
0x2f7: {  	v1 =	vtrunc.f32 v1  }
0x2f8: {  	v1 =	vcvt.f32.s32 v1;
	_ =	sdelay $0x1  }
0x2f9: {  	[tilespmem:v0+s31+$0x150 ss:$0x1] =	vst.idx.msk $0xffff, v1  }
0x2fa: {  	v1 =	vld [tilespmem:s30+$0xFFFFFC70]  }
0x2fb: {  	v2 =	vld [tilespmem:s30+$0xFFFFFCF0]  }
0x2fc: {  	v3 =	vld [tilespmem:s30+$0xFFFFFD70]  }
0x2fd: {  	v53 =	vld [tilespmem:s30+$0xFFFFFDF0];
	_ =	sdelay $0x4  }
0x2fe: {  	v1 =	vadd.f32 v3, v1;
	v2 =	vadd.f32 v53, v2;
	_ =	sdelay $0x1  }
0x2ff: {  	v1 =	vadd.f32 v2, v1;
	_ =	sdelay $0x1  }
0x300: {  	v1 =	vmul.f32 $2.500000000e-01, v1;
	_ =	sdelay $0x1  }
0x301: {  	v1 =	vtrunc.f32 v1  }
0x302: {  	v1 =	vcvt.f32.s32 v1;
	_ =	sdelay $0x1  }
0x303: {  	[tilespmem:v0+s31+$0x160 ss:$0x1] =	vst.idx.msk $0xffff, v1  }
0x304: {  	v1 =	vld [tilespmem:s30+$0xFFFFFC80]  }
0x305: {  	v2 =	vld [tilespmem:s30+$0xFFFFFD00]  }
0x306: {  	v3 =	vld [tilespmem:s30+$0xFFFFFD80]  }
0x307: {  	v35 =	vld [tilespmem:s30+$0xFFFFFE00];
	_ =	sdelay $0x4  }
0x308: {  	v1 =	vadd.f32 v3, v1;
	v2 =	vadd.f32 v35, v2;
	_ =	sdelay $0x1  }
0x309: {  	v1 =	vadd.f32 v2, v1;
	_ =	sdelay $0x1  }
0x30a: {  	v1 =	vmul.f32 $2.500000000e-01, v1;
	_ =	sdelay $0x1  }
0x30b: {  	v1 =	vtrunc.f32 v1  }
0x30c: {  	v1 =	vcvt.f32.s32 v1;
	_ =	sdelay $0x1  }
0x30d: {  	[tilespmem:v0+s31+$0x170 ss:$0x1] =	vst.idx.msk $0xffff, v1  }
0x30e: {  	v1 =	vld [tilespmem:s30+$0xFFFFFE10]  }
0x30f: {  	v2 =	vld [tilespmem:s30+$0xFFFFFE90]  }
0x310: {  	v3 =	vld [tilespmem:s30+$0xFFFFFF10]  }
0x311: {  	v47 =	vld [tilespmem:s30+$0xFFFFFF90];
	_ =	sdelay $0x4  }
0x312: {  	v1 =	vadd.f32 v3, v1;
	v2 =	vadd.f32 v47, v2;
	_ =	sdelay $0x1  }
0x313: {  	v1 =	vadd.f32 v2, v1;
	_ =	sdelay $0x1  }
0x314: {  	v1 =	vmul.f32 $2.500000000e-01, v1;
	_ =	sdelay $0x1  }
0x315: {  	v1 =	vtrunc.f32 v1  }
0x316: {  	v1 =	vcvt.f32.s32 v1;
	_ =	sdelay $0x1  }
0x317: {  	[tilespmem:v0+s31+$0x180 ss:$0x1] =	vst.idx.msk $0xffff, v1  }
0x318: {  	v1 =	vld [tilespmem:s30+$0xFFFFFE20]  }
0x319: {  	v2 =	vld [tilespmem:s30+$0xFFFFFEA0]  }
0x31a: {  	v3 =	vld [tilespmem:s30+$0xFFFFFF20]  }
0x31b: {  	v53 =	vld [tilespmem:s30+$0xFFFFFFA0];
	_ =	sdelay $0x4  }
0x31c: {  	v1 =	vadd.f32 v3, v1;
	v2 =	vadd.f32 v53, v2;
	_ =	sdelay $0x1  }
0x31d: {  	v1 =	vadd.f32 v2, v1;
	_ =	sdelay $0x1  }
0x31e: {  	v1 =	vmul.f32 $2.500000000e-01, v1;
	_ =	sdelay $0x1  }
0x31f: {  	v1 =	vtrunc.f32 v1  }
0x320: {  	v1 =	vcvt.f32.s32 v1;
	_ =	sdelay $0x1  }
0x321: {  	[tilespmem:v0+s31+$0x190 ss:$0x1] =	vst.idx.msk $0xffff, v1  }
0x322: {  	v1 =	vld [tilespmem:s30+$0xFFFFFE30]  }
0x323: {  	v2 =	vld [tilespmem:s30+$0xFFFFFEB0]  }
0x324: {  	v3 =	vld [tilespmem:s30+$0xFFFFFF30]  }
0x325: {  	v35 =	vld [tilespmem:s30+$0xFFFFFFB0];
	_ =	sdelay $0x4  }
0x326: {  	v1 =	vadd.f32 v3, v1;
	v2 =	vadd.f32 v35, v2;
	_ =	sdelay $0x1  }
0x327: {  	v1 =	vadd.f32 v2, v1;
	_ =	sdelay $0x1  }
0x328: {  	v1 =	vmul.f32 $2.500000000e-01, v1;
	_ =	sdelay $0x1  }
0x329: {  	v1 =	vtrunc.f32 v1  }
0x32a: {  	v1 =	vcvt.f32.s32 v1;
	_ =	sdelay $0x1  }
0x32b: {  	[tilespmem:v0+s31+$0x1A0 ss:$0x1] =	vst.idx.msk $0xffff, v1  }
0x32c: {  	v1 =	vld [tilespmem:s30+$0xFFFFFE40]  }
0x32d: {  	v2 =	vld [tilespmem:s30+$0xFFFFFEC0]  }
0x32e: {  	v3 =	vld [tilespmem:s30+$0xFFFFFF40]  }
0x32f: {  	v47 =	vld [tilespmem:s30+$0xFFFFFFC0];
	_ =	sdelay $0x4  }
0x330: {  	v1 =	vadd.f32 v3, v1;
	v2 =	vadd.f32 v47, v2;
	_ =	sdelay $0x1  }
0x331: {  	v1 =	vadd.f32 v2, v1;
	_ =	sdelay $0x1  }
0x332: {  	v1 =	vmul.f32 $2.500000000e-01, v1;
	_ =	sdelay $0x1  }
0x333: {  	v1 =	vtrunc.f32 v1  }
0x334: {  	v1 =	vcvt.f32.s32 v1;
	_ =	sdelay $0x1  }
0x335: {  	[tilespmem:v0+s31+$0x1B0 ss:$0x1] =	vst.idx.msk $0xffff, v1  }
0x336: {  	v1 =	vld [tilespmem:s30+$0xFFFFFE50]  }
0x337: {  	v2 =	vld [tilespmem:s30+$0xFFFFFED0]  }
0x338: {  	v3 =	vld [tilespmem:s30+$0xFFFFFF50]  }
0x339: {  	v53 =	vld [tilespmem:s30+$0xFFFFFFD0];
	_ =	sdelay $0x4  }
0x33a: {  	v1 =	vadd.f32 v3, v1;
	v2 =	vadd.f32 v53, v2;
	_ =	sdelay $0x1  }
0x33b: {  	v1 =	vadd.f32 v2, v1;
	_ =	sdelay $0x1  }
0x33c: {  	v1 =	vmul.f32 $2.500000000e-01, v1;
	_ =	sdelay $0x1  }
0x33d: {  	v1 =	vtrunc.f32 v1  }
0x33e: {  	v1 =	vcvt.f32.s32 v1;
	_ =	sdelay $0x1  }
0x33f: {  	[tilespmem:v0+s31+$0x1C0 ss:$0x1] =	vst.idx.msk $0xffff, v1  }
0x340: {  	v1 =	vld [tilespmem:s30+$0xFFFFFE60]  }
0x341: {  	v2 =	vld [tilespmem:s30+$0xFFFFFEE0]  }
0x342: {  	v3 =	vld [tilespmem:s30+$0xFFFFFF60]  }
0x343: {  	v35 =	vld [tilespmem:s30+$0xFFFFFFE0];
	_ =	sdelay $0x4  }
0x344: {  	v1 =	vadd.f32 v3, v1;
	v2 =	vadd.f32 v35, v2;
	_ =	sdelay $0x1  }
0x345: {  	v1 =	vadd.f32 v2, v1;
	_ =	sdelay $0x1  }
0x346: {  	v1 =	vmul.f32 $2.500000000e-01, v1;
	_ =	sdelay $0x1  }
0x347: {  	v1 =	vtrunc.f32 v1  }
0x348: {  	v1 =	vcvt.f32.s32 v1;
	_ =	sdelay $0x1  }
0x349: {  	[tilespmem:v0+s31+$0x1D0 ss:$0x1] =	vst.idx.msk $0xffff, v1  }
0x34a: {  	v1 =	vld [tilespmem:s30+$0xFFFFFE70]  }
0x34b: {  	v2 =	vld [tilespmem:s30+$0xFFFFFEF0]  }
0x34c: {  	v3 =	vld [tilespmem:s30+$0xFFFFFF70]  }
0x34d: {  	v47 =	vld [tilespmem:s30+$0xFFFFFFF0];
	_ =	sdelay $0x4  }
0x34e: {  	v1 =	vadd.f32 v3, v1;
	v2 =	vadd.f32 v47, v2;
	_ =	sdelay $0x1  }
0x34f: {  	v1 =	vadd.f32 v2, v1;
	_ =	sdelay $0x1  }
0x350: {  	v1 =	vmul.f32 $2.500000000e-01, v1;
	_ =	sdelay $0x1  }
0x351: {  	v1 =	vtrunc.f32 v1  }
0x352: {  	v1 =	vcvt.f32.s32 v1;
	_ =	sdelay $0x1  }
0x353: {  	[tilespmem:v0+s31+$0x1E0 ss:$0x1] =	vst.idx.msk $0xffff, v1  }
0x354: {  	v1 =	vld [tilespmem:s30+$0xFFFFFE80]  }
0x355: {  	v2 =	vld [tilespmem:s30+$0xFFFFFF00]  }
0x356: {  	v3 =	vld [tilespmem:s30+$0xFFFFFF80]  }
0x357: {  	v53 =	vld [tilespmem:s30+$0x0];
	_ =	sdelay $0x4  }
0x358: {  	v1 =	vadd.f32 v3, v1;
	v2 =	vadd.f32 v53, v2;
	_ =	sdelay $0x1  }
0x359: {  	v1 =	vadd.f32 v2, v1;
	_ =	sdelay $0x1  }
0x35a: {  	p0 =	sne.s32 s23, $0x2000;
	v1 =	vmul.f32 $2.500000000e-01, v1  }
.Ltmp1:
0x35b: {  	_ = 	snop;
	(pc) =	sbr.rel @p0 .LBB2_5-.Ltmp1, $3  }
0x35c: {  	v1 =	vtrunc.f32 v1  }
0x35d: {  	v1 =	vcvt.f32.s32 v1;
	_ =	sdelay $0x1  }
0x35e: {  	s23 =	sadd.s32 $0x800, s23;
	s30 =	sadd.s32 $0x800, s30;
	[tilespmem:v0+s31+$0x1F0 ss:$0x1] =	vst.idx.msk $0xffff, v1  }
0x35f: {  	s29 =	sadd.s32 $0x1, s29  }
0x360: {  	p0 =	sne.s32 s29, $0x5  }
.Ltmp2:
0x361: {  	_ = 	snop;
	(pc) =	sbr.rel @p0 .LBB2_2-.Ltmp2, $2  }
0x362: {  	_ =	sdelay $0x2  }
0x363: {  	s24 =	sadd.s32 $0x1400, s24;
	s25 =	sadd.s32 $0x1400, s25;
	s23 =	simm.s32 $0x0  }
0x364: {  	[dreg:$0x5] =	wrdreg s14;
	s24 =	simm.s32 $0x0  }
.LBB2_8:
0x365: {  	s25 =	sshll.u32 s24, $0xA  }
0x366: {  	s25 =	sand.u32 $0x3FFFFC00, s25  }
0x367: {  	s29 =	sadd.s32 $0x5000, s25  }
0x368: {  	[tilespmem:s18], [sflag:$0x3] =	stream.indirect.gather [hbm4b:s5+s17], $0x20, s29, s17, $0xb8;
	[tilespmem:$0x1B400] =	vst v63  }
0x369: {  	s11 =	simm.s32 $0xC400;
	s29 =	sadd.s32 $0x5080, s25  }
0x36a: {  	[tilespmem:s11], [sflag:$0x3] =	stream.indirect.gather [hbm4b:s5+s17], $0x20, s29, s17, $0xb8;
	[tilespmem:$0x1B400] =	vst v63  }
0x36b: {  	s14 =	simm.s32 $0xD400;
	s29 =	sadd.s32 $0x5100, s25  }
0x36c: {  	[tilespmem:s14], [sflag:$0x3] =	stream.indirect.gather [hbm4b:s5+s17], $0x20, s29, s17, $0xb8;
	[tilespmem:$0x1B400] =	vst v63  }
0x36d: {  	s25 =	sadd.s32 $0x5180, s25;
	s14 =	simm.s32 $0xE400  }
0x36e: {  	[tilespmem:s14], [sflag:$0x3] =	stream.indirect.gather [hbm4b:s5+s17], $0x20, s25, s17, $0xb8;
	[tilespmem:$0x1B400] =	vst v63  }
0x36f: {  	s25 =	sshllo.u32 s24, $0x1  }
0x370: {  	s29 =	sshll.u32 s25, $0x9  }
0x371: {  	s29 =	sand.u32 $0x3FFFFE00, s29  }
0x372: {  	s30 =	sadd.s32 $0x5000, s29  }
0x373: {  	[tilespmem:s22], [sflag:$0x4] =	stream.indirect.gather [hbm4b:s5+s17], $0x20, s30, s17, $0xb8;
	[tilespmem:$0x1B400] =	vst v63  }
0x374: {  	s14 =	simm.s32 $0x10400;
	s30 =	sadd.s32 $0x5080, s29  }
0x375: {  	[tilespmem:s14], [sflag:$0x4] =	stream.indirect.gather [hbm4b:s5+s17], $0x20, s30, s17, $0xb8;
	[tilespmem:$0x1B400] =	vst v63  }
0x376: {  	s30 =	sadd.s32 $0x5100, s29;
	s14 =	simm.s32 $0x11400  }
0x377: {  	[tilespmem:s14], [sflag:$0x4] =	stream.indirect.gather [hbm4b:s5+s17], $0x20, s30, s17, $0xb8;
	[tilespmem:$0x1B400] =	vst v63  }
0x378: {  	s29 =	sadd.s32 $0x5180, s29;
	s14 =	simm.s32 $0x12400  }
0x379: {  	[tilespmem:s14], [sflag:$0x4] =	stream.indirect.gather [hbm4b:s5+s17], $0x20, s29, s17, $0xb8;
	[tilespmem:$0x1B400] =	vst v63  }
0x37a: {  	_ =	swait.ge [sflag:s26], $0x1000  }
0x37b: {  	[sflag:s26] =	ssyncset.done $0x0  }
0x37c: {  	[sflag:s26] =	ssyncadd.s32 $0xFFFFF000  }
0x37d: {  	_ =	swait.ge [sflag:s26], $0x1000  }
0x37e: {  	v0 =	vmov s23;
	[sflag:s26] =	ssyncset.done $0x0  }
0x37f: {  	v0 =	vshll.u32 v0, $0x5;
	[sflag:s26] =	ssyncadd.s32 $0xFFFFF000  }
0x380: {  	v9 =	vor.u32 v21, v0;
	_ =	swait.ge [sflag:s26], $0x1000  }
0x381: {  	v1 =	vor.u32 v20, v9;
	[sflag:s26] =	ssyncset.done $0x0  }
0x382: {  	s30 =	simm.s32 $0x0;
	s29 =	sand.u32 $0x70, s23;
	[sflag:s26] =	ssyncadd.s32 $0xFFFFF000  }
0x383: {  	v0 =	vmov s29;
	s29 =	sand.u32 $0xFFFFFC00, s30;
	_ =	swait.ge [sflag:s26], $0x1000  }
0x384: {  	v2 =	vor.u32 s29, v0;
	[sflag:s26] =	ssyncset.done $0x0  }
0x385: {  	v0 =	vor.u32 v23, v2;
	[sflag:s26] =	ssyncadd.s32 $0xFFFFF000  }
0x386: {  	v3 =	vor.u32 v24, v0;
	v1 =	vld.idx.msk [tilespmem:v1+s18+$0x0], $0xffff  }
0x387: {  	v4 =	vor.u32 v25, v9;
	_ =	sdelay $0x3  }
0x388: {  	v5 =	vor.u32 v26, v2;
	[tilespmem:v3+s28+$0x0] =	vst.idx.msk $0xffff, v1  }
0x389: {  	v1 =	vld.idx.msk [tilespmem:v4+s18+$0x0], $0xffff;
	v4 =	vor.u32 v27, v5  }
0x38a: {  	v6 =	vor.u32 v28, v9;
	_ =	sdelay $0x3  }
0x38b: {  	v11 =	vor.u32 v30, v2;
	[tilespmem:v4+s28+$0x0] =	vst.idx.msk $0xffff, v1  }
0x38c: {  	v4 =	vor.u32 v31, v11;
	v1 =	vld.idx.msk [tilespmem:v6+s18+$0x0], $0xffff  }
0x38d: {  	v7 =	vor.u32 v10, v9;
	_ =	sdelay $0x3  }
0x38e: {  	v6 =	vor.u32 v41, v2;
	[tilespmem:v4+s28+$0x0] =	vst.idx.msk $0xffff, v1  }
0x38f: {  	v4 =	vor.u32 v42, v6;
	v1 =	vld.idx.msk [tilespmem:v7+s18+$0x0], $0xffff  }
0x390: {  	v8 =	vor.u32 v13, v9;
	_ =	sdelay $0x3  }
0x391: {  	v7 =	vor.u32 v43, v2;
	[tilespmem:v4+s28+$0x0] =	vst.idx.msk $0xffff, v1  }
0x392: {  	v4 =	vor.u32 v44, v7;
	v1 =	vld.idx.msk [tilespmem:v8+s18+$0x0], $0xffff  }
0x393: {  	v10 =	vor.u32 v32, v9;
	_ =	sdelay $0x3  }
0x394: {  	v8 =	vor.u32 v45, v2;
	[tilespmem:v4+s28+$0x0] =	vst.idx.msk $0xffff, v1  }
0x395: {  	v4 =	vor.u32 v48, v8;
	v1 =	vld.idx.msk [tilespmem:v10+s18+$0x0], $0xffff  }
0x396: {  	v10 =	vor.u32 v36, v9;
	_ =	sdelay $0x3  }
0x397: {  	v14 =	vor.u32 v61, v2;
	[tilespmem:v4+s28+$0x0] =	vst.idx.msk $0xffff, v1  }
0x398: {  	v4 =	vor.u32 v17, v14;
	v1 =	vld.idx.msk [tilespmem:v10+s18+$0x0], $0xffff  }
0x399: {  	v13 =	vor.u32 v63, v9;
	_ =	sdelay $0x3  }
0x39a: {  	v10 =	vor.u32 v56, v2;
	[tilespmem:v4+s28+$0x0] =	vst.idx.msk $0xffff, v1  }
0x39b: {  	v2 =	vor.u32 v59, v10;
	v1 =	vld.idx.msk [tilespmem:v13+s18+$0x0], $0xffff  }
0x39c: {  	v4 =	vor.u32 v22, v9;
	_ =	sdelay $0x3  }
0x39d: {  	[tilespmem:v2+s28+$0x0] =	vst.idx.msk $0xffff, v1  }
0x39e: {  	v2 =	vor.u32 v15, v0;
	v1 =	vld.idx.msk [tilespmem:v4+s18+$0x0], $0xffff  }
0x39f: {  	v4 =	vor.u32 v33, v9;
	_ =	sdelay $0x3  }
0x3a0: {  	[tilespmem:v2+s28+$0x0] =	vst.idx.msk $0xffff, v1  }
0x3a1: {  	v2 =	vor.u32 v50, v5;
	v1 =	vld.idx.msk [tilespmem:v4+s18+$0x0], $0xffff  }
0x3a2: {  	v4 =	vor.u32 v58, v9;
	_ =	sdelay $0x3  }
0x3a3: {  	[tilespmem:v2+s28+$0x0] =	vst.idx.msk $0xffff, v1  }
0x3a4: {  	v2 =	vor.u32 v16, v11;
	v1 =	vld.idx.msk [tilespmem:v4+s18+$0x0], $0xffff  }
0x3a5: {  	v4 =	vor.u32 v57, v9;
	_ =	sdelay $0x3  }
0x3a6: {  	[tilespmem:v2+s28+$0x0] =	vst.idx.msk $0xffff, v1  }
0x3a7: {  	v2 =	vor.u32 v51, v6;
	v1 =	vld.idx.msk [tilespmem:v4+s18+$0x0], $0xffff  }
0x3a8: {  	v4 =	vor.u32 v62, v9;
	_ =	sdelay $0x3  }
0x3a9: {  	[tilespmem:v2+s28+$0x0] =	vst.idx.msk $0xffff, v1  }
0x3aa: {  	v2 =	vor.u32 v40, v7;
	v1 =	vld.idx.msk [tilespmem:v4+s18+$0x0], $0xffff  }
0x3ab: {  	v4 =	vor.u32 v52, v9;
	_ =	sdelay $0x3  }
0x3ac: {  	[tilespmem:v2+s28+$0x0] =	vst.idx.msk $0xffff, v1  }
0x3ad: {  	v2 =	vor.u32 v46, v8;
	v1 =	vld.idx.msk [tilespmem:v4+s18+$0x0], $0xffff  }
0x3ae: {  	v4 =	vor.u32 v49, v9;
	_ =	sdelay $0x3  }
0x3af: {  	[tilespmem:v2+s28+$0x0] =	vst.idx.msk $0xffff, v1  }
0x3b0: {  	v2 =	vor.u32 v38, v14;
	v1 =	vld.idx.msk [tilespmem:v4+s18+$0x0], $0xffff  }
0x3b1: {  	v4 =	vor.u32 v60, v9;
	_ =	sdelay $0x3  }
0x3b2: {  	[tilespmem:v2+s28+$0x0] =	vst.idx.msk $0xffff, v1  }
0x3b3: {  	v2 =	vor.u32 v34, v10;
	v1 =	vld.idx.msk [tilespmem:v4+s18+$0x0], $0xffff  }
0x3b4: {  	v4 =	vor.u32 v39, v9;
	_ =	sdelay $0x3  }
0x3b5: {  	v3 =	vld [tilespmem:$0x1FC50];
	[tilespmem:v2+s28+$0x0] =	vst.idx.msk $0xffff, v1  }
0x3b6: {  	v2 =	vor.u32 v29, v0;
	v1 =	vld.idx.msk [tilespmem:v4+s18+$0x0], $0xffff;
	_ =	sdelay $0x2  }
0x3b7: {  	v12 =	vmov v22;
	v22 =	vld [tilespmem:$0x1FCE0]  }
0x3b8: {  	v13 =	vsel vm5, $0x3006, v3;
	v3 =	vld [tilespmem:$0x1FD80]  }
0x3b9: {  	[tilespmem:v2+s28+$0x0] =	vst.idx.msk $0xffff, v1;
	v1 =	vld [tilespmem:$0x1FCD0]  }
0x3ba: {  	v4 =	vor.u32 v18, v9;
	_ =	sdelay $0x2  }
0x3bb: {  	v47 =	vsel vm15, v3, v22  }
0x3bc: {  	v13 =	vsel vm6, $0x3007, v13;
	v34 =	vld [tilespmem:$0x1FD10];
	v3 =	vcombine.low v1, v47  }
0x3bd: {  	v2 =	vld.idx.msk [tilespmem:v4+s18+$0x0], $0xffff;
	v1 =	vsel vm7, $0x3000, v13  }
0x3be: {  	v4 =	vor.u32 v19, v5;
	v1 =	vsel vm8, $0x3001, v1;
	[tilespmem:$0x1FBD0] =	vst v3;
	v13 =	vor.u32 v3, v9;
	v3 =	vld [tilespmem:$0x1FDA0]  }
0x3bf: {  	v1 =	vsel vm9, $0x3002, v1  }
0x3c0: {  	v1 =	vsel vm10, $0x3003, v1  }
0x3c1: {  	v1 =	vsel vm11, $0x3004, v1  }
0x3c2: {  	v1 =	vsel vm12, $0x3005, v1  }
0x3c3: {  	v51 =	vmov v16;
	[tilespmem:v4+s28+$0x0] =	vst.idx.msk $0xffff, v2;
	v16 =	vsel vm15, v3, v34;
	v3 =	vsel vm13, $0x6, v1  }
0x3c4: {  	[tilespmem:$0x1FBE0] =	vst v3;
	v4 =	vor.u32 v3, v11;
	v3 =	vld [tilespmem:$0x1FC60]  }
0x3c5: {  	v1 =	vld [tilespmem:$0x1FD00];
	_ =	sdelay $0x1  }
0x3c6: {  	v39 =	vmov v50;
	v50 =	vimm.s32 $0x2000  }
0x3c7: {  	v53 =	vmov v15;
	v15 =	vsel vm0, $0x2001, v50;
	v2 =	vld.idx.msk [tilespmem:v13+s18+$0x0], $0xffff  }
0x3c8: {  	v29 =	vmov v56;
	v56 =	vsel vm1, $0x2002, v15;
	v13 =	vsel vm1, $0x3002, v3;
	v3 =	vld [tilespmem:$0x1FD20]  }
0x3c9: {  	v18 =	vcombine.low v1, v16;
	v1 =	vsel vm2, $0x2003, v56  }
0x3ca: {  	v17 =	vsel vm3, $0x2004, v1  }
0x3cb: {  	v13 =	vsel vm2, $0x3003, v13;
	v17 =	vsel vm4, $0x3005, v17  }
0x3cc: {  	vm14 =	vcmask $0x1F14;
	v19 =	vsel vm3, $0x3004, v13;
	v17 =	vsel vm5, $0x3006, v17  }
0x3cd: {  	v38 =	vmov v32;
	v32 =	vld [tilespmem:$0x1FC90];
	v17 =	vsel vm6, $0x3007, v17;
	v3 =	vsel vm14, v3, v19  }
0x3ce: {  	v35 =	vmov v59;
	v59 =	vcombine.low v17, v3;
	v3 =	vld [tilespmem:$0x1FC30]  }
0x3cf: {  	[tilespmem:v4+s28+$0x0] =	vst.idx.msk $0xffff, v2;
	v2 =	vld [tilespmem:$0x1FD40];
	_ =	sdelay $0x3  }
0x3d0: {  	v61 =	vsel vm15, v3, v32  }
0x3d1: {  	v3 =	vcombine.low v2, v61;
	_ =	sdelay $0x1  }
0x3d2: {  	[tilespmem:$0x1FC10] =	vst v3;
	v17 =	vor.u32 v3, v9;
	v3 =	vld [tilespmem:$0x1FD60]  }
0x3d3: {  	[tilespmem:$0x1FBF0] =	vst v18;
	v18 =	vor.u32 v18, v9;
	_ =	sdelay $0x3  }
0x3d4: {  	v1 =	vsel vm3, $0x3004, v1;
	v13 =	vsel vm15, v3, v13;
	v3 =	vld [tilespmem:$0x1FC40]  }
0x3d5: {  	v1 =	vsel vm4, $0x3005, v1;
	v4 =	vor.u32 v59, v6;
	v2 =	vld.idx.msk [tilespmem:v18+s18+$0x0], $0xffff  }
0x3d6: {  	v1 =	vsel vm5, $0x3006, v1  }
0x3d7: {  	v1 =	vsel vm6, $0x3007, v1  }
0x3d8: {  	v46 =	vmov v54;
	v54 =	vmov v63;
	v63 =	vcombine.low v1, v13;
	v1 =	vld [tilespmem:$0x1FCA0]  }
0x3d9: {  	v18 =	vsel vm2, $0x3003, v3;
	v3 =	vld [tilespmem:$0x1FCB0]  }
0x3da: {  	[tilespmem:v4+s28+$0x0] =	vst.idx.msk $0xffff, v2;
	v2 =	vld [tilespmem:$0x1FD50];
	_ =	sdelay $0x3  }
0x3db: {  	v1 =	vsel vm15, v3, v1  }
0x3dc: {  	v4 =	vor.u32 v63, v7;
	v3 =	vcombine.low v1, v2;
	v2 =	vld.idx.msk [tilespmem:v17+s18+$0x0], $0xffff;
	_ =	sdelay $0x2  }
0x3dd: {  	v13 =	vsel vm3, $0x3004, v18  }
0x3de: {  	[tilespmem:$0x1FC00] =	vst v59;
	v59 =	vmovc v63;
	v1 =	vsel vm4, $0x3005, v13;
	v63 =	vmov v3;
	v13 =	vor.u32 v3, v9;
	v3 =	vld [tilespmem:$0x1FCC0]  }
0x3df: {  	v1 =	vsel vm5, $0x3006, v1;
	[tilespmem:v4+s28+$0x0] =	vst.idx.msk $0xffff, v2;
	v2 =	vld [tilespmem:$0x1FD70]  }
0x3e0: {  	v1 =	vsel vm6, $0x3007, v1  }
0x3e1: {  	v1 =	vsel vm7, $0x3000, v1  }
0x3e2: {  	v1 =	vsel vm8, $0x3001, v1  }
0x3e3: {  	vm14 =	vcmask $0x3B2C;
	v1 =	vsel vm9, $0x3002, v1  }
0x3e4: {  	v52 =	vmov v36;
	v36 =	vsel vm15, v22, v3;
	v3 =	vsel vm14, v2, v1;
	v1 =	vld [tilespmem:$0x1FD90];
	_ =	sdelay $0x3  }
0x3e5: {  	v15 =	vsel vm1, $0x3002, v15  }
0x3e6: {  	v61 =	vmovc v3;
	v4 =	vor.u32 v3, v8;
	v3 =	vld [tilespmem:$0x1FC70];
	v17 =	vcombine.low v36, v1;
	v1 =	vsel vm2, $0x3003, v15  }
0x3e7: {  	v2 =	vld.idx.msk [tilespmem:v13+s18+$0x0], $0xffff;
	v1 =	vsel vm3, $0x3004, v1  }
0x3e8: {  	v1 =	vsel vm4, $0x3005, v1  }
0x3e9: {  	v1 =	vsel vm5, $0x3006, v1  }
0x3ea: {  	v1 =	vsel vm6, $0x3007, v1  }
0x3eb: {  	v49 =	vmov v62;
	v62 =	vcombine.low v1, v3;
	v1 =	vld [tilespmem:$0x1FCF0]  }
0x3ec: {  	[tilespmem:v4+s28+$0x0] =	vst.idx.msk $0xffff, v2;
	v2 =	vld [tilespmem:$0x1FDB0];
	_ =	sdelay $0x2  }
0x3ed: {  	v15 =	vsel vm0, $0x3001, v50  }
0x3ee: {  	v22 =	vld [tilespmem:$0x1FC20];
	v15 =	vsel vm1, $0x3002, v15;
	v1 =	vsel vm15, v34, v1  }
0x3ef: {  	v34 =	vcombine.low v1, v2;
	v1 =	vsel vm2, $0x3003, v15  }
0x3f0: {  	v13 =	vor.u32 v17, v9;
	v1 =	vsel vm3, $0x3004, v1  }
0x3f1: {  	v1 =	vsel vm4, $0x3005, v1  }
0x3f2: {  	vm14 =	vcmask $0x1F04;
	v1 =	vsel vm5, $0x3006, v1  }
0x3f3: {  	v15 =	vnsel vm14, $0x3000, v22;
	v1 =	vsel vm6, $0x3007, v1  }
0x3f4: {  	v50 =	vcombine.low v1, v15;
	v1 =	vld [tilespmem:$0x1FD30]  }
0x3f5: {  	v4 =	vor.u32 v62, v14;
	v2 =	vld.idx.msk [tilespmem:v13+s18+$0x0], $0xffff  }
0x3f6: {  	v13 =	vor.u32 v34, v9;
	_ =	sdelay $0x2  }
0x3f7: {  	v1 =	vsel vm15, v32, v1  }
0x3f8: {  	v40 =	vmov v33;
	v33 =	vmov v57;
	v57 =	vld [tilespmem:$0x1FC80];
	[tilespmem:v4+s28+$0x0] =	vst.idx.msk $0xffff, v2;
	v32 =	vcombine.low v1, v22  }
0x3f9: {  	v4 =	vor.u32 v50, v10;
	v1 =	vld.idx.msk [tilespmem:v13+s18+$0x0], $0xffff  }
0x3fa: {  	v2 =	vsel vm4, $0x3005, v19;
	v13 =	vor.u32 v32, v9  }
0x3fb: {  	v2 =	vsel vm5, $0x3006, v2  }
0x3fc: {  	v2 =	vsel vm6, $0x3007, v2  }
0x3fd: {  	v2 =	vcombine.low v2, v22  }
0x3fe: {  	v15 =	vsel vm0, $0x3001, v57;
	[tilespmem:v4+s28+$0x0] =	vst.idx.msk $0xffff, v1  }
0x3ff: {  	v1 =	vor.u32 v2, v0;
	v3 =	vld.idx.msk [tilespmem:v13+s18+$0x0], $0xffff;
	v13 =	vsel vm1, $0x3002, v15  }
0x400: {  	v56 =	vmov v17;
	v4 =	vor.u32 v46, v9;
	v17 =	vsel vm2, $0x3003, v13  }
0x401: {  	v18 =	vsel vm3, $0x3004, v17  }
0x402: {  	v19 =	vsel vm4, $0x3005, v18  }
0x403: {  	vm14 =	vcmask $0x3B1C;
	v0 =	vsel vm5, $0x3006, v19  }
0x404: {  	[tilespmem:v1+s28+$0x0] =	vst.idx.msk $0xffff, v3;
	v1 =	vsel vm14, v22, v0;
	v0 =	vld [tilespmem:$0x1FDC0]  }
0x405: {  	v3 =	vld.idx.msk [tilespmem:v4+s18+$0x0], $0xffff;
	v4 =	vor.u32 v1, v5;
	_ =	sdelay $0x3  }
0x406: {  	v0 =	vcombine.low v47, v0  }
0x407: {  	[tilespmem:v4+s28+$0x0] =	vst.idx.msk $0xffff, v3;
	v3 =	vld [tilespmem:$0x1FDD0]  }
0x408: {  	v5 =	vor.u32 v0, v9;
	_ =	sdelay $0x1  }
0x409: {  	vm14 =	vcmask $0x3718  }
0x40a: {  	v19 =	vsel vm14, v22, v19  }
0x40b: {  	v4 =	vsel vm13, $0x1006, v19;
	v47 =	vcombine.low v16, v3  }
0x40c: {  	v11 =	vor.u32 v4, v11;
	v5 =	vld.idx.msk [tilespmem:v5+s18+$0x0], $0xffff  }
0x40d: {  	v16 =	vor.u32 v47, v9  }
0x40e: {  	vm14 =	vcmask $0x3314  }
0x40f: {  	v18 =	vsel vm14, v22, v18  }
0x410: {  	v18 =	vsel vm12, $0x1005, v18  }
0x411: {  	[tilespmem:v11+s28+$0x0] =	vst.idx.msk $0xffff, v5;
	v5 =	vsel vm13, $0x1006, v18  }
0x412: {  	v11 =	vld.idx.msk [tilespmem:v16+s18+$0x0], $0xffff;
	v6 =	vor.u32 v5, v6  }
0x413: {  	vm14 =	vcmask $0x2F10;
	v3 =	vmov v37;
	v37 =	vor.u32 v37, v9  }
0x414: {  	v17 =	vsel vm14, v22, v17  }
0x415: {  	vm14 =	vcmask $0x2B0C;
	v17 =	vsel vm11, $0x1004, v17  }
0x416: {  	v13 =	vsel vm14, v22, v13;
	v17 =	vsel vm12, $0x1005, v17  }
0x417: {  	v13 =	vsel vm10, $0x1003, v13;
	[tilespmem:v6+s28+$0x0] =	vst.idx.msk $0xffff, v11;
	v6 =	vsel vm13, $0x1006, v17  }
0x418: {  	v13 =	vsel vm11, $0x1004, v13;
	v11 =	vld.idx.msk [tilespmem:v37+s18+$0x0], $0xffff;
	v7 =	vor.u32 v6, v7  }
0x419: {  	v36 =	vmovc v46;
	v46 =	vor.u32 v55, v9;
	vm14 =	vcmask $0x2708;
	v13 =	vsel vm12, $0x1005, v13  }
0x41a: {  	v37 =	vmov v55;
	v55 =	vsel vm13, $0x1006, v13;
	v13 =	vsel vm14, v22, v15;
	v15 =	vld [tilespmem:$0x1FEE0];
	_ =	sdelay $0x2  }
0x41b: {  	[tilespmem:v7+s28+$0x0] =	vst.idx.msk $0xffff, v11  }
0x41c: {  	v8 =	vor.u32 v55, v8;
	v11 =	vld.idx.msk [tilespmem:v46+s18+$0x0], $0xffff  }
0x41d: {  	v13 =	vsel vm9, $0x1002, v13;
	v7 =	vmov v15;
	v15 =	vor.u32 v15, v9  }
0x41e: {  	v13 =	vsel vm10, $0x1003, v13  }
0x41f: {  	v13 =	vsel vm11, $0x1004, v13  }
0x420: {  	v13 =	vsel vm12, $0x1005, v13  }
0x421: {  	v46 =	vsel vm13, $0x1006, v13;
	[tilespmem:v8+s28+$0x0] =	vst.idx.msk $0xffff, v11  }
0x422: {  	v13 =	vor.u32 v46, v14;
	v11 =	vld.idx.msk [tilespmem:v15+s18+$0x0], $0xffff;
	_ =	sdelay $0x3  }
0x423: {  	vm14 =	vcmask $0x2304  }
0x424: {  	v14 =	vsel vm14, v22, v57;
	[tilespmem:v13+s28+$0x0] =	vst.idx.msk $0xffff, v11;
	v11 =	vld [tilespmem:$0x1FED0]  }
0x425: {  	v14 =	vsel vm8, $0x1001, v14  }
0x426: {  	v14 =	vsel vm9, $0x1002, v14  }
0x427: {  	v14 =	vsel vm10, $0x1003, v14  }
0x428: {  	s29 =	simm.s32 $0x10;
	v14 =	vsel vm11, $0x1004, v14  }
0x429: {  	s31 =	simm.s32 $0x2;
	s30 =	simm.s32 $0x1;
	v13 =	vmov s29;
	v8 =	vmovc v11;
	v11 =	vor.u32 v11, v9;
	v9 =	vsel vm12, $0x1005, v14  }
.LBB2_9:
0x42a: {  	_ =	sdelay $0x2  }
0x42b: {  	v13 =	vshll.u32 v13, $0x5;
	v15 =	vsel vm13, $0x1006, v9  }
0x42c: {  	v14 =	vld.idx.msk [tilespmem:v11+s18+$0x0], $0xffff;
	v11 =	vor.u32 v21, v13;
	v10 =	vor.u32 v15, v10  }
0x42d: {  	v13 =	vor.u32 v20, v11;
	_ =	sdelay $0x1  }
0x42e: {  	s11 =	sand.u32 $0x70, s29;
	s14 =	sshll.u32 s30, $0x7  }
0x42f: {  	v15 =	vmov s11;
	s14 =	sand.u32 $0xFFFFFC00, s14  }
0x430: {  	v20 =	vor.u32 s14, v15;
	[tilespmem:v10+s28+$0x0] =	vst.idx.msk $0xffff, v14  }
0x431: {  	v10 =	vld.idx.msk [tilespmem:v13+s18+$0x0], $0xffff;
	v13 =	vor.u32 v23, v20  }
0x432: {  	v14 =	vor.u32 v24, v13  }
0x433: {  	v15 =	vor.u32 v25, v11;
	_ =	sdelay $0x3  }
0x434: {  	[tilespmem:v14+s28+$0x0] =	vst.idx.msk $0xffff, v10;
	v14 =	vor.u32 v26, v20  }
0x435: {  	v10 =	vld.idx.msk [tilespmem:v15+s18+$0x0], $0xffff;
	v15 =	vor.u32 v27, v14  }
0x436: {  	v16 =	vor.u32 v28, v11  }
0x437: {  	v17 =	vld [tilespmem:$0x1FE00];
	_ =	sdelay $0x2  }
0x438: {  	[tilespmem:v15+s28+$0x0] =	vst.idx.msk $0xffff, v10;
	v15 =	vor.u32 v30, v20  }
0x439: {  	v10 =	vld.idx.msk [tilespmem:v16+s18+$0x0], $0xffff;
	v57 =	vor.u32 v31, v15  }
0x43a: {  	v17 =	vor.u32 v17, v11  }
0x43b: {  	v18 =	vld [tilespmem:$0x1FE10];
	_ =	sdelay $0x2  }
0x43c: {  	v16 =	vor.u32 v41, v20;
	[tilespmem:v57+s28+$0x0] =	vst.idx.msk $0xffff, v10  }
0x43d: {  	v57 =	vor.u32 v42, v16;
	v10 =	vld.idx.msk [tilespmem:v17+s18+$0x0], $0xffff  }
0x43e: {  	v18 =	vor.u32 v18, v11;
	_ =	sdelay $0x3  }
0x43f: {  	v17 =	vor.u32 v43, v20;
	[tilespmem:v57+s28+$0x0] =	vst.idx.msk $0xffff, v10  }
0x440: {  	v10 =	vld.idx.msk [tilespmem:v18+s18+$0x0], $0xffff;
	v18 =	vor.u32 v44, v17  }
0x441: {  	v19 =	vor.u32 v38, v11;
	_ =	sdelay $0x3  }
0x442: {  	[tilespmem:v18+s28+$0x0] =	vst.idx.msk $0xffff, v10;
	v18 =	vor.u32 v45, v20  }
0x443: {  	v57 =	vmov v48;
	v10 =	vld.idx.msk [tilespmem:v19+s18+$0x0], $0xffff;
	v19 =	vor.u32 v48, v18  }
0x444: {  	v48 =	vmovc v45;
	v45 =	vmovc v44;
	v44 =	vmov v43;
	v43 =	vmov v42;
	v42 =	vmov v41  }
0x445: {  	v41 =	vmovc v31;
	v31 =	vmovc v30;
	v30 =	vmov v28;
	v28 =	vmov v27;
	v27 =	vmov v26  }
0x446: {  	v26 =	vmovc v25;
	v25 =	vmovc v24;
	v24 =	vmov v23;
	v23 =	vmov v21;
	v21 =	vor.u32 v52, v11;
	_ =	sdelay $0x3  }
0x447: {  	[tilespmem:v19+s28+$0x0] =	vst.idx.msk $0xffff, v10;
	v19 =	vld [tilespmem:$0x1FDF0]  }
0x448: {  	v10 =	vld.idx.msk [tilespmem:v21+s18+$0x0], $0xffff  }
0x449: {  	v21 =	vld [tilespmem:$0x1FDE0];
	_ =	sdelay $0x3  }
0x44a: {  	v19 =	vor.u32 v19, v20  }
0x44b: {  	v21 =	vor.u32 v21, v19  }
0x44c: {  	v22 =	vor.u32 v54, v11;
	_ =	sdelay $0x3  }
0x44d: {  	[tilespmem:v21+s28+$0x0] =	vst.idx.msk $0xffff, v10;
	v10 =	vor.u32 v29, v20  }
0x44e: {  	v21 =	vld.idx.msk [tilespmem:v22+s18+$0x0], $0xffff;
	v20 =	vor.u32 v35, v10  }
0x44f: {  	v22 =	vor.u32 v12, v11;
	_ =	sdelay $0x3  }
0x450: {  	[tilespmem:v20+s28+$0x0] =	vst.idx.msk $0xffff, v21  }
0x451: {  	v21 =	vor.u32 v53, v13;
	v20 =	vld.idx.msk [tilespmem:v22+s18+$0x0], $0xffff  }
0x452: {  	v22 =	vor.u32 v40, v11;
	_ =	sdelay $0x3  }
0x453: {  	[tilespmem:v21+s28+$0x0] =	vst.idx.msk $0xffff, v20  }
0x454: {  	v21 =	vor.u32 v39, v14;
	v20 =	vld.idx.msk [tilespmem:v22+s18+$0x0], $0xffff  }
0x455: {  	v22 =	vor.u32 v58, v11;
	_ =	sdelay $0x3  }
0x456: {  	[tilespmem:v21+s28+$0x0] =	vst.idx.msk $0xffff, v20  }
0x457: {  	v21 =	vor.u32 v51, v15;
	v20 =	vld.idx.msk [tilespmem:v22+s18+$0x0], $0xffff;
	_ =	sdelay $0x4  }
0x458: {  	v22 =	vor.u32 v33, v11;
	[tilespmem:v21+s28+$0x0] =	vst.idx.msk $0xffff, v20;
	v21 =	vld [tilespmem:$0x1FEC0];
	_ =	sdelay $0x4  }
0x459: {  	v20 =	vld.idx.msk [tilespmem:v22+s18+$0x0], $0xffff;
	v21 =	vor.u32 v21, v16;
	_ =	sdelay $0x2  }
0x45a: {  	v22 =	vor.u32 v49, v11;
	_ =	sdelay $0x1  }
0x45b: {  	[tilespmem:v21+s28+$0x0] =	vst.idx.msk $0xffff, v20;
	v21 =	vld [tilespmem:$0x1FEA0];
	_ =	sdelay $0x2  }
0x45c: {  	v20 =	vld.idx.msk [tilespmem:v22+s18+$0x0], $0xffff  }
0x45d: {  	v22 =	vld [tilespmem:$0x1FE50]  }
0x45e: {  	v21 =	vor.u32 v21, v17;
	_ =	sdelay $0x3  }
0x45f: {  	v22 =	vor.u32 v22, v11  }
0x460: {  	[tilespmem:v21+s28+$0x0] =	vst.idx.msk $0xffff, v20;
	v21 =	vld [tilespmem:$0x1FE90];
	_ =	sdelay $0x3  }
0x461: {  	v20 =	vld.idx.msk [tilespmem:v22+s18+$0x0], $0xffff  }
0x462: {  	v22 =	vld [tilespmem:$0x1FEB0];
	v21 =	vor.u32 v21, v18;
	_ =	sdelay $0x4  }
0x463: {  	v22 =	vor.u32 v22, v11;
	[tilespmem:v21+s28+$0x0] =	vst.idx.msk $0xffff, v20;
	v21 =	vld [tilespmem:$0x1FE70];
	_ =	sdelay $0x4  }
0x464: {  	v20 =	vld.idx.msk [tilespmem:v22+s18+$0x0], $0xffff;
	v21 =	vor.u32 v21, v19  }
0x465: {  	v22 =	vor.u32 v60, v11;
	_ =	sdelay $0x3  }
0x466: {  	[tilespmem:v21+s28+$0x0] =	vst.idx.msk $0xffff, v20;
	v21 =	vld [tilespmem:$0x1FE60]  }
0x467: {  	v20 =	vld.idx.msk [tilespmem:v22+s18+$0x0], $0xffff  }
0x468: {  	v22 =	vld [tilespmem:$0x1FE80];
	_ =	sdelay $0x3  }
0x469: {  	v21 =	vor.u32 v21, v10  }
0x46a: {  	v22 =	vor.u32 v22, v11;
	_ =	sdelay $0x3  }
0x46b: {  	[tilespmem:v21+s28+$0x0] =	vst.idx.msk $0xffff, v20;
	v21 =	vld [tilespmem:$0x1FE40]  }
0x46c: {  	v20 =	vld.idx.msk [tilespmem:v22+s18+$0x0], $0xffff  }
0x46d: {  	v22 =	vld [tilespmem:$0x1FE30];
	_ =	sdelay $0x3  }
0x46e: {  	v21 =	vor.u32 v21, v13  }
0x46f: {  	v22 =	vor.u32 v22, v11;
	_ =	sdelay $0x3  }
0x470: {  	[tilespmem:v21+s28+$0x0] =	vst.idx.msk $0xffff, v20;
	v21 =	vld [tilespmem:$0x1FE20]  }
0x471: {  	v20 =	vld.idx.msk [tilespmem:v22+s18+$0x0], $0xffff  }
0x472: {  	v22 =	vld [tilespmem:$0x1FBD0];
	_ =	sdelay $0x3  }
0x473: {  	v21 =	vor.u32 v21, v14  }
0x474: {  	v22 =	vor.u32 v22, v11;
	_ =	sdelay $0x3  }
0x475: {  	[tilespmem:v21+s28+$0x0] =	vst.idx.msk $0xffff, v20;
	v21 =	vld [tilespmem:$0x1FBE0]  }
0x476: {  	v20 =	vld.idx.msk [tilespmem:v22+s18+$0x0], $0xffff  }
0x477: {  	v22 =	vld [tilespmem:$0x1FBF0];
	_ =	sdelay $0x3  }
0x478: {  	v21 =	vor.u32 v21, v15  }
0x479: {  	v22 =	vor.u32 v22, v11;
	_ =	sdelay $0x3  }
0x47a: {  	[tilespmem:v21+s28+$0x0] =	vst.idx.msk $0xffff, v20;
	v21 =	vld [tilespmem:$0x1FC00]  }
0x47b: {  	v20 =	vld.idx.msk [tilespmem:v22+s18+$0x0], $0xffff  }
0x47c: {  	v22 =	vld [tilespmem:$0x1FC10];
	_ =	sdelay $0x3  }
0x47d: {  	v21 =	vor.u32 v21, v16  }
0x47e: {  	v22 =	vor.u32 v22, v11;
	_ =	sdelay $0x3  }
0x47f: {  	[tilespmem:v21+s28+$0x0] =	vst.idx.msk $0xffff, v20  }
0x480: {  	v21 =	vor.u32 v59, v17;
	v20 =	vld.idx.msk [tilespmem:v22+s18+$0x0], $0xffff  }
0x481: {  	v22 =	vor.u32 v63, v11;
	_ =	sdelay $0x3  }
0x482: {  	[tilespmem:v21+s28+$0x0] =	vst.idx.msk $0xffff, v20  }
0x483: {  	v21 =	vor.u32 v61, v18;
	v20 =	vld.idx.msk [tilespmem:v22+s18+$0x0], $0xffff  }
0x484: {  	v22 =	vor.u32 v56, v11;
	_ =	sdelay $0x3  }
0x485: {  	[tilespmem:v21+s28+$0x0] =	vst.idx.msk $0xffff, v20  }
0x486: {  	v21 =	vor.u32 v62, v19;
	v20 =	vld.idx.msk [tilespmem:v22+s18+$0x0], $0xffff  }
0x487: {  	v22 =	vor.u32 v34, v11;
	_ =	sdelay $0x3  }
0x488: {  	[tilespmem:v21+s28+$0x0] =	vst.idx.msk $0xffff, v20  }
0x489: {  	v21 =	vor.u32 v50, v10;
	v20 =	vld.idx.msk [tilespmem:v22+s18+$0x0], $0xffff  }
0x48a: {  	v22 =	vor.u32 v32, v11;
	_ =	sdelay $0x3  }
0x48b: {  	[tilespmem:v21+s28+$0x0] =	vst.idx.msk $0xffff, v20  }
0x48c: {  	v13 =	vor.u32 v2, v13;
	v20 =	vld.idx.msk [tilespmem:v22+s18+$0x0], $0xffff  }
0x48d: {  	v21 =	vor.u32 v36, v11;
	_ =	sdelay $0x3  }
0x48e: {  	[tilespmem:v13+s28+$0x0] =	vst.idx.msk $0xffff, v20  }
0x48f: {  	v14 =	vor.u32 v1, v14;
	v13 =	vld.idx.msk [tilespmem:v21+s18+$0x0], $0xffff  }
0x490: {  	v20 =	vor.u32 v0, v11;
	_ =	sdelay $0x3  }
0x491: {  	[tilespmem:v14+s28+$0x0] =	vst.idx.msk $0xffff, v13  }
0x492: {  	v14 =	vor.u32 v4, v15;
	v13 =	vld.idx.msk [tilespmem:v20+s18+$0x0], $0xffff  }
0x493: {  	v15 =	vor.u32 v47, v11;
	_ =	sdelay $0x3  }
0x494: {  	[tilespmem:v14+s28+$0x0] =	vst.idx.msk $0xffff, v13  }
0x495: {  	v14 =	vor.u32 v5, v16;
	v13 =	vld.idx.msk [tilespmem:v15+s18+$0x0], $0xffff  }
0x496: {  	v15 =	vor.u32 v3, v11;
	_ =	sdelay $0x3  }
0x497: {  	[tilespmem:v14+s28+$0x0] =	vst.idx.msk $0xffff, v13  }
0x498: {  	v14 =	vor.u32 v6, v17;
	v13 =	vld.idx.msk [tilespmem:v15+s18+$0x0], $0xffff  }
0x499: {  	v15 =	vor.u32 v37, v11;
	_ =	sdelay $0x3  }
0x49a: {  	[tilespmem:v14+s28+$0x0] =	vst.idx.msk $0xffff, v13  }
0x49b: {  	v14 =	vor.u32 v55, v18;
	v13 =	vld.idx.msk [tilespmem:v15+s18+$0x0], $0xffff  }
0x49c: {  	v15 =	vor.u32 v7, v11;
	_ =	sdelay $0x3  }
0x49d: {  	[tilespmem:v14+s28+$0x0] =	vst.idx.msk $0xffff, v13  }
0x49e: {  	p0 =	sne.s32 s31, $0x1F;
	v14 =	vld.idx.msk [tilespmem:v15+s18+$0x0], $0xffff;
	v15 =	vor.u32 v46, v19  }
.Ltmp3:
0x49f: {  	_ = 	snop;
	(pc) =	sbr.rel @p0 .LBB2_9-.Ltmp3, $4  }
0x4a0: {  	v21 =	vmov v23;
	v23 =	vmov v24;
	v24 =	vmov v25  }
0x4a1: {  	v25 =	vmovc v26;
	v26 =	vmovc v27;
	v27 =	vmov v28;
	v28 =	vmov v30;
	v30 =	vmov v31  }
0x4a2: {  	s29 =	sadd.s32 $0x10, s29;
	v31 =	vmovc v41;
	v41 =	vmovc v42;
	v42 =	vmov v43;
	v43 =	vmov v44;
	v44 =	vmov v45  }
0x4a3: {  	s30 =	smov.u32 s31;
	s31 =	sadd.s32 $0x1, s31;
	v45 =	vmovc v48;
	v48 =	vmovc v57;
	v20 =	vlaneseq.u32;
	v11 =	vor.u32 v8, v11;
	v13 =	vmov s29;
	[tilespmem:v15+s28+$0x0] =	vst.idx.msk $0xffff, v14  }
0x4a4: {  	_ =	sdelay $0x2  }
0x4a5: {  	v13 =	vshll.u32 v13, $0x5;
	v9 =	vsel vm13, $0x1006, v9  }
0x4a6: {  	v14 =	vld.idx.msk [tilespmem:v11+s18+$0x0], $0xffff;
	v11 =	vor.u32 v21, v13;
	v10 =	vor.u32 v9, v10  }
0x4a7: {  	v13 =	vor.u32 v20, v11  }
0x4a8: {  	s11 =	sand.u32 $0x70, s29;
	s14 =	sshll.u32 s30, $0x7  }
0x4a9: {  	v15 =	vmov s11;
	s14 =	sand.u32 $0xFFFFFC00, s14  }
0x4aa: {  	v15 =	vor.u32 s14, v15  }
0x4ab: {  	[tilespmem:v10+s28+$0x0] =	vst.idx.msk $0xffff, v14;
	v10 =	vor.u32 v23, v15  }
0x4ac: {  	v13 =	vld.idx.msk [tilespmem:v13+s18+$0x0], $0xffff;
	v14 =	vor.u32 v24, v10  }
0x4ad: {  	v16 =	vor.u32 v25, v11;
	_ =	sdelay $0x2  }
0x4ae: {  	[tilespmem:$0x1FB70] =	vst v10  }
0x4af: {  	v10 =	vor.u32 v26, v15;
	[tilespmem:v14+s28+$0x0] =	vst.idx.msk $0xffff, v13  }
0x4b0: {  	v57 =	vor.u32 v27, v10;
	v14 =	vld.idx.msk [tilespmem:v16+s18+$0x0], $0xffff;
	_ =	sdelay $0x2  }
0x4b1: {  	[tilespmem:$0x1FB80] =	vst v10;
	v10 =	vor.u32 v30, v15  }
0x4b2: {  	v17 =	vor.u32 v28, v11;
	[tilespmem:$0x1FB30] =	vst v10  }
0x4b3: {  	[tilespmem:v57+s28+$0x0] =	vst.idx.msk $0xffff, v14;
	v57 =	vor.u32 v31, v10;
	v10 =	vld [tilespmem:$0x1FE00];
	_ =	sdelay $0x3  }
0x4b4: {  	v16 =	vld.idx.msk [tilespmem:v17+s18+$0x0], $0xffff  }
0x4b5: {  	v18 =	vor.u32 v10, v11  }
0x4b6: {  	v10 =	vld [tilespmem:$0x1FE10];
	_ =	sdelay $0x2  }
0x4b7: {  	[tilespmem:v57+s28+$0x0] =	vst.idx.msk $0xffff, v16;
	v16 =	vor.u32 v41, v15  }
0x4b8: {  	v57 =	vor.u32 v42, v16;
	v17 =	vld.idx.msk [tilespmem:v18+s18+$0x0], $0xffff  }
0x4b9: {  	v19 =	vor.u32 v10, v11;
	_ =	sdelay $0x3  }
0x4ba: {  	v10 =	vor.u32 v43, v15;
	[tilespmem:v57+s28+$0x0] =	vst.idx.msk $0xffff, v17  }
0x4bb: {  	v57 =	vor.u32 v44, v10;
	v18 =	vld.idx.msk [tilespmem:v19+s18+$0x0], $0xffff  }
0x4bc: {  	v20 =	vor.u32 v38, v11;
	_ =	sdelay $0x2  }
0x4bd: {  	[tilespmem:$0x1FB50] =	vst v10  }
0x4be: {  	v10 =	vld [tilespmem:$0x1FDF0];
	[tilespmem:v57+s28+$0x0] =	vst.idx.msk $0xffff, v18;
	v18 =	vor.u32 v45, v15  }
0x4bf: {  	v19 =	vld.idx.msk [tilespmem:v20+s18+$0x0], $0xffff;
	v20 =	vor.u32 v48, v18;
	_ =	sdelay $0x1  }
0x4c0: {  	v57 =	vmovc v48;
	v48 =	vmov v45;
	v45 =	vmov v44;
	v44 =	vmov v43  }
0x4c1: {  	v43 =	vmovc v42;
	v42 =	vmovc v41;
	v41 =	vmov v31;
	v31 =	vmov v30;
	v30 =	vmov v28  }
0x4c2: {  	v28 =	vmovc v27;
	v27 =	vmovc v26;
	v26 =	vmov v25;
	v25 =	vmov v24;
	v24 =	vmov v23  }
0x4c3: {  	v23 =	vmov v21;
	v21 =	vor.u32 v52, v11;
	[tilespmem:v20+s28+$0x0] =	vst.idx.msk $0xffff, v19;
	v19 =	vor.u32 v10, v15;
	v10 =	vld [tilespmem:$0x1FDE0];
	_ =	sdelay $0x4  }
0x4c4: {  	v20 =	vld.idx.msk [tilespmem:v21+s18+$0x0], $0xffff;
	v21 =	vor.u32 v10, v19  }
0x4c5: {  	v22 =	vor.u32 v54, v11;
	_ =	sdelay $0x3  }
0x4c6: {  	v13 =	vor.u32 v29, v15;
	[tilespmem:v21+s28+$0x0] =	vst.idx.msk $0xffff, v20  }
0x4c7: {  	v21 =	vor.u32 v35, v13;
	v20 =	vld.idx.msk [tilespmem:v22+s18+$0x0], $0xffff  }
0x4c8: {  	v17 =	vld [tilespmem:$0x1FB70];
	v22 =	vor.u32 v12, v11;
	_ =	sdelay $0x3  }
0x4c9: {  	[tilespmem:v21+s28+$0x0] =	vst.idx.msk $0xffff, v20  }
0x4ca: {  	v21 =	vor.u32 v53, v17;
	v20 =	vld.idx.msk [tilespmem:v22+s18+$0x0], $0xffff  }
0x4cb: {  	v14 =	vld [tilespmem:$0x1FB80];
	v22 =	vor.u32 v40, v11;
	_ =	sdelay $0x3  }
0x4cc: {  	[tilespmem:v21+s28+$0x0] =	vst.idx.msk $0xffff, v20  }
0x4cd: {  	v21 =	vor.u32 v39, v14;
	v20 =	vld.idx.msk [tilespmem:v22+s18+$0x0], $0xffff  }
0x4ce: {  	v15 =	vld [tilespmem:$0x1FB30];
	v22 =	vor.u32 v58, v11;
	_ =	sdelay $0x3  }
0x4cf: {  	v10 =	vld [tilespmem:$0x1FEC0];
	[tilespmem:v21+s28+$0x0] =	vst.idx.msk $0xffff, v20  }
0x4d0: {  	v21 =	vor.u32 v51, v15;
	v20 =	vld.idx.msk [tilespmem:v22+s18+$0x0], $0xffff  }
0x4d1: {  	v22 =	vor.u32 v33, v11;
	_ =	sdelay $0x2  }
0x4d2: {  	[tilespmem:$0x1FB40] =	vst v13;
	v13 =	vld [tilespmem:$0x1FB50]  }
0x4d3: {  	[tilespmem:v21+s28+$0x0] =	vst.idx.msk $0xffff, v20;
	v21 =	vor.u32 v10, v16;
	v10 =	vld [tilespmem:$0x1FEA0]  }
0x4d4: {  	v20 =	vld.idx.msk [tilespmem:v22+s18+$0x0], $0xffff;
	_ =	sdelay $0x3  }
0x4d5: {  	v22 =	vor.u32 v49, v11  }
0x4d6: {  	[tilespmem:v21+s28+$0x0] =	vst.idx.msk $0xffff, v20;
	v21 =	vor.u32 v10, v13;
	v10 =	vld [tilespmem:$0x1FE50];
	_ =	sdelay $0x3  }
0x4d7: {  	v20 =	vld.idx.msk [tilespmem:v22+s18+$0x0], $0xffff  }
0x4d8: {  	v22 =	vor.u32 v10, v11;
	v10 =	vld [tilespmem:$0x1FE90];
	_ =	sdelay $0x4  }
0x4d9: {  	[tilespmem:v21+s28+$0x0] =	vst.idx.msk $0xffff, v20;
	v21 =	vor.u32 v10, v18;
	v10 =	vld [tilespmem:$0x1FEB0];
	_ =	sdelay $0x3  }
0x4da: {  	v20 =	vld.idx.msk [tilespmem:v22+s18+$0x0], $0xffff  }
0x4db: {  	v22 =	vor.u32 v10, v11  }
0x4dc: {  	v10 =	vld [tilespmem:$0x1FE70];
	_ =	sdelay $0x2  }
0x4dd: {  	v13 =	vld [tilespmem:$0x1FB40];
	[tilespmem:v21+s28+$0x0] =	vst.idx.msk $0xffff, v20  }
0x4de: {  	v20 =	vld.idx.msk [tilespmem:v22+s18+$0x0], $0xffff  }
0x4df: {  	v21 =	vor.u32 v10, v19;
	v10 =	vld [tilespmem:$0x1FE60];
	_ =	sdelay $0x3  }
0x4e0: {  	v22 =	vor.u32 v60, v11  }
0x4e1: {  	[tilespmem:v21+s28+$0x0] =	vst.idx.msk $0xffff, v20;
	v21 =	vor.u32 v10, v13;
	v10 =	vld [tilespmem:$0x1FE80];
	_ =	sdelay $0x3  }
0x4e2: {  	v20 =	vld.idx.msk [tilespmem:v22+s18+$0x0], $0xffff  }
0x4e3: {  	v22 =	vor.u32 v10, v11;
	v10 =	vld [tilespmem:$0x1FE40];
	_ =	sdelay $0x4  }
0x4e4: {  	[tilespmem:v21+s28+$0x0] =	vst.idx.msk $0xffff, v20;
	v21 =	vor.u32 v10, v17;
	v10 =	vld [tilespmem:$0x1FE30];
	_ =	sdelay $0x3  }
0x4e5: {  	v20 =	vld.idx.msk [tilespmem:v22+s18+$0x0], $0xffff  }
0x4e6: {  	v22 =	vor.u32 v10, v11;
	v10 =	vld [tilespmem:$0x1FE20];
	_ =	sdelay $0x4  }
0x4e7: {  	[tilespmem:v21+s28+$0x0] =	vst.idx.msk $0xffff, v20;
	v21 =	vor.u32 v10, v14;
	v10 =	vld [tilespmem:$0x1FBD0];
	_ =	sdelay $0x3  }
0x4e8: {  	v20 =	vld.idx.msk [tilespmem:v22+s18+$0x0], $0xffff  }
0x4e9: {  	v22 =	vor.u32 v10, v11;
	v10 =	vld [tilespmem:$0x1FBE0];
	_ =	sdelay $0x4  }
0x4ea: {  	[tilespmem:v21+s28+$0x0] =	vst.idx.msk $0xffff, v20;
	v21 =	vor.u32 v10, v15;
	v10 =	vld [tilespmem:$0x1FBF0];
	_ =	sdelay $0x3  }
0x4eb: {  	v20 =	vld.idx.msk [tilespmem:v22+s18+$0x0], $0xffff  }
0x4ec: {  	v22 =	vor.u32 v10, v11;
	v10 =	vld [tilespmem:$0x1FC00];
	_ =	sdelay $0x4  }
0x4ed: {  	[tilespmem:v21+s28+$0x0] =	vst.idx.msk $0xffff, v20;
	v21 =	vor.u32 v10, v16;
	v10 =	vld [tilespmem:$0x1FC10];
	_ =	sdelay $0x3  }
0x4ee: {  	v20 =	vld.idx.msk [tilespmem:v22+s18+$0x0], $0xffff  }
0x4ef: {  	v14 =	vmov v15;
	v15 =	vld [tilespmem:$0x1FB50];
	v22 =	vor.u32 v10, v11;
	_ =	sdelay $0x3  }
0x4f0: {  	[tilespmem:v21+s28+$0x0] =	vst.idx.msk $0xffff, v20  }
0x4f1: {  	v21 =	vor.u32 v59, v15;
	v20 =	vld.idx.msk [tilespmem:v22+s18+$0x0], $0xffff  }
0x4f2: {  	v22 =	vor.u32 v63, v11;
	_ =	sdelay $0x3  }
0x4f3: {  	[tilespmem:v21+s28+$0x0] =	vst.idx.msk $0xffff, v20  }
0x4f4: {  	[tilespmem:$0x1FB60] =	vst v19;
	v21 =	vor.u32 v61, v18;
	v20 =	vld.idx.msk [tilespmem:v22+s18+$0x0], $0xffff  }
0x4f5: {  	v17 =	vmov v18;
	v18 =	vld [tilespmem:$0x1FB60];
	v22 =	vor.u32 v56, v11;
	_ =	sdelay $0x3  }
0x4f6: {  	[tilespmem:v21+s28+$0x0] =	vst.idx.msk $0xffff, v20  }
0x4f7: {  	v21 =	vor.u32 v62, v18;
	v20 =	vld.idx.msk [tilespmem:v22+s18+$0x0], $0xffff  }
0x4f8: {  	v22 =	vor.u32 v34, v11;
	_ =	sdelay $0x3  }
0x4f9: {  	[tilespmem:v21+s28+$0x0] =	vst.idx.msk $0xffff, v20  }
0x4fa: {  	v21 =	vor.u32 v50, v13;
	v20 =	vld.idx.msk [tilespmem:v22+s18+$0x0], $0xffff  }
0x4fb: {  	v10 =	vld [tilespmem:$0x1FB70];
	v22 =	vor.u32 v32, v11;
	_ =	sdelay $0x3  }
0x4fc: {  	[tilespmem:v21+s28+$0x0] =	vst.idx.msk $0xffff, v20  }
0x4fd: {  	v10 =	vor.u32 v2, v10;
	v20 =	vld.idx.msk [tilespmem:v22+s18+$0x0], $0xffff  }
0x4fe: {  	v19 =	vmov v16;
	v16 =	vmov v13;
	v13 =	vld [tilespmem:$0x1FB80];
	v21 =	vor.u32 v36, v11;
	_ =	sdelay $0x3  }
0x4ff: {  	[tilespmem:v10+s28+$0x0] =	vst.idx.msk $0xffff, v20  }
0x500: {  	v13 =	vor.u32 v1, v13;
	v10 =	vld.idx.msk [tilespmem:v21+s18+$0x0], $0xffff  }
0x501: {  	v20 =	vor.u32 v0, v11;
	_ =	sdelay $0x3  }
0x502: {  	[tilespmem:v13+s28+$0x0] =	vst.idx.msk $0xffff, v10  }
0x503: {  	v13 =	vor.u32 v4, v14;
	v10 =	vld.idx.msk [tilespmem:v20+s18+$0x0], $0xffff  }
0x504: {  	v14 =	vor.u32 v47, v11;
	_ =	sdelay $0x3  }
0x505: {  	[tilespmem:v13+s28+$0x0] =	vst.idx.msk $0xffff, v10  }
0x506: {  	v13 =	vor.u32 v5, v19;
	v10 =	vld.idx.msk [tilespmem:v14+s18+$0x0], $0xffff  }
0x507: {  	v14 =	vor.u32 v3, v11;
	_ =	sdelay $0x3  }
0x508: {  	[tilespmem:v13+s28+$0x0] =	vst.idx.msk $0xffff, v10  }
0x509: {  	v13 =	vor.u32 v6, v15;
	v10 =	vld.idx.msk [tilespmem:v14+s18+$0x0], $0xffff  }
0x50a: {  	v14 =	vor.u32 v37, v11;
	_ =	sdelay $0x3  }
0x50b: {  	[tilespmem:v13+s28+$0x0] =	vst.idx.msk $0xffff, v10  }
0x50c: {  	v13 =	vor.u32 v55, v17;
	v10 =	vld.idx.msk [tilespmem:v14+s18+$0x0], $0xffff  }
0x50d: {  	v14 =	vor.u32 v7, v11;
	_ =	sdelay $0x3  }
0x50e: {  	[tilespmem:v13+s28+$0x0] =	vst.idx.msk $0xffff, v10  }
0x50f: {  	v13 =	vor.u32 v46, v18;
	v10 =	vld.idx.msk [tilespmem:v14+s18+$0x0], $0xffff  }
0x510: {  	v11 =	vor.u32 v8, v11;
	_ =	sdelay $0x3  }
0x511: {  	[tilespmem:v13+s28+$0x0] =	vst.idx.msk $0xffff, v10  }
0x512: {  	v10 =	vld.idx.msk [tilespmem:v11+s18+$0x0], $0xffff;
	v11 =	vor.u32 v9, v16;
	_ =	sdelay $0x1  }
0x513: {  	s14 =	sshll.u32 s24, $0x14  }
0x514: {  	s11 =	sor.u32 s7, s14  }
0x515: {  	[tilespmem:$0x1FB90] =	vst v59;
	s11 =	sshrl.u32 s11, $0x3  }
0x516: {  	s29 =	simm.s32 $0x0;
	s14 =	sadd.s32 s2, s11;
	[tilespmem:v11+s28+$0x0] =	vst.idx.msk $0xffff, v10  }
0x517: {  	[hbm4b:s14+s29] =	stream.linear.scatter [tilespmem:s28], [sflag:$0x5], $0x1000, $0x38;
	[tilespmem:$0x1B400] =	vst v63  }
0x518: {  	[tilespmem:$0x1FBA0] =	vst v63;
	s30 =	simm.s32 $0x14400;
	s14 =	sadd.s32 s11, s8  }
0x519: {  	[hbm4b:s14+s29] =	stream.linear.scatter [tilespmem:s30], [sflag:$0x5], $0x1000, $0x38;
	[tilespmem:$0x1B400] =	vst v63  }
0x51a: {  	[tilespmem:$0x1FBB0] =	vst v61;
	s14 =	sadd.s32 s11, s9;
	s30 =	simm.s32 $0x15400  }
0x51b: {  	[hbm4b:s14+s29] =	stream.linear.scatter [tilespmem:s30], [sflag:$0x5], $0x1000, $0x38;
	[tilespmem:$0x1B400] =	vst v63  }
0x51c: {  	[tilespmem:$0x1FBC0] =	vst v56;
	s11 =	sadd.s32 s11, s10;
	s14 =	simm.s32 $0x16400  }
0x51d: {  	[hbm4b:s11+s29] =	stream.linear.scatter [tilespmem:s14], [sflag:$0x5], $0x1000, $0x38;
	[tilespmem:$0x1B400] =	vst v63  }
0x51e: {  	_ =	swait.ge [sflag:s1], $0x1000  }
0x51f: {  	[sflag:s1] =	ssyncset.done $0x0  }
0x520: {  	[sflag:s1] =	ssyncadd.s32 $0xFFFFF000  }
0x521: {  	_ =	swait.ge [sflag:s1], $0x1000  }
0x522: {  	v10 =	vmov s29;
	[sflag:s1] =	ssyncset.done $0x0  }
0x523: {  	v10 =	vshll.u32 v10, $0x5;
	[sflag:s1] =	ssyncadd.s32 $0xFFFFF000  }
0x524: {  	v11 =	vor.u32 v23, v10;
	v10 =	vlaneseq.u32;
	_ =	swait.ge [sflag:s1], $0x1000  }
0x525: {  	v10 =	vor.u32 v10, v11;
	[sflag:s1] =	ssyncset.done $0x0  }
0x526: {  	s11 =	sand.u32 $0x70, s29;
	s14 =	simm.s32 $0x0;
	[sflag:s1] =	ssyncadd.s32 $0xFFFFF000  }
0x527: {  	v13 =	vmov s11;
	s14 =	sand.u32 $0xFFFFFC00, s14;
	_ =	swait.ge [sflag:s1], $0x1000  }
0x528: {  	v13 =	vor.u32 s14, v13;
	[sflag:s1] =	ssyncset.done $0x0  }
0x529: {  	v14 =	vor.u32 v24, v13;
	[sflag:s1] =	ssyncadd.s32 $0xFFFFF000  }
0x52a: {  	v15 =	vor.u32 v25, v14;
	v10 =	vld.idx.msk [tilespmem:v10+s22+$0x0], $0xffff  }
0x52b: {  	v16 =	vor.u32 v26, v11;
	_ =	sdelay $0x3  }
0x52c: {  	[tilespmem:v15+s4+$0x0] =	vst.idx.msk $0xffff, v10;
	v15 =	vor.u32 v27, v13  }
0x52d: {  	v10 =	vld.idx.msk [tilespmem:v16+s22+$0x0], $0xffff;
	v16 =	vor.u32 v28, v15  }
0x52e: {  	v17 =	vor.u32 v30, v11  }
0x52f: {  	v18 =	vld [tilespmem:$0x1FE00];
	_ =	sdelay $0x2  }
0x530: {  	[tilespmem:v16+s4+$0x0] =	vst.idx.msk $0xffff, v10;
	v16 =	vor.u32 v31, v13  }
0x531: {  	v10 =	vld.idx.msk [tilespmem:v17+s22+$0x0], $0xffff;
	v17 =	vor.u32 v41, v16  }
0x532: {  	v18 =	vor.u32 v18, v11  }
0x533: {  	v19 =	vld [tilespmem:$0x1FE10];
	_ =	sdelay $0x2  }
0x534: {  	[tilespmem:v17+s4+$0x0] =	vst.idx.msk $0xffff, v10;
	v17 =	vor.u32 v42, v13  }
0x535: {  	v10 =	vld.idx.msk [tilespmem:v18+s22+$0x0], $0xffff;
	v18 =	vor.u32 v43, v17  }
0x536: {  	v19 =	vor.u32 v19, v11  }
0x537: {  	v20 =	vld [tilespmem:$0x1FF90];
	_ =	sdelay $0x2  }
0x538: {  	[tilespmem:v18+s4+$0x0] =	vst.idx.msk $0xffff, v10;
	v18 =	vor.u32 v44, v13  }
0x539: {  	v10 =	vld.idx.msk [tilespmem:v19+s22+$0x0], $0xffff;
	v19 =	vor.u32 v45, v18  }
0x53a: {  	v20 =	vor.u32 v20, v11;
	_ =	sdelay $0x3  }
0x53b: {  	v21 =	vld [tilespmem:$0x1FFF0];
	[tilespmem:v19+s4+$0x0] =	vst.idx.msk $0xffff, v10;
	v19 =	vor.u32 v48, v13  }
0x53c: {  	v10 =	vld.idx.msk [tilespmem:v20+s22+$0x0], $0xffff;
	v20 =	vor.u32 v57, v19;
	_ =	sdelay $0x4  }
0x53d: {  	v21 =	vor.u32 v21, v11;
	[tilespmem:v20+s4+$0x0] =	vst.idx.msk $0xffff, v10;
	v10 =	vld [tilespmem:$0x1FDF0];
	_ =	sdelay $0x4  }
0x53e: {  	v20 =	vor.u32 v10, v13;
	v10 =	vld.idx.msk [tilespmem:v21+s22+$0x0], $0xffff  }
0x53f: {  	v21 =	vld [tilespmem:$0x1FDE0];
	_ =	sdelay $0x4  }
0x540: {  	v22 =	vld [tilespmem:$0x1FFE0];
	v21 =	vor.u32 v21, v20;
	_ =	sdelay $0x4  }
0x541: {  	v22 =	vor.u32 v22, v11;
	[tilespmem:v21+s4+$0x0] =	vst.idx.msk $0xffff, v10;
	v10 =	vld [tilespmem:$0x1FFD0];
	_ =	sdelay $0x3  }
0x542: {  	v21 =	vld [tilespmem:$0x1FFC0]  }
0x543: {  	v10 =	vor.u32 v10, v13;
	v13 =	vld.idx.msk [tilespmem:v22+s22+$0x0], $0xffff  }
0x544: {  	v22 =	vld [tilespmem:$0x1FFB0];
	_ =	sdelay $0x3  }
0x545: {  	v21 =	vor.u32 v21, v10  }
0x546: {  	v22 =	vor.u32 v22, v11;
	_ =	sdelay $0x3  }
0x547: {  	[tilespmem:v21+s4+$0x0] =	vst.idx.msk $0xffff, v13;
	v21 =	vld [tilespmem:$0x1FFA0]  }
0x548: {  	v13 =	vld.idx.msk [tilespmem:v22+s22+$0x0], $0xffff  }
0x549: {  	v22 =	vld [tilespmem:$0x1FF80];
	_ =	sdelay $0x3  }
0x54a: {  	v21 =	vor.u32 v21, v14  }
0x54b: {  	v22 =	vor.u32 v22, v11;
	_ =	sdelay $0x3  }
0x54c: {  	[tilespmem:v21+s4+$0x0] =	vst.idx.msk $0xffff, v13;
	v21 =	vld [tilespmem:$0x1FEF0]  }
0x54d: {  	v13 =	vld.idx.msk [tilespmem:v22+s22+$0x0], $0xffff  }
0x54e: {  	v22 =	vld [tilespmem:$0x1FF60];
	_ =	sdelay $0x3  }
0x54f: {  	v21 =	vor.u32 v21, v15  }
0x550: {  	v22 =	vor.u32 v22, v11;
	_ =	sdelay $0x3  }
0x551: {  	[tilespmem:v21+s4+$0x0] =	vst.idx.msk $0xffff, v13;
	v21 =	vld [tilespmem:$0x1FF00]  }
0x552: {  	v13 =	vld.idx.msk [tilespmem:v22+s22+$0x0], $0xffff  }
0x553: {  	v22 =	vld [tilespmem:$0x1FF30];
	_ =	sdelay $0x3  }
0x554: {  	v21 =	vor.u32 v21, v16  }
0x555: {  	v22 =	vor.u32 v22, v11;
	_ =	sdelay $0x3  }
0x556: {  	[tilespmem:v21+s4+$0x0] =	vst.idx.msk $0xffff, v13;
	v21 =	vld [tilespmem:$0x1FEC0]  }
0x557: {  	v13 =	vld.idx.msk [tilespmem:v22+s22+$0x0], $0xffff  }
0x558: {  	v22 =	vld [tilespmem:$0x1FF50];
	_ =	sdelay $0x3  }
0x559: {  	v21 =	vor.u32 v21, v17  }
0x55a: {  	v22 =	vor.u32 v22, v11;
	_ =	sdelay $0x3  }
0x55b: {  	[tilespmem:v21+s4+$0x0] =	vst.idx.msk $0xffff, v13;
	v21 =	vld [tilespmem:$0x1FEA0]  }
0x55c: {  	v13 =	vld.idx.msk [tilespmem:v22+s22+$0x0], $0xffff  }
0x55d: {  	v22 =	vld [tilespmem:$0x1FE50];
	_ =	sdelay $0x3  }
0x55e: {  	v21 =	vor.u32 v21, v18  }
0x55f: {  	v22 =	vor.u32 v22, v11;
	_ =	sdelay $0x3  }
0x560: {  	[tilespmem:v21+s4+$0x0] =	vst.idx.msk $0xffff, v13;
	v21 =	vld [tilespmem:$0x1FE90]  }
0x561: {  	v13 =	vld.idx.msk [tilespmem:v22+s22+$0x0], $0xffff  }
0x562: {  	v22 =	vld [tilespmem:$0x1FEB0];
	_ =	sdelay $0x3  }
0x563: {  	v21 =	vor.u32 v21, v19  }
0x564: {  	v22 =	vor.u32 v22, v11;
	_ =	sdelay $0x3  }
0x565: {  	[tilespmem:v21+s4+$0x0] =	vst.idx.msk $0xffff, v13;
	v21 =	vld [tilespmem:$0x1FE70]  }
0x566: {  	v13 =	vld.idx.msk [tilespmem:v22+s22+$0x0], $0xffff  }
0x567: {  	v22 =	vld [tilespmem:$0x1FF70];
	_ =	sdelay $0x3  }
0x568: {  	v21 =	vor.u32 v21, v20  }
0x569: {  	v22 =	vor.u32 v22, v11;
	_ =	sdelay $0x3  }
0x56a: {  	[tilespmem:v21+s4+$0x0] =	vst.idx.msk $0xffff, v13;
	v21 =	vld [tilespmem:$0x1FE60]  }
0x56b: {  	v13 =	vld.idx.msk [tilespmem:v22+s22+$0x0], $0xffff  }
0x56c: {  	v22 =	vld [tilespmem:$0x1FE80];
	_ =	sdelay $0x3  }
0x56d: {  	v21 =	vor.u32 v21, v10  }
0x56e: {  	v22 =	vor.u32 v22, v11;
	_ =	sdelay $0x3  }
0x56f: {  	[tilespmem:v21+s4+$0x0] =	vst.idx.msk $0xffff, v13;
	v21 =	vld [tilespmem:$0x1FE40]  }
0x570: {  	v13 =	vld.idx.msk [tilespmem:v22+s22+$0x0], $0xffff  }
0x571: {  	v22 =	vld [tilespmem:$0x1FE30];
	_ =	sdelay $0x3  }
0x572: {  	v21 =	vor.u32 v21, v14  }
0x573: {  	v22 =	vor.u32 v22, v11;
	_ =	sdelay $0x3  }
0x574: {  	[tilespmem:v21+s4+$0x0] =	vst.idx.msk $0xffff, v13;
	v21 =	vld [tilespmem:$0x1FE20]  }
0x575: {  	v13 =	vld.idx.msk [tilespmem:v22+s22+$0x0], $0xffff  }
0x576: {  	v22 =	vld [tilespmem:$0x1FBD0];
	_ =	sdelay $0x3  }
0x577: {  	v21 =	vor.u32 v21, v15  }
0x578: {  	v22 =	vor.u32 v22, v11;
	_ =	sdelay $0x3  }
0x579: {  	[tilespmem:v21+s4+$0x0] =	vst.idx.msk $0xffff, v13;
	v21 =	vld [tilespmem:$0x1FBE0]  }
0x57a: {  	v13 =	vld.idx.msk [tilespmem:v22+s22+$0x0], $0xffff  }
0x57b: {  	v22 =	vld [tilespmem:$0x1FBF0];
	_ =	sdelay $0x3  }
0x57c: {  	v21 =	vor.u32 v21, v16  }
0x57d: {  	v22 =	vor.u32 v22, v11;
	_ =	sdelay $0x3  }
0x57e: {  	[tilespmem:v21+s4+$0x0] =	vst.idx.msk $0xffff, v13;
	v21 =	vld [tilespmem:$0x1FC00]  }
0x57f: {  	v13 =	vld.idx.msk [tilespmem:v22+s22+$0x0], $0xffff  }
0x580: {  	v22 =	vld [tilespmem:$0x1FC10];
	_ =	sdelay $0x3  }
0x581: {  	v21 =	vor.u32 v21, v17  }
0x582: {  	v22 =	vor.u32 v22, v11;
	_ =	sdelay $0x3  }
0x583: {  	[tilespmem:v21+s4+$0x0] =	vst.idx.msk $0xffff, v13;
	v21 =	vld [tilespmem:$0x1FB90]  }
0x584: {  	v13 =	vld.idx.msk [tilespmem:v22+s22+$0x0], $0xffff  }
0x585: {  	v22 =	vld [tilespmem:$0x1FBA0];
	_ =	sdelay $0x3  }
0x586: {  	v21 =	vor.u32 v21, v18  }
0x587: {  	v22 =	vor.u32 v22, v11;
	_ =	sdelay $0x3  }
0x588: {  	[tilespmem:v21+s4+$0x0] =	vst.idx.msk $0xffff, v13;
	v21 =	vld [tilespmem:$0x1FBB0]  }
0x589: {  	v13 =	vld.idx.msk [tilespmem:v22+s22+$0x0], $0xffff  }
0x58a: {  	v22 =	vld [tilespmem:$0x1FBC0];
	_ =	sdelay $0x3  }
0x58b: {  	v21 =	vor.u32 v21, v19  }
0x58c: {  	v22 =	vor.u32 v22, v11;
	_ =	sdelay $0x3  }
0x58d: {  	[tilespmem:v21+s4+$0x0] =	vst.idx.msk $0xffff, v13  }
0x58e: {  	v21 =	vor.u32 v62, v20;
	v13 =	vld.idx.msk [tilespmem:v22+s22+$0x0], $0xffff  }
0x58f: {  	v22 =	vor.u32 v34, v11;
	_ =	sdelay $0x3  }
0x590: {  	[tilespmem:v21+s4+$0x0] =	vst.idx.msk $0xffff, v13  }
0x591: {  	v21 =	vor.u32 v50, v10;
	v13 =	vld.idx.msk [tilespmem:v22+s22+$0x0], $0xffff;
	_ =	sdelay $0x3  }
0x592: {  	v22 =	vor.u32 v32, v11  }
0x593: {  	[tilespmem:v21+s4+$0x0] =	vst.idx.msk $0xffff, v13;
	v21 =	vld [tilespmem:$0x1FF40];
	_ =	sdelay $0x3  }
0x594: {  	v14 =	vor.u32 v2, v14;
	v13 =	vld.idx.msk [tilespmem:v22+s22+$0x0], $0xffff  }
0x595: {  	v21 =	vor.u32 v21, v11;
	_ =	sdelay $0x3  }
0x596: {  	[tilespmem:v14+s4+$0x0] =	vst.idx.msk $0xffff, v13  }
0x597: {  	v14 =	vor.u32 v1, v15;
	v13 =	vld.idx.msk [tilespmem:v21+s22+$0x0], $0xffff  }
0x598: {  	v15 =	vor.u32 v0, v11;
	_ =	sdelay $0x3  }
0x599: {  	[tilespmem:v14+s4+$0x0] =	vst.idx.msk $0xffff, v13  }
0x59a: {  	v14 =	vor.u32 v4, v16;
	v13 =	vld.idx.msk [tilespmem:v15+s22+$0x0], $0xffff  }
0x59b: {  	v15 =	vor.u32 v47, v11;
	_ =	sdelay $0x3  }
0x59c: {  	[tilespmem:v14+s4+$0x0] =	vst.idx.msk $0xffff, v13  }
0x59d: {  	v13 =	vld.idx.msk [tilespmem:v15+s22+$0x0], $0xffff  }
0x59e: {  	v15 =	vld [tilespmem:$0x1FF20];
	_ =	sdelay $0x3  }
0x59f: {  	v14 =	vor.u32 v5, v17  }
0x5a0: {  	v15 =	vor.u32 v15, v11;
	_ =	sdelay $0x3  }
0x5a1: {  	[tilespmem:v14+s4+$0x0] =	vst.idx.msk $0xffff, v13  }
0x5a2: {  	v13 =	vld.idx.msk [tilespmem:v15+s22+$0x0], $0xffff  }
0x5a3: {  	v15 =	vld [tilespmem:$0x1FF10];
	_ =	sdelay $0x3  }
0x5a4: {  	v14 =	vor.u32 v6, v18  }
0x5a5: {  	v15 =	vor.u32 v15, v11;
	_ =	sdelay $0x3  }
0x5a6: {  	[tilespmem:v14+s4+$0x0] =	vst.idx.msk $0xffff, v13  }
0x5a7: {  	v13 =	vld.idx.msk [tilespmem:v15+s22+$0x0], $0xffff  }
0x5a8: {  	v15 =	vld [tilespmem:$0x1FEE0];
	_ =	sdelay $0x3  }
0x5a9: {  	v14 =	vor.u32 v55, v19  }
0x5aa: {  	v15 =	vor.u32 v15, v11;
	_ =	sdelay $0x3  }
0x5ab: {  	[tilespmem:v14+s4+$0x0] =	vst.idx.msk $0xffff, v13  }
0x5ac: {  	v14 =	vor.u32 v46, v20;
	v13 =	vld.idx.msk [tilespmem:v15+s22+$0x0], $0xffff;
	_ =	sdelay $0x4  }
0x5ad: {  	[tilespmem:v14+s4+$0x0] =	vst.idx.msk $0xffff, v13;
	v13 =	vld [tilespmem:$0x1FED0];
	_ =	sdelay $0x3  }
0x5ae: {  	s29 =	simm.s32 $0x10  }
0x5af: {  	s31 =	simm.s32 $0x2;
	s30 =	simm.s32 $0x1;
	v11 =	vor.u32 v13, v11;
	v13 =	vmov s29  }
.LBB2_11:
0x5b0: {  	_ =	sdelay $0x2  }
0x5b1: {  	v13 =	vshll.u32 v13, $0x5  }
0x5b2: {  	v14 =	vld.idx.msk [tilespmem:v11+s22+$0x0], $0xffff;
	v10 =	vor.u32 v9, v10;
	v11 =	vor.u32 v23, v13;
	v13 =	vlaneseq.u32  }
0x5b3: {  	v13 =	vor.u32 v13, v11;
	_ =	sdelay $0x1  }
0x5b4: {  	s11 =	sand.u32 $0x70, s29;
	s14 =	sshll.u32 s30, $0x7  }
0x5b5: {  	v15 =	vmov s11;
	s14 =	sand.u32 $0xFFFFFC00, s14  }
0x5b6: {  	v20 =	vor.u32 s14, v15;
	[tilespmem:v10+s4+$0x0] =	vst.idx.msk $0xffff, v14  }
0x5b7: {  	v10 =	vld.idx.msk [tilespmem:v13+s22+$0x0], $0xffff;
	v13 =	vor.u32 v24, v20  }
0x5b8: {  	v14 =	vor.u32 v25, v13  }
0x5b9: {  	v15 =	vor.u32 v26, v11;
	_ =	sdelay $0x3  }
0x5ba: {  	[tilespmem:v14+s4+$0x0] =	vst.idx.msk $0xffff, v10;
	v14 =	vor.u32 v27, v20  }
0x5bb: {  	v10 =	vld.idx.msk [tilespmem:v15+s22+$0x0], $0xffff;
	v15 =	vor.u32 v28, v14  }
0x5bc: {  	v16 =	vor.u32 v30, v11  }
0x5bd: {  	v17 =	vld [tilespmem:$0x1FE00];
	_ =	sdelay $0x2  }
0x5be: {  	[tilespmem:v15+s4+$0x0] =	vst.idx.msk $0xffff, v10;
	v15 =	vor.u32 v31, v20  }
0x5bf: {  	v10 =	vld.idx.msk [tilespmem:v16+s22+$0x0], $0xffff;
	v16 =	vor.u32 v41, v15  }
0x5c0: {  	v17 =	vor.u32 v17, v11  }
0x5c1: {  	v18 =	vld [tilespmem:$0x1FE10];
	_ =	sdelay $0x2  }
0x5c2: {  	[tilespmem:v16+s4+$0x0] =	vst.idx.msk $0xffff, v10;
	v16 =	vor.u32 v42, v20  }
0x5c3: {  	v10 =	vld.idx.msk [tilespmem:v17+s22+$0x0], $0xffff;
	v17 =	vor.u32 v43, v16  }
0x5c4: {  	v18 =	vor.u32 v18, v11;
	_ =	sdelay $0x3  }
0x5c5: {  	[tilespmem:v17+s4+$0x0] =	vst.idx.msk $0xffff, v10;
	v17 =	vor.u32 v44, v20  }
0x5c6: {  	v10 =	vld.idx.msk [tilespmem:v18+s22+$0x0], $0xffff;
	v18 =	vor.u32 v45, v17  }
0x5c7: {  	v19 =	vor.u32 v38, v11;
	_ =	sdelay $0x3  }
0x5c8: {  	[tilespmem:v18+s4+$0x0] =	vst.idx.msk $0xffff, v10;
	v18 =	vor.u32 v48, v20  }
0x5c9: {  	v10 =	vld.idx.msk [tilespmem:v19+s22+$0x0], $0xffff;
	v19 =	vor.u32 v57, v18  }
0x5ca: {  	v21 =	vor.u32 v52, v11;
	_ =	sdelay $0x3  }
0x5cb: {  	[tilespmem:v19+s4+$0x0] =	vst.idx.msk $0xffff, v10;
	v19 =	vld [tilespmem:$0x1FDF0]  }
0x5cc: {  	v10 =	vld.idx.msk [tilespmem:v21+s22+$0x0], $0xffff  }
0x5cd: {  	v21 =	vld [tilespmem:$0x1FDE0];
	_ =	sdelay $0x3  }
0x5ce: {  	v19 =	vor.u32 v19, v20  }
0x5cf: {  	v21 =	vor.u32 v21, v19  }
0x5d0: {  	v22 =	vor.u32 v54, v11;
	_ =	sdelay $0x3  }
0x5d1: {  	[tilespmem:v21+s4+$0x0] =	vst.idx.msk $0xffff, v10;
	v10 =	vor.u32 v29, v20  }
0x5d2: {  	v21 =	vld.idx.msk [tilespmem:v22+s22+$0x0], $0xffff;
	v20 =	vor.u32 v35, v10  }
0x5d3: {  	v22 =	vor.u32 v12, v11;
	_ =	sdelay $0x3  }
0x5d4: {  	[tilespmem:v20+s4+$0x0] =	vst.idx.msk $0xffff, v21  }
0x5d5: {  	v21 =	vor.u32 v53, v13;
	v20 =	vld.idx.msk [tilespmem:v22+s22+$0x0], $0xffff  }
0x5d6: {  	v22 =	vor.u32 v40, v11;
	_ =	sdelay $0x3  }
0x5d7: {  	[tilespmem:v21+s4+$0x0] =	vst.idx.msk $0xffff, v20  }
0x5d8: {  	v21 =	vor.u32 v39, v14;
	v20 =	vld.idx.msk [tilespmem:v22+s22+$0x0], $0xffff  }
0x5d9: {  	v22 =	vor.u32 v58, v11;
	_ =	sdelay $0x3  }
0x5da: {  	[tilespmem:v21+s4+$0x0] =	vst.idx.msk $0xffff, v20  }
0x5db: {  	v21 =	vor.u32 v51, v15;
	v20 =	vld.idx.msk [tilespmem:v22+s22+$0x0], $0xffff;
	_ =	sdelay $0x4  }
0x5dc: {  	v22 =	vor.u32 v33, v11;
	[tilespmem:v21+s4+$0x0] =	vst.idx.msk $0xffff, v20;
	v21 =	vld [tilespmem:$0x1FEC0];
	_ =	sdelay $0x4  }
0x5dd: {  	v20 =	vld.idx.msk [tilespmem:v22+s22+$0x0], $0xffff;
	v21 =	vor.u32 v21, v16;
	_ =	sdelay $0x2  }
0x5de: {  	v22 =	vor.u32 v49, v11;
	_ =	sdelay $0x1  }
0x5df: {  	[tilespmem:v21+s4+$0x0] =	vst.idx.msk $0xffff, v20;
	v21 =	vld [tilespmem:$0x1FEA0];
	_ =	sdelay $0x2  }
0x5e0: {  	v20 =	vld.idx.msk [tilespmem:v22+s22+$0x0], $0xffff  }
0x5e1: {  	v22 =	vld [tilespmem:$0x1FE50]  }
0x5e2: {  	v21 =	vor.u32 v21, v17;
	_ =	sdelay $0x3  }
0x5e3: {  	v22 =	vor.u32 v22, v11  }
0x5e4: {  	[tilespmem:v21+s4+$0x0] =	vst.idx.msk $0xffff, v20;
	v21 =	vld [tilespmem:$0x1FE90];
	_ =	sdelay $0x3  }
0x5e5: {  	v20 =	vld.idx.msk [tilespmem:v22+s22+$0x0], $0xffff  }
0x5e6: {  	v22 =	vld [tilespmem:$0x1FEB0];
	v21 =	vor.u32 v21, v18;
	_ =	sdelay $0x4  }
0x5e7: {  	v22 =	vor.u32 v22, v11;
	[tilespmem:v21+s4+$0x0] =	vst.idx.msk $0xffff, v20;
	v21 =	vld [tilespmem:$0x1FE70];
	_ =	sdelay $0x4  }
0x5e8: {  	v20 =	vld.idx.msk [tilespmem:v22+s22+$0x0], $0xffff;
	v21 =	vor.u32 v21, v19  }
0x5e9: {  	v22 =	vor.u32 v60, v11;
	_ =	sdelay $0x3  }
0x5ea: {  	[tilespmem:v21+s4+$0x0] =	vst.idx.msk $0xffff, v20;
	v21 =	vld [tilespmem:$0x1FE60]  }
0x5eb: {  	v20 =	vld.idx.msk [tilespmem:v22+s22+$0x0], $0xffff  }
0x5ec: {  	v22 =	vld [tilespmem:$0x1FE80];
	_ =	sdelay $0x3  }
0x5ed: {  	v21 =	vor.u32 v21, v10  }
0x5ee: {  	v22 =	vor.u32 v22, v11;
	_ =	sdelay $0x3  }
0x5ef: {  	[tilespmem:v21+s4+$0x0] =	vst.idx.msk $0xffff, v20;
	v21 =	vld [tilespmem:$0x1FE40]  }
0x5f0: {  	v20 =	vld.idx.msk [tilespmem:v22+s22+$0x0], $0xffff  }
0x5f1: {  	v22 =	vld [tilespmem:$0x1FE30];
	_ =	sdelay $0x3  }
0x5f2: {  	v21 =	vor.u32 v21, v13  }
0x5f3: {  	v22 =	vor.u32 v22, v11;
	_ =	sdelay $0x3  }
0x5f4: {  	[tilespmem:v21+s4+$0x0] =	vst.idx.msk $0xffff, v20;
	v21 =	vld [tilespmem:$0x1FE20]  }
0x5f5: {  	v20 =	vld.idx.msk [tilespmem:v22+s22+$0x0], $0xffff  }
0x5f6: {  	v22 =	vld [tilespmem:$0x1FBD0];
	_ =	sdelay $0x3  }
0x5f7: {  	v21 =	vor.u32 v21, v14  }
0x5f8: {  	v22 =	vor.u32 v22, v11;
	_ =	sdelay $0x3  }
0x5f9: {  	[tilespmem:v21+s4+$0x0] =	vst.idx.msk $0xffff, v20;
	v21 =	vld [tilespmem:$0x1FBE0]  }
0x5fa: {  	v20 =	vld.idx.msk [tilespmem:v22+s22+$0x0], $0xffff  }
0x5fb: {  	v22 =	vld [tilespmem:$0x1FBF0];
	_ =	sdelay $0x3  }
0x5fc: {  	v21 =	vor.u32 v21, v15  }
0x5fd: {  	v22 =	vor.u32 v22, v11;
	_ =	sdelay $0x3  }
0x5fe: {  	[tilespmem:v21+s4+$0x0] =	vst.idx.msk $0xffff, v20;
	v21 =	vld [tilespmem:$0x1FC00]  }
0x5ff: {  	v20 =	vld.idx.msk [tilespmem:v22+s22+$0x0], $0xffff  }
0x600: {  	v22 =	vld [tilespmem:$0x1FC10];
	_ =	sdelay $0x3  }
0x601: {  	v21 =	vor.u32 v21, v16  }
0x602: {  	v22 =	vor.u32 v22, v11;
	_ =	sdelay $0x3  }
0x603: {  	[tilespmem:v21+s4+$0x0] =	vst.idx.msk $0xffff, v20  }
0x604: {  	v21 =	vor.u32 v59, v17;
	v20 =	vld.idx.msk [tilespmem:v22+s22+$0x0], $0xffff  }
0x605: {  	v22 =	vor.u32 v63, v11;
	_ =	sdelay $0x3  }
0x606: {  	[tilespmem:v21+s4+$0x0] =	vst.idx.msk $0xffff, v20  }
0x607: {  	v21 =	vor.u32 v61, v18;
	v20 =	vld.idx.msk [tilespmem:v22+s22+$0x0], $0xffff  }
0x608: {  	v22 =	vor.u32 v56, v11;
	_ =	sdelay $0x3  }
0x609: {  	[tilespmem:v21+s4+$0x0] =	vst.idx.msk $0xffff, v20  }
0x60a: {  	v21 =	vor.u32 v62, v19;
	v20 =	vld.idx.msk [tilespmem:v22+s22+$0x0], $0xffff  }
0x60b: {  	v22 =	vor.u32 v34, v11;
	_ =	sdelay $0x3  }
0x60c: {  	[tilespmem:v21+s4+$0x0] =	vst.idx.msk $0xffff, v20  }
0x60d: {  	v21 =	vor.u32 v50, v10;
	v20 =	vld.idx.msk [tilespmem:v22+s22+$0x0], $0xffff  }
0x60e: {  	v22 =	vor.u32 v32, v11;
	_ =	sdelay $0x3  }
0x60f: {  	[tilespmem:v21+s4+$0x0] =	vst.idx.msk $0xffff, v20  }
0x610: {  	v13 =	vor.u32 v2, v13;
	v20 =	vld.idx.msk [tilespmem:v22+s22+$0x0], $0xffff  }
0x611: {  	v21 =	vor.u32 v36, v11;
	_ =	sdelay $0x3  }
0x612: {  	[tilespmem:v13+s4+$0x0] =	vst.idx.msk $0xffff, v20  }
0x613: {  	v14 =	vor.u32 v1, v14;
	v13 =	vld.idx.msk [tilespmem:v21+s22+$0x0], $0xffff  }
0x614: {  	v20 =	vor.u32 v0, v11;
	_ =	sdelay $0x3  }
0x615: {  	[tilespmem:v14+s4+$0x0] =	vst.idx.msk $0xffff, v13  }
0x616: {  	v14 =	vor.u32 v4, v15;
	v13 =	vld.idx.msk [tilespmem:v20+s22+$0x0], $0xffff  }
0x617: {  	v15 =	vor.u32 v47, v11;
	_ =	sdelay $0x3  }
0x618: {  	[tilespmem:v14+s4+$0x0] =	vst.idx.msk $0xffff, v13  }
0x619: {  	v14 =	vor.u32 v5, v16;
	v13 =	vld.idx.msk [tilespmem:v15+s22+$0x0], $0xffff  }
0x61a: {  	v15 =	vor.u32 v3, v11;
	_ =	sdelay $0x3  }
0x61b: {  	[tilespmem:v14+s4+$0x0] =	vst.idx.msk $0xffff, v13  }
0x61c: {  	v14 =	vor.u32 v6, v17;
	v13 =	vld.idx.msk [tilespmem:v15+s22+$0x0], $0xffff  }
0x61d: {  	v15 =	vor.u32 v37, v11;
	_ =	sdelay $0x3  }
0x61e: {  	[tilespmem:v14+s4+$0x0] =	vst.idx.msk $0xffff, v13  }
0x61f: {  	v14 =	vor.u32 v55, v18;
	v13 =	vld.idx.msk [tilespmem:v15+s22+$0x0], $0xffff  }
0x620: {  	v15 =	vor.u32 v7, v11;
	_ =	sdelay $0x3  }
0x621: {  	[tilespmem:v14+s4+$0x0] =	vst.idx.msk $0xffff, v13  }
0x622: {  	p0 =	sne.s32 s31, $0x1F;
	v14 =	vld.idx.msk [tilespmem:v15+s22+$0x0], $0xffff;
	v15 =	vor.u32 v46, v19  }
.Ltmp4:
0x623: {  	_ = 	snop;
	(pc) =	sbr.rel @p0 .LBB2_11-.Ltmp4, $3  }
0x624: {  	_ =	sdelay $0x1  }
0x625: {  	s29 =	sadd.s32 $0x10, s29  }
0x626: {  	s30 =	smov.u32 s31;
	s31 =	sadd.s32 $0x1, s31;
	v11 =	vor.u32 v8, v11;
	v13 =	vmov s29;
	[tilespmem:v15+s4+$0x0] =	vst.idx.msk $0xffff, v14  }
0x627: {  	_ =	sdelay $0x2  }
0x628: {  	v13 =	vshll.u32 v13, $0x5  }
0x629: {  	v14 =	vld.idx.msk [tilespmem:v11+s22+$0x0], $0xffff;
	v10 =	vor.u32 v9, v10;
	v11 =	vor.u32 v23, v13;
	v13 =	vlaneseq.u32  }
0x62a: {  	v13 =	vor.u32 v13, v11  }
0x62b: {  	s11 =	sand.u32 $0x70, s29;
	s14 =	sshll.u32 s30, $0x7  }
0x62c: {  	v15 =	vmov s11;
	s29 =	sand.u32 $0xFFFFFC00, s14  }
0x62d: {  	v15 =	vor.u32 s29, v15  }
0x62e: {  	[tilespmem:v10+s4+$0x0] =	vst.idx.msk $0xffff, v14;
	v10 =	vor.u32 v24, v15  }
0x62f: {  	v14 =	vor.u32 v25, v10;
	v13 =	vld.idx.msk [tilespmem:v13+s22+$0x0], $0xffff  }
0x630: {  	v16 =	vor.u32 v26, v11;
	_ =	sdelay $0x3  }
0x631: {  	[tilespmem:v14+s4+$0x0] =	vst.idx.msk $0xffff, v13;
	v13 =	vor.u32 v27, v15  }
0x632: {  	v14 =	vld.idx.msk [tilespmem:v16+s22+$0x0], $0xffff;
	v16 =	vor.u32 v28, v13  }
0x633: {  	v17 =	vor.u32 v30, v11  }
0x634: {  	v18 =	vld [tilespmem:$0x1FE00];
	_ =	sdelay $0x2  }
0x635: {  	[tilespmem:v16+s4+$0x0] =	vst.idx.msk $0xffff, v14;
	v14 =	vor.u32 v31, v15  }
0x636: {  	v16 =	vld.idx.msk [tilespmem:v17+s22+$0x0], $0xffff;
	v17 =	vor.u32 v41, v14  }
0x637: {  	v18 =	vor.u32 v18, v11  }
0x638: {  	v19 =	vld [tilespmem:$0x1FE10];
	_ =	sdelay $0x2  }
0x639: {  	[tilespmem:v17+s4+$0x0] =	vst.idx.msk $0xffff, v16;
	v16 =	vor.u32 v42, v15  }
0x63a: {  	v17 =	vld.idx.msk [tilespmem:v18+s22+$0x0], $0xffff;
	v18 =	vor.u32 v43, v16  }
0x63b: {  	v19 =	vor.u32 v19, v11;
	_ =	sdelay $0x3  }
0x63c: {  	[tilespmem:v18+s4+$0x0] =	vst.idx.msk $0xffff, v17;
	v17 =	vor.u32 v44, v15  }
0x63d: {  	v18 =	vld.idx.msk [tilespmem:v19+s22+$0x0], $0xffff;
	v19 =	vor.u32 v45, v17  }
0x63e: {  	v20 =	vor.u32 v38, v11;
	_ =	sdelay $0x3  }
0x63f: {  	[tilespmem:v19+s4+$0x0] =	vst.idx.msk $0xffff, v18;
	v18 =	vor.u32 v48, v15  }
0x640: {  	v19 =	vld.idx.msk [tilespmem:v20+s22+$0x0], $0xffff;
	v20 =	vor.u32 v57, v18  }
0x641: {  	v21 =	vor.u32 v52, v11;
	_ =	sdelay $0x3  }
0x642: {  	[tilespmem:v20+s4+$0x0] =	vst.idx.msk $0xffff, v19;
	v19 =	vld [tilespmem:$0x1FDF0]  }
0x643: {  	v20 =	vld.idx.msk [tilespmem:v21+s22+$0x0], $0xffff  }
0x644: {  	v21 =	vld [tilespmem:$0x1FDE0];
	_ =	sdelay $0x3  }
0x645: {  	v19 =	vor.u32 v19, v15  }
0x646: {  	v21 =	vor.u32 v21, v19  }
0x647: {  	v22 =	vor.u32 v54, v11;
	_ =	sdelay $0x3  }
0x648: {  	v15 =	vor.u32 v29, v15;
	[tilespmem:v21+s4+$0x0] =	vst.idx.msk $0xffff, v20  }
0x649: {  	v21 =	vor.u32 v35, v15;
	v20 =	vld.idx.msk [tilespmem:v22+s22+$0x0], $0xffff  }
0x64a: {  	v22 =	vor.u32 v12, v11;
	_ =	sdelay $0x3  }
0x64b: {  	[tilespmem:v21+s4+$0x0] =	vst.idx.msk $0xffff, v20  }
0x64c: {  	v21 =	vor.u32 v53, v10;
	v20 =	vld.idx.msk [tilespmem:v22+s22+$0x0], $0xffff  }
0x64d: {  	v22 =	vor.u32 v40, v11;
	_ =	sdelay $0x3  }
0x64e: {  	[tilespmem:v21+s4+$0x0] =	vst.idx.msk $0xffff, v20  }
0x64f: {  	v21 =	vor.u32 v39, v13;
	v20 =	vld.idx.msk [tilespmem:v22+s22+$0x0], $0xffff  }
0x650: {  	v22 =	vor.u32 v58, v11;
	_ =	sdelay $0x3  }
0x651: {  	[tilespmem:v21+s4+$0x0] =	vst.idx.msk $0xffff, v20  }
0x652: {  	v21 =	vor.u32 v51, v14;
	v20 =	vld.idx.msk [tilespmem:v22+s22+$0x0], $0xffff  }
0x653: {  	v53 =	vmov v51;
	v51 =	vld [tilespmem:$0x1FEC0];
	v22 =	vor.u32 v33, v11;
	_ =	sdelay $0x3  }
0x654: {  	[tilespmem:v21+s4+$0x0] =	vst.idx.msk $0xffff, v20  }
0x655: {  	v21 =	vor.u32 v51, v16;
	v20 =	vld.idx.msk [tilespmem:v22+s22+$0x0], $0xffff  }
0x656: {  	v40 =	vld [tilespmem:$0x1FEA0];
	v22 =	vor.u32 v49, v11  }
0x657: {  	v52 =	vld [tilespmem:$0x1FE50];
	_ =	sdelay $0x2  }
0x658: {  	[tilespmem:v21+s4+$0x0] =	vst.idx.msk $0xffff, v20  }
0x659: {  	v21 =	vor.u32 v40, v17;
	v20 =	vld.idx.msk [tilespmem:v22+s22+$0x0], $0xffff  }
0x65a: {  	v58 =	vld [tilespmem:$0x1FE90];
	v22 =	vor.u32 v52, v11  }
0x65b: {  	v49 =	vld [tilespmem:$0x1FEB0];
	_ =	sdelay $0x2  }
0x65c: {  	[tilespmem:v21+s4+$0x0] =	vst.idx.msk $0xffff, v20  }
0x65d: {  	v21 =	vor.u32 v58, v18;
	v20 =	vld.idx.msk [tilespmem:v22+s22+$0x0], $0xffff  }
0x65e: {  	v38 =	vld [tilespmem:$0x1FE70];
	v22 =	vor.u32 v49, v11;
	_ =	sdelay $0x3  }
0x65f: {  	[tilespmem:v21+s4+$0x0] =	vst.idx.msk $0xffff, v20  }
0x660: {  	v21 =	vor.u32 v38, v19;
	v20 =	vld.idx.msk [tilespmem:v22+s22+$0x0], $0xffff  }
0x661: {  	v35 =	vld [tilespmem:$0x1FE60];
	v22 =	vor.u32 v60, v11  }
0x662: {  	v54 =	vmov v39;
	v39 =	vld [tilespmem:$0x1FE80];
	_ =	sdelay $0x2  }
0x663: {  	[tilespmem:v21+s4+$0x0] =	vst.idx.msk $0xffff, v20  }
0x664: {  	v21 =	vor.u32 v35, v15;
	v20 =	vld.idx.msk [tilespmem:v22+s22+$0x0], $0xffff  }
0x665: {  	v29 =	vld [tilespmem:$0x1FE40];
	v22 =	vor.u32 v39, v11  }
0x666: {  	v33 =	vld [tilespmem:$0x1FE30];
	_ =	sdelay $0x2  }
0x667: {  	[tilespmem:v21+s4+$0x0] =	vst.idx.msk $0xffff, v20  }
0x668: {  	v21 =	vor.u32 v29, v10;
	v20 =	vld.idx.msk [tilespmem:v22+s22+$0x0], $0xffff  }
0x669: {  	v22 =	vor.u32 v33, v11;
	_ =	sdelay $0x3  }
0x66a: {  	v12 =	vld [tilespmem:$0x1FE20];
	[tilespmem:v21+s4+$0x0] =	vst.idx.msk $0xffff, v20  }
0x66b: {  	v20 =	vld.idx.msk [tilespmem:v22+s22+$0x0], $0xffff  }
0x66c: {  	v22 =	vld [tilespmem:$0x1FBD0];
	_ =	sdelay $0x3  }
0x66d: {  	v21 =	vor.u32 v12, v13  }
0x66e: {  	v22 =	vor.u32 v22, v11;
	_ =	sdelay $0x3  }
0x66f: {  	[tilespmem:v21+s4+$0x0] =	vst.idx.msk $0xffff, v20;
	v21 =	vld [tilespmem:$0x1FBE0]  }
0x670: {  	v20 =	vld.idx.msk [tilespmem:v22+s22+$0x0], $0xffff  }
0x671: {  	v22 =	vld [tilespmem:$0x1FBF0];
	_ =	sdelay $0x3  }
0x672: {  	v21 =	vor.u32 v21, v14  }
0x673: {  	v22 =	vor.u32 v22, v11;
	_ =	sdelay $0x3  }
0x674: {  	[tilespmem:v21+s4+$0x0] =	vst.idx.msk $0xffff, v20;
	v21 =	vld [tilespmem:$0x1FC00]  }
0x675: {  	v20 =	vld.idx.msk [tilespmem:v22+s22+$0x0], $0xffff  }
0x676: {  	v22 =	vld [tilespmem:$0x1FC10];
	_ =	sdelay $0x3  }
0x677: {  	v21 =	vor.u32 v21, v16  }
0x678: {  	v22 =	vor.u32 v22, v11;
	_ =	sdelay $0x3  }
0x679: {  	[tilespmem:v21+s4+$0x0] =	vst.idx.msk $0xffff, v20  }
0x67a: {  	v21 =	vor.u32 v59, v17;
	v20 =	vld.idx.msk [tilespmem:v22+s22+$0x0], $0xffff  }
0x67b: {  	v22 =	vor.u32 v63, v11;
	_ =	sdelay $0x3  }
0x67c: {  	[tilespmem:v21+s4+$0x0] =	vst.idx.msk $0xffff, v20  }
0x67d: {  	v21 =	vor.u32 v61, v18;
	v20 =	vld.idx.msk [tilespmem:v22+s22+$0x0], $0xffff  }
0x67e: {  	v22 =	vor.u32 v56, v11;
	_ =	sdelay $0x3  }
0x67f: {  	[tilespmem:v21+s4+$0x0] =	vst.idx.msk $0xffff, v20  }
0x680: {  	v21 =	vor.u32 v62, v19;
	v20 =	vld.idx.msk [tilespmem:v22+s22+$0x0], $0xffff  }
0x681: {  	v22 =	vor.u32 v34, v11;
	_ =	sdelay $0x3  }
0x682: {  	[tilespmem:v21+s4+$0x0] =	vst.idx.msk $0xffff, v20  }
0x683: {  	v21 =	vor.u32 v50, v15;
	v20 =	vld.idx.msk [tilespmem:v22+s22+$0x0], $0xffff  }
0x684: {  	v22 =	vor.u32 v32, v11;
	_ =	sdelay $0x3  }
0x685: {  	[tilespmem:v21+s4+$0x0] =	vst.idx.msk $0xffff, v20  }
0x686: {  	v2 =	vor.u32 v2, v10;
	v20 =	vld.idx.msk [tilespmem:v22+s22+$0x0], $0xffff  }
0x687: {  	v10 =	vor.u32 v36, v11;
	_ =	sdelay $0x3  }
0x688: {  	[tilespmem:v2+s4+$0x0] =	vst.idx.msk $0xffff, v20  }
0x689: {  	v1 =	vor.u32 v1, v13;
	v2 =	vld.idx.msk [tilespmem:v10+s22+$0x0], $0xffff  }
0x68a: {  	v0 =	vor.u32 v0, v11;
	_ =	sdelay $0x3  }
0x68b: {  	[tilespmem:v1+s4+$0x0] =	vst.idx.msk $0xffff, v2  }
0x68c: {  	v63 =	vor.u32 v4, v14;
	v0 =	vld.idx.msk [tilespmem:v0+s22+$0x0], $0xffff  }
0x68d: {  	v4 =	vor.u32 v47, v11;
	_ =	sdelay $0x3  }
0x68e: {  	[tilespmem:v63+s4+$0x0] =	vst.idx.msk $0xffff, v0  }
0x68f: {  	v32 =	vor.u32 v5, v16;
	v0 =	vld.idx.msk [tilespmem:v4+s22+$0x0], $0xffff  }
0x690: {  	v34 =	vor.u32 v3, v11;
	_ =	sdelay $0x3  }
0x691: {  	[tilespmem:v32+s4+$0x0] =	vst.idx.msk $0xffff, v0  }
0x692: {  	v47 =	vor.u32 v6, v17;
	v0 =	vld.idx.msk [tilespmem:v34+s22+$0x0], $0xffff  }
0x693: {  	v50 =	vor.u32 v37, v11;
	_ =	sdelay $0x3  }
0x694: {  	[tilespmem:v47+s4+$0x0] =	vst.idx.msk $0xffff, v0  }
0x695: {  	v56 =	vor.u32 v55, v18;
	v0 =	vld.idx.msk [tilespmem:v50+s22+$0x0], $0xffff  }
0x696: {  	v59 =	vor.u32 v7, v11;
	_ =	sdelay $0x3  }
0x697: {  	[tilespmem:v56+s4+$0x0] =	vst.idx.msk $0xffff, v0  }
0x698: {  	v61 =	vor.u32 v46, v19;
	v1 =	vld.idx.msk [tilespmem:v59+s22+$0x0], $0xffff  }
0x699: {  	v62 =	vor.u32 v8, v11;
	_ =	sdelay $0x3  }
0x69a: {  	[tilespmem:v61+s4+$0x0] =	vst.idx.msk $0xffff, v1  }
0x69b: {  	v63 =	vor.u32 v9, v15;
	v1 =	vld.idx.msk [tilespmem:v62+s22+$0x0], $0xffff;
	_ =	sdelay $0x1  }
0x69c: {  	s30 =	sshll.u32 s25, $0x13  }
0x69d: {  	s11 =	sor.u32 s7, s30  }
0x69e: {  	s11 =	sshrl.u32 s11, $0x3  }
0x69f: {  	s31 =	sadd.s32 s2, s11;
	[tilespmem:v63+s4+$0x0] =	vst.idx.msk $0xffff, v1  }
0x6a0: {  	[hbm4b:s31+s3] =	stream.linear.scatter [tilespmem:s4], [sflag:$0x6], $0x1000, $0x38;
	[tilespmem:$0x1B400] =	vst v63  }
0x6a1: {  	s29 =	simm.s32 $0x18400;
	s25 =	sadd.s32 s11, s8  }
0x6a2: {  	[hbm4b:s25+s3] =	stream.linear.scatter [tilespmem:s29], [sflag:$0x6], $0x1000, $0x38;
	[tilespmem:$0x1B400] =	vst v63  }
0x6a3: {  	s30 =	sadd.s32 s11, s9;
	s31 =	simm.s32 $0x19400  }
0x6a4: {  	[hbm4b:s30+s3] =	stream.linear.scatter [tilespmem:s31], [sflag:$0x6], $0x1000, $0x38;
	[tilespmem:$0x1B400] =	vst v63  }
0x6a5: {  	s11 =	sadd.s32 s11, s10  }
0x6a6: {  	[hbm4b:s11+s3] =	stream.linear.scatter [tilespmem:s19], [sflag:$0x6], $0x1000, $0x38;
	[tilespmem:$0x1B400] =	vst v63  }
0x6a7: {  	_ =	swait.ge [sflag:s20], $0x1000  }
0x6a8: {  	[sflag:s20] =	ssyncset.done $0x0  }
0x6a9: {  	[sflag:s20] =	ssyncadd.s32 $0xFFFFF000  }
0x6aa: {  	_ =	swait.ge [sflag:s20], $0x1000  }
0x6ab: {  	[sflag:s20] =	ssyncset.done $0x0  }
0x6ac: {  	[sflag:s20] =	ssyncadd.s32 $0xFFFFF000  }
0x6ad: {  	_ =	swait.ge [sflag:s20], $0x1000  }
0x6ae: {  	[sflag:s20] =	ssyncset.done $0x0  }
0x6af: {  	[sflag:s20] =	ssyncadd.s32 $0xFFFFF000  }
0x6b0: {  	_ =	swait.ge [sflag:s20], $0x1000  }
0x6b1: {  	[sflag:s20] =	ssyncset.done $0x0  }
0x6b2: {  	[sflag:s20] =	ssyncadd.s32 $0xFFFFF000  }
0x6b3: {  	_ =	swait.ge [sflag:s21], $0x1000  }
0x6b4: {  	[sflag:s21] =	ssyncset.done $0x0  }
0x6b5: {  	[sflag:s21] =	ssyncadd.s32 $0xFFFFF000  }
0x6b6: {  	_ =	swait.ge [sflag:s21], $0x1000  }
0x6b7: {  	[sflag:s21] =	ssyncset.done $0x0  }
0x6b8: {  	[sflag:s21] =	ssyncadd.s32 $0xFFFFF000  }
0x6b9: {  	_ =	swait.ge [sflag:s21], $0x1000  }
0x6ba: {  	[sflag:s21] =	ssyncset.done $0x0  }
0x6bb: {  	[sflag:s21] =	ssyncadd.s32 $0xFFFFF000  }
0x6bc: {  	_ =	swait.ge [sflag:s21], $0x1000  }
0x6bd: {  	v61 =	vld [tilespmem:$0x1FDF0]  }
0x6be: {  	v17 =	vld [tilespmem:$0x1FDE0]  }
0x6bf: {  	v56 =	vld [tilespmem:$0x1FFD0]  }
0x6c0: {  	v59 =	vld [tilespmem:$0x1FFC0]  }
0x6c1: {  	v15 =	vld [tilespmem:$0x1FFA0]  }
0x6c2: {  	v10 =	vld [tilespmem:$0x1FE00]  }
0x6c3: {  	v13 =	vld [tilespmem:$0x1FE10]  }
0x6c4: {  	v32 =	vld [tilespmem:$0x1FF90]  }
0x6c5: {  	s24 =	sadd.s32 $0x1, s24;
	v50 =	vmov v54;
	v54 =	vmov v36;
	v36 =	vld [tilespmem:$0x1FFF0]  }
0x6c6: {  	p0 =	sne.s32 s24, $0x19;
	v14 =	vmov v37;
	v63 =	vld [tilespmem:$0x1FFE0]  }
.Ltmp5:
0x6c7: {  	v46 =	vmov v58;
	v55 =	vmov v14;
	v18 =	vmov v33;
	v22 =	vld [tilespmem:$0x1FFB0];
	(pc) =	sbr.rel @p0 .LBB2_8-.Ltmp5, $4  }
0x6c8: {  	v21 =	vmovc v23;
	v23 =	vmovc v24;
	v24 =	vmov v25;
	v25 =	vmov v26;
	v26 =	vmov v27;
	v33 =	vld [tilespmem:$0x1FF80]  }
0x6c9: {  	v27 =	vmovc v28;
	v28 =	vmovc v30;
	v30 =	vmov v31;
	v31 =	vmov v41;
	v41 =	vmov v42;
	v58 =	vld [tilespmem:$0x1FF60]  }
0x6ca: {  	v42 =	vmovc v43;
	v43 =	vmovc v44;
	v44 =	vmov v45;
	v45 =	vmov v48;
	v48 =	vmov v57;
	[sflag:s21] =	ssyncset.done $0x0;
	v57 =	vld [tilespmem:$0x1FF30]  }
0x6cb: {  	v19 =	vmovc v12;
	v37 =	vmovc v3;
	v16 =	vmov v53;
	v20 =	vlaneseq.u32;
	v34 =	vmov v35;
	v62 =	vld [tilespmem:$0x1FF50];
	[sflag:s21] =	ssyncadd.s32 $0xFFFFF000  }
0x6cc: {  	s14 =	rddreg [dreg:$0x5]  }
0x6cd: {  	s11 =	rddreg [dreg:$0x4];
	s14 =	sadd.s32 $0x1, s14  }
0x6ce: {  	p0 =	sne.s32 s14, s11  }
.Ltmp6:
0x6cf: {  	_ = 	snop;
	(pc) =	sbr.rel @p0 .LBB2_1-.Ltmp6, $2  }
0x6d0: {  	_ =	sdelay $0x2  }
0x6d1: {  	s11 =	simm.s32 $0x2800  }
0x6d2: {  	_ =	sfence.sel $0x180000  }
0x6d3: {  	[bflag:$0x0] =	sbarrier.arrive $0xFFFF  }
0x6d4: {  	_ =	strace $0x90000047  }
0x6d5: {  	s0 =	stileid.u32;
	[bflag:$0x2] =	sbarrier.arrive $0xFFFF  }
0x6d6: {  	p0 =	sne.s32 s0, $0x0;
	s0 =	rddreg [dreg:$0x3]  }
0x6d7: {  	s0 =	sadd.s32 @!p0 $0x100000, s0  }
0x6d8: {  	[sflag:s0] =	ssyncadd.tile.s32 @!p0 $0x1;
	_ =	shalt  }
.Lfunc_end2:
_tile_overlayer_lowered:
.L_overlay_start_2:
0x6d9: {  	(tag) =	ssettag $0x2  }
0x6da: {  	s0 =	rddreg [dreg:$0x0];
	s2 =	stileid.u32  }
0x6db: {  	s1 =	rddreg [dreg:$0x1];
	p0 =	sne.s32 s2, $0x0  }
0x6dc: {  	s3 =	rddreg [dreg:$0x2];
	[bflag:$0x3] =	sbarrier.arrive $0xFFFF;
	s2 =	simm.s32 @!p0 $0x1C07  }
0x6dd: {  	[timem:s3], [sflag:s2] =	dma.local @!p0 [hbm:s0], s1  }
0x6de: {  	s0 =	simm.s32 @!p0 $0x7  }
0x6df: {  	_ =	swait.ge @!p0 [sflag:s0], s1  }
0x6e0: {  	s1 =	ssub.s32 @!p0 $0x0, s1;
	[sflag:s0] =	ssyncset.done @!p0 $0x0  }
0x6e1: {  	[sflag:s0] =	ssyncadd.s32 @!p0 s1  }
0x6e2: {  	[bflag:$0x3] =	sbarrier.arrive $0xFFFF  }
0x6e3: {  	_ =	shalt  }

</sc_bundles>
